<compile_context>
chip_gen: v7x
topology: tpu7x:2x2x1
jax: 0.10.2.dev20260603
libtpu: 0.0.44.dev20260713+nightly
codegen_flags: <defaults>
</compile_context>

<pallas_src>
import functools
import math

import jax
import jax.numpy as jnp
from jax import lax
from jax.experimental import pallas as pl
from jax.experimental.pallas import tpu as pltpu
from jax.experimental.pallas import tpu_sc as plsc

B = 128
C = 100000
K = 15
CB = 2048
NCHUNK = (C + CB - 1) // CB


def _ea_eb(x0, x1, y):

    def per(x):
        t = jnp.exp(-jnp.abs(x))
        lg = jnp.log1p(t)
        r = 1.0 / (1.0 + t)
        s = jnp.where(x >= 0, r, t * r)
        sp = jnp.maximum(x, 0.0) + lg
        ls = jnp.minimum(x, 0.0) - lg
        return s, sp, ls

    s0, sp0, ls0 = per(x0)
    s1, sp1, ls1 = per(x1)
    ea = sp0 + sp1 - (x0 + x1) * y
    eb = (s1 - s0) * (ls1 - ls0)
    return ea, eb


def _dense_body(cls_ref, lab_ref, out_ref):
    j = pl.program_id(0)

    def partials(masked):
        x0 = cls_ref[0]
        x1 = cls_ref[1]
        y = lab_ref[...].astype(jnp.float32)
        if masked:
            col = j * CB + lax.broadcasted_iota(jnp.int32, (B, CB), 1)
            m = col < C
            x0 = jnp.where(m, x0, 0.0)
            x1 = jnp.where(m, x1, 0.0)
            y = jnp.where(m, y, 0.0)
        ea, eb = _ea_eb(x0, x1, y)
        if masked:
            ea = jnp.where(m, ea, 0.0)
            eb = jnp.where(m, eb, 0.0)
        return jnp.sum(ea), jnp.sum(eb)

    @pl.when(j == 0)
    def _():
        out_ref[0] = 0.0
        out_ref[1] = 0.0

    @pl.when(j < NCHUNK - 1)
    def _():
        pa, pb = partials(False)
        out_ref[0] += pa
        out_ref[1] += pb

    @pl.when(j == NCHUNK - 1)
    def _():
        pa, pb = partials(True)
        out_ref[0] += pa
        out_ref[1] += pb


def _dense_sums(cls_score, label):
    return pl.pallas_call(
        _dense_body,
        grid=(NCHUNK,),
        in_specs=[
            pl.BlockSpec((2, B, CB), lambda j: (0, 0, j)),
            pl.BlockSpec((B, CB), lambda j: (0, j)),
        ],
        out_specs=pl.BlockSpec(memory_space=pltpu.SMEM),
        out_shape=jax.ShapeDtypeStruct((2,), jnp.float32),
    )(cls_score, label)


def _combine_body(sums_ref, x0g_ref, x1g_ref, yg_ref, out_ref):
    x0 = x0g_ref[...]
    x1 = x1g_ref[...]
    y = yg_ref[...].astype(jnp.float32)
    lane = lax.broadcasted_iota(jnp.int32, x0.shape, 1)
    m = lane < K
    x0 = jnp.where(m, x0, 0.0)
    x1 = jnp.where(m, x1, 0.0)
    y = jnp.where(m, y, 0.0)
    ea, eb = _ea_eb(x0, x1, y)
    ma = jnp.sum(jnp.where(m, ea, 0.0))
    mb = jnp.sum(jnp.where(m, eb, 0.0))
    sa = sums_ref[0]
    sb = sums_ref[1]
    n_unmasked = float(B * (C - K))
    los_ce = sa * (1.0 / (B * C))
    hcm_ce = (ma + 2.0 * n_unmasked * math.log(2.0)) * (1.0 / (B * C))
    nbod_bal = sb * (1.0 / B)
    nbod_hcm = mb * (1.0 / B)
    out_ref[0] = nbod_bal + nbod_hcm + los_ce + hcm_ce


def _combine(sums, x0g, x1g, yg):
    return pl.pallas_call(
        _combine_body,
        in_specs=[
            pl.BlockSpec(memory_space=pltpu.SMEM),
            pl.BlockSpec(memory_space=pltpu.VMEM),
            pl.BlockSpec(memory_space=pltpu.VMEM),
            pl.BlockSpec(memory_space=pltpu.VMEM),
        ],
        out_specs=pl.BlockSpec(memory_space=pltpu.SMEM),
        out_shape=jax.ShapeDtypeStruct((1,), jnp.float32),
    )(sums, x0g, x1g, yg)


_NW = 32
_RPW = B // _NW
_CHUNK = 10000
_NPAIR = 5
_VPC = _CHUNK // 16
_U = 25
_FILL = -3.0e38


def _splat_lane(v, lane):
    idxs = jnp.full((16, 1), lane, jnp.int32)
    dnums = lax.GatherDimensionNumbers(
        offset_dims=(), collapsed_slice_dims=(0,), start_index_map=(0,))
    return lax.gather(v, idxs, dnums, (1,),
                      mode=lax.GatherScatterMode.PROMISE_IN_BOUNDS)


def _sc_topk_gather(clsf, labf):
    mesh = plsc.VectorSubcoreMesh(core_axis_name="c", subcore_axis_name="s")

    @functools.partial(
        pl.kernel,
        mesh=mesh,
        out_type=[
            jax.ShapeDtypeStruct((B * 16,), jnp.float32),
            jax.ShapeDtypeStruct((B * 16,), jnp.float32),
            jax.ShapeDtypeStruct((B * 16,), jnp.int32),
        ],
        scratch_types=[
            pltpu.VMEM((_CHUNK,), jnp.float32),
            pltpu.VMEM((_CHUNK,), jnp.float32),
            pltpu.VMEM((_CHUNK,), jnp.int32),
            pltpu.VMEM((_CHUNK,), jnp.int32),
            pltpu.VMEM((16,), jnp.int32),
            pltpu.VMEM((16,), jnp.float32),
            pltpu.VMEM((16,), jnp.float32),
            pltpu.VMEM((16,), jnp.int32),
            pltpu.SemaphoreType.DMA,
            pltpu.SemaphoreType.DMA,
            pltpu.SemaphoreType.DMA,
            pltpu.SemaphoreType.DMA,
            pltpu.SemaphoreType.DMA,
        ],
        compiler_params=pltpu.CompilerParams(needs_layout_passes=False),
    )
    def k(cls_hbm, lab_hbm, x0g_hbm, x1g_hbm, yg_hbm,
          xb0, xb1, yb0, yb1, fidx, g0, g1, gy, sx0, sx1, sy0, sy1, sem):
        wid = lax.axis_index("s") * 2 + lax.axis_index("c")
        lanes = lax.iota(jnp.int32, 16)
        xbufs = (xb0, xb1)
        ybufs = (yb0, yb1)
        xsems = (sx0, sx1)
        ysems = (sy0, sy1)

        def copy_chunk(off, slot):
            pltpu.async_copy(
                cls_hbm.at[pl.ds(off, _CHUNK)], xbufs[slot], xsems[slot])
            pltpu.async_copy(
                lab_hbm.at[pl.ds(off, _CHUNK)], ybufs[slot], ysems[slot])

        def wait_slot(slot):
            pltpu.make_async_copy(
                cls_hbm.at[pl.ds(0, _CHUNK)], xbufs[slot],
                xsems[slot]).wait()
            pltpu.make_async_copy(
                lab_hbm.at[pl.ds(0, _CHUNK)], ybufs[slot],
                ysems[slot]).wait()

        def make_merge(sel, hit, colbase):
            def merge(c):
                topv, topi, _ = c
                idx = colbase + lanes
                cand = jnp.where(hit, sel, _FILL)
                sk, si = plsc.sort_key_val(cand, idx, descending=True)
                rv = lax.rev(sk, (0,))
                ri = lax.rev(si, (0,))
                keep = topv >= rv
                mv = jnp.where(keep, topv, rv)
                mi = jnp.where(keep, topi, ri)
                mv, mi = plsc.sort_key_val(mv, mi, descending=True)
                ntv = _splat_lane(mv, 15)
                return (mv, mi, ntv)
            return merge

        def scan_chunk(slot, cbase, carry):
            def body(it, c):
                topv, topi, tval = c
                off0 = it * (16 * _U)
                sels, hits = [], []
                for u in range(_U):
                    xv = xbufs[slot][pl.ds(off0 + u * 16, 16)]
                    yv = ybufs[slot][pl.ds(off0 + u * 16, 16)].astype(
                        jnp.float32)
                    sel = xv + 999999.0 * yv
                    sels.append(sel)
                    hits.append(sel > tval)
                anyv = hits[0]
                for u in range(1, _U):
                    anyv = anyv | hits[u]

                def merge_all(c):
                    for u in range(_U):
                        c = lax.cond(
                            jnp.any(hits[u]),
                            make_merge(sels[u], hits[u],
                                       cbase + off0 + u * 16),
                            lambda c: c, c)
                    return c

                return lax.cond(jnp.any(anyv), merge_all, lambda c: c, c)

            return lax.fori_loop(0, _VPC // _U, body, carry)

        r0 = wid * _RPW * C
        copy_chunk(r0, 0)
        copy_chunk(r0 + _CHUNK, 1)

        def row_body(rr, _ignored):
            r = wid * _RPW + rr
            rbase = r * C
            nbase = (wid * _RPW + jnp.minimum(rr + 1, _RPW - 1)) * C
            carry = (
                jnp.full((16,), _FILL, jnp.float32),
                jnp.zeros((16,), jnp.int32),
                jnp.full((16,), _FILL, jnp.float32),
            )

            def pair_body(t, c):
                c0 = 2 * t * _CHUNK
                wait_slot(0)
                c = scan_chunk(0, c0, c)
                last = t == _NPAIR - 1
                copy_chunk(jnp.where(last, nbase, rbase + c0 + 2 * _CHUNK), 0)
                wait_slot(1)
                c = scan_chunk(1, c0 + _CHUNK, c)
                copy_chunk(
                    jnp.where(last, nbase + _CHUNK, rbase + c0 + 3 * _CHUNK),
                    1)
                return c

            carry = lax.fori_loop(0, _NPAIR, pair_body, carry)
            _, topi, _ = carry
            fidx[...] = rbase + topi
            pltpu.async_copy(cls_hbm.at[fidx], g0, sem).wait()
            fidx[...] = (B * C) + rbase + topi
            pltpu.async_copy(cls_hbm.at[fidx], g1, sem).wait()
            fidx[...] = rbase + topi
            pltpu.async_copy(lab_hbm.at[fidx], gy, sem).wait()
            obase = r * 16
            pltpu.sync_copy(g0, x0g_hbm.at[pl.ds(obase, 16)])
            pltpu.sync_copy(g1, x1g_hbm.at[pl.ds(obase, 16)])
            pltpu.sync_copy(gy, yg_hbm.at[pl.ds(obase, 16)])
            return _ignored

        lax.fori_loop(0, _RPW, row_body, 0)
        wait_slot(0)
        wait_slot(1)

    return k(clsf, labf)


def kernel(cls_score, label):
    clsf = cls_score.reshape(-1)
    labf = label.reshape(-1)
    x0g, x1g, yg = _sc_topk_gather(clsf, labf)
    sums = _dense_sums(cls_score, label)
    out = _combine(sums, x0g.reshape(B, 16), x1g.reshape(B, 16),
                   yg.reshape(B, 16))
    return out[0]

# --- scband reference (transcript-rebuilt; emitter-appended) ---
"""Pipeline reference for scband-nbod-cross-entropy-loss-89137751261717 (READ-ONLY COPY).

The authoritative reference and input builder live on the scoring server;
editing this copy changes nothing except your own understanding.
"""

import jax, jax.numpy as jnp
import numpy as np

HCM_N = 15


def setup_inputs(seed: int = 0):
    key = jax.random.key(seed)
    k1, k2 = jax.random.split(key)
    cls_score = jax.random.normal(k1, (2, 128, 100000), dtype=jnp.float32)
    label = jax.random.randint(k2, (128, 100000), 0, 2, dtype=jnp.int32)
    return {"cls_score": cls_score, "label": label}


def _bce_with_logits_mean(pred, label):
    y = label.astype(jnp.float32)
    # F.binary_cross_entropy_with_logits, reduction='none' then mean
    loss = jax.nn.softplus(pred) - pred * y
    return loss.mean()


def _kl_div_batchmean(log_input, target):
    # F.kl_div(input=log_input, target=target, reduction='batchmean')
    B = target.shape[0]
    elem = jnp.where(target > 0, target * (jnp.log(target) - log_input), 0.0)
    return elem.sum() / B


def _nbod_ml(inputs, factor):
    n = len(inputs)
    if n == 1:
        return 0.0
    sm = [jax.nn.sigmoid(x) for x in inputs]
    lsm = [jnp.log(s + 1e-09) for s in sm]
    loss_mutual = 0.0
    for i in range(n):
        for j in range(n):
            if i == j:
                continue
            loss_mutual = loss_mutual + factor * _kl_div_batchmean(lsm[i], sm[j])
    return loss_mutual / (n - 1)


def reference(cls_score, label):
    classifier_num = cls_score.shape[0]
    cls0 = cls_score[0]
    class_select = cls0 + label.astype(jnp.float32) * 999999.0
    _, topk_idx = jax.lax.top_k(class_select, HCM_N)
    B = cls0.shape[0]
    mask = jnp.zeros_like(cls0).at[jnp.arange(B)[:, None], topk_idx].set(1.0)
    inputs_balance = []
    inputs_hcm = []
    los_ce = 0.0
    loss_hcm = 0.0
    for i in range(classifier_num):
        inputs_balance.append(cls_score[i])
        inputs_hcm.append(cls_score[i] * mask)
        los_ce = los_ce + _bce_with_logits_mean(cls_score[i], label)
        loss_hcm = loss_hcm + _bce_with_logits_mean(cls_score[i] * mask, label)
    loss = _nbod_ml(inputs_balance, 1.0)
    loss = loss + _nbod_ml(inputs_hcm, 1.0)
    loss = loss + los_ce * 1.0 + loss_hcm * 1.0
    return loss

if __name__ == "__main__":
    import jax
    _d = setup_inputs()
    print(jax.jit(kernel)(*tuple(_d.values())))

</pallas_src>

<mosaic_0001>
#map = affine_map<(d0, d1) -> (0)>
module attributes {stable_mosaic.version = 14 : i64} {
  func.func @k(%arg0: i32, %arg1: i32, %arg2: memref<25600000xf32, #tpu.memory_space<hbm>>, %arg3: memref<12800000xi32, #tpu.memory_space<hbm>>, %arg4: memref<2048xf32, #tpu.memory_space<hbm>>, %arg5: memref<2048xf32, #tpu.memory_space<hbm>>, %arg6: memref<2048xi32, #tpu.memory_space<hbm>>, %arg7: memref<10000xf32, #tpu.memory_space<vmem>>, %arg8: memref<10000xf32, #tpu.memory_space<vmem>>, %arg9: memref<10000xi32, #tpu.memory_space<vmem>>, %arg10: memref<10000xi32, #tpu.memory_space<vmem>>, %arg11: memref<16xi32, #tpu.memory_space<vmem>>, %arg12: memref<16xf32, #tpu.memory_space<vmem>>, %arg13: memref<16xf32, #tpu.memory_space<vmem>>, %arg14: memref<16xi32, #tpu.memory_space<vmem>>, %arg15: memref<!tpu.dma_semaphore, #tpu.memory_space<semaphore_mem>>, %arg16: memref<!tpu.dma_semaphore, #tpu.memory_space<semaphore_mem>>, %arg17: memref<!tpu.dma_semaphore, #tpu.memory_space<semaphore_mem>>, %arg18: memref<!tpu.dma_semaphore, #tpu.memory_space<semaphore_mem>>, %arg19: memref<!tpu.dma_semaphore, #tpu.memory_space<semaphore_mem>>) attributes {dimension_semantics = [#tpu.dimension_semantics<core_parallel>, #tpu.dimension_semantics<subcore_parallel>], iteration_bounds = array<i64: 2, 16>, scalar_prefetch = 0 : i64, scratch_operands = 13 : i64, tpu.core_type = #tpu.core_type<sc_vector_subcore>, window_params = [{transform_indices = #map}, {transform_indices = #map}, {transform_indices = #map}, {transform_indices = #map}, {transform_indices = #map}]} {
    %mul3A = arith.constant 2 : i32
    %mul3A_0 = arith.muli %arg1, %mul3A : i32
    %add3A = arith.addi %mul3A_0, %arg0 : i32
    %iota3A = tpu.iota {dimensions = array<i32: 0>} : vector<16xi32>
    %mul3A_1 = arith.constant 4 : i32
    %mul3A_2 = arith.muli %add3A, %mul3A_1 : i32
    %mul3A_3 = arith.constant 100000 : i32
    %mul3A_4 = arith.muli %mul3A_2, %mul3A_3 : i32
    %dma_start3A = tpu.memref_slice %arg2[%mul3A_4] : memref<25600000xf32, #tpu.memory_space<hbm>> -> memref<10000xf32, #tpu.memory_space<hbm>>
    %dma_start3A_5 = tpu.memref_slice %arg2[%mul3A_4] : memref<25600000xf32, #tpu.memory_space<hbm>> -> memref<10000xf32, #tpu.memory_space<hbm>>
    tpu.enqueue_dma source(%dma_start3A_5 : memref<10000xf32, #tpu.memory_space<hbm>>) target(%arg7 : memref<10000xf32, #tpu.memory_space<vmem>>) target_semaphore(%arg15 : memref<!tpu.dma_semaphore, #tpu.memory_space<semaphore_mem>>)
    %dma_start3A_6 = tpu.memref_slice %arg3[%mul3A_4] : memref<12800000xi32, #tpu.memory_space<hbm>> -> memref<10000xi32, #tpu.memory_space<hbm>>
    %dma_start3A_7 = tpu.memref_slice %arg3[%mul3A_4] : memref<12800000xi32, #tpu.memory_space<hbm>> -> memref<10000xi32, #tpu.memory_space<hbm>>
    tpu.enqueue_dma source(%dma_start3A_7 : memref<10000xi32, #tpu.memory_space<hbm>>) target(%arg9 : memref<10000xi32, #tpu.memory_space<vmem>>) target_semaphore(%arg17 : memref<!tpu.dma_semaphore, #tpu.memory_space<semaphore_mem>>)
    %add3A_8 = arith.constant 10000 : i32
    %add3A_9 = arith.addi %mul3A_4, %add3A_8 : i32
    %dma_start3A_10 = tpu.memref_slice %arg2[%add3A_9] : memref<25600000xf32, #tpu.memory_space<hbm>> -> memref<10000xf32, #tpu.memory_space<hbm>>
    %dma_start3A_11 = tpu.memref_slice %arg2[%add3A_9] : memref<25600000xf32, #tpu.memory_space<hbm>> -> memref<10000xf32, #tpu.memory_space<hbm>>
    tpu.enqueue_dma source(%dma_start3A_11 : memref<10000xf32, #tpu.memory_space<hbm>>) target(%arg8 : memref<10000xf32, #tpu.memory_space<vmem>>) target_semaphore(%arg16 : memref<!tpu.dma_semaphore, #tpu.memory_space<semaphore_mem>>)
    %dma_start3A_12 = tpu.memref_slice %arg3[%add3A_9] : memref<12800000xi32, #tpu.memory_space<hbm>> -> memref<10000xi32, #tpu.memory_space<hbm>>
    %dma_start3A_13 = tpu.memref_slice %arg3[%add3A_9] : memref<12800000xi32, #tpu.memory_space<hbm>> -> memref<10000xi32, #tpu.memory_space<hbm>>
    tpu.enqueue_dma source(%dma_start3A_13 : memref<10000xi32, #tpu.memory_space<hbm>>) target(%arg10 : memref<10000xi32, #tpu.memory_space<vmem>>) target_semaphore(%arg18 : memref<!tpu.dma_semaphore, #tpu.memory_space<semaphore_mem>>)
    %scan3A = arith.constant 0 : i32
    %scan3A_14 = arith.constant 0 : i32
    %scan3A_15 = arith.constant 4 : i32
    %scan3A_16 = arith.addi %scan3A_14, %scan3A_15 : i32
    %scan3A_17 = arith.constant 1 : i32
    scf.for %scan3A_34 = %scan3A_14 to %scan3A_16 step %scan3A_17  : i32 {
      %mul3A_35 = arith.constant 4 : i32
      %mul3A_36 = arith.muli %add3A, %mul3A_35 : i32
      %add3A_37 = arith.addi %mul3A_36, %scan3A_34 : i32
      %mul3A_38 = arith.constant 100000 : i32
      %mul3A_39 = arith.muli %add3A_37, %mul3A_38 : i32
      %mul3A_40 = arith.constant 4 : i32
      %mul3A_41 = arith.muli %add3A, %mul3A_40 : i32
      %add3A_42 = arith.constant 1 : i32
      %add3A_43 = arith.addi %scan3A_34, %add3A_42 : i32
      %min3A = arith.constant 3 : i32
      %min3A_44 = arith.minsi %add3A_43, %min3A : i32
      %add3A_45 = arith.addi %mul3A_41, %min3A_44 : i32
      %mul3A_46 = arith.constant 100000 : i32
      %mul3A_47 = arith.muli %add3A_45, %mul3A_46 : i32
      %broadcast_in_dim3A = arith.constant -3.000000e+38 : f32
      %broadcast_in_dim3A_48 = vector.broadcast %broadcast_in_dim3A : f32 to vector<16xf32>
      %broadcast_in_dim3A_49 = arith.constant 0 : i32
      %broadcast_in_dim3A_50 = vector.broadcast %broadcast_in_dim3A_49 : i32 to vector<16xi32>
      %broadcast_in_dim3A_51 = arith.constant -3.000000e+38 : f32
      %broadcast_in_dim3A_52 = vector.broadcast %broadcast_in_dim3A_51 : f32 to vector<16xf32>
      %scan3A_53 = arith.constant 0 : i32
      %scan3A_54 = arith.constant 5 : i32
      %scan3A_55 = arith.addi %scan3A_53, %scan3A_54 : i32
      %scan3A_56 = arith.constant 1 : i32
      %scan3A_57:3 = scf.for %scan3A_86 = %scan3A_53 to %scan3A_55 step %scan3A_56 iter_args(%scan3A_87 = %broadcast_in_dim3A_48, %scan3A_88 = %broadcast_in_dim3A_50, %scan3A_89 = %broadcast_in_dim3A_52) -> (vector<16xf32>, vector<16xi32>, vector<16xf32>)  : i32 {
        %mul3A_90 = arith.constant 2 : i32
        %mul3A_91 = arith.muli %mul3A_90, %scan3A_86 : i32
        %mul3A_92 = arith.constant 10000 : i32
        %mul3A_93 = arith.muli %mul3A_91, %mul3A_92 : i32
        %dma_wait3A_94 = arith.constant 0 : i32
        %dma_wait3A_95 = tpu.memref_slice %arg2[%dma_wait3A_94] : memref<25600000xf32, #tpu.memory_space<hbm>> -> memref<10000xf32, #tpu.memory_space<hbm>>
        %dma_wait3A_96 = arith.constant 0 : i32
        %dma_wait3A_97 = tpu.memref_slice %arg2[%dma_wait3A_96] : memref<25600000xf32, #tpu.memory_space<hbm>> -> memref<10000xf32, #tpu.memory_space<hbm>>
        tpu.wait_dma2 semaphore(%arg15 : memref<!tpu.dma_semaphore, #tpu.memory_space<semaphore_mem>>) src(%dma_wait3A_97 : memref<10000xf32, #tpu.memory_space<hbm>>) dst(%arg7 : memref<10000xf32, #tpu.memory_space<vmem>>)
        %dma_wait3A_98 = arith.constant 0 : i32
        %dma_wait3A_99 = tpu.memref_slice %arg3[%dma_wait3A_98] : memref<12800000xi32, #tpu.memory_space<hbm>> -> memref<10000xi32, #tpu.memory_space<hbm>>
        %dma_wait3A_100 = arith.constant 0 : i32
        %dma_wait3A_101 = tpu.memref_slice %arg3[%dma_wait3A_100] : memref<12800000xi32, #tpu.memory_space<hbm>> -> memref<10000xi32, #tpu.memory_space<hbm>>
        tpu.wait_dma2 semaphore(%arg17 : memref<!tpu.dma_semaphore, #tpu.memory_space<semaphore_mem>>) src(%dma_wait3A_101 : memref<10000xi32, #tpu.memory_space<hbm>>) dst(%arg9 : memref<10000xi32, #tpu.memory_space<vmem>>)
        %scan3A_102 = arith.constant 0 : i32
        %scan3A_103 = arith.constant 25 : i32
        %scan3A_104 = arith.addi %scan3A_102, %scan3A_103 : i32
        %scan3A_105 = arith.constant 1 : i32
        %scan3A_106:3 = scf.for %scan3A_142 = %scan3A_102 to %scan3A_104 step %scan3A_105 iter_args(%scan3A_143 = %scan3A_87, %scan3A_144 = %scan3A_88, %scan3A_145 = %scan3A_89) -> (vector<16xf32>, vector<16xi32>, vector<16xf32>)  : i32 {
          %mul3A_146 = arith.constant 400 : i32
          %mul3A_147 = arith.muli %scan3A_142, %mul3A_146 : i32
          %add3A_148 = arith.constant 0 : i32
          %add3A_149 = arith.addi %mul3A_147, %add3A_148 : i32
          %get3A = arith.index_cast %add3A_149 : i32 to index
          %get3A_150 = tpu.vector_load %arg7[%get3A] {strides = array<i32>} : memref<10000xf32, #tpu.memory_space<vmem>>, vector<16xf32>,
          %add3A_151 = arith.constant 0 : i32
          %add3A_152 = arith.addi %mul3A_147, %add3A_151 : i32
          %get3A_153 = arith.index_cast %add3A_152 : i32 to index
          %get3A_154 = tpu.vector_load %arg9[%get3A_153] {strides = array<i32>} : memref<10000xi32, #tpu.memory_space<vmem>>, vector<16xi32>,
          %convert_element_type3A = arith.sitofp %get3A_154 : vector<16xi32> to vector<16xf32>
          %mul3A_155 = arith.constant 9.999990e+05 : f32
          %mul3A_156 = vector.broadcast %mul3A_155 : f32 to vector<16xf32>
          %mul3A_157 = arith.mulf %mul3A_156, %convert_element_type3A : vector<16xf32>
          %add3A_158 = arith.addf %get3A_150, %mul3A_157 : vector<16xf32>
          %gt3A = arith.cmpf ogt, %add3A_158, %scan3A_145 : vector<16xf32>
          %add3A_159 = arith.constant 16 : i32
          %add3A_160 = arith.addi %mul3A_147, %add3A_159 : i32
          %get3A_161 = arith.index_cast %add3A_160 : i32 to index
          %get3A_162 = tpu.vector_load %arg7[%get3A_161] {strides = array<i32>} : memref<10000xf32, #tpu.memory_space<vmem>>, vector<16xf32>,
          %add3A_163 = arith.constant 16 : i32
          %add3A_164 = arith.addi %mul3A_147, %add3A_163 : i32
          %get3A_165 = arith.index_cast %add3A_164 : i32 to index
          %get3A_166 = tpu.vector_load %arg9[%get3A_165] {strides = array<i32>} : memref<10000xi32, #tpu.memory_space<vmem>>, vector<16xi32>,
          %convert_element_type3A_167 = arith.sitofp %get3A_166 : vector<16xi32> to vector<16xf32>
          %mul3A_168 = arith.constant 9.999990e+05 : f32
          %mul3A_169 = vector.broadcast %mul3A_168 : f32 to vector<16xf32>
          %mul3A_170 = arith.mulf %mul3A_169, %convert_element_type3A_167 : vector<16xf32>
          %add3A_171 = arith.addf %get3A_162, %mul3A_170 : vector<16xf32>
          %gt3A_172 = arith.cmpf ogt, %add3A_171, %scan3A_145 : vector<16xf32>
          %add3A_173 = arith.constant 32 : i32
          %add3A_174 = arith.addi %mul3A_147, %add3A_173 : i32
          %get3A_175 = arith.index_cast %add3A_174 : i32 to index
          %get3A_176 = tpu.vector_load %arg7[%get3A_175] {strides = array<i32>} : memref<10000xf32, #tpu.memory_space<vmem>>, vector<16xf32>,
          %add3A_177 = arith.constant 32 : i32
          %add3A_178 = arith.addi %mul3A_147, %add3A_177 : i32
          %get3A_179 = arith.index_cast %add3A_178 : i32 to index
          %get3A_180 = tpu.vector_load %arg9[%get3A_179] {strides = array<i32>} : memref<10000xi32, #tpu.memory_space<vmem>>, vector<16xi32>,
          %convert_element_type3A_181 = arith.sitofp %get3A_180 : vector<16xi32> to vector<16xf32>
          %mul3A_182 = arith.constant 9.999990e+05 : f32
          %mul3A_183 = vector.broadcast %mul3A_182 : f32 to vector<16xf32>
          %mul3A_184 = arith.mulf %mul3A_183, %convert_element_type3A_181 : vector<16xf32>
          %add3A_185 = arith.addf %get3A_176, %mul3A_184 : vector<16xf32>
          %gt3A_186 = arith.cmpf ogt, %add3A_185, %scan3A_145 : vector<16xf32>
          %add3A_187 = arith.constant 48 : i32
          %add3A_188 = arith.addi %mul3A_147, %add3A_187 : i32
          %get3A_189 = arith.index_cast %add3A_188 : i32 to index
          %get3A_190 = tpu.vector_load %arg7[%get3A_189] {strides = array<i32>} : memref<10000xf32, #tpu.memory_space<vmem>>, vector<16xf32>,
          %add3A_191 = arith.constant 48 : i32
          %add3A_192 = arith.addi %mul3A_147, %add3A_191 : i32
          %get3A_193 = arith.index_cast %add3A_192 : i32 to index
          %get3A_194 = tpu.vector_load %arg9[%get3A_193] {strides = array<i32>} : memref<10000xi32, #tpu.memory_space<vmem>>, vector<16xi32>,
          %convert_element_type3A_195 = arith.sitofp %get3A_194 : vector<16xi32> to vector<16xf32>
          %mul3A_196 = arith.constant 9.999990e+05 : f32
          %mul3A_197 = vector.broadcast %mul3A_196 : f32 to vector<16xf32>
          %mul3A_198 = arith.mulf %mul3A_197, %convert_element_type3A_195 : vector<16xf32>
          %add3A_199 = arith.addf %get3A_190, %mul3A_198 : vector<16xf32>
          %gt3A_200 = arith.cmpf ogt, %add3A_199, %scan3A_145 : vector<16xf32>
          %add3A_201 = arith.constant 64 : i32
          %add3A_202 = arith.addi %mul3A_147, %add3A_201 : i32
          %get3A_203 = arith.index_cast %add3A_202 : i32 to index
          %get3A_204 = tpu.vector_load %arg7[%get3A_203] {strides = array<i32>} : memref<10000xf32, #tpu.memory_space<vmem>>, vector<16xf32>,
          %add3A_205 = arith.constant 64 : i32
          %add3A_206 = arith.addi %mul3A_147, %add3A_205 : i32
          %get3A_207 = arith.index_cast %add3A_206 : i32 to index
          %get3A_208 = tpu.vector_load %arg9[%get3A_207] {strides = array<i32>} : memref<10000xi32, #tpu.memory_space<vmem>>, vector<16xi32>,
          %convert_element_type3A_209 = arith.sitofp %get3A_208 : vector<16xi32> to vector<16xf32>
          %mul3A_210 = arith.constant 9.999990e+05 : f32
          %mul3A_211 = vector.broadcast %mul3A_210 : f32 to vector<16xf32>
          %mul3A_212 = arith.mulf %mul3A_211, %convert_element_type3A_209 : vector<16xf32>
          %add3A_213 = arith.addf %get3A_204, %mul3A_212 : vector<16xf32>
          %gt3A_214 = arith.cmpf ogt, %add3A_213, %scan3A_145 : vector<16xf32>
          %add3A_215 = arith.constant 80 : i32
          %add3A_216 = arith.addi %mul3A_147, %add3A_215 : i32
          %get3A_217 = arith.index_cast %add3A_216 : i32 to index
          %get3A_218 = tpu.vector_load %arg7[%get3A_217] {strides = array<i32>} : memref<10000xf32, #tpu.memory_space<vmem>>, vector<16xf32>,
          %add3A_219 = arith.constant 80 : i32
          %add3A_220 = arith.addi %mul3A_147, %add3A_219 : i32
          %get3A_221 = arith.index_cast %add3A_220 : i32 to index
          %get3A_222 = tpu.vector_load %arg9[%get3A_221] {strides = array<i32>} : memref<10000xi32, #tpu.memory_space<vmem>>, vector<16xi32>,
          %convert_element_type3A_223 = arith.sitofp %get3A_222 : vector<16xi32> to vector<16xf32>
          %mul3A_224 = arith.constant 9.999990e+05 : f32
          %mul3A_225 = vector.broadcast %mul3A_224 : f32 to vector<16xf32>
          %mul3A_226 = arith.mulf %mul3A_225, %convert_element_type3A_223 : vector<16xf32>
          %add3A_227 = arith.addf %get3A_218, %mul3A_226 : vector<16xf32>
          %gt3A_228 = arith.cmpf ogt, %add3A_227, %scan3A_145 : vector<16xf32>
          %add3A_229 = arith.constant 96 : i32
          %add3A_230 = arith.addi %mul3A_147, %add3A_229 : i32
          %get3A_231 = arith.index_cast %add3A_230 : i32 to index
          %get3A_232 = tpu.vector_load %arg7[%get3A_231] {strides = array<i32>} : memref<10000xf32, #tpu.memory_space<vmem>>, vector<16xf32>,
          %add3A_233 = arith.constant 96 : i32
          %add3A_234 = arith.addi %mul3A_147, %add3A_233 : i32
          %get3A_235 = arith.index_cast %add3A_234 : i32 to index
          %get3A_236 = tpu.vector_load %arg9[%get3A_235] {strides = array<i32>} : memref<10000xi32, #tpu.memory_space<vmem>>, vector<16xi32>,
          %convert_element_type3A_237 = arith.sitofp %get3A_236 : vector<16xi32> to vector<16xf32>
          %mul3A_238 = arith.constant 9.999990e+05 : f32
          %mul3A_239 = vector.broadcast %mul3A_238 : f32 to vector<16xf32>
          %mul3A_240 = arith.mulf %mul3A_239, %convert_element_type3A_237 : vector<16xf32>
          %add3A_241 = arith.addf %get3A_232, %mul3A_240 : vector<16xf32>
          %gt3A_242 = arith.cmpf ogt, %add3A_241, %scan3A_145 : vector<16xf32>
          %add3A_243 = arith.constant 112 : i32
          %add3A_244 = arith.addi %mul3A_147, %add3A_243 : i32
          %get3A_245 = arith.index_cast %add3A_244 : i32 to index
          %get3A_246 = tpu.vector_load %arg7[%get3A_245] {strides = array<i32>} : memref<10000xf32, #tpu.memory_space<vmem>>, vector<16xf32>,
          %add3A_247 = arith.constant 112 : i32
          %add3A_248 = arith.addi %mul3A_147, %add3A_247 : i32
          %get3A_249 = arith.index_cast %add3A_248 : i32 to index
          %get3A_250 = tpu.vector_load %arg9[%get3A_249] {strides = array<i32>} : memref<10000xi32, #tpu.memory_space<vmem>>, vector<16xi32>,
          %convert_element_type3A_251 = arith.sitofp %get3A_250 : vector<16xi32> to vector<16xf32>
          %mul3A_252 = arith.constant 9.999990e+05 : f32
          %mul3A_253 = vector.broadcast %mul3A_252 : f32 to vector<16xf32>
          %mul3A_254 = arith.mulf %mul3A_253, %convert_element_type3A_251 : vector<16xf32>
          %add3A_255 = arith.addf %get3A_246, %mul3A_254 : vector<16xf32>
          %gt3A_256 = arith.cmpf ogt, %add3A_255, %scan3A_145 : vector<16xf32>
          %add3A_257 = arith.constant 128 : i32
          %add3A_258 = arith.addi %mul3A_147, %add3A_257 : i32
          %get3A_259 = arith.index_cast %add3A_258 : i32 to index
          %get3A_260 = tpu.vector_load %arg7[%get3A_259] {strides = array<i32>} : memref<10000xf32, #tpu.memory_space<vmem>>, vector<16xf32>,
          %add3A_261 = arith.constant 128 : i32
          %add3A_262 = arith.addi %mul3A_147, %add3A_261 : i32
          %get3A_263 = arith.index_cast %add3A_262 : i32 to index
          %get3A_264 = tpu.vector_load %arg9[%get3A_263] {strides = array<i32>} : memref<10000xi32, #tpu.memory_space<vmem>>, vector<16xi32>,
          %convert_element_type3A_265 = arith.sitofp %get3A_264 : vector<16xi32> to vector<16xf32>
          %mul3A_266 = arith.constant 9.999990e+05 : f32
          %mul3A_267 = vector.broadcast %mul3A_266 : f32 to vector<16xf32>
          %mul3A_268 = arith.mulf %mul3A_267, %convert_element_type3A_265 : vector<16xf32>
          %add3A_269 = arith.addf %get3A_260, %mul3A_268 : vector<16xf32>
          %gt3A_270 = arith.cmpf ogt, %add3A_269, %scan3A_145 : vector<16xf32>
          %add3A_271 = arith.constant 144 : i32
          %add3A_272 = arith.addi %mul3A_147, %add3A_271 : i32
          %get3A_273 = arith.index_cast %add3A_272 : i32 to index
          %get3A_274 = tpu.vector_load %arg7[%get3A_273] {strides = array<i32>} : memref<10000xf32, #tpu.memory_space<vmem>>, vector<16xf32>,
          %add3A_275 = arith.constant 144 : i32
          %add3A_276 = arith.addi %mul3A_147, %add3A_275 : i32
          %get3A_277 = arith.index_cast %add3A_276 : i32 to index
          %get3A_278 = tpu.vector_load %arg9[%get3A_277] {strides = array<i32>} : memref<10000xi32, #tpu.memory_space<vmem>>, vector<16xi32>,
          %convert_element_type3A_279 = arith.sitofp %get3A_278 : vector<16xi32> to vector<16xf32>
          %mul3A_280 = arith.constant 9.999990e+05 : f32
          %mul3A_281 = vector.broadcast %mul3A_280 : f32 to vector<16xf32>
          %mul3A_282 = arith.mulf %mul3A_281, %convert_element_type3A_279 : vector<16xf32>
          %add3A_283 = arith.addf %get3A_274, %mul3A_282 : vector<16xf32>
          %gt3A_284 = arith.cmpf ogt, %add3A_283, %scan3A_145 : vector<16xf32>
          %add3A_285 = arith.constant 160 : i32
          %add3A_286 = arith.addi %mul3A_147, %add3A_285 : i32
          %get3A_287 = arith.index_cast %add3A_286 : i32 to index
          %get3A_288 = tpu.vector_load %arg7[%get3A_287] {strides = array<i32>} : memref<10000xf32, #tpu.memory_space<vmem>>, vector<16xf32>,
          %add3A_289 = arith.constant 160 : i32
          %add3A_290 = arith.addi %mul3A_147, %add3A_289 : i32
          %get3A_291 = arith.index_cast %add3A_290 : i32 to index
          %get3A_292 = tpu.vector_load %arg9[%get3A_291] {strides = array<i32>} : memref<10000xi32, #tpu.memory_space<vmem>>, vector<16xi32>,
          %convert_element_type3A_293 = arith.sitofp %get3A_292 : vector<16xi32> to vector<16xf32>
          %mul3A_294 = arith.constant 9.999990e+05 : f32
          %mul3A_295 = vector.broadcast %mul3A_294 : f32 to vector<16xf32>
          %mul3A_296 = arith.mulf %mul3A_295, %convert_element_type3A_293 : vector<16xf32>
          %add3A_297 = arith.addf %get3A_288, %mul3A_296 : vector<16xf32>
          %gt3A_298 = arith.cmpf ogt, %add3A_297, %scan3A_145 : vector<16xf32>
          %add3A_299 = arith.constant 176 : i32
          %add3A_300 = arith.addi %mul3A_147, %add3A_299 : i32
          %get3A_301 = arith.index_cast %add3A_300 : i32 to index
          %get3A_302 = tpu.vector_load %arg7[%get3A_301] {strides = array<i32>} : memref<10000xf32, #tpu.memory_space<vmem>>, vector<16xf32>,
          %add3A_303 = arith.constant 176 : i32
          %add3A_304 = arith.addi %mul3A_147, %add3A_303 : i32
          %get3A_305 = arith.index_cast %add3A_304 : i32 to index
          %get3A_306 = tpu.vector_load %arg9[%get3A_305] {strides = array<i32>} : memref<10000xi32, #tpu.memory_space<vmem>>, vector<16xi32>,
          %convert_element_type3A_307 = arith.sitofp %get3A_306 : vector<16xi32> to vector<16xf32>
          %mul3A_308 = arith.constant 9.999990e+05 : f32
          %mul3A_309 = vector.broadcast %mul3A_308 : f32 to vector<16xf32>
          %mul3A_310 = arith.mulf %mul3A_309, %convert_element_type3A_307 : vector<16xf32>
          %add3A_311 = arith.addf %get3A_302, %mul3A_310 : vector<16xf32>
          %gt3A_312 = arith.cmpf ogt, %add3A_311, %scan3A_145 : vector<16xf32>
          %add3A_313 = arith.constant 192 : i32
          %add3A_314 = arith.addi %mul3A_147, %add3A_313 : i32
          %get3A_315 = arith.index_cast %add3A_314 : i32 to index
          %get3A_316 = tpu.vector_load %arg7[%get3A_315] {strides = array<i32>} : memref<10000xf32, #tpu.memory_space<vmem>>, vector<16xf32>,
          %add3A_317 = arith.constant 192 : i32
          %add3A_318 = arith.addi %mul3A_147, %add3A_317 : i32
          %get3A_319 = arith.index_cast %add3A_318 : i32 to index
          %get3A_320 = tpu.vector_load %arg9[%get3A_319] {strides = array<i32>} : memref<10000xi32, #tpu.memory_space<vmem>>, vector<16xi32>,
          %convert_element_type3A_321 = arith.sitofp %get3A_320 : vector<16xi32> to vector<16xf32>
          %mul3A_322 = arith.constant 9.999990e+05 : f32
          %mul3A_323 = vector.broadcast %mul3A_322 : f32 to vector<16xf32>
          %mul3A_324 = arith.mulf %mul3A_323, %convert_element_type3A_321 : vector<16xf32>
          %add3A_325 = arith.addf %get3A_316, %mul3A_324 : vector<16xf32>
          %gt3A_326 = arith.cmpf ogt, %add3A_325, %scan3A_145 : vector<16xf32>
          %add3A_327 = arith.constant 208 : i32
          %add3A_328 = arith.addi %mul3A_147, %add3A_327 : i32
          %get3A_329 = arith.index_cast %add3A_328 : i32 to index
          %get3A_330 = tpu.vector_load %arg7[%get3A_329] {strides = array<i32>} : memref<10000xf32, #tpu.memory_space<vmem>>, vector<16xf32>,
          %add3A_331 = arith.constant 208 : i32
          %add3A_332 = arith.addi %mul3A_147, %add3A_331 : i32
          %get3A_333 = arith.index_cast %add3A_332 : i32 to index
          %get3A_334 = tpu.vector_load %arg9[%get3A_333] {strides = array<i32>} : memref<10000xi32, #tpu.memory_space<vmem>>, vector<16xi32>,
          %convert_element_type3A_335 = arith.sitofp %get3A_334 : vector<16xi32> to vector<16xf32>
          %mul3A_336 = arith.constant 9.999990e+05 : f32
          %mul3A_337 = vector.broadcast %mul3A_336 : f32 to vector<16xf32>
          %mul3A_338 = arith.mulf %mul3A_337, %convert_element_type3A_335 : vector<16xf32>
          %add3A_339 = arith.addf %get3A_330, %mul3A_338 : vector<16xf32>
          %gt3A_340 = arith.cmpf ogt, %add3A_339, %scan3A_145 : vector<16xf32>
          %add3A_341 = arith.constant 224 : i32
          %add3A_342 = arith.addi %mul3A_147, %add3A_341 : i32
          %get3A_343 = arith.index_cast %add3A_342 : i32 to index
          %get3A_344 = tpu.vector_load %arg7[%get3A_343] {strides = array<i32>} : memref<10000xf32, #tpu.memory_space<vmem>>, vector<16xf32>,
          %add3A_345 = arith.constant 224 : i32
          %add3A_346 = arith.addi %mul3A_147, %add3A_345 : i32
          %get3A_347 = arith.index_cast %add3A_346 : i32 to index
          %get3A_348 = tpu.vector_load %arg9[%get3A_347] {strides = array<i32>} : memref<10000xi32, #tpu.memory_space<vmem>>, vector<16xi32>,
          %convert_element_type3A_349 = arith.sitofp %get3A_348 : vector<16xi32> to vector<16xf32>
          %mul3A_350 = arith.constant 9.999990e+05 : f32
          %mul3A_351 = vector.broadcast %mul3A_350 : f32 to vector<16xf32>
          %mul3A_352 = arith.mulf %mul3A_351, %convert_element_type3A_349 : vector<16xf32>
          %add3A_353 = arith.addf %get3A_344, %mul3A_352 : vector<16xf32>
          %gt3A_354 = arith.cmpf ogt, %add3A_353, %scan3A_145 : vector<16xf32>
          %add3A_355 = arith.constant 240 : i32
          %add3A_356 = arith.addi %mul3A_147, %add3A_355 : i32
          %get3A_357 = arith.index_cast %add3A_356 : i32 to index
          %get3A_358 = tpu.vector_load %arg7[%get3A_357] {strides = array<i32>} : memref<10000xf32, #tpu.memory_space<vmem>>, vector<16xf32>,
          %add3A_359 = arith.constant 240 : i32
          %add3A_360 = arith.addi %mul3A_147, %add3A_359 : i32
          %get3A_361 = arith.index_cast %add3A_360 : i32 to index
          %get3A_362 = tpu.vector_load %arg9[%get3A_361] {strides = array<i32>} : memref<10000xi32, #tpu.memory_space<vmem>>, vector<16xi32>,
          %convert_element_type3A_363 = arith.sitofp %get3A_362 : vector<16xi32> to vector<16xf32>
          %mul3A_364 = arith.constant 9.999990e+05 : f32
          %mul3A_365 = vector.broadcast %mul3A_364 : f32 to vector<16xf32>
          %mul3A_366 = arith.mulf %mul3A_365, %convert_element_type3A_363 : vector<16xf32>
          %add3A_367 = arith.addf %get3A_358, %mul3A_366 : vector<16xf32>
          %gt3A_368 = arith.cmpf ogt, %add3A_367, %scan3A_145 : vector<16xf32>
          %add3A_369 = arith.constant 256 : i32
          %add3A_370 = arith.addi %mul3A_147, %add3A_369 : i32
          %get3A_371 = arith.index_cast %add3A_370 : i32 to index
          %get3A_372 = tpu.vector_load %arg7[%get3A_371] {strides = array<i32>} : memref<10000xf32, #tpu.memory_space<vmem>>, vector<16xf32>,
          %add3A_373 = arith.constant 256 : i32
          %add3A_374 = arith.addi %mul3A_147, %add3A_373 : i32
          %get3A_375 = arith.index_cast %add3A_374 : i32 to index
          %get3A_376 = tpu.vector_load %arg9[%get3A_375] {strides = array<i32>} : memref<10000xi32, #tpu.memory_space<vmem>>, vector<16xi32>,
          %convert_element_type3A_377 = arith.sitofp %get3A_376 : vector<16xi32> to vector<16xf32>
          %mul3A_378 = arith.constant 9.999990e+05 : f32
          %mul3A_379 = vector.broadcast %mul3A_378 : f32 to vector<16xf32>
          %mul3A_380 = arith.mulf %mul3A_379, %convert_element_type3A_377 : vector<16xf32>
          %add3A_381 = arith.addf %get3A_372, %mul3A_380 : vector<16xf32>
          %gt3A_382 = arith.cmpf ogt, %add3A_381, %scan3A_145 : vector<16xf32>
          %add3A_383 = arith.constant 272 : i32
          %add3A_384 = arith.addi %mul3A_147, %add3A_383 : i32
          %get3A_385 = arith.index_cast %add3A_384 : i32 to index
          %get3A_386 = tpu.vector_load %arg7[%get3A_385] {strides = array<i32>} : memref<10000xf32, #tpu.memory_space<vmem>>, vector<16xf32>,
          %add3A_387 = arith.constant 272 : i32
          %add3A_388 = arith.addi %mul3A_147, %add3A_387 : i32
          %get3A_389 = arith.index_cast %add3A_388 : i32 to index
          %get3A_390 = tpu.vector_load %arg9[%get3A_389] {strides = array<i32>} : memref<10000xi32, #tpu.memory_space<vmem>>, vector<16xi32>,
          %convert_element_type3A_391 = arith.sitofp %get3A_390 : vector<16xi32> to vector<16xf32>
          %mul3A_392 = arith.constant 9.999990e+05 : f32
          %mul3A_393 = vector.broadcast %mul3A_392 : f32 to vector<16xf32>
          %mul3A_394 = arith.mulf %mul3A_393, %convert_element_type3A_391 : vector<16xf32>
          %add3A_395 = arith.addf %get3A_386, %mul3A_394 : vector<16xf32>
          %gt3A_396 = arith.cmpf ogt, %add3A_395, %scan3A_145 : vector<16xf32>
          %add3A_397 = arith.constant 288 : i32
          %add3A_398 = arith.addi %mul3A_147, %add3A_397 : i32
          %get3A_399 = arith.index_cast %add3A_398 : i32 to index
          %get3A_400 = tpu.vector_load %arg7[%get3A_399] {strides = array<i32>} : memref<10000xf32, #tpu.memory_space<vmem>>, vector<16xf32>,
          %add3A_401 = arith.constant 288 : i32
          %add3A_402 = arith.addi %mul3A_147, %add3A_401 : i32
          %get3A_403 = arith.index_cast %add3A_402 : i32 to index
          %get3A_404 = tpu.vector_load %arg9[%get3A_403] {strides = array<i32>} : memref<10000xi32, #tpu.memory_space<vmem>>, vector<16xi32>,
          %convert_element_type3A_405 = arith.sitofp %get3A_404 : vector<16xi32> to vector<16xf32>
          %mul3A_406 = arith.constant 9.999990e+05 : f32
          %mul3A_407 = vector.broadcast %mul3A_406 : f32 to vector<16xf32>
          %mul3A_408 = arith.mulf %mul3A_407, %convert_element_type3A_405 : vector<16xf32>
          %add3A_409 = arith.addf %get3A_400, %mul3A_408 : vector<16xf32>
          %gt3A_410 = arith.cmpf ogt, %add3A_409, %scan3A_145 : vector<16xf32>
          %add3A_411 = arith.constant 304 : i32
          %add3A_412 = arith.addi %mul3A_147, %add3A_411 : i32
          %get3A_413 = arith.index_cast %add3A_412 : i32 to index
          %get3A_414 = tpu.vector_load %arg7[%get3A_413] {strides = array<i32>} : memref<10000xf32, #tpu.memory_space<vmem>>, vector<16xf32>,
          %add3A_415 = arith.constant 304 : i32
          %add3A_416 = arith.addi %mul3A_147, %add3A_415 : i32
          %get3A_417 = arith.index_cast %add3A_416 : i32 to index
          %get3A_418 = tpu.vector_load %arg9[%get3A_417] {strides = array<i32>} : memref<10000xi32, #tpu.memory_space<vmem>>, vector<16xi32>,
          %convert_element_type3A_419 = arith.sitofp %get3A_418 : vector<16xi32> to vector<16xf32>
          %mul3A_420 = arith.constant 9.999990e+05 : f32
          %mul3A_421 = vector.broadcast %mul3A_420 : f32 to vector<16xf32>
          %mul3A_422 = arith.mulf %mul3A_421, %convert_element_type3A_419 : vector<16xf32>
          %add3A_423 = arith.addf %get3A_414, %mul3A_422 : vector<16xf32>
          %gt3A_424 = arith.cmpf ogt, %add3A_423, %scan3A_145 : vector<16xf32>
          %add3A_425 = arith.constant 320 : i32
          %add3A_426 = arith.addi %mul3A_147, %add3A_425 : i32
          %get3A_427 = arith.index_cast %add3A_426 : i32 to index
          %get3A_428 = tpu.vector_load %arg7[%get3A_427] {strides = array<i32>} : memref<10000xf32, #tpu.memory_space<vmem>>, vector<16xf32>,
          %add3A_429 = arith.constant 320 : i32
          %add3A_430 = arith.addi %mul3A_147, %add3A_429 : i32
          %get3A_431 = arith.index_cast %add3A_430 : i32 to index
          %get3A_432 = tpu.vector_load %arg9[%get3A_431] {strides = array<i32>} : memref<10000xi32, #tpu.memory_space<vmem>>, vector<16xi32>,
          %convert_element_type3A_433 = arith.sitofp %get3A_432 : vector<16xi32> to vector<16xf32>
          %mul3A_434 = arith.constant 9.999990e+05 : f32
          %mul3A_435 = vector.broadcast %mul3A_434 : f32 to vector<16xf32>
          %mul3A_436 = arith.mulf %mul3A_435, %convert_element_type3A_433 : vector<16xf32>
          %add3A_437 = arith.addf %get3A_428, %mul3A_436 : vector<16xf32>
          %gt3A_438 = arith.cmpf ogt, %add3A_437, %scan3A_145 : vector<16xf32>
          %add3A_439 = arith.constant 336 : i32
          %add3A_440 = arith.addi %mul3A_147, %add3A_439 : i32
          %get3A_441 = arith.index_cast %add3A_440 : i32 to index
          %get3A_442 = tpu.vector_load %arg7[%get3A_441] {strides = array<i32>} : memref<10000xf32, #tpu.memory_space<vmem>>, vector<16xf32>,
          %add3A_443 = arith.constant 336 : i32
          %add3A_444 = arith.addi %mul3A_147, %add3A_443 : i32
          %get3A_445 = arith.index_cast %add3A_444 : i32 to index
          %get3A_446 = tpu.vector_load %arg9[%get3A_445] {strides = array<i32>} : memref<10000xi32, #tpu.memory_space<vmem>>, vector<16xi32>,
          %convert_element_type3A_447 = arith.sitofp %get3A_446 : vector<16xi32> to vector<16xf32>
          %mul3A_448 = arith.constant 9.999990e+05 : f32
          %mul3A_449 = vector.broadcast %mul3A_448 : f32 to vector<16xf32>
          %mul3A_450 = arith.mulf %mul3A_449, %convert_element_type3A_447 : vector<16xf32>
          %add3A_451 = arith.addf %get3A_442, %mul3A_450 : vector<16xf32>
          %gt3A_452 = arith.cmpf ogt, %add3A_451, %scan3A_145 : vector<16xf32>
          %add3A_453 = arith.constant 352 : i32
          %add3A_454 = arith.addi %mul3A_147, %add3A_453 : i32
          %get3A_455 = arith.index_cast %add3A_454 : i32 to index
          %get3A_456 = tpu.vector_load %arg7[%get3A_455] {strides = array<i32>} : memref<10000xf32, #tpu.memory_space<vmem>>, vector<16xf32>,
          %add3A_457 = arith.constant 352 : i32
          %add3A_458 = arith.addi %mul3A_147, %add3A_457 : i32
          %get3A_459 = arith.index_cast %add3A_458 : i32 to index
          %get3A_460 = tpu.vector_load %arg9[%get3A_459] {strides = array<i32>} : memref<10000xi32, #tpu.memory_space<vmem>>, vector<16xi32>,
          %convert_element_type3A_461 = arith.sitofp %get3A_460 : vector<16xi32> to vector<16xf32>
          %mul3A_462 = arith.constant 9.999990e+05 : f32
          %mul3A_463 = vector.broadcast %mul3A_462 : f32 to vector<16xf32>
          %mul3A_464 = arith.mulf %mul3A_463, %convert_element_type3A_461 : vector<16xf32>
          %add3A_465 = arith.addf %get3A_456, %mul3A_464 : vector<16xf32>
          %gt3A_466 = arith.cmpf ogt, %add3A_465, %scan3A_145 : vector<16xf32>
          %add3A_467 = arith.constant 368 : i32
          %add3A_468 = arith.addi %mul3A_147, %add3A_467 : i32
          %get3A_469 = arith.index_cast %add3A_468 : i32 to index
          %get3A_470 = tpu.vector_load %arg7[%get3A_469] {strides = array<i32>} : memref<10000xf32, #tpu.memory_space<vmem>>, vector<16xf32>,
          %add3A_471 = arith.constant 368 : i32
          %add3A_472 = arith.addi %mul3A_147, %add3A_471 : i32
          %get3A_473 = arith.index_cast %add3A_472 : i32 to index
          %get3A_474 = tpu.vector_load %arg9[%get3A_473] {strides = array<i32>} : memref<10000xi32, #tpu.memory_space<vmem>>, vector<16xi32>,
          %convert_element_type3A_475 = arith.sitofp %get3A_474 : vector<16xi32> to vector<16xf32>
          %mul3A_476 = arith.constant 9.999990e+05 : f32
          %mul3A_477 = vector.broadcast %mul3A_476 : f32 to vector<16xf32>
          %mul3A_478 = arith.mulf %mul3A_477, %convert_element_type3A_475 : vector<16xf32>
          %add3A_479 = arith.addf %get3A_470, %mul3A_478 : vector<16xf32>
          %gt3A_480 = arith.cmpf ogt, %add3A_479, %scan3A_145 : vector<16xf32>
          %add3A_481 = arith.constant 384 : i32
          %add3A_482 = arith.addi %mul3A_147, %add3A_481 : i32
          %get3A_483 = arith.index_cast %add3A_482 : i32 to index
          %get3A_484 = tpu.vector_load %arg7[%get3A_483] {strides = array<i32>} : memref<10000xf32, #tpu.memory_space<vmem>>, vector<16xf32>,
          %add3A_485 = arith.constant 384 : i32
          %add3A_486 = arith.addi %mul3A_147, %add3A_485 : i32
          %get3A_487 = arith.index_cast %add3A_486 : i32 to index
          %get3A_488 = tpu.vector_load %arg9[%get3A_487] {strides = array<i32>} : memref<10000xi32, #tpu.memory_space<vmem>>, vector<16xi32>,
          %convert_element_type3A_489 = arith.sitofp %get3A_488 : vector<16xi32> to vector<16xf32>
          %mul3A_490 = arith.constant 9.999990e+05 : f32
          %mul3A_491 = vector.broadcast %mul3A_490 : f32 to vector<16xf32>
          %mul3A_492 = arith.mulf %mul3A_491, %convert_element_type3A_489 : vector<16xf32>
          %add3A_493 = arith.addf %get3A_484, %mul3A_492 : vector<16xf32>
          %gt3A_494 = arith.cmpf ogt, %add3A_493, %scan3A_145 : vector<16xf32>
          %or3A = arith.ori %gt3A, %gt3A_172 : vector<16xi1>
          %or3A_495 = arith.ori %or3A, %gt3A_186 : vector<16xi1>
          %or3A_496 = arith.ori %or3A_495, %gt3A_200 : vector<16xi1>
          %or3A_497 = arith.ori %or3A_496, %gt3A_214 : vector<16xi1>
          %or3A_498 = arith.ori %or3A_497, %gt3A_228 : vector<16xi1>
          %or3A_499 = arith.ori %or3A_498, %gt3A_242 : vector<16xi1>
          %or3A_500 = arith.ori %or3A_499, %gt3A_256 : vector<16xi1>
          %or3A_501 = arith.ori %or3A_500, %gt3A_270 : vector<16xi1>
          %or3A_502 = arith.ori %or3A_501, %gt3A_284 : vector<16xi1>
          %or3A_503 = arith.ori %or3A_502, %gt3A_298 : vector<16xi1>
          %or3A_504 = arith.ori %or3A_503, %gt3A_312 : vector<16xi1>
          %or3A_505 = arith.ori %or3A_504, %gt3A_326 : vector<16xi1>
          %or3A_506 = arith.ori %or3A_505, %gt3A_340 : vector<16xi1>
          %or3A_507 = arith.ori %or3A_506, %gt3A_354 : vector<16xi1>
          %or3A_508 = arith.ori %or3A_507, %gt3A_368 : vector<16xi1>
          %or3A_509 = arith.ori %or3A_508, %gt3A_382 : vector<16xi1>
          %or3A_510 = arith.ori %or3A_509, %gt3A_396 : vector<16xi1>
          %or3A_511 = arith.ori %or3A_510, %gt3A_410 : vector<16xi1>
          %or3A_512 = arith.ori %or3A_511, %gt3A_424 : vector<16xi1>
          %or3A_513 = arith.ori %or3A_512, %gt3A_438 : vector<16xi1>
          %or3A_514 = arith.ori %or3A_513, %gt3A_452 : vector<16xi1>
          %or3A_515 = arith.ori %or3A_514, %gt3A_466 : vector<16xi1>
          %or3A_516 = arith.ori %or3A_515, %gt3A_480 : vector<16xi1>
          %or3A_517 = arith.ori %or3A_516, %gt3A_494 : vector<16xi1>
          %reduce_or3A = arith.constant 1.000000e+00 : f32
          %reduce_or3A_518 = arith.constant 0.000000e+00 : f32
          %reduce_or3A_519 = vector.broadcast %reduce_or3A : f32 to vector<16xf32>
          %reduce_or3A_520 = vector.broadcast %reduce_or3A_518 : f32 to vector<16xf32>
          %reduce_or3A_521 = arith.select %or3A_517, %reduce_or3A_519, %reduce_or3A_520 : vector<16xi1>, vector<16xf32>
          %reduce_or3A_522 = arith.constant true
          %reduce_or3A_523 = vector.broadcast %reduce_or3A_522 : i1 to vector<16xi1>
          %reduce_or3A_524 = tpu.scan <max>, %reduce_or3A_521 masked %reduce_or3A_523 : vector<16xf32>, vector<16xi1> -> vector<16xf32>
          %reduce_or3A_525 = vector.extract %reduce_or3A_524[15] : f32 from vector<16xf32>
          %reduce_or3A_526 = arith.constant 0.000000e+00 : f32
          %reduce_or3A_527 = arith.cmpf ogt, %reduce_or3A_525, %reduce_or3A_526 : f32
          %convert_element_type3A_528 = arith.extui %reduce_or3A_527 : i1 to i32
          %cond3A = arith.constant 0 : i32
          %cond3A_529 = arith.cmpi ne, %convert_element_type3A_528, %cond3A : i32
          %cond3A_530:3 = scf.if %cond3A_529 -> (vector<16xf32>, vector<16xi32>, vector<16xf32>) {
            %reduce_or3A_531 = arith.constant 1.000000e+00 : f32
            %reduce_or3A_532 = arith.constant 0.000000e+00 : f32
            %reduce_or3A_533 = vector.broadcast %reduce_or3A_531 : f32 to vector<16xf32>
            %reduce_or3A_534 = vector.broadcast %reduce_or3A_532 : f32 to vector<16xf32>
            %reduce_or3A_535 = arith.select %gt3A, %reduce_or3A_533, %reduce_or3A_534 : vector<16xi1>, vector<16xf32>
            %reduce_or3A_536 = arith.constant true
            %reduce_or3A_537 = vector.broadcast %reduce_or3A_536 : i1 to vector<16xi1>
            %reduce_or3A_538 = tpu.scan <max>, %reduce_or3A_535 masked %reduce_or3A_537 : vector<16xf32>, vector<16xi1> -> vector<16xf32>
            %reduce_or3A_539 = vector.extract %reduce_or3A_538[15] : f32 from vector<16xf32>
            %reduce_or3A_540 = arith.constant 0.000000e+00 : f32
            %reduce_or3A_541 = arith.cmpf ogt, %reduce_or3A_539, %reduce_or3A_540 : f32
            %add3A_542 = arith.addi %mul3A_93, %mul3A_147 : i32
            %add3A_543 = arith.constant 0 : i32
            %add3A_544 = arith.addi %add3A_542, %add3A_543 : i32
            %convert_element_type3A_545 = arith.extui %reduce_or3A_541 : i1 to i32
            %cond3A_546 = arith.constant 0 : i32
            %cond3A_547 = arith.cmpi ne, %convert_element_type3A_545, %cond3A_546 : i32
            %cond3A_548:3 = scf.if %cond3A_547 -> (vector<16xf32>, vector<16xi32>, vector<16xf32>) {
              %add3A_981 = vector.broadcast %add3A_544 : i32 to vector<16xi32>
              %add3A_982 = arith.addi %add3A_981, %iota3A : vector<16xi32>
              %jit3A = arith.constant -3.000000e+38 : f32
              %broadcast_in_dim3A_983 = vector.broadcast %jit3A : f32 to vector<16xf32>
              %select_n3A_984 = arith.select %gt3A, %add3A_158, %broadcast_in_dim3A_983 : vector<16xi1>, vector<16xf32>
              %masked_sort3A = arith.constant dense<true> : vector<16xi1>
              %masked_sort3A_985, %masked_sort3A_986, %masked_sort3A_987 = tpu.sort %select_n3A_984, %add3A_982 masked %masked_sort3A {descending = true} : (vector<16xf32>, vector<16xi32>, vector<16xi1>) -> (vector<16xi1>, vector<16xf32>, vector<16xi32>)
              %rev3A = arith.constant 15 : i32
              %rev3A_988 = vector.broadcast %rev3A : i32 to vector<16xi32>
              %rev3A_989 = tpu.iota {dimensions = array<i32: 0>} : vector<16xi32>
              %rev3A_990 = arith.subi %rev3A_988, %rev3A_989 : vector<16xi32>
              %rev3A_991 = tpu.dynamic_gather %masked_sort3A_986[%rev3A_990] in [0] : vector<16xf32>, vector<16xi32> -> vector<16xf32>
              %rev3A_992 = arith.constant 15 : i32
              %rev3A_993 = vector.broadcast %rev3A_992 : i32 to vector<16xi32>
              %rev3A_994 = tpu.iota {dimensions = array<i32: 0>} : vector<16xi32>
              %rev3A_995 = arith.subi %rev3A_993, %rev3A_994 : vector<16xi32>
              %rev3A_996 = tpu.dynamic_gather %masked_sort3A_987[%rev3A_995] in [0] : vector<16xi32>, vector<16xi32> -> vector<16xi32>
              %ge3A = arith.cmpf oge, %scan3A_143, %rev3A_991 : vector<16xf32>
              %select_n3A_997 = arith.select %ge3A, %scan3A_143, %rev3A_991 : vector<16xi1>, vector<16xf32>
              %select_n3A_998 = arith.select %ge3A, %scan3A_144, %rev3A_996 : vector<16xi1>, vector<16xi32>
              %masked_sort3A_999 = arith.constant dense<true> : vector<16xi1>
              %masked_sort3A_1000, %masked_sort3A_1001, %masked_sort3A_1002 = tpu.sort %select_n3A_997, %select_n3A_998 masked %masked_sort3A_999 {descending = true} : (vector<16xf32>, vector<16xi32>, vector<16xi1>) -> (vector<16xi1>, vector<16xf32>, vector<16xi32>)
              %broadcast_in_dim3A_1003 = arith.constant 15 : i32
              %broadcast_in_dim3A_1004 = vector.broadcast %broadcast_in_dim3A_1003 : i32 to vector<16x1xi32>
              %gather3A = vector.shape_cast %broadcast_in_dim3A_1004 : vector<16x1xi32> to vector<16xi32>
              %gather3A_1005 = tpu.dynamic_gather %masked_sort3A_1001[%gather3A] in [0] : vector<16xf32>, vector<16xi32> -> vector<16xf32>
              scf.yield %masked_sort3A_1001, %masked_sort3A_1002, %gather3A_1005 : vector<16xf32>, vector<16xi32>, vector<16xf32>
            } else {
              scf.yield %scan3A_143, %scan3A_144, %scan3A_145 : vector<16xf32>, vector<16xi32>, vector<16xf32>
            }
            %reduce_or3A_549 = arith.constant 1.000000e+00 : f32
            %reduce_or3A_550 = arith.constant 0.000000e+00 : f32
            %reduce_or3A_551 = vector.broadcast %reduce_or3A_549 : f32 to vector<16xf32>
            %reduce_or3A_552 = vector.broadcast %reduce_or3A_550 : f32 to vector<16xf32>
            %reduce_or3A_553 = arith.select %gt3A_172, %reduce_or3A_551, %reduce_or3A_552 : vector<16xi1>, vector<16xf32>
            %reduce_or3A_554 = arith.constant true
            %reduce_or3A_555 = vector.broadcast %reduce_or3A_554 : i1 to vector<16xi1>
            %reduce_or3A_556 = tpu.scan <max>, %reduce_or3A_553 masked %reduce_or3A_555 : vector<16xf32>, vector<16xi1> -> vector<16xf32>
            %reduce_or3A_557 = vector.extract %reduce_or3A_556[15] : f32 from vector<16xf32>
            %reduce_or3A_558 = arith.constant 0.000000e+00 : f32
            %reduce_or3A_559 = arith.cmpf ogt, %reduce_or3A_557, %reduce_or3A_558 : f32
            %add3A_560 = arith.addi %mul3A_93, %mul3A_147 : i32
            %add3A_561 = arith.constant 16 : i32
            %add3A_562 = arith.addi %add3A_560, %add3A_561 : i32
            %convert_element_type3A_563 = arith.extui %reduce_or3A_559 : i1 to i32
            %cond3A_564 = arith.constant 0 : i32
            %cond3A_565 = arith.cmpi ne, %convert_element_type3A_563, %cond3A_564 : i32
            %cond3A_566:3 = scf.if %cond3A_565 -> (vector<16xf32>, vector<16xi32>, vector<16xf32>) {
              %add3A_981 = vector.broadcast %add3A_562 : i32 to vector<16xi32>
              %add3A_982 = arith.addi %add3A_981, %iota3A : vector<16xi32>
              %jit3A = arith.constant -3.000000e+38 : f32
              %broadcast_in_dim3A_983 = vector.broadcast %jit3A : f32 to vector<16xf32>
              %select_n3A_984 = arith.select %gt3A_172, %add3A_171, %broadcast_in_dim3A_983 : vector<16xi1>, vector<16xf32>
              %masked_sort3A = arith.constant dense<true> : vector<16xi1>
              %masked_sort3A_985, %masked_sort3A_986, %masked_sort3A_987 = tpu.sort %select_n3A_984, %add3A_982 masked %masked_sort3A {descending = true} : (vector<16xf32>, vector<16xi32>, vector<16xi1>) -> (vector<16xi1>, vector<16xf32>, vector<16xi32>)
              %rev3A = arith.constant 15 : i32
              %rev3A_988 = vector.broadcast %rev3A : i32 to vector<16xi32>
              %rev3A_989 = tpu.iota {dimensions = array<i32: 0>} : vector<16xi32>
              %rev3A_990 = arith.subi %rev3A_988, %rev3A_989 : vector<16xi32>
              %rev3A_991 = tpu.dynamic_gather %masked_sort3A_986[%rev3A_990] in [0] : vector<16xf32>, vector<16xi32> -> vector<16xf32>
              %rev3A_992 = arith.constant 15 : i32
              %rev3A_993 = vector.broadcast %rev3A_992 : i32 to vector<16xi32>
              %rev3A_994 = tpu.iota {dimensions = array<i32: 0>} : vector<16xi32>
              %rev3A_995 = arith.subi %rev3A_993, %rev3A_994 : vector<16xi32>
              %rev3A_996 = tpu.dynamic_gather %masked_sort3A_987[%rev3A_995] in [0] : vector<16xi32>, vector<16xi32> -> vector<16xi32>
              %ge3A = arith.cmpf oge, %cond3A_548#0, %rev3A_991 : vector<16xf32>
              %select_n3A_997 = arith.select %ge3A, %cond3A_548#0, %rev3A_991 : vector<16xi1>, vector<16xf32>
              %select_n3A_998 = arith.select %ge3A, %cond3A_548#1, %rev3A_996 : vector<16xi1>, vector<16xi32>
              %masked_sort3A_999 = arith.constant dense<true> : vector<16xi1>
              %masked_sort3A_1000, %masked_sort3A_1001, %masked_sort3A_1002 = tpu.sort %select_n3A_997, %select_n3A_998 masked %masked_sort3A_999 {descending = true} : (vector<16xf32>, vector<16xi32>, vector<16xi1>) -> (vector<16xi1>, vector<16xf32>, vector<16xi32>)
              %broadcast_in_dim3A_1003 = arith.constant 15 : i32
              %broadcast_in_dim3A_1004 = vector.broadcast %broadcast_in_dim3A_1003 : i32 to vector<16x1xi32>
              %gather3A = vector.shape_cast %broadcast_in_dim3A_1004 : vector<16x1xi32> to vector<16xi32>
              %gather3A_1005 = tpu.dynamic_gather %masked_sort3A_1001[%gather3A] in [0] : vector<16xf32>, vector<16xi32> -> vector<16xf32>
              scf.yield %masked_sort3A_1001, %masked_sort3A_1002, %gather3A_1005 : vector<16xf32>, vector<16xi32>, vector<16xf32>
            } else {
              scf.yield %cond3A_548#0, %cond3A_548#1, %cond3A_548#2 : vector<16xf32>, vector<16xi32>, vector<16xf32>
            }
            %reduce_or3A_567 = arith.constant 1.000000e+00 : f32
            %reduce_or3A_568 = arith.constant 0.000000e+00 : f32
            %reduce_or3A_569 = vector.broadcast %reduce_or3A_567 : f32 to vector<16xf32>
            %reduce_or3A_570 = vector.broadcast %reduce_or3A_568 : f32 to vector<16xf32>
            %reduce_or3A_571 = arith.select %gt3A_186, %reduce_or3A_569, %reduce_or3A_570 : vector<16xi1>, vector<16xf32>
            %reduce_or3A_572 = arith.constant true
            %reduce_or3A_573 = vector.broadcast %reduce_or3A_572 : i1 to vector<16xi1>
            %reduce_or3A_574 = tpu.scan <max>, %reduce_or3A_571 masked %reduce_or3A_573 : vector<16xf32>, vector<16xi1> -> vector<16xf32>
            %reduce_or3A_575 = vector.extract %reduce_or3A_574[15] : f32 from vector<16xf32>
            %reduce_or3A_576 = arith.constant 0.000000e+00 : f32
            %reduce_or3A_577 = arith.cmpf ogt, %reduce_or3A_575, %reduce_or3A_576 : f32
            %add3A_578 = arith.addi %mul3A_93, %mul3A_147 : i32
            %add3A_579 = arith.constant 32 : i32
            %add3A_580 = arith.addi %add3A_578, %add3A_579 : i32
            %convert_element_type3A_581 = arith.extui %reduce_or3A_577 : i1 to i32
            %cond3A_582 = arith.constant 0 : i32
            %cond3A_583 = arith.cmpi ne, %convert_element_type3A_581, %cond3A_582 : i32
            %cond3A_584:3 = scf.if %cond3A_583 -> (vector<16xf32>, vector<16xi32>, vector<16xf32>) {
              %add3A_981 = vector.broadcast %add3A_580 : i32 to vector<16xi32>
              %add3A_982 = arith.addi %add3A_981, %iota3A : vector<16xi32>
              %jit3A = arith.constant -3.000000e+38 : f32
              %broadcast_in_dim3A_983 = vector.broadcast %jit3A : f32 to vector<16xf32>
              %select_n3A_984 = arith.select %gt3A_186, %add3A_185, %broadcast_in_dim3A_983 : vector<16xi1>, vector<16xf32>
              %masked_sort3A = arith.constant dense<true> : vector<16xi1>
              %masked_sort3A_985, %masked_sort3A_986, %masked_sort3A_987 = tpu.sort %select_n3A_984, %add3A_982 masked %masked_sort3A {descending = true} : (vector<16xf32>, vector<16xi32>, vector<16xi1>) -> (vector<16xi1>, vector<16xf32>, vector<16xi32>)
              %rev3A = arith.constant 15 : i32
              %rev3A_988 = vector.broadcast %rev3A : i32 to vector<16xi32>
              %rev3A_989 = tpu.iota {dimensions = array<i32: 0>} : vector<16xi32>
              %rev3A_990 = arith.subi %rev3A_988, %rev3A_989 : vector<16xi32>
              %rev3A_991 = tpu.dynamic_gather %masked_sort3A_986[%rev3A_990] in [0] : vector<16xf32>, vector<16xi32> -> vector<16xf32>
              %rev3A_992 = arith.constant 15 : i32
              %rev3A_993 = vector.broadcast %rev3A_992 : i32 to vector<16xi32>
              %rev3A_994 = tpu.iota {dimensions = array<i32: 0>} : vector<16xi32>
              %rev3A_995 = arith.subi %rev3A_993, %rev3A_994 : vector<16xi32>
              %rev3A_996 = tpu.dynamic_gather %masked_sort3A_987[%rev3A_995] in [0] : vector<16xi32>, vector<16xi32> -> vector<16xi32>
              %ge3A = arith.cmpf oge, %cond3A_566#0, %rev3A_991 : vector<16xf32>
              %select_n3A_997 = arith.select %ge3A, %cond3A_566#0, %rev3A_991 : vector<16xi1>, vector<16xf32>
              %select_n3A_998 = arith.select %ge3A, %cond3A_566#1, %rev3A_996 : vector<16xi1>, vector<16xi32>
              %masked_sort3A_999 = arith.constant dense<true> : vector<16xi1>
              %masked_sort3A_1000, %masked_sort3A_1001, %masked_sort3A_1002 = tpu.sort %select_n3A_997, %select_n3A_998 masked %masked_sort3A_999 {descending = true} : (vector<16xf32>, vector<16xi32>, vector<16xi1>) -> (vector<16xi1>, vector<16xf32>, vector<16xi32>)
              %broadcast_in_dim3A_1003 = arith.constant 15 : i32
              %broadcast_in_dim3A_1004 = vector.broadcast %broadcast_in_dim3A_1003 : i32 to vector<16x1xi32>
              %gather3A = vector.shape_cast %broadcast_in_dim3A_1004 : vector<16x1xi32> to vector<16xi32>
              %gather3A_1005 = tpu.dynamic_gather %masked_sort3A_1001[%gather3A] in [0] : vector<16xf32>, vector<16xi32> -> vector<16xf32>
              scf.yield %masked_sort3A_1001, %masked_sort3A_1002, %gather3A_1005 : vector<16xf32>, vector<16xi32>, vector<16xf32>
            } else {
              scf.yield %cond3A_566#0, %cond3A_566#1, %cond3A_566#2 : vector<16xf32>, vector<16xi32>, vector<16xf32>
            }
            %reduce_or3A_585 = arith.constant 1.000000e+00 : f32
            %reduce_or3A_586 = arith.constant 0.000000e+00 : f32
            %reduce_or3A_587 = vector.broadcast %reduce_or3A_585 : f32 to vector<16xf32>
            %reduce_or3A_588 = vector.broadcast %reduce_or3A_586 : f32 to vector<16xf32>
            %reduce_or3A_589 = arith.select %gt3A_200, %reduce_or3A_587, %reduce_or3A_588 : vector<16xi1>, vector<16xf32>
            %reduce_or3A_590 = arith.constant true
            %reduce_or3A_591 = vector.broadcast %reduce_or3A_590 : i1 to vector<16xi1>
            %reduce_or3A_592 = tpu.scan <max>, %reduce_or3A_589 masked %reduce_or3A_591 : vector<16xf32>, vector<16xi1> -> vector<16xf32>
            %reduce_or3A_593 = vector.extract %reduce_or3A_592[15] : f32 from vector<16xf32>
            %reduce_or3A_594 = arith.constant 0.000000e+00 : f32
            %reduce_or3A_595 = arith.cmpf ogt, %reduce_or3A_593, %reduce_or3A_594 : f32
            %add3A_596 = arith.addi %mul3A_93, %mul3A_147 : i32
            %add3A_597 = arith.constant 48 : i32
            %add3A_598 = arith.addi %add3A_596, %add3A_597 : i32
            %convert_element_type3A_599 = arith.extui %reduce_or3A_595 : i1 to i32
            %cond3A_600 = arith.constant 0 : i32
            %cond3A_601 = arith.cmpi ne, %convert_element_type3A_599, %cond3A_600 : i32
            %cond3A_602:3 = scf.if %cond3A_601 -> (vector<16xf32>, vector<16xi32>, vector<16xf32>) {
              %add3A_981 = vector.broadcast %add3A_598 : i32 to vector<16xi32>
              %add3A_982 = arith.addi %add3A_981, %iota3A : vector<16xi32>
              %jit3A = arith.constant -3.000000e+38 : f32
              %broadcast_in_dim3A_983 = vector.broadcast %jit3A : f32 to vector<16xf32>
              %select_n3A_984 = arith.select %gt3A_200, %add3A_199, %broadcast_in_dim3A_983 : vector<16xi1>, vector<16xf32>
              %masked_sort3A = arith.constant dense<true> : vector<16xi1>
              %masked_sort3A_985, %masked_sort3A_986, %masked_sort3A_987 = tpu.sort %select_n3A_984, %add3A_982 masked %masked_sort3A {descending = true} : (vector<16xf32>, vector<16xi32>, vector<16xi1>) -> (vector<16xi1>, vector<16xf32>, vector<16xi32>)
              %rev3A = arith.constant 15 : i32
              %rev3A_988 = vector.broadcast %rev3A : i32 to vector<16xi32>
              %rev3A_989 = tpu.iota {dimensions = array<i32: 0>} : vector<16xi32>
              %rev3A_990 = arith.subi %rev3A_988, %rev3A_989 : vector<16xi32>
              %rev3A_991 = tpu.dynamic_gather %masked_sort3A_986[%rev3A_990] in [0] : vector<16xf32>, vector<16xi32> -> vector<16xf32>
              %rev3A_992 = arith.constant 15 : i32
              %rev3A_993 = vector.broadcast %rev3A_992 : i32 to vector<16xi32>
              %rev3A_994 = tpu.iota {dimensions = array<i32: 0>} : vector<16xi32>
              %rev3A_995 = arith.subi %rev3A_993, %rev3A_994 : vector<16xi32>
              %rev3A_996 = tpu.dynamic_gather %masked_sort3A_987[%rev3A_995] in [0] : vector<16xi32>, vector<16xi32> -> vector<16xi32>
              %ge3A = arith.cmpf oge, %cond3A_584#0, %rev3A_991 : vector<16xf32>
              %select_n3A_997 = arith.select %ge3A, %cond3A_584#0, %rev3A_991 : vector<16xi1>, vector<16xf32>
              %select_n3A_998 = arith.select %ge3A, %cond3A_584#1, %rev3A_996 : vector<16xi1>, vector<16xi32>
              %masked_sort3A_999 = arith.constant dense<true> : vector<16xi1>
              %masked_sort3A_1000, %masked_sort3A_1001, %masked_sort3A_1002 = tpu.sort %select_n3A_997, %select_n3A_998 masked %masked_sort3A_999 {descending = true} : (vector<16xf32>, vector<16xi32>, vector<16xi1>) -> (vector<16xi1>, vector<16xf32>, vector<16xi32>)
              %broadcast_in_dim3A_1003 = arith.constant 15 : i32
              %broadcast_in_dim3A_1004 = vector.broadcast %broadcast_in_dim3A_1003 : i32 to vector<16x1xi32>
              %gather3A = vector.shape_cast %broadcast_in_dim3A_1004 : vector<16x1xi32> to vector<16xi32>
              %gather3A_1005 = tpu.dynamic_gather %masked_sort3A_1001[%gather3A] in [0] : vector<16xf32>, vector<16xi32> -> vector<16xf32>
              scf.yield %masked_sort3A_1001, %masked_sort3A_1002, %gather3A_1005 : vector<16xf32>, vector<16xi32>, vector<16xf32>
            } else {
              scf.yield %cond3A_584#0, %cond3A_584#1, %cond3A_584#2 : vector<16xf32>, vector<16xi32>, vector<16xf32>
            }
            %reduce_or3A_603 = arith.constant 1.000000e+00 : f32
            %reduce_or3A_604 = arith.constant 0.000000e+00 : f32
            %reduce_or3A_605 = vector.broadcast %reduce_or3A_603 : f32 to vector<16xf32>
            %reduce_or3A_606 = vector.broadcast %reduce_or3A_604 : f32 to vector<16xf32>
            %reduce_or3A_607 = arith.select %gt3A_214, %reduce_or3A_605, %reduce_or3A_606 : vector<16xi1>, vector<16xf32>
            %reduce_or3A_608 = arith.constant true
            %reduce_or3A_609 = vector.broadcast %reduce_or3A_608 : i1 to vector<16xi1>
            %reduce_or3A_610 = tpu.scan <max>, %reduce_or3A_607 masked %reduce_or3A_609 : vector<16xf32>, vector<16xi1> -> vector<16xf32>
            %reduce_or3A_611 = vector.extract %reduce_or3A_610[15] : f32 from vector<16xf32>
            %reduce_or3A_612 = arith.constant 0.000000e+00 : f32
            %reduce_or3A_613 = arith.cmpf ogt, %reduce_or3A_611, %reduce_or3A_612 : f32
            %add3A_614 = arith.addi %mul3A_93, %mul3A_147 : i32
            %add3A_615 = arith.constant 64 : i32
            %add3A_616 = arith.addi %add3A_614, %add3A_615 : i32
            %convert_element_type3A_617 = arith.extui %reduce_or3A_613 : i1 to i32
            %cond3A_618 = arith.constant 0 : i32
            %cond3A_619 = arith.cmpi ne, %convert_element_type3A_617, %cond3A_618 : i32
            %cond3A_620:3 = scf.if %cond3A_619 -> (vector<16xf32>, vector<16xi32>, vector<16xf32>) {
              %add3A_981 = vector.broadcast %add3A_616 : i32 to vector<16xi32>
              %add3A_982 = arith.addi %add3A_981, %iota3A : vector<16xi32>
              %jit3A = arith.constant -3.000000e+38 : f32
              %broadcast_in_dim3A_983 = vector.broadcast %jit3A : f32 to vector<16xf32>
              %select_n3A_984 = arith.select %gt3A_214, %add3A_213, %broadcast_in_dim3A_983 : vector<16xi1>, vector<16xf32>
              %masked_sort3A = arith.constant dense<true> : vector<16xi1>
              %masked_sort3A_985, %masked_sort3A_986, %masked_sort3A_987 = tpu.sort %select_n3A_984, %add3A_982 masked %masked_sort3A {descending = true} : (vector<16xf32>, vector<16xi32>, vector<16xi1>) -> (vector<16xi1>, vector<16xf32>, vector<16xi32>)
              %rev3A = arith.constant 15 : i32
              %rev3A_988 = vector.broadcast %rev3A : i32 to vector<16xi32>
              %rev3A_989 = tpu.iota {dimensions = array<i32: 0>} : vector<16xi32>
              %rev3A_990 = arith.subi %rev3A_988, %rev3A_989 : vector<16xi32>
              %rev3A_991 = tpu.dynamic_gather %masked_sort3A_986[%rev3A_990] in [0] : vector<16xf32>, vector<16xi32> -> vector<16xf32>
              %rev3A_992 = arith.constant 15 : i32
              %rev3A_993 = vector.broadcast %rev3A_992 : i32 to vector<16xi32>
              %rev3A_994 = tpu.iota {dimensions = array<i32: 0>} : vector<16xi32>
              %rev3A_995 = arith.subi %rev3A_993, %rev3A_994 : vector<16xi32>
              %rev3A_996 = tpu.dynamic_gather %masked_sort3A_987[%rev3A_995] in [0] : vector<16xi32>, vector<16xi32> -> vector<16xi32>
              %ge3A = arith.cmpf oge, %cond3A_602#0, %rev3A_991 : vector<16xf32>
              %select_n3A_997 = arith.select %ge3A, %cond3A_602#0, %rev3A_991 : vector<16xi1>, vector<16xf32>
              %select_n3A_998 = arith.select %ge3A, %cond3A_602#1, %rev3A_996 : vector<16xi1>, vector<16xi32>
              %masked_sort3A_999 = arith.constant dense<true> : vector<16xi1>
              %masked_sort3A_1000, %masked_sort3A_1001, %masked_sort3A_1002 = tpu.sort %select_n3A_997, %select_n3A_998 masked %masked_sort3A_999 {descending = true} : (vector<16xf32>, vector<16xi32>, vector<16xi1>) -> (vector<16xi1>, vector<16xf32>, vector<16xi32>)
              %broadcast_in_dim3A_1003 = arith.constant 15 : i32
              %broadcast_in_dim3A_1004 = vector.broadcast %broadcast_in_dim3A_1003 : i32 to vector<16x1xi32>
              %gather3A = vector.shape_cast %broadcast_in_dim3A_1004 : vector<16x1xi32> to vector<16xi32>
              %gather3A_1005 = tpu.dynamic_gather %masked_sort3A_1001[%gather3A] in [0] : vector<16xf32>, vector<16xi32> -> vector<16xf32>
              scf.yield %masked_sort3A_1001, %masked_sort3A_1002, %gather3A_1005 : vector<16xf32>, vector<16xi32>, vector<16xf32>
            } else {
              scf.yield %cond3A_602#0, %cond3A_602#1, %cond3A_602#2 : vector<16xf32>, vector<16xi32>, vector<16xf32>
            }
            %reduce_or3A_621 = arith.constant 1.000000e+00 : f32
            %reduce_or3A_622 = arith.constant 0.000000e+00 : f32
            %reduce_or3A_623 = vector.broadcast %reduce_or3A_621 : f32 to vector<16xf32>
            %reduce_or3A_624 = vector.broadcast %reduce_or3A_622 : f32 to vector<16xf32>
            %reduce_or3A_625 = arith.select %gt3A_228, %reduce_or3A_623, %reduce_or3A_624 : vector<16xi1>, vector<16xf32>
            %reduce_or3A_626 = arith.constant true
            %reduce_or3A_627 = vector.broadcast %reduce_or3A_626 : i1 to vector<16xi1>
            %reduce_or3A_628 = tpu.scan <max>, %reduce_or3A_625 masked %reduce_or3A_627 : vector<16xf32>, vector<16xi1> -> vector<16xf32>
            %reduce_or3A_629 = vector.extract %reduce_or3A_628[15] : f32 from vector<16xf32>
            %reduce_or3A_630 = arith.constant 0.000000e+00 : f32
            %reduce_or3A_631 = arith.cmpf ogt, %reduce_or3A_629, %reduce_or3A_630 : f32
            %add3A_632 = arith.addi %mul3A_93, %mul3A_147 : i32
            %add3A_633 = arith.constant 80 : i32
            %add3A_634 = arith.addi %add3A_632, %add3A_633 : i32
            %convert_element_type3A_635 = arith.extui %reduce_or3A_631 : i1 to i32
            %cond3A_636 = arith.constant 0 : i32
            %cond3A_637 = arith.cmpi ne, %convert_element_type3A_635, %cond3A_636 : i32
            %cond3A_638:3 = scf.if %cond3A_637 -> (vector<16xf32>, vector<16xi32>, vector<16xf32>) {
              %add3A_981 = vector.broadcast %add3A_634 : i32 to vector<16xi32>
              %add3A_982 = arith.addi %add3A_981, %iota3A : vector<16xi32>
              %jit3A = arith.constant -3.000000e+38 : f32
              %broadcast_in_dim3A_983 = vector.broadcast %jit3A : f32 to vector<16xf32>
              %select_n3A_984 = arith.select %gt3A_228, %add3A_227, %broadcast_in_dim3A_983 : vector<16xi1>, vector<16xf32>
              %masked_sort3A = arith.constant dense<true> : vector<16xi1>
              %masked_sort3A_985, %masked_sort3A_986, %masked_sort3A_987 = tpu.sort %select_n3A_984, %add3A_982 masked %masked_sort3A {descending = true} : (vector<16xf32>, vector<16xi32>, vector<16xi1>) -> (vector<16xi1>, vector<16xf32>, vector<16xi32>)
              %rev3A = arith.constant 15 : i32
              %rev3A_988 = vector.broadcast %rev3A : i32 to vector<16xi32>
              %rev3A_989 = tpu.iota {dimensions = array<i32: 0>} : vector<16xi32>
              %rev3A_990 = arith.subi %rev3A_988, %rev3A_989 : vector<16xi32>
              %rev3A_991 = tpu.dynamic_gather %masked_sort3A_986[%rev3A_990] in [0] : vector<16xf32>, vector<16xi32> -> vector<16xf32>
              %rev3A_992 = arith.constant 15 : i32
              %rev3A_993 = vector.broadcast %rev3A_992 : i32 to vector<16xi32>
              %rev3A_994 = tpu.iota {dimensions = array<i32: 0>} : vector<16xi32>
              %rev3A_995 = arith.subi %rev3A_993, %rev3A_994 : vector<16xi32>
              %rev3A_996 = tpu.dynamic_gather %masked_sort3A_987[%rev3A_995] in [0] : vector<16xi32>, vector<16xi32> -> vector<16xi32>
              %ge3A = arith.cmpf oge, %cond3A_620#0, %rev3A_991 : vector<16xf32>
              %select_n3A_997 = arith.select %ge3A, %cond3A_620#0, %rev3A_991 : vector<16xi1>, vector<16xf32>
              %select_n3A_998 = arith.select %ge3A, %cond3A_620#1, %rev3A_996 : vector<16xi1>, vector<16xi32>
              %masked_sort3A_999 = arith.constant dense<true> : vector<16xi1>
              %masked_sort3A_1000, %masked_sort3A_1001, %masked_sort3A_1002 = tpu.sort %select_n3A_997, %select_n3A_998 masked %masked_sort3A_999 {descending = true} : (vector<16xf32>, vector<16xi32>, vector<16xi1>) -> (vector<16xi1>, vector<16xf32>, vector<16xi32>)
              %broadcast_in_dim3A_1003 = arith.constant 15 : i32
              %broadcast_in_dim3A_1004 = vector.broadcast %broadcast_in_dim3A_1003 : i32 to vector<16x1xi32>
              %gather3A = vector.shape_cast %broadcast_in_dim3A_1004 : vector<16x1xi32> to vector<16xi32>
              %gather3A_1005 = tpu.dynamic_gather %masked_sort3A_1001[%gather3A] in [0] : vector<16xf32>, vector<16xi32> -> vector<16xf32>
              scf.yield %masked_sort3A_1001, %masked_sort3A_1002, %gather3A_1005 : vector<16xf32>, vector<16xi32>, vector<16xf32>
            } else {
              scf.yield %cond3A_620#0, %cond3A_620#1, %cond3A_620#2 : vector<16xf32>, vector<16xi32>, vector<16xf32>
            }
            %reduce_or3A_639 = arith.constant 1.000000e+00 : f32
            %reduce_or3A_640 = arith.constant 0.000000e+00 : f32
            %reduce_or3A_641 = vector.broadcast %reduce_or3A_639 : f32 to vector<16xf32>
            %reduce_or3A_642 = vector.broadcast %reduce_or3A_640 : f32 to vector<16xf32>
            %reduce_or3A_643 = arith.select %gt3A_242, %reduce_or3A_641, %reduce_or3A_642 : vector<16xi1>, vector<16xf32>
            %reduce_or3A_644 = arith.constant true
            %reduce_or3A_645 = vector.broadcast %reduce_or3A_644 : i1 to vector<16xi1>
            %reduce_or3A_646 = tpu.scan <max>, %reduce_or3A_643 masked %reduce_or3A_645 : vector<16xf32>, vector<16xi1> -> vector<16xf32>
            %reduce_or3A_647 = vector.extract %reduce_or3A_646[15] : f32 from vector<16xf32>
            %reduce_or3A_648 = arith.constant 0.000000e+00 : f32
            %reduce_or3A_649 = arith.cmpf ogt, %reduce_or3A_647, %reduce_or3A_648 : f32
            %add3A_650 = arith.addi %mul3A_93, %mul3A_147 : i32
            %add3A_651 = arith.constant 96 : i32
            %add3A_652 = arith.addi %add3A_650, %add3A_651 : i32
            %convert_element_type3A_653 = arith.extui %reduce_or3A_649 : i1 to i32
            %cond3A_654 = arith.constant 0 : i32
            %cond3A_655 = arith.cmpi ne, %convert_element_type3A_653, %cond3A_654 : i32
            %cond3A_656:3 = scf.if %cond3A_655 -> (vector<16xf32>, vector<16xi32>, vector<16xf32>) {
              %add3A_981 = vector.broadcast %add3A_652 : i32 to vector<16xi32>
              %add3A_982 = arith.addi %add3A_981, %iota3A : vector<16xi32>
              %jit3A = arith.constant -3.000000e+38 : f32
              %broadcast_in_dim3A_983 = vector.broadcast %jit3A : f32 to vector<16xf32>
              %select_n3A_984 = arith.select %gt3A_242, %add3A_241, %broadcast_in_dim3A_983 : vector<16xi1>, vector<16xf32>
              %masked_sort3A = arith.constant dense<true> : vector<16xi1>
              %masked_sort3A_985, %masked_sort3A_986, %masked_sort3A_987 = tpu.sort %select_n3A_984, %add3A_982 masked %masked_sort3A {descending = true} : (vector<16xf32>, vector<16xi32>, vector<16xi1>) -> (vector<16xi1>, vector<16xf32>, vector<16xi32>)
              %rev3A = arith.constant 15 : i32
              %rev3A_988 = vector.broadcast %rev3A : i32 to vector<16xi32>
              %rev3A_989 = tpu.iota {dimensions = array<i32: 0>} : vector<16xi32>
              %rev3A_990 = arith.subi %rev3A_988, %rev3A_989 : vector<16xi32>
              %rev3A_991 = tpu.dynamic_gather %masked_sort3A_986[%rev3A_990] in [0] : vector<16xf32>, vector<16xi32> -> vector<16xf32>
              %rev3A_992 = arith.constant 15 : i32
              %rev3A_993 = vector.broadcast %rev3A_992 : i32 to vector<16xi32>
              %rev3A_994 = tpu.iota {dimensions = array<i32: 0>} : vector<16xi32>
              %rev3A_995 = arith.subi %rev3A_993, %rev3A_994 : vector<16xi32>
              %rev3A_996 = tpu.dynamic_gather %masked_sort3A_987[%rev3A_995] in [0] : vector<16xi32>, vector<16xi32> -> vector<16xi32>
              %ge3A = arith.cmpf oge, %cond3A_638#0, %rev3A_991 : vector<16xf32>
              %select_n3A_997 = arith.select %ge3A, %cond3A_638#0, %rev3A_991 : vector<16xi1>, vector<16xf32>
              %select_n3A_998 = arith.select %ge3A, %cond3A_638#1, %rev3A_996 : vector<16xi1>, vector<16xi32>
              %masked_sort3A_999 = arith.constant dense<true> : vector<16xi1>
              %masked_sort3A_1000, %masked_sort3A_1001, %masked_sort3A_1002 = tpu.sort %select_n3A_997, %select_n3A_998 masked %masked_sort3A_999 {descending = true} : (vector<16xf32>, vector<16xi32>, vector<16xi1>) -> (vector<16xi1>, vector<16xf32>, vector<16xi32>)
              %broadcast_in_dim3A_1003 = arith.constant 15 : i32
              %broadcast_in_dim3A_1004 = vector.broadcast %broadcast_in_dim3A_1003 : i32 to vector<16x1xi32>
              %gather3A = vector.shape_cast %broadcast_in_dim3A_1004 : vector<16x1xi32> to vector<16xi32>
              %gather3A_1005 = tpu.dynamic_gather %masked_sort3A_1001[%gather3A] in [0] : vector<16xf32>, vector<16xi32> -> vector<16xf32>
              scf.yield %masked_sort3A_1001, %masked_sort3A_1002, %gather3A_1005 : vector<16xf32>, vector<16xi32>, vector<16xf32>
            } else {
              scf.yield %cond3A_638#0, %cond3A_638#1, %cond3A_638#2 : vector<16xf32>, vector<16xi32>, vector<16xf32>
            }
            %reduce_or3A_657 = arith.constant 1.000000e+00 : f32
            %reduce_or3A_658 = arith.constant 0.000000e+00 : f32
            %reduce_or3A_659 = vector.broadcast %reduce_or3A_657 : f32 to vector<16xf32>
            %reduce_or3A_660 = vector.broadcast %reduce_or3A_658 : f32 to vector<16xf32>
            %reduce_or3A_661 = arith.select %gt3A_256, %reduce_or3A_659, %reduce_or3A_660 : vector<16xi1>, vector<16xf32>
            %reduce_or3A_662 = arith.constant true
            %reduce_or3A_663 = vector.broadcast %reduce_or3A_662 : i1 to vector<16xi1>
            %reduce_or3A_664 = tpu.scan <max>, %reduce_or3A_661 masked %reduce_or3A_663 : vector<16xf32>, vector<16xi1> -> vector<16xf32>
            %reduce_or3A_665 = vector.extract %reduce_or3A_664[15] : f32 from vector<16xf32>
            %reduce_or3A_666 = arith.constant 0.000000e+00 : f32
            %reduce_or3A_667 = arith.cmpf ogt, %reduce_or3A_665, %reduce_or3A_666 : f32
            %add3A_668 = arith.addi %mul3A_93, %mul3A_147 : i32
            %add3A_669 = arith.constant 112 : i32
            %add3A_670 = arith.addi %add3A_668, %add3A_669 : i32
            %convert_element_type3A_671 = arith.extui %reduce_or3A_667 : i1 to i32
            %cond3A_672 = arith.constant 0 : i32
            %cond3A_673 = arith.cmpi ne, %convert_element_type3A_671, %cond3A_672 : i32
            %cond3A_674:3 = scf.if %cond3A_673 -> (vector<16xf32>, vector<16xi32>, vector<16xf32>) {
              %add3A_981 = vector.broadcast %add3A_670 : i32 to vector<16xi32>
              %add3A_982 = arith.addi %add3A_981, %iota3A : vector<16xi32>
              %jit3A = arith.constant -3.000000e+38 : f32
              %broadcast_in_dim3A_983 = vector.broadcast %jit3A : f32 to vector<16xf32>
              %select_n3A_984 = arith.select %gt3A_256, %add3A_255, %broadcast_in_dim3A_983 : vector<16xi1>, vector<16xf32>
              %masked_sort3A = arith.constant dense<true> : vector<16xi1>
              %masked_sort3A_985, %masked_sort3A_986, %masked_sort3A_987 = tpu.sort %select_n3A_984, %add3A_982 masked %masked_sort3A {descending = true} : (vector<16xf32>, vector<16xi32>, vector<16xi1>) -> (vector<16xi1>, vector<16xf32>, vector<16xi32>)
              %rev3A = arith.constant 15 : i32
              %rev3A_988 = vector.broadcast %rev3A : i32 to vector<16xi32>
              %rev3A_989 = tpu.iota {dimensions = array<i32: 0>} : vector<16xi32>
              %rev3A_990 = arith.subi %rev3A_988, %rev3A_989 : vector<16xi32>
              %rev3A_991 = tpu.dynamic_gather %masked_sort3A_986[%rev3A_990] in [0] : vector<16xf32>, vector<16xi32> -> vector<16xf32>
              %rev3A_992 = arith.constant 15 : i32
              %rev3A_993 = vector.broadcast %rev3A_992 : i32 to vector<16xi32>
              %rev3A_994 = tpu.iota {dimensions = array<i32: 0>} : vector<16xi32>
              %rev3A_995 = arith.subi %rev3A_993, %rev3A_994 : vector<16xi32>
              %rev3A_996 = tpu.dynamic_gather %masked_sort3A_987[%rev3A_995] in [0] : vector<16xi32>, vector<16xi32> -> vector<16xi32>
              %ge3A = arith.cmpf oge, %cond3A_656#0, %rev3A_991 : vector<16xf32>
              %select_n3A_997 = arith.select %ge3A, %cond3A_656#0, %rev3A_991 : vector<16xi1>, vector<16xf32>
              %select_n3A_998 = arith.select %ge3A, %cond3A_656#1, %rev3A_996 : vector<16xi1>, vector<16xi32>
              %masked_sort3A_999 = arith.constant dense<true> : vector<16xi1>
              %masked_sort3A_1000, %masked_sort3A_1001, %masked_sort3A_1002 = tpu.sort %select_n3A_997, %select_n3A_998 masked %masked_sort3A_999 {descending = true} : (vector<16xf32>, vector<16xi32>, vector<16xi1>) -> (vector<16xi1>, vector<16xf32>, vector<16xi32>)
              %broadcast_in_dim3A_1003 = arith.constant 15 : i32
              %broadcast_in_dim3A_1004 = vector.broadcast %broadcast_in_dim3A_1003 : i32 to vector<16x1xi32>
              %gather3A = vector.shape_cast %broadcast_in_dim3A_1004 : vector<16x1xi32> to vector<16xi32>
              %gather3A_1005 = tpu.dynamic_gather %masked_sort3A_1001[%gather3A] in [0] : vector<16xf32>, vector<16xi32> -> vector<16xf32>
              scf.yield %masked_sort3A_1001, %masked_sort3A_1002, %gather3A_1005 : vector<16xf32>, vector<16xi32>, vector<16xf32>
            } else {
              scf.yield %cond3A_656#0, %cond3A_656#1, %cond3A_656#2 : vector<16xf32>, vector<16xi32>, vector<16xf32>
            }
            %reduce_or3A_675 = arith.constant 1.000000e+00 : f32
            %reduce_or3A_676 = arith.constant 0.000000e+00 : f32
            %reduce_or3A_677 = vector.broadcast %reduce_or3A_675 : f32 to vector<16xf32>
            %reduce_or3A_678 = vector.broadcast %reduce_or3A_676 : f32 to vector<16xf32>
            %reduce_or3A_679 = arith.select %gt3A_270, %reduce_or3A_677, %reduce_or3A_678 : vector<16xi1>, vector<16xf32>
            %reduce_or3A_680 = arith.constant true
            %reduce_or3A_681 = vector.broadcast %reduce_or3A_680 : i1 to vector<16xi1>
            %reduce_or3A_682 = tpu.scan <max>, %reduce_or3A_679 masked %reduce_or3A_681 : vector<16xf32>, vector<16xi1> -> vector<16xf32>
            %reduce_or3A_683 = vector.extract %reduce_or3A_682[15] : f32 from vector<16xf32>
            %reduce_or3A_684 = arith.constant 0.000000e+00 : f32
            %reduce_or3A_685 = arith.cmpf ogt, %reduce_or3A_683, %reduce_or3A_684 : f32
            %add3A_686 = arith.addi %mul3A_93, %mul3A_147 : i32
            %add3A_687 = arith.constant 128 : i32
            %add3A_688 = arith.addi %add3A_686, %add3A_687 : i32
            %convert_element_type3A_689 = arith.extui %reduce_or3A_685 : i1 to i32
            %cond3A_690 = arith.constant 0 : i32
            %cond3A_691 = arith.cmpi ne, %convert_element_type3A_689, %cond3A_690 : i32
            %cond3A_692:3 = scf.if %cond3A_691 -> (vector<16xf32>, vector<16xi32>, vector<16xf32>) {
              %add3A_981 = vector.broadcast %add3A_688 : i32 to vector<16xi32>
              %add3A_982 = arith.addi %add3A_981, %iota3A : vector<16xi32>
              %jit3A = arith.constant -3.000000e+38 : f32
              %broadcast_in_dim3A_983 = vector.broadcast %jit3A : f32 to vector<16xf32>
              %select_n3A_984 = arith.select %gt3A_270, %add3A_269, %broadcast_in_dim3A_983 : vector<16xi1>, vector<16xf32>
              %masked_sort3A = arith.constant dense<true> : vector<16xi1>
              %masked_sort3A_985, %masked_sort3A_986, %masked_sort3A_987 = tpu.sort %select_n3A_984, %add3A_982 masked %masked_sort3A {descending = true} : (vector<16xf32>, vector<16xi32>, vector<16xi1>) -> (vector<16xi1>, vector<16xf32>, vector<16xi32>)
              %rev3A = arith.constant 15 : i32
              %rev3A_988 = vector.broadcast %rev3A : i32 to vector<16xi32>
              %rev3A_989 = tpu.iota {dimensions = array<i32: 0>} : vector<16xi32>
              %rev3A_990 = arith.subi %rev3A_988, %rev3A_989 : vector<16xi32>
              %rev3A_991 = tpu.dynamic_gather %masked_sort3A_986[%rev3A_990] in [0] : vector<16xf32>, vector<16xi32> -> vector<16xf32>
              %rev3A_992 = arith.constant 15 : i32
              %rev3A_993 = vector.broadcast %rev3A_992 : i32 to vector<16xi32>
              %rev3A_994 = tpu.iota {dimensions = array<i32: 0>} : vector<16xi32>
              %rev3A_995 = arith.subi %rev3A_993, %rev3A_994 : vector<16xi32>
              %rev3A_996 = tpu.dynamic_gather %masked_sort3A_987[%rev3A_995] in [0] : vector<16xi32>, vector<16xi32> -> vector<16xi32>
              %ge3A = arith.cmpf oge, %cond3A_674#0, %rev3A_991 : vector<16xf32>
              %select_n3A_997 = arith.select %ge3A, %cond3A_674#0, %rev3A_991 : vector<16xi1>, vector<16xf32>
              %select_n3A_998 = arith.select %ge3A, %cond3A_674#1, %rev3A_996 : vector<16xi1>, vector<16xi32>
              %masked_sort3A_999 = arith.constant dense<true> : vector<16xi1>
              %masked_sort3A_1000, %masked_sort3A_1001, %masked_sort3A_1002 = tpu.sort %select_n3A_997, %select_n3A_998 masked %masked_sort3A_999 {descending = true} : (vector<16xf32>, vector<16xi32>, vector<16xi1>) -> (vector<16xi1>, vector<16xf32>, vector<16xi32>)
              %broadcast_in_dim3A_1003 = arith.constant 15 : i32
              %broadcast_in_dim3A_1004 = vector.broadcast %broadcast_in_dim3A_1003 : i32 to vector<16x1xi32>
              %gather3A = vector.shape_cast %broadcast_in_dim3A_1004 : vector<16x1xi32> to vector<16xi32>
              %gather3A_1005 = tpu.dynamic_gather %masked_sort3A_1001[%gather3A] in [0] : vector<16xf32>, vector<16xi32> -> vector<16xf32>
              scf.yield %masked_sort3A_1001, %masked_sort3A_1002, %gather3A_1005 : vector<16xf32>, vector<16xi32>, vector<16xf32>
            } else {
              scf.yield %cond3A_674#0, %cond3A_674#1, %cond3A_674#2 : vector<16xf32>, vector<16xi32>, vector<16xf32>
            }
            %reduce_or3A_693 = arith.constant 1.000000e+00 : f32
            %reduce_or3A_694 = arith.constant 0.000000e+00 : f32
            %reduce_or3A_695 = vector.broadcast %reduce_or3A_693 : f32 to vector<16xf32>
            %reduce_or3A_696 = vector.broadcast %reduce_or3A_694 : f32 to vector<16xf32>
            %reduce_or3A_697 = arith.select %gt3A_284, %reduce_or3A_695, %reduce_or3A_696 : vector<16xi1>, vector<16xf32>
            %reduce_or3A_698 = arith.constant true
            %reduce_or3A_699 = vector.broadcast %reduce_or3A_698 : i1 to vector<16xi1>
            %reduce_or3A_700 = tpu.scan <max>, %reduce_or3A_697 masked %reduce_or3A_699 : vector<16xf32>, vector<16xi1> -> vector<16xf32>
            %reduce_or3A_701 = vector.extract %reduce_or3A_700[15] : f32 from vector<16xf32>
            %reduce_or3A_702 = arith.constant 0.000000e+00 : f32
            %reduce_or3A_703 = arith.cmpf ogt, %reduce_or3A_701, %reduce_or3A_702 : f32
            %add3A_704 = arith.addi %mul3A_93, %mul3A_147 : i32
            %add3A_705 = arith.constant 144 : i32
            %add3A_706 = arith.addi %add3A_704, %add3A_705 : i32
            %convert_element_type3A_707 = arith.extui %reduce_or3A_703 : i1 to i32
            %cond3A_708 = arith.constant 0 : i32
            %cond3A_709 = arith.cmpi ne, %convert_element_type3A_707, %cond3A_708 : i32
            %cond3A_710:3 = scf.if %cond3A_709 -> (vector<16xf32>, vector<16xi32>, vector<16xf32>) {
              %add3A_981 = vector.broadcast %add3A_706 : i32 to vector<16xi32>
              %add3A_982 = arith.addi %add3A_981, %iota3A : vector<16xi32>
              %jit3A = arith.constant -3.000000e+38 : f32
              %broadcast_in_dim3A_983 = vector.broadcast %jit3A : f32 to vector<16xf32>
              %select_n3A_984 = arith.select %gt3A_284, %add3A_283, %broadcast_in_dim3A_983 : vector<16xi1>, vector<16xf32>
              %masked_sort3A = arith.constant dense<true> : vector<16xi1>
              %masked_sort3A_985, %masked_sort3A_986, %masked_sort3A_987 = tpu.sort %select_n3A_984, %add3A_982 masked %masked_sort3A {descending = true} : (vector<16xf32>, vector<16xi32>, vector<16xi1>) -> (vector<16xi1>, vector<16xf32>, vector<16xi32>)
              %rev3A = arith.constant 15 : i32
              %rev3A_988 = vector.broadcast %rev3A : i32 to vector<16xi32>
              %rev3A_989 = tpu.iota {dimensions = array<i32: 0>} : vector<16xi32>
              %rev3A_990 = arith.subi %rev3A_988, %rev3A_989 : vector<16xi32>
              %rev3A_991 = tpu.dynamic_gather %masked_sort3A_986[%rev3A_990] in [0] : vector<16xf32>, vector<16xi32> -> vector<16xf32>
              %rev3A_992 = arith.constant 15 : i32
              %rev3A_993 = vector.broadcast %rev3A_992 : i32 to vector<16xi32>
              %rev3A_994 = tpu.iota {dimensions = array<i32: 0>} : vector<16xi32>
              %rev3A_995 = arith.subi %rev3A_993, %rev3A_994 : vector<16xi32>
              %rev3A_996 = tpu.dynamic_gather %masked_sort3A_987[%rev3A_995] in [0] : vector<16xi32>, vector<16xi32> -> vector<16xi32>
              %ge3A = arith.cmpf oge, %cond3A_692#0, %rev3A_991 : vector<16xf32>
              %select_n3A_997 = arith.select %ge3A, %cond3A_692#0, %rev3A_991 : vector<16xi1>, vector<16xf32>
              %select_n3A_998 = arith.select %ge3A, %cond3A_692#1, %rev3A_996 : vector<16xi1>, vector<16xi32>
              %masked_sort3A_999 = arith.constant dense<true> : vector<16xi1>
              %masked_sort3A_1000, %masked_sort3A_1001, %masked_sort3A_1002 = tpu.sort %select_n3A_997, %select_n3A_998 masked %masked_sort3A_999 {descending = true} : (vector<16xf32>, vector<16xi32>, vector<16xi1>) -> (vector<16xi1>, vector<16xf32>, vector<16xi32>)
              %broadcast_in_dim3A_1003 = arith.constant 15 : i32
              %broadcast_in_dim3A_1004 = vector.broadcast %broadcast_in_dim3A_1003 : i32 to vector<16x1xi32>
              %gather3A = vector.shape_cast %broadcast_in_dim3A_1004 : vector<16x1xi32> to vector<16xi32>
              %gather3A_1005 = tpu.dynamic_gather %masked_sort3A_1001[%gather3A] in [0] : vector<16xf32>, vector<16xi32> -> vector<16xf32>
              scf.yield %masked_sort3A_1001, %masked_sort3A_1002, %gather3A_1005 : vector<16xf32>, vector<16xi32>, vector<16xf32>
            } else {
              scf.yield %cond3A_692#0, %cond3A_692#1, %cond3A_692#2 : vector<16xf32>, vector<16xi32>, vector<16xf32>
            }
            %reduce_or3A_711 = arith.constant 1.000000e+00 : f32
            %reduce_or3A_712 = arith.constant 0.000000e+00 : f32
            %reduce_or3A_713 = vector.broadcast %reduce_or3A_711 : f32 to vector<16xf32>
            %reduce_or3A_714 = vector.broadcast %reduce_or3A_712 : f32 to vector<16xf32>
            %reduce_or3A_715 = arith.select %gt3A_298, %reduce_or3A_713, %reduce_or3A_714 : vector<16xi1>, vector<16xf32>
            %reduce_or3A_716 = arith.constant true
            %reduce_or3A_717 = vector.broadcast %reduce_or3A_716 : i1 to vector<16xi1>
            %reduce_or3A_718 = tpu.scan <max>, %reduce_or3A_715 masked %reduce_or3A_717 : vector<16xf32>, vector<16xi1> -> vector<16xf32>
            %reduce_or3A_719 = vector.extract %reduce_or3A_718[15] : f32 from vector<16xf32>
            %reduce_or3A_720 = arith.constant 0.000000e+00 : f32
            %reduce_or3A_721 = arith.cmpf ogt, %reduce_or3A_719, %reduce_or3A_720 : f32
            %add3A_722 = arith.addi %mul3A_93, %mul3A_147 : i32
            %add3A_723 = arith.constant 160 : i32
            %add3A_724 = arith.addi %add3A_722, %add3A_723 : i32
            %convert_element_type3A_725 = arith.extui %reduce_or3A_721 : i1 to i32
            %cond3A_726 = arith.constant 0 : i32
            %cond3A_727 = arith.cmpi ne, %convert_element_type3A_725, %cond3A_726 : i32
            %cond3A_728:3 = scf.if %cond3A_727 -> (vector<16xf32>, vector<16xi32>, vector<16xf32>) {
              %add3A_981 = vector.broadcast %add3A_724 : i32 to vector<16xi32>
              %add3A_982 = arith.addi %add3A_981, %iota3A : vector<16xi32>
              %jit3A = arith.constant -3.000000e+38 : f32
              %broadcast_in_dim3A_983 = vector.broadcast %jit3A : f32 to vector<16xf32>
              %select_n3A_984 = arith.select %gt3A_298, %add3A_297, %broadcast_in_dim3A_983 : vector<16xi1>, vector<16xf32>
              %masked_sort3A = arith.constant dense<true> : vector<16xi1>
              %masked_sort3A_985, %masked_sort3A_986, %masked_sort3A_987 = tpu.sort %select_n3A_984, %add3A_982 masked %masked_sort3A {descending = true} : (vector<16xf32>, vector<16xi32>, vector<16xi1>) -> (vector<16xi1>, vector<16xf32>, vector<16xi32>)
              %rev3A = arith.constant 15 : i32
              %rev3A_988 = vector.broadcast %rev3A : i32 to vector<16xi32>
              %rev3A_989 = tpu.iota {dimensions = array<i32: 0>} : vector<16xi32>
              %rev3A_990 = arith.subi %rev3A_988, %rev3A_989 : vector<16xi32>
              %rev3A_991 = tpu.dynamic_gather %masked_sort3A_986[%rev3A_990] in [0] : vector<16xf32>, vector<16xi32> -> vector<16xf32>
              %rev3A_992 = arith.constant 15 : i32
              %rev3A_993 = vector.broadcast %rev3A_992 : i32 to vector<16xi32>
              %rev3A_994 = tpu.iota {dimensions = array<i32: 0>} : vector<16xi32>
              %rev3A_995 = arith.subi %rev3A_993, %rev3A_994 : vector<16xi32>
              %rev3A_996 = tpu.dynamic_gather %masked_sort3A_987[%rev3A_995] in [0] : vector<16xi32>, vector<16xi32> -> vector<16xi32>
              %ge3A = arith.cmpf oge, %cond3A_710#0, %rev3A_991 : vector<16xf32>
              %select_n3A_997 = arith.select %ge3A, %cond3A_710#0, %rev3A_991 : vector<16xi1>, vector<16xf32>
              %select_n3A_998 = arith.select %ge3A, %cond3A_710#1, %rev3A_996 : vector<16xi1>, vector<16xi32>
              %masked_sort3A_999 = arith.constant dense<true> : vector<16xi1>
              %masked_sort3A_1000, %masked_sort3A_1001, %masked_sort3A_1002 = tpu.sort %select_n3A_997, %select_n3A_998 masked %masked_sort3A_999 {descending = true} : (vector<16xf32>, vector<16xi32>, vector<16xi1>) -> (vector<16xi1>, vector<16xf32>, vector<16xi32>)
              %broadcast_in_dim3A_1003 = arith.constant 15 : i32
              %broadcast_in_dim3A_1004 = vector.broadcast %broadcast_in_dim3A_1003 : i32 to vector<16x1xi32>
              %gather3A = vector.shape_cast %broadcast_in_dim3A_1004 : vector<16x1xi32> to vector<16xi32>
              %gather3A_1005 = tpu.dynamic_gather %masked_sort3A_1001[%gather3A] in [0] : vector<16xf32>, vector<16xi32> -> vector<16xf32>
              scf.yield %masked_sort3A_1001, %masked_sort3A_1002, %gather3A_1005 : vector<16xf32>, vector<16xi32>, vector<16xf32>
            } else {
              scf.yield %cond3A_710#0, %cond3A_710#1, %cond3A_710#2 : vector<16xf32>, vector<16xi32>, vector<16xf32>
            }
            %reduce_or3A_729 = arith.constant 1.000000e+00 : f32
            %reduce_or3A_730 = arith.constant 0.000000e+00 : f32
            %reduce_or3A_731 = vector.broadcast %reduce_or3A_729 : f32 to vector<16xf32>
            %reduce_or3A_732 = vector.broadcast %reduce_or3A_730 : f32 to vector<16xf32>
            %reduce_or3A_733 = arith.select %gt3A_312, %reduce_or3A_731, %reduce_or3A_732 : vector<16xi1>, vector<16xf32>
            %reduce_or3A_734 = arith.constant true
            %reduce_or3A_735 = vector.broadcast %reduce_or3A_734 : i1 to vector<16xi1>
            %reduce_or3A_736 = tpu.scan <max>, %reduce_or3A_733 masked %reduce_or3A_735 : vector<16xf32>, vector<16xi1> -> vector<16xf32>
            %reduce_or3A_737 = vector.extract %reduce_or3A_736[15] : f32 from vector<16xf32>
            %reduce_or3A_738 = arith.constant 0.000000e+00 : f32
            %reduce_or3A_739 = arith.cmpf ogt, %reduce_or3A_737, %reduce_or3A_738 : f32
            %add3A_740 = arith.addi %mul3A_93, %mul3A_147 : i32
            %add3A_741 = arith.constant 176 : i32
            %add3A_742 = arith.addi %add3A_740, %add3A_741 : i32
            %convert_element_type3A_743 = arith.extui %reduce_or3A_739 : i1 to i32
            %cond3A_744 = arith.constant 0 : i32
            %cond3A_745 = arith.cmpi ne, %convert_element_type3A_743, %cond3A_744 : i32
            %cond3A_746:3 = scf.if %cond3A_745 -> (vector<16xf32>, vector<16xi32>, vector<16xf32>) {
              %add3A_981 = vector.broadcast %add3A_742 : i32 to vector<16xi32>
              %add3A_982 = arith.addi %add3A_981, %iota3A : vector<16xi32>
              %jit3A = arith.constant -3.000000e+38 : f32
              %broadcast_in_dim3A_983 = vector.broadcast %jit3A : f32 to vector<16xf32>
              %select_n3A_984 = arith.select %gt3A_312, %add3A_311, %broadcast_in_dim3A_983 : vector<16xi1>, vector<16xf32>
              %masked_sort3A = arith.constant dense<true> : vector<16xi1>
              %masked_sort3A_985, %masked_sort3A_986, %masked_sort3A_987 = tpu.sort %select_n3A_984, %add3A_982 masked %masked_sort3A {descending = true} : (vector<16xf32>, vector<16xi32>, vector<16xi1>) -> (vector<16xi1>, vector<16xf32>, vector<16xi32>)
              %rev3A = arith.constant 15 : i32
              %rev3A_988 = vector.broadcast %rev3A : i32 to vector<16xi32>
              %rev3A_989 = tpu.iota {dimensions = array<i32: 0>} : vector<16xi32>
              %rev3A_990 = arith.subi %rev3A_988, %rev3A_989 : vector<16xi32>
              %rev3A_991 = tpu.dynamic_gather %masked_sort3A_986[%rev3A_990] in [0] : vector<16xf32>, vector<16xi32> -> vector<16xf32>
              %rev3A_992 = arith.constant 15 : i32
              %rev3A_993 = vector.broadcast %rev3A_992 : i32 to vector<16xi32>
              %rev3A_994 = tpu.iota {dimensions = array<i32: 0>} : vector<16xi32>
              %rev3A_995 = arith.subi %rev3A_993, %rev3A_994 : vector<16xi32>
              %rev3A_996 = tpu.dynamic_gather %masked_sort3A_987[%rev3A_995] in [0] : vector<16xi32>, vector<16xi32> -> vector<16xi32>
              %ge3A = arith.cmpf oge, %cond3A_728#0, %rev3A_991 : vector<16xf32>
              %select_n3A_997 = arith.select %ge3A, %cond3A_728#0, %rev3A_991 : vector<16xi1>, vector<16xf32>
              %select_n3A_998 = arith.select %ge3A, %cond3A_728#1, %rev3A_996 : vector<16xi1>, vector<16xi32>
              %masked_sort3A_999 = arith.constant dense<true> : vector<16xi1>
              %masked_sort3A_1000, %masked_sort3A_1001, %masked_sort3A_1002 = tpu.sort %select_n3A_997, %select_n3A_998 masked %masked_sort3A_999 {descending = true} : (vector<16xf32>, vector<16xi32>, vector<16xi1>) -> (vector<16xi1>, vector<16xf32>, vector<16xi32>)
              %broadcast_in_dim3A_1003 = arith.constant 15 : i32
              %broadcast_in_dim3A_1004 = vector.broadcast %broadcast_in_dim3A_1003 : i32 to vector<16x1xi32>
              %gather3A = vector.shape_cast %broadcast_in_dim3A_1004 : vector<16x1xi32> to vector<16xi32>
              %gather3A_1005 = tpu.dynamic_gather %masked_sort3A_1001[%gather3A] in [0] : vector<16xf32>, vector<16xi32> -> vector<16xf32>
              scf.yield %masked_sort3A_1001, %masked_sort3A_1002, %gather3A_1005 : vector<16xf32>, vector<16xi32>, vector<16xf32>
            } else {
              scf.yield %cond3A_728#0, %cond3A_728#1, %cond3A_728#2 : vector<16xf32>, vector<16xi32>, vector<16xf32>
            }
            %reduce_or3A_747 = arith.constant 1.000000e+00 : f32
            %reduce_or3A_748 = arith.constant 0.000000e+00 : f32
            %reduce_or3A_749 = vector.broadcast %reduce_or3A_747 : f32 to vector<16xf32>
            %reduce_or3A_750 = vector.broadcast %reduce_or3A_748 : f32 to vector<16xf32>
            %reduce_or3A_751 = arith.select %gt3A_326, %reduce_or3A_749, %reduce_or3A_750 : vector<16xi1>, vector<16xf32>
            %reduce_or3A_752 = arith.constant true
            %reduce_or3A_753 = vector.broadcast %reduce_or3A_752 : i1 to vector<16xi1>
            %reduce_or3A_754 = tpu.scan <max>, %reduce_or3A_751 masked %reduce_or3A_753 : vector<16xf32>, vector<16xi1> -> vector<16xf32>
            %reduce_or3A_755 = vector.extract %reduce_or3A_754[15] : f32 from vector<16xf32>
            %reduce_or3A_756 = arith.constant 0.000000e+00 : f32
            %reduce_or3A_757 = arith.cmpf ogt, %reduce_or3A_755, %reduce_or3A_756 : f32
            %add3A_758 = arith.addi %mul3A_93, %mul3A_147 : i32
            %add3A_759 = arith.constant 192 : i32
            %add3A_760 = arith.addi %add3A_758, %add3A_759 : i32
            %convert_element_type3A_761 = arith.extui %reduce_or3A_757 : i1 to i32
            %cond3A_762 = arith.constant 0 : i32
            %cond3A_763 = arith.cmpi ne, %convert_element_type3A_761, %cond3A_762 : i32
            %cond3A_764:3 = scf.if %cond3A_763 -> (vector<16xf32>, vector<16xi32>, vector<16xf32>) {
              %add3A_981 = vector.broadcast %add3A_760 : i32 to vector<16xi32>
              %add3A_982 = arith.addi %add3A_981, %iota3A : vector<16xi32>
              %jit3A = arith.constant -3.000000e+38 : f32
              %broadcast_in_dim3A_983 = vector.broadcast %jit3A : f32 to vector<16xf32>
              %select_n3A_984 = arith.select %gt3A_326, %add3A_325, %broadcast_in_dim3A_983 : vector<16xi1>, vector<16xf32>
              %masked_sort3A = arith.constant dense<true> : vector<16xi1>
              %masked_sort3A_985, %masked_sort3A_986, %masked_sort3A_987 = tpu.sort %select_n3A_984, %add3A_982 masked %masked_sort3A {descending = true} : (vector<16xf32>, vector<16xi32>, vector<16xi1>) -> (vector<16xi1>, vector<16xf32>, vector<16xi32>)
              %rev3A = arith.constant 15 : i32
              %rev3A_988 = vector.broadcast %rev3A : i32 to vector<16xi32>
              %rev3A_989 = tpu.iota {dimensions = array<i32: 0>} : vector<16xi32>
              %rev3A_990 = arith.subi %rev3A_988, %rev3A_989 : vector<16xi32>
              %rev3A_991 = tpu.dynamic_gather %masked_sort3A_986[%rev3A_990] in [0] : vector<16xf32>, vector<16xi32> -> vector<16xf32>
              %rev3A_992 = arith.constant 15 : i32
              %rev3A_993 = vector.broadcast %rev3A_992 : i32 to vector<16xi32>
              %rev3A_994 = tpu.iota {dimensions = array<i32: 0>} : vector<16xi32>
              %rev3A_995 = arith.subi %rev3A_993, %rev3A_994 : vector<16xi32>
              %rev3A_996 = tpu.dynamic_gather %masked_sort3A_987[%rev3A_995] in [0] : vector<16xi32>, vector<16xi32> -> vector<16xi32>
              %ge3A = arith.cmpf oge, %cond3A_746#0, %rev3A_991 : vector<16xf32>
              %select_n3A_997 = arith.select %ge3A, %cond3A_746#0, %rev3A_991 : vector<16xi1>, vector<16xf32>
              %select_n3A_998 = arith.select %ge3A, %cond3A_746#1, %rev3A_996 : vector<16xi1>, vector<16xi32>
              %masked_sort3A_999 = arith.constant dense<true> : vector<16xi1>
              %masked_sort3A_1000, %masked_sort3A_1001, %masked_sort3A_1002 = tpu.sort %select_n3A_997, %select_n3A_998 masked %masked_sort3A_999 {descending = true} : (vector<16xf32>, vector<16xi32>, vector<16xi1>) -> (vector<16xi1>, vector<16xf32>, vector<16xi32>)
              %broadcast_in_dim3A_1003 = arith.constant 15 : i32
              %broadcast_in_dim3A_1004 = vector.broadcast %broadcast_in_dim3A_1003 : i32 to vector<16x1xi32>
              %gather3A = vector.shape_cast %broadcast_in_dim3A_1004 : vector<16x1xi32> to vector<16xi32>
              %gather3A_1005 = tpu.dynamic_gather %masked_sort3A_1001[%gather3A] in [0] : vector<16xf32>, vector<16xi32> -> vector<16xf32>
              scf.yield %masked_sort3A_1001, %masked_sort3A_1002, %gather3A_1005 : vector<16xf32>, vector<16xi32>, vector<16xf32>
            } else {
              scf.yield %cond3A_746#0, %cond3A_746#1, %cond3A_746#2 : vector<16xf32>, vector<16xi32>, vector<16xf32>
            }
            %reduce_or3A_765 = arith.constant 1.000000e+00 : f32
            %reduce_or3A_766 = arith.constant 0.000000e+00 : f32
            %reduce_or3A_767 = vector.broadcast %reduce_or3A_765 : f32 to vector<16xf32>
            %reduce_or3A_768 = vector.broadcast %reduce_or3A_766 : f32 to vector<16xf32>
            %reduce_or3A_769 = arith.select %gt3A_340, %reduce_or3A_767, %reduce_or3A_768 : vector<16xi1>, vector<16xf32>
            %reduce_or3A_770 = arith.constant true
            %reduce_or3A_771 = vector.broadcast %reduce_or3A_770 : i1 to vector<16xi1>
            %reduce_or3A_772 = tpu.scan <max>, %reduce_or3A_769 masked %reduce_or3A_771 : vector<16xf32>, vector<16xi1> -> vector<16xf32>
            %reduce_or3A_773 = vector.extract %reduce_or3A_772[15] : f32 from vector<16xf32>
            %reduce_or3A_774 = arith.constant 0.000000e+00 : f32
            %reduce_or3A_775 = arith.cmpf ogt, %reduce_or3A_773, %reduce_or3A_774 : f32
            %add3A_776 = arith.addi %mul3A_93, %mul3A_147 : i32
            %add3A_777 = arith.constant 208 : i32
            %add3A_778 = arith.addi %add3A_776, %add3A_777 : i32
            %convert_element_type3A_779 = arith.extui %reduce_or3A_775 : i1 to i32
            %cond3A_780 = arith.constant 0 : i32
            %cond3A_781 = arith.cmpi ne, %convert_element_type3A_779, %cond3A_780 : i32
            %cond3A_782:3 = scf.if %cond3A_781 -> (vector<16xf32>, vector<16xi32>, vector<16xf32>) {
              %add3A_981 = vector.broadcast %add3A_778 : i32 to vector<16xi32>
              %add3A_982 = arith.addi %add3A_981, %iota3A : vector<16xi32>
              %jit3A = arith.constant -3.000000e+38 : f32
              %broadcast_in_dim3A_983 = vector.broadcast %jit3A : f32 to vector<16xf32>
              %select_n3A_984 = arith.select %gt3A_340, %add3A_339, %broadcast_in_dim3A_983 : vector<16xi1>, vector<16xf32>
              %masked_sort3A = arith.constant dense<true> : vector<16xi1>
              %masked_sort3A_985, %masked_sort3A_986, %masked_sort3A_987 = tpu.sort %select_n3A_984, %add3A_982 masked %masked_sort3A {descending = true} : (vector<16xf32>, vector<16xi32>, vector<16xi1>) -> (vector<16xi1>, vector<16xf32>, vector<16xi32>)
              %rev3A = arith.constant 15 : i32
              %rev3A_988 = vector.broadcast %rev3A : i32 to vector<16xi32>
              %rev3A_989 = tpu.iota {dimensions = array<i32: 0>} : vector<16xi32>
              %rev3A_990 = arith.subi %rev3A_988, %rev3A_989 : vector<16xi32>
              %rev3A_991 = tpu.dynamic_gather %masked_sort3A_986[%rev3A_990] in [0] : vector<16xf32>, vector<16xi32> -> vector<16xf32>
              %rev3A_992 = arith.constant 15 : i32
              %rev3A_993 = vector.broadcast %rev3A_992 : i32 to vector<16xi32>
              %rev3A_994 = tpu.iota {dimensions = array<i32: 0>} : vector<16xi32>
              %rev3A_995 = arith.subi %rev3A_993, %rev3A_994 : vector<16xi32>
              %rev3A_996 = tpu.dynamic_gather %masked_sort3A_987[%rev3A_995] in [0] : vector<16xi32>, vector<16xi32> -> vector<16xi32>
              %ge3A = arith.cmpf oge, %cond3A_764#0, %rev3A_991 : vector<16xf32>
              %select_n3A_997 = arith.select %ge3A, %cond3A_764#0, %rev3A_991 : vector<16xi1>, vector<16xf32>
              %select_n3A_998 = arith.select %ge3A, %cond3A_764#1, %rev3A_996 : vector<16xi1>, vector<16xi32>
              %masked_sort3A_999 = arith.constant dense<true> : vector<16xi1>
              %masked_sort3A_1000, %masked_sort3A_1001, %masked_sort3A_1002 = tpu.sort %select_n3A_997, %select_n3A_998 masked %masked_sort3A_999 {descending = true} : (vector<16xf32>, vector<16xi32>, vector<16xi1>) -> (vector<16xi1>, vector<16xf32>, vector<16xi32>)
              %broadcast_in_dim3A_1003 = arith.constant 15 : i32
              %broadcast_in_dim3A_1004 = vector.broadcast %broadcast_in_dim3A_1003 : i32 to vector<16x1xi32>
              %gather3A = vector.shape_cast %broadcast_in_dim3A_1004 : vector<16x1xi32> to vector<16xi32>
              %gather3A_1005 = tpu.dynamic_gather %masked_sort3A_1001[%gather3A] in [0] : vector<16xf32>, vector<16xi32> -> vector<16xf32>
              scf.yield %masked_sort3A_1001, %masked_sort3A_1002, %gather3A_1005 : vector<16xf32>, vector<16xi32>, vector<16xf32>
            } else {
              scf.yield %cond3A_764#0, %cond3A_764#1, %cond3A_764#2 : vector<16xf32>, vector<16xi32>, vector<16xf32>
            }
            %reduce_or3A_783 = arith.constant 1.000000e+00 : f32
            %reduce_or3A_784 = arith.constant 0.000000e+00 : f32
            %reduce_or3A_785 = vector.broadcast %reduce_or3A_783 : f32 to vector<16xf32>
            %reduce_or3A_786 = vector.broadcast %reduce_or3A_784 : f32 to vector<16xf32>
            %reduce_or3A_787 = arith.select %gt3A_354, %reduce_or3A_785, %reduce_or3A_786 : vector<16xi1>, vector<16xf32>
            %reduce_or3A_788 = arith.constant true
            %reduce_or3A_789 = vector.broadcast %reduce_or3A_788 : i1 to vector<16xi1>
            %reduce_or3A_790 = tpu.scan <max>, %reduce_or3A_787 masked %reduce_or3A_789 : vector<16xf32>, vector<16xi1> -> vector<16xf32>
            %reduce_or3A_791 = vector.extract %reduce_or3A_790[15] : f32 from vector<16xf32>
            %reduce_or3A_792 = arith.constant 0.000000e+00 : f32
            %reduce_or3A_793 = arith.cmpf ogt, %reduce_or3A_791, %reduce_or3A_792 : f32
            %add3A_794 = arith.addi %mul3A_93, %mul3A_147 : i32
            %add3A_795 = arith.constant 224 : i32
            %add3A_796 = arith.addi %add3A_794, %add3A_795 : i32
            %convert_element_type3A_797 = arith.extui %reduce_or3A_793 : i1 to i32
            %cond3A_798 = arith.constant 0 : i32
            %cond3A_799 = arith.cmpi ne, %convert_element_type3A_797, %cond3A_798 : i32
            %cond3A_800:3 = scf.if %cond3A_799 -> (vector<16xf32>, vector<16xi32>, vector<16xf32>) {
              %add3A_981 = vector.broadcast %add3A_796 : i32 to vector<16xi32>
              %add3A_982 = arith.addi %add3A_981, %iota3A : vector<16xi32>
              %jit3A = arith.constant -3.000000e+38 : f32
              %broadcast_in_dim3A_983 = vector.broadcast %jit3A : f32 to vector<16xf32>
              %select_n3A_984 = arith.select %gt3A_354, %add3A_353, %broadcast_in_dim3A_983 : vector<16xi1>, vector<16xf32>
              %masked_sort3A = arith.constant dense<true> : vector<16xi1>
              %masked_sort3A_985, %masked_sort3A_986, %masked_sort3A_987 = tpu.sort %select_n3A_984, %add3A_982 masked %masked_sort3A {descending = true} : (vector<16xf32>, vector<16xi32>, vector<16xi1>) -> (vector<16xi1>, vector<16xf32>, vector<16xi32>)
              %rev3A = arith.constant 15 : i32
              %rev3A_988 = vector.broadcast %rev3A : i32 to vector<16xi32>
              %rev3A_989 = tpu.iota {dimensions = array<i32: 0>} : vector<16xi32>
              %rev3A_990 = arith.subi %rev3A_988, %rev3A_989 : vector<16xi32>
              %rev3A_991 = tpu.dynamic_gather %masked_sort3A_986[%rev3A_990] in [0] : vector<16xf32>, vector<16xi32> -> vector<16xf32>
              %rev3A_992 = arith.constant 15 : i32
              %rev3A_993 = vector.broadcast %rev3A_992 : i32 to vector<16xi32>
              %rev3A_994 = tpu.iota {dimensions = array<i32: 0>} : vector<16xi32>
              %rev3A_995 = arith.subi %rev3A_993, %rev3A_994 : vector<16xi32>
              %rev3A_996 = tpu.dynamic_gather %masked_sort3A_987[%rev3A_995] in [0] : vector<16xi32>, vector<16xi32> -> vector<16xi32>
              %ge3A = arith.cmpf oge, %cond3A_782#0, %rev3A_991 : vector<16xf32>
              %select_n3A_997 = arith.select %ge3A, %cond3A_782#0, %rev3A_991 : vector<16xi1>, vector<16xf32>
              %select_n3A_998 = arith.select %ge3A, %cond3A_782#1, %rev3A_996 : vector<16xi1>, vector<16xi32>
              %masked_sort3A_999 = arith.constant dense<true> : vector<16xi1>
              %masked_sort3A_1000, %masked_sort3A_1001, %masked_sort3A_1002 = tpu.sort %select_n3A_997, %select_n3A_998 masked %masked_sort3A_999 {descending = true} : (vector<16xf32>, vector<16xi32>, vector<16xi1>) -> (vector<16xi1>, vector<16xf32>, vector<16xi32>)
              %broadcast_in_dim3A_1003 = arith.constant 15 : i32
              %broadcast_in_dim3A_1004 = vector.broadcast %broadcast_in_dim3A_1003 : i32 to vector<16x1xi32>
              %gather3A = vector.shape_cast %broadcast_in_dim3A_1004 : vector<16x1xi32> to vector<16xi32>
              %gather3A_1005 = tpu.dynamic_gather %masked_sort3A_1001[%gather3A] in [0] : vector<16xf32>, vector<16xi32> -> vector<16xf32>
              scf.yield %masked_sort3A_1001, %masked_sort3A_1002, %gather3A_1005 : vector<16xf32>, vector<16xi32>, vector<16xf32>
            } else {
              scf.yield %cond3A_782#0, %cond3A_782#1, %cond3A_782#2 : vector<16xf32>, vector<16xi32>, vector<16xf32>
            }
            %reduce_or3A_801 = arith.constant 1.000000e+00 : f32
            %reduce_or3A_802 = arith.constant 0.000000e+00 : f32
            %reduce_or3A_803 = vector.broadcast %reduce_or3A_801 : f32 to vector<16xf32>
            %reduce_or3A_804 = vector.broadcast %reduce_or3A_802 : f32 to vector<16xf32>
            %reduce_or3A_805 = arith.select %gt3A_368, %reduce_or3A_803, %reduce_or3A_804 : vector<16xi1>, vector<16xf32>
            %reduce_or3A_806 = arith.constant true
            %reduce_or3A_807 = vector.broadcast %reduce_or3A_806 : i1 to vector<16xi1>
            %reduce_or3A_808 = tpu.scan <max>, %reduce_or3A_805 masked %reduce_or3A_807 : vector<16xf32>, vector<16xi1> -> vector<16xf32>
            %reduce_or3A_809 = vector.extract %reduce_or3A_808[15] : f32 from vector<16xf32>
            %reduce_or3A_810 = arith.constant 0.000000e+00 : f32
            %reduce_or3A_811 = arith.cmpf ogt, %reduce_or3A_809, %reduce_or3A_810 : f32
            %add3A_812 = arith.addi %mul3A_93, %mul3A_147 : i32
            %add3A_813 = arith.constant 240 : i32
            %add3A_814 = arith.addi %add3A_812, %add3A_813 : i32
            %convert_element_type3A_815 = arith.extui %reduce_or3A_811 : i1 to i32
            %cond3A_816 = arith.constant 0 : i32
            %cond3A_817 = arith.cmpi ne, %convert_element_type3A_815, %cond3A_816 : i32
            %cond3A_818:3 = scf.if %cond3A_817 -> (vector<16xf32>, vector<16xi32>, vector<16xf32>) {
              %add3A_981 = vector.broadcast %add3A_814 : i32 to vector<16xi32>
              %add3A_982 = arith.addi %add3A_981, %iota3A : vector<16xi32>
              %jit3A = arith.constant -3.000000e+38 : f32
              %broadcast_in_dim3A_983 = vector.broadcast %jit3A : f32 to vector<16xf32>
              %select_n3A_984 = arith.select %gt3A_368, %add3A_367, %broadcast_in_dim3A_983 : vector<16xi1>, vector<16xf32>
              %masked_sort3A = arith.constant dense<true> : vector<16xi1>
              %masked_sort3A_985, %masked_sort3A_986, %masked_sort3A_987 = tpu.sort %select_n3A_984, %add3A_982 masked %masked_sort3A {descending = true} : (vector<16xf32>, vector<16xi32>, vector<16xi1>) -> (vector<16xi1>, vector<16xf32>, vector<16xi32>)
              %rev3A = arith.constant 15 : i32
              %rev3A_988 = vector.broadcast %rev3A : i32 to vector<16xi32>
              %rev3A_989 = tpu.iota {dimensions = array<i32: 0>} : vector<16xi32>
              %rev3A_990 = arith.subi %rev3A_988, %rev3A_989 : vector<16xi32>
              %rev3A_991 = tpu.dynamic_gather %masked_sort3A_986[%rev3A_990] in [0] : vector<16xf32>, vector<16xi32> -> vector<16xf32>
              %rev3A_992 = arith.constant 15 : i32
              %rev3A_993 = vector.broadcast %rev3A_992 : i32 to vector<16xi32>
              %rev3A_994 = tpu.iota {dimensions = array<i32: 0>} : vector<16xi32>
              %rev3A_995 = arith.subi %rev3A_993, %rev3A_994 : vector<16xi32>
              %rev3A_996 = tpu.dynamic_gather %masked_sort3A_987[%rev3A_995] in [0] : vector<16xi32>, vector<16xi32> -> vector<16xi32>
              %ge3A = arith.cmpf oge, %cond3A_800#0, %rev3A_991 : vector<16xf32>
              %select_n3A_997 = arith.select %ge3A, %cond3A_800#0, %rev3A_991 : vector<16xi1>, vector<16xf32>
              %select_n3A_998 = arith.select %ge3A, %cond3A_800#1, %rev3A_996 : vector<16xi1>, vector<16xi32>
              %masked_sort3A_999 = arith.constant dense<true> : vector<16xi1>
              %masked_sort3A_1000, %masked_sort3A_1001, %masked_sort3A_1002 = tpu.sort %select_n3A_997, %select_n3A_998 masked %masked_sort3A_999 {descending = true} : (vector<16xf32>, vector<16xi32>, vector<16xi1>) -> (vector<16xi1>, vector<16xf32>, vector<16xi32>)
              %broadcast_in_dim3A_1003 = arith.constant 15 : i32
              %broadcast_in_dim3A_1004 = vector.broadcast %broadcast_in_dim3A_1003 : i32 to vector<16x1xi32>
              %gather3A = vector.shape_cast %broadcast_in_dim3A_1004 : vector<16x1xi32> to vector<16xi32>
              %gather3A_1005 = tpu.dynamic_gather %masked_sort3A_1001[%gather3A] in [0] : vector<16xf32>, vector<16xi32> -> vector<16xf32>
              scf.yield %masked_sort3A_1001, %masked_sort3A_1002, %gather3A_1005 : vector<16xf32>, vector<16xi32>, vector<16xf32>
            } else {
              scf.yield %cond3A_800#0, %cond3A_800#1, %cond3A_800#2 : vector<16xf32>, vector<16xi32>, vector<16xf32>
            }
            %reduce_or3A_819 = arith.constant 1.000000e+00 : f32
            %reduce_or3A_820 = arith.constant 0.000000e+00 : f32
            %reduce_or3A_821 = vector.broadcast %reduce_or3A_819 : f32 to vector<16xf32>
            %reduce_or3A_822 = vector.broadcast %reduce_or3A_820 : f32 to vector<16xf32>
            %reduce_or3A_823 = arith.select %gt3A_382, %reduce_or3A_821, %reduce_or3A_822 : vector<16xi1>, vector<16xf32>
            %reduce_or3A_824 = arith.constant true
            %reduce_or3A_825 = vector.broadcast %reduce_or3A_824 : i1 to vector<16xi1>
            %reduce_or3A_826 = tpu.scan <max>, %reduce_or3A_823 masked %reduce_or3A_825 : vector<16xf32>, vector<16xi1> -> vector<16xf32>
            %reduce_or3A_827 = vector.extract %reduce_or3A_826[15] : f32 from vector<16xf32>
            %reduce_or3A_828 = arith.constant 0.000000e+00 : f32
            %reduce_or3A_829 = arith.cmpf ogt, %reduce_or3A_827, %reduce_or3A_828 : f32
            %add3A_830 = arith.addi %mul3A_93, %mul3A_147 : i32
            %add3A_831 = arith.constant 256 : i32
            %add3A_832 = arith.addi %add3A_830, %add3A_831 : i32
            %convert_element_type3A_833 = arith.extui %reduce_or3A_829 : i1 to i32
            %cond3A_834 = arith.constant 0 : i32
            %cond3A_835 = arith.cmpi ne, %convert_element_type3A_833, %cond3A_834 : i32
            %cond3A_836:3 = scf.if %cond3A_835 -> (vector<16xf32>, vector<16xi32>, vector<16xf32>) {
              %add3A_981 = vector.broadcast %add3A_832 : i32 to vector<16xi32>
              %add3A_982 = arith.addi %add3A_981, %iota3A : vector<16xi32>
              %jit3A = arith.constant -3.000000e+38 : f32
              %broadcast_in_dim3A_983 = vector.broadcast %jit3A : f32 to vector<16xf32>
              %select_n3A_984 = arith.select %gt3A_382, %add3A_381, %broadcast_in_dim3A_983 : vector<16xi1>, vector<16xf32>
              %masked_sort3A = arith.constant dense<true> : vector<16xi1>
              %masked_sort3A_985, %masked_sort3A_986, %masked_sort3A_987 = tpu.sort %select_n3A_984, %add3A_982 masked %masked_sort3A {descending = true} : (vector<16xf32>, vector<16xi32>, vector<16xi1>) -> (vector<16xi1>, vector<16xf32>, vector<16xi32>)
              %rev3A = arith.constant 15 : i32
              %rev3A_988 = vector.broadcast %rev3A : i32 to vector<16xi32>
              %rev3A_989 = tpu.iota {dimensions = array<i32: 0>} : vector<16xi32>
              %rev3A_990 = arith.subi %rev3A_988, %rev3A_989 : vector<16xi32>
              %rev3A_991 = tpu.dynamic_gather %masked_sort3A_986[%rev3A_990] in [0] : vector<16xf32>, vector<16xi32> -> vector<16xf32>
              %rev3A_992 = arith.constant 15 : i32
              %rev3A_993 = vector.broadcast %rev3A_992 : i32 to vector<16xi32>
              %rev3A_994 = tpu.iota {dimensions = array<i32: 0>} : vector<16xi32>
              %rev3A_995 = arith.subi %rev3A_993, %rev3A_994 : vector<16xi32>
              %rev3A_996 = tpu.dynamic_gather %masked_sort3A_987[%rev3A_995] in [0] : vector<16xi32>, vector<16xi32> -> vector<16xi32>
              %ge3A = arith.cmpf oge, %cond3A_818#0, %rev3A_991 : vector<16xf32>
              %select_n3A_997 = arith.select %ge3A, %cond3A_818#0, %rev3A_991 : vector<16xi1>, vector<16xf32>
              %select_n3A_998 = arith.select %ge3A, %cond3A_818#1, %rev3A_996 : vector<16xi1>, vector<16xi32>
              %masked_sort3A_999 = arith.constant dense<true> : vector<16xi1>
              %masked_sort3A_1000, %masked_sort3A_1001, %masked_sort3A_1002 = tpu.sort %select_n3A_997, %select_n3A_998 masked %masked_sort3A_999 {descending = true} : (vector<16xf32>, vector<16xi32>, vector<16xi1>) -> (vector<16xi1>, vector<16xf32>, vector<16xi32>)
              %broadcast_in_dim3A_1003 = arith.constant 15 : i32
              %broadcast_in_dim3A_1004 = vector.broadcast %broadcast_in_dim3A_1003 : i32 to vector<16x1xi32>
              %gather3A = vector.shape_cast %broadcast_in_dim3A_1004 : vector<16x1xi32> to vector<16xi32>
              %gather3A_1005 = tpu.dynamic_gather %masked_sort3A_1001[%gather3A] in [0] : vector<16xf32>, vector<16xi32> -> vector<16xf32>
              scf.yield %masked_sort3A_1001, %masked_sort3A_1002, %gather3A_1005 : vector<16xf32>, vector<16xi32>, vector<16xf32>
            } else {
              scf.yield %cond3A_818#0, %cond3A_818#1, %cond3A_818#2 : vector<16xf32>, vector<16xi32>, vector<16xf32>
            }
            %reduce_or3A_837 = arith.constant 1.000000e+00 : f32
            %reduce_or3A_838 = arith.constant 0.000000e+00 : f32
            %reduce_or3A_839 = vector.broadcast %reduce_or3A_837 : f32 to vector<16xf32>
            %reduce_or3A_840 = vector.broadcast %reduce_or3A_838 : f32 to vector<16xf32>
            %reduce_or3A_841 = arith.select %gt3A_396, %reduce_or3A_839, %reduce_or3A_840 : vector<16xi1>, vector<16xf32>
            %reduce_or3A_842 = arith.constant true
            %reduce_or3A_843 = vector.broadcast %reduce_or3A_842 : i1 to vector<16xi1>
            %reduce_or3A_844 = tpu.scan <max>, %reduce_or3A_841 masked %reduce_or3A_843 : vector<16xf32>, vector<16xi1> -> vector<16xf32>
            %reduce_or3A_845 = vector.extract %reduce_or3A_844[15] : f32 from vector<16xf32>
            %reduce_or3A_846 = arith.constant 0.000000e+00 : f32
            %reduce_or3A_847 = arith.cmpf ogt, %reduce_or3A_845, %reduce_or3A_846 : f32
            %add3A_848 = arith.addi %mul3A_93, %mul3A_147 : i32
            %add3A_849 = arith.constant 272 : i32
            %add3A_850 = arith.addi %add3A_848, %add3A_849 : i32
            %convert_element_type3A_851 = arith.extui %reduce_or3A_847 : i1 to i32
            %cond3A_852 = arith.constant 0 : i32
            %cond3A_853 = arith.cmpi ne, %convert_element_type3A_851, %cond3A_852 : i32
            %cond3A_854:3 = scf.if %cond3A_853 -> (vector<16xf32>, vector<16xi32>, vector<16xf32>) {
              %add3A_981 = vector.broadcast %add3A_850 : i32 to vector<16xi32>
              %add3A_982 = arith.addi %add3A_981, %iota3A : vector<16xi32>
              %jit3A = arith.constant -3.000000e+38 : f32
              %broadcast_in_dim3A_983 = vector.broadcast %jit3A : f32 to vector<16xf32>
              %select_n3A_984 = arith.select %gt3A_396, %add3A_395, %broadcast_in_dim3A_983 : vector<16xi1>, vector<16xf32>
              %masked_sort3A = arith.constant dense<true> : vector<16xi1>
              %masked_sort3A_985, %masked_sort3A_986, %masked_sort3A_987 = tpu.sort %select_n3A_984, %add3A_982 masked %masked_sort3A {descending = true} : (vector<16xf32>, vector<16xi32>, vector<16xi1>) -> (vector<16xi1>, vector<16xf32>, vector<16xi32>)
              %rev3A = arith.constant 15 : i32
              %rev3A_988 = vector.broadcast %rev3A : i32 to vector<16xi32>
              %rev3A_989 = tpu.iota {dimensions = array<i32: 0>} : vector<16xi32>
              %rev3A_990 = arith.subi %rev3A_988, %rev3A_989 : vector<16xi32>
              %rev3A_991 = tpu.dynamic_gather %masked_sort3A_986[%rev3A_990] in [0] : vector<16xf32>, vector<16xi32> -> vector<16xf32>
              %rev3A_992 = arith.constant 15 : i32
              %rev3A_993 = vector.broadcast %rev3A_992 : i32 to vector<16xi32>
              %rev3A_994 = tpu.iota {dimensions = array<i32: 0>} : vector<16xi32>
              %rev3A_995 = arith.subi %rev3A_993, %rev3A_994 : vector<16xi32>
              %rev3A_996 = tpu.dynamic_gather %masked_sort3A_987[%rev3A_995] in [0] : vector<16xi32>, vector<16xi32> -> vector<16xi32>
              %ge3A = arith.cmpf oge, %cond3A_836#0, %rev3A_991 : vector<16xf32>
              %select_n3A_997 = arith.select %ge3A, %cond3A_836#0, %rev3A_991 : vector<16xi1>, vector<16xf32>
              %select_n3A_998 = arith.select %ge3A, %cond3A_836#1, %rev3A_996 : vector<16xi1>, vector<16xi32>
              %masked_sort3A_999 = arith.constant dense<true> : vector<16xi1>
              %masked_sort3A_1000, %masked_sort3A_1001, %masked_sort3A_1002 = tpu.sort %select_n3A_997, %select_n3A_998 masked %masked_sort3A_999 {descending = true} : (vector<16xf32>, vector<16xi32>, vector<16xi1>) -> (vector<16xi1>, vector<16xf32>, vector<16xi32>)
              %broadcast_in_dim3A_1003 = arith.constant 15 : i32
              %broadcast_in_dim3A_1004 = vector.broadcast %broadcast_in_dim3A_1003 : i32 to vector<16x1xi32>
              %gather3A = vector.shape_cast %broadcast_in_dim3A_1004 : vector<16x1xi32> to vector<16xi32>
              %gather3A_1005 = tpu.dynamic_gather %masked_sort3A_1001[%gather3A] in [0] : vector<16xf32>, vector<16xi32> -> vector<16xf32>
              scf.yield %masked_sort3A_1001, %masked_sort3A_1002, %gather3A_1005 : vector<16xf32>, vector<16xi32>, vector<16xf32>
            } else {
              scf.yield %cond3A_836#0, %cond3A_836#1, %cond3A_836#2 : vector<16xf32>, vector<16xi32>, vector<16xf32>
            }
            %reduce_or3A_855 = arith.constant 1.000000e+00 : f32
            %reduce_or3A_856 = arith.constant 0.000000e+00 : f32
            %reduce_or3A_857 = vector.broadcast %reduce_or3A_855 : f32 to vector<16xf32>
            %reduce_or3A_858 = vector.broadcast %reduce_or3A_856 : f32 to vector<16xf32>
            %reduce_or3A_859 = arith.select %gt3A_410, %reduce_or3A_857, %reduce_or3A_858 : vector<16xi1>, vector<16xf32>
            %reduce_or3A_860 = arith.constant true
            %reduce_or3A_861 = vector.broadcast %reduce_or3A_860 : i1 to vector<16xi1>
            %reduce_or3A_862 = tpu.scan <max>, %reduce_or3A_859 masked %reduce_or3A_861 : vector<16xf32>, vector<16xi1> -> vector<16xf32>
            %reduce_or3A_863 = vector.extract %reduce_or3A_862[15] : f32 from vector<16xf32>
            %reduce_or3A_864 = arith.constant 0.000000e+00 : f32
            %reduce_or3A_865 = arith.cmpf ogt, %reduce_or3A_863, %reduce_or3A_864 : f32
            %add3A_866 = arith.addi %mul3A_93, %mul3A_147 : i32
            %add3A_867 = arith.constant 288 : i32
            %add3A_868 = arith.addi %add3A_866, %add3A_867 : i32
            %convert_element_type3A_869 = arith.extui %reduce_or3A_865 : i1 to i32
            %cond3A_870 = arith.constant 0 : i32
            %cond3A_871 = arith.cmpi ne, %convert_element_type3A_869, %cond3A_870 : i32
            %cond3A_872:3 = scf.if %cond3A_871 -> (vector<16xf32>, vector<16xi32>, vector<16xf32>) {
              %add3A_981 = vector.broadcast %add3A_868 : i32 to vector<16xi32>
              %add3A_982 = arith.addi %add3A_981, %iota3A : vector<16xi32>
              %jit3A = arith.constant -3.000000e+38 : f32
              %broadcast_in_dim3A_983 = vector.broadcast %jit3A : f32 to vector<16xf32>
              %select_n3A_984 = arith.select %gt3A_410, %add3A_409, %broadcast_in_dim3A_983 : vector<16xi1>, vector<16xf32>
              %masked_sort3A = arith.constant dense<true> : vector<16xi1>
              %masked_sort3A_985, %masked_sort3A_986, %masked_sort3A_987 = tpu.sort %select_n3A_984, %add3A_982 masked %masked_sort3A {descending = true} : (vector<16xf32>, vector<16xi32>, vector<16xi1>) -> (vector<16xi1>, vector<16xf32>, vector<16xi32>)
              %rev3A = arith.constant 15 : i32
              %rev3A_988 = vector.broadcast %rev3A : i32 to vector<16xi32>
              %rev3A_989 = tpu.iota {dimensions = array<i32: 0>} : vector<16xi32>
              %rev3A_990 = arith.subi %rev3A_988, %rev3A_989 : vector<16xi32>
              %rev3A_991 = tpu.dynamic_gather %masked_sort3A_986[%rev3A_990] in [0] : vector<16xf32>, vector<16xi32> -> vector<16xf32>
              %rev3A_992 = arith.constant 15 : i32
              %rev3A_993 = vector.broadcast %rev3A_992 : i32 to vector<16xi32>
              %rev3A_994 = tpu.iota {dimensions = array<i32: 0>} : vector<16xi32>
              %rev3A_995 = arith.subi %rev3A_993, %rev3A_994 : vector<16xi32>
              %rev3A_996 = tpu.dynamic_gather %masked_sort3A_987[%rev3A_995] in [0] : vector<16xi32>, vector<16xi32> -> vector<16xi32>
              %ge3A = arith.cmpf oge, %cond3A_854#0, %rev3A_991 : vector<16xf32>
              %select_n3A_997 = arith.select %ge3A, %cond3A_854#0, %rev3A_991 : vector<16xi1>, vector<16xf32>
              %select_n3A_998 = arith.select %ge3A, %cond3A_854#1, %rev3A_996 : vector<16xi1>, vector<16xi32>
              %masked_sort3A_999 = arith.constant dense<true> : vector<16xi1>
              %masked_sort3A_1000, %masked_sort3A_1001, %masked_sort3A_1002 = tpu.sort %select_n3A_997, %select_n3A_998 masked %masked_sort3A_999 {descending = true} : (vector<16xf32>, vector<16xi32>, vector<16xi1>) -> (vector<16xi1>, vector<16xf32>, vector<16xi32>)
              %broadcast_in_dim3A_1003 = arith.constant 15 : i32
              %broadcast_in_dim3A_1004 = vector.broadcast %broadcast_in_dim3A_1003 : i32 to vector<16x1xi32>
              %gather3A = vector.shape_cast %broadcast_in_dim3A_1004 : vector<16x1xi32> to vector<16xi32>
              %gather3A_1005 = tpu.dynamic_gather %masked_sort3A_1001[%gather3A] in [0] : vector<16xf32>, vector<16xi32> -> vector<16xf32>
              scf.yield %masked_sort3A_1001, %masked_sort3A_1002, %gather3A_1005 : vector<16xf32>, vector<16xi32>, vector<16xf32>
            } else {
              scf.yield %cond3A_854#0, %cond3A_854#1, %cond3A_854#2 : vector<16xf32>, vector<16xi32>, vector<16xf32>
            }
            %reduce_or3A_873 = arith.constant 1.000000e+00 : f32
            %reduce_or3A_874 = arith.constant 0.000000e+00 : f32
            %reduce_or3A_875 = vector.broadcast %reduce_or3A_873 : f32 to vector<16xf32>
            %reduce_or3A_876 = vector.broadcast %reduce_or3A_874 : f32 to vector<16xf32>
            %reduce_or3A_877 = arith.select %gt3A_424, %reduce_or3A_875, %reduce_or3A_876 : vector<16xi1>, vector<16xf32>
            %reduce_or3A_878 = arith.constant true
            %reduce_or3A_879 = vector.broadcast %reduce_or3A_878 : i1 to vector<16xi1>
            %reduce_or3A_880 = tpu.scan <max>, %reduce_or3A_877 masked %reduce_or3A_879 : vector<16xf32>, vector<16xi1> -> vector<16xf32>
            %reduce_or3A_881 = vector.extract %reduce_or3A_880[15] : f32 from vector<16xf32>
            %reduce_or3A_882 = arith.constant 0.000000e+00 : f32
            %reduce_or3A_883 = arith.cmpf ogt, %reduce_or3A_881, %reduce_or3A_882 : f32
            %add3A_884 = arith.addi %mul3A_93, %mul3A_147 : i32
            %add3A_885 = arith.constant 304 : i32
            %add3A_886 = arith.addi %add3A_884, %add3A_885 : i32
            %convert_element_type3A_887 = arith.extui %reduce_or3A_883 : i1 to i32
            %cond3A_888 = arith.constant 0 : i32
            %cond3A_889 = arith.cmpi ne, %convert_element_type3A_887, %cond3A_888 : i32
            %cond3A_890:3 = scf.if %cond3A_889 -> (vector<16xf32>, vector<16xi32>, vector<16xf32>) {
              %add3A_981 = vector.broadcast %add3A_886 : i32 to vector<16xi32>
              %add3A_982 = arith.addi %add3A_981, %iota3A : vector<16xi32>
              %jit3A = arith.constant -3.000000e+38 : f32
              %broadcast_in_dim3A_983 = vector.broadcast %jit3A : f32 to vector<16xf32>
              %select_n3A_984 = arith.select %gt3A_424, %add3A_423, %broadcast_in_dim3A_983 : vector<16xi1>, vector<16xf32>
              %masked_sort3A = arith.constant dense<true> : vector<16xi1>
              %masked_sort3A_985, %masked_sort3A_986, %masked_sort3A_987 = tpu.sort %select_n3A_984, %add3A_982 masked %masked_sort3A {descending = true} : (vector<16xf32>, vector<16xi32>, vector<16xi1>) -> (vector<16xi1>, vector<16xf32>, vector<16xi32>)
              %rev3A = arith.constant 15 : i32
              %rev3A_988 = vector.broadcast %rev3A : i32 to vector<16xi32>
              %rev3A_989 = tpu.iota {dimensions = array<i32: 0>} : vector<16xi32>
              %rev3A_990 = arith.subi %rev3A_988, %rev3A_989 : vector<16xi32>
              %rev3A_991 = tpu.dynamic_gather %masked_sort3A_986[%rev3A_990] in [0] : vector<16xf32>, vector<16xi32> -> vector<16xf32>
              %rev3A_992 = arith.constant 15 : i32
              %rev3A_993 = vector.broadcast %rev3A_992 : i32 to vector<16xi32>
              %rev3A_994 = tpu.iota {dimensions = array<i32: 0>} : vector<16xi32>
              %rev3A_995 = arith.subi %rev3A_993, %rev3A_994 : vector<16xi32>
              %rev3A_996 = tpu.dynamic_gather %masked_sort3A_987[%rev3A_995] in [0] : vector<16xi32>, vector<16xi32> -> vector<16xi32>
              %ge3A = arith.cmpf oge, %cond3A_872#0, %rev3A_991 : vector<16xf32>
              %select_n3A_997 = arith.select %ge3A, %cond3A_872#0, %rev3A_991 : vector<16xi1>, vector<16xf32>
              %select_n3A_998 = arith.select %ge3A, %cond3A_872#1, %rev3A_996 : vector<16xi1>, vector<16xi32>
              %masked_sort3A_999 = arith.constant dense<true> : vector<16xi1>
              %masked_sort3A_1000, %masked_sort3A_1001, %masked_sort3A_1002 = tpu.sort %select_n3A_997, %select_n3A_998 masked %masked_sort3A_999 {descending = true} : (vector<16xf32>, vector<16xi32>, vector<16xi1>) -> (vector<16xi1>, vector<16xf32>, vector<16xi32>)
              %broadcast_in_dim3A_1003 = arith.constant 15 : i32
              %broadcast_in_dim3A_1004 = vector.broadcast %broadcast_in_dim3A_1003 : i32 to vector<16x1xi32>
              %gather3A = vector.shape_cast %broadcast_in_dim3A_1004 : vector<16x1xi32> to vector<16xi32>
              %gather3A_1005 = tpu.dynamic_gather %masked_sort3A_1001[%gather3A] in [0] : vector<16xf32>, vector<16xi32> -> vector<16xf32>
              scf.yield %masked_sort3A_1001, %masked_sort3A_1002, %gather3A_1005 : vector<16xf32>, vector<16xi32>, vector<16xf32>
            } else {
              scf.yield %cond3A_872#0, %cond3A_872#1, %cond3A_872#2 : vector<16xf32>, vector<16xi32>, vector<16xf32>
            }
            %reduce_or3A_891 = arith.constant 1.000000e+00 : f32
            %reduce_or3A_892 = arith.constant 0.000000e+00 : f32
            %reduce_or3A_893 = vector.broadcast %reduce_or3A_891 : f32 to vector<16xf32>
            %reduce_or3A_894 = vector.broadcast %reduce_or3A_892 : f32 to vector<16xf32>
            %reduce_or3A_895 = arith.select %gt3A_438, %reduce_or3A_893, %reduce_or3A_894 : vector<16xi1>, vector<16xf32>
            %reduce_or3A_896 = arith.constant true
            %reduce_or3A_897 = vector.broadcast %reduce_or3A_896 : i1 to vector<16xi1>
            %reduce_or3A_898 = tpu.scan <max>, %reduce_or3A_895 masked %reduce_or3A_897 : vector<16xf32>, vector<16xi1> -> vector<16xf32>
            %reduce_or3A_899 = vector.extract %reduce_or3A_898[15] : f32 from vector<16xf32>
            %reduce_or3A_900 = arith.constant 0.000000e+00 : f32
            %reduce_or3A_901 = arith.cmpf ogt, %reduce_or3A_899, %reduce_or3A_900 : f32
            %add3A_902 = arith.addi %mul3A_93, %mul3A_147 : i32
            %add3A_903 = arith.constant 320 : i32
            %add3A_904 = arith.addi %add3A_902, %add3A_903 : i32
            %convert_element_type3A_905 = arith.extui %reduce_or3A_901 : i1 to i32
            %cond3A_906 = arith.constant 0 : i32
            %cond3A_907 = arith.cmpi ne, %convert_element_type3A_905, %cond3A_906 : i32
            %cond3A_908:3 = scf.if %cond3A_907 -> (vector<16xf32>, vector<16xi32>, vector<16xf32>) {
              %add3A_981 = vector.broadcast %add3A_904 : i32 to vector<16xi32>
              %add3A_982 = arith.addi %add3A_981, %iota3A : vector<16xi32>
              %jit3A = arith.constant -3.000000e+38 : f32
              %broadcast_in_dim3A_983 = vector.broadcast %jit3A : f32 to vector<16xf32>
              %select_n3A_984 = arith.select %gt3A_438, %add3A_437, %broadcast_in_dim3A_983 : vector<16xi1>, vector<16xf32>
              %masked_sort3A = arith.constant dense<true> : vector<16xi1>
              %masked_sort3A_985, %masked_sort3A_986, %masked_sort3A_987 = tpu.sort %select_n3A_984, %add3A_982 masked %masked_sort3A {descending = true} : (vector<16xf32>, vector<16xi32>, vector<16xi1>) -> (vector<16xi1>, vector<16xf32>, vector<16xi32>)
              %rev3A = arith.constant 15 : i32
              %rev3A_988 = vector.broadcast %rev3A : i32 to vector<16xi32>
              %rev3A_989 = tpu.iota {dimensions = array<i32: 0>} : vector<16xi32>
              %rev3A_990 = arith.subi %rev3A_988, %rev3A_989 : vector<16xi32>
              %rev3A_991 = tpu.dynamic_gather %masked_sort3A_986[%rev3A_990] in [0] : vector<16xf32>, vector<16xi32> -> vector<16xf32>
              %rev3A_992 = arith.constant 15 : i32
              %rev3A_993 = vector.broadcast %rev3A_992 : i32 to vector<16xi32>
              %rev3A_994 = tpu.iota {dimensions = array<i32: 0>} : vector<16xi32>
              %rev3A_995 = arith.subi %rev3A_993, %rev3A_994 : vector<16xi32>
              %rev3A_996 = tpu.dynamic_gather %masked_sort3A_987[%rev3A_995] in [0] : vector<16xi32>, vector<16xi32> -> vector<16xi32>
              %ge3A = arith.cmpf oge, %cond3A_890#0, %rev3A_991 : vector<16xf32>
              %select_n3A_997 = arith.select %ge3A, %cond3A_890#0, %rev3A_991 : vector<16xi1>, vector<16xf32>
              %select_n3A_998 = arith.select %ge3A, %cond3A_890#1, %rev3A_996 : vector<16xi1>, vector<16xi32>
              %masked_sort3A_999 = arith.constant dense<true> : vector<16xi1>
              %masked_sort3A_1000, %masked_sort3A_1001, %masked_sort3A_1002 = tpu.sort %select_n3A_997, %select_n3A_998 masked %masked_sort3A_999 {descending = true} : (vector<16xf32>, vector<16xi32>, vector<16xi1>) -> (vector<16xi1>, vector<16xf32>, vector<16xi32>)
              %broadcast_in_dim3A_1003 = arith.constant 15 : i32
              %broadcast_in_dim3A_1004 = vector.broadcast %broadcast_in_dim3A_1003 : i32 to vector<16x1xi32>
              %gather3A = vector.shape_cast %broadcast_in_dim3A_1004 : vector<16x1xi32> to vector<16xi32>
              %gather3A_1005 = tpu.dynamic_gather %masked_sort3A_1001[%gather3A] in [0] : vector<16xf32>, vector<16xi32> -> vector<16xf32>
              scf.yield %masked_sort3A_1001, %masked_sort3A_1002, %gather3A_1005 : vector<16xf32>, vector<16xi32>, vector<16xf32>
            } else {
              scf.yield %cond3A_890#0, %cond3A_890#1, %cond3A_890#2 : vector<16xf32>, vector<16xi32>, vector<16xf32>
            }
            %reduce_or3A_909 = arith.constant 1.000000e+00 : f32
            %reduce_or3A_910 = arith.constant 0.000000e+00 : f32
            %reduce_or3A_911 = vector.broadcast %reduce_or3A_909 : f32 to vector<16xf32>
            %reduce_or3A_912 = vector.broadcast %reduce_or3A_910 : f32 to vector<16xf32>
            %reduce_or3A_913 = arith.select %gt3A_452, %reduce_or3A_911, %reduce_or3A_912 : vector<16xi1>, vector<16xf32>
            %reduce_or3A_914 = arith.constant true
            %reduce_or3A_915 = vector.broadcast %reduce_or3A_914 : i1 to vector<16xi1>
            %reduce_or3A_916 = tpu.scan <max>, %reduce_or3A_913 masked %reduce_or3A_915 : vector<16xf32>, vector<16xi1> -> vector<16xf32>
            %reduce_or3A_917 = vector.extract %reduce_or3A_916[15] : f32 from vector<16xf32>
            %reduce_or3A_918 = arith.constant 0.000000e+00 : f32
            %reduce_or3A_919 = arith.cmpf ogt, %reduce_or3A_917, %reduce_or3A_918 : f32
            %add3A_920 = arith.addi %mul3A_93, %mul3A_147 : i32
            %add3A_921 = arith.constant 336 : i32
            %add3A_922 = arith.addi %add3A_920, %add3A_921 : i32
            %convert_element_type3A_923 = arith.extui %reduce_or3A_919 : i1 to i32
            %cond3A_924 = arith.constant 0 : i32
            %cond3A_925 = arith.cmpi ne, %convert_element_type3A_923, %cond3A_924 : i32
            %cond3A_926:3 = scf.if %cond3A_925 -> (vector<16xf32>, vector<16xi32>, vector<16xf32>) {
              %add3A_981 = vector.broadcast %add3A_922 : i32 to vector<16xi32>
              %add3A_982 = arith.addi %add3A_981, %iota3A : vector<16xi32>
              %jit3A = arith.constant -3.000000e+38 : f32
              %broadcast_in_dim3A_983 = vector.broadcast %jit3A : f32 to vector<16xf32>
              %select_n3A_984 = arith.select %gt3A_452, %add3A_451, %broadcast_in_dim3A_983 : vector<16xi1>, vector<16xf32>
              %masked_sort3A = arith.constant dense<true> : vector<16xi1>
              %masked_sort3A_985, %masked_sort3A_986, %masked_sort3A_987 = tpu.sort %select_n3A_984, %add3A_982 masked %masked_sort3A {descending = true} : (vector<16xf32>, vector<16xi32>, vector<16xi1>) -> (vector<16xi1>, vector<16xf32>, vector<16xi32>)
              %rev3A = arith.constant 15 : i32
              %rev3A_988 = vector.broadcast %rev3A : i32 to vector<16xi32>
              %rev3A_989 = tpu.iota {dimensions = array<i32: 0>} : vector<16xi32>
              %rev3A_990 = arith.subi %rev3A_988, %rev3A_989 : vector<16xi32>
              %rev3A_991 = tpu.dynamic_gather %masked_sort3A_986[%rev3A_990] in [0] : vector<16xf32>, vector<16xi32> -> vector<16xf32>
              %rev3A_992 = arith.constant 15 : i32
              %rev3A_993 = vector.broadcast %rev3A_992 : i32 to vector<16xi32>
              %rev3A_994 = tpu.iota {dimensions = array<i32: 0>} : vector<16xi32>
              %rev3A_995 = arith.subi %rev3A_993, %rev3A_994 : vector<16xi32>
              %rev3A_996 = tpu.dynamic_gather %masked_sort3A_987[%rev3A_995] in [0] : vector<16xi32>, vector<16xi32> -> vector<16xi32>
              %ge3A = arith.cmpf oge, %cond3A_908#0, %rev3A_991 : vector<16xf32>
              %select_n3A_997 = arith.select %ge3A, %cond3A_908#0, %rev3A_991 : vector<16xi1>, vector<16xf32>
              %select_n3A_998 = arith.select %ge3A, %cond3A_908#1, %rev3A_996 : vector<16xi1>, vector<16xi32>
              %masked_sort3A_999 = arith.constant dense<true> : vector<16xi1>
              %masked_sort3A_1000, %masked_sort3A_1001, %masked_sort3A_1002 = tpu.sort %select_n3A_997, %select_n3A_998 masked %masked_sort3A_999 {descending = true} : (vector<16xf32>, vector<16xi32>, vector<16xi1>) -> (vector<16xi1>, vector<16xf32>, vector<16xi32>)
              %broadcast_in_dim3A_1003 = arith.constant 15 : i32
              %broadcast_in_dim3A_1004 = vector.broadcast %broadcast_in_dim3A_1003 : i32 to vector<16x1xi32>
              %gather3A = vector.shape_cast %broadcast_in_dim3A_1004 : vector<16x1xi32> to vector<16xi32>
              %gather3A_1005 = tpu.dynamic_gather %masked_sort3A_1001[%gather3A] in [0] : vector<16xf32>, vector<16xi32> -> vector<16xf32>
              scf.yield %masked_sort3A_1001, %masked_sort3A_1002, %gather3A_1005 : vector<16xf32>, vector<16xi32>, vector<16xf32>
            } else {
              scf.yield %cond3A_908#0, %cond3A_908#1, %cond3A_908#2 : vector<16xf32>, vector<16xi32>, vector<16xf32>
            }
            %reduce_or3A_927 = arith.constant 1.000000e+00 : f32
            %reduce_or3A_928 = arith.constant 0.000000e+00 : f32
            %reduce_or3A_929 = vector.broadcast %reduce_or3A_927 : f32 to vector<16xf32>
            %reduce_or3A_930 = vector.broadcast %reduce_or3A_928 : f32 to vector<16xf32>
            %reduce_or3A_931 = arith.select %gt3A_466, %reduce_or3A_929, %reduce_or3A_930 : vector<16xi1>, vector<16xf32>
            %reduce_or3A_932 = arith.constant true
            %reduce_or3A_933 = vector.broadcast %reduce_or3A_932 : i1 to vector<16xi1>
            %reduce_or3A_934 = tpu.scan <max>, %reduce_or3A_931 masked %reduce_or3A_933 : vector<16xf32>, vector<16xi1> -> vector<16xf32>
            %reduce_or3A_935 = vector.extract %reduce_or3A_934[15] : f32 from vector<16xf32>
            %reduce_or3A_936 = arith.constant 0.000000e+00 : f32
            %reduce_or3A_937 = arith.cmpf ogt, %reduce_or3A_935, %reduce_or3A_936 : f32
            %add3A_938 = arith.addi %mul3A_93, %mul3A_147 : i32
            %add3A_939 = arith.constant 352 : i32
            %add3A_940 = arith.addi %add3A_938, %add3A_939 : i32
            %convert_element_type3A_941 = arith.extui %reduce_or3A_937 : i1 to i32
            %cond3A_942 = arith.constant 0 : i32
            %cond3A_943 = arith.cmpi ne, %convert_element_type3A_941, %cond3A_942 : i32
            %cond3A_944:3 = scf.if %cond3A_943 -> (vector<16xf32>, vector<16xi32>, vector<16xf32>) {
              %add3A_981 = vector.broadcast %add3A_940 : i32 to vector<16xi32>
              %add3A_982 = arith.addi %add3A_981, %iota3A : vector<16xi32>
              %jit3A = arith.constant -3.000000e+38 : f32
              %broadcast_in_dim3A_983 = vector.broadcast %jit3A : f32 to vector<16xf32>
              %select_n3A_984 = arith.select %gt3A_466, %add3A_465, %broadcast_in_dim3A_983 : vector<16xi1>, vector<16xf32>
              %masked_sort3A = arith.constant dense<true> : vector<16xi1>
              %masked_sort3A_985, %masked_sort3A_986, %masked_sort3A_987 = tpu.sort %select_n3A_984, %add3A_982 masked %masked_sort3A {descending = true} : (vector<16xf32>, vector<16xi32>, vector<16xi1>) -> (vector<16xi1>, vector<16xf32>, vector<16xi32>)
              %rev3A = arith.constant 15 : i32
              %rev3A_988 = vector.broadcast %rev3A : i32 to vector<16xi32>
              %rev3A_989 = tpu.iota {dimensions = array<i32: 0>} : vector<16xi32>
              %rev3A_990 = arith.subi %rev3A_988, %rev3A_989 : vector<16xi32>
              %rev3A_991 = tpu.dynamic_gather %masked_sort3A_986[%rev3A_990] in [0] : vector<16xf32>, vector<16xi32> -> vector<16xf32>
              %rev3A_992 = arith.constant 15 : i32
              %rev3A_993 = vector.broadcast %rev3A_992 : i32 to vector<16xi32>
              %rev3A_994 = tpu.iota {dimensions = array<i32: 0>} : vector<16xi32>
              %rev3A_995 = arith.subi %rev3A_993, %rev3A_994 : vector<16xi32>
              %rev3A_996 = tpu.dynamic_gather %masked_sort3A_987[%rev3A_995] in [0] : vector<16xi32>, vector<16xi32> -> vector<16xi32>
              %ge3A = arith.cmpf oge, %cond3A_926#0, %rev3A_991 : vector<16xf32>
              %select_n3A_997 = arith.select %ge3A, %cond3A_926#0, %rev3A_991 : vector<16xi1>, vector<16xf32>
              %select_n3A_998 = arith.select %ge3A, %cond3A_926#1, %rev3A_996 : vector<16xi1>, vector<16xi32>
              %masked_sort3A_999 = arith.constant dense<true> : vector<16xi1>
              %masked_sort3A_1000, %masked_sort3A_1001, %masked_sort3A_1002 = tpu.sort %select_n3A_997, %select_n3A_998 masked %masked_sort3A_999 {descending = true} : (vector<16xf32>, vector<16xi32>, vector<16xi1>) -> (vector<16xi1>, vector<16xf32>, vector<16xi32>)
              %broadcast_in_dim3A_1003 = arith.constant 15 : i32
              %broadcast_in_dim3A_1004 = vector.broadcast %broadcast_in_dim3A_1003 : i32 to vector<16x1xi32>
              %gather3A = vector.shape_cast %broadcast_in_dim3A_1004 : vector<16x1xi32> to vector<16xi32>
              %gather3A_1005 = tpu.dynamic_gather %masked_sort3A_1001[%gather3A] in [0] : vector<16xf32>, vector<16xi32> -> vector<16xf32>
              scf.yield %masked_sort3A_1001, %masked_sort3A_1002, %gather3A_1005 : vector<16xf32>, vector<16xi32>, vector<16xf32>
            } else {
              scf.yield %cond3A_926#0, %cond3A_926#1, %cond3A_926#2 : vector<16xf32>, vector<16xi32>, vector<16xf32>
            }
            %reduce_or3A_945 = arith.constant 1.000000e+00 : f32
            %reduce_or3A_946 = arith.constant 0.000000e+00 : f32
            %reduce_or3A_947 = vector.broadcast %reduce_or3A_945 : f32 to vector<16xf32>
            %reduce_or3A_948 = vector.broadcast %reduce_or3A_946 : f32 to vector<16xf32>
            %reduce_or3A_949 = arith.select %gt3A_480, %reduce_or3A_947, %reduce_or3A_948 : vector<16xi1>, vector<16xf32>
            %reduce_or3A_950 = arith.constant true
            %reduce_or3A_951 = vector.broadcast %reduce_or3A_950 : i1 to vector<16xi1>
            %reduce_or3A_952 = tpu.scan <max>, %reduce_or3A_949 masked %reduce_or3A_951 : vector<16xf32>, vector<16xi1> -> vector<16xf32>
            %reduce_or3A_953 = vector.extract %reduce_or3A_952[15] : f32 from vector<16xf32>
            %reduce_or3A_954 = arith.constant 0.000000e+00 : f32
            %reduce_or3A_955 = arith.cmpf ogt, %reduce_or3A_953, %reduce_or3A_954 : f32
            %add3A_956 = arith.addi %mul3A_93, %mul3A_147 : i32
            %add3A_957 = arith.constant 368 : i32
            %add3A_958 = arith.addi %add3A_956, %add3A_957 : i32
            %convert_element_type3A_959 = arith.extui %reduce_or3A_955 : i1 to i32
            %cond3A_960 = arith.constant 0 : i32
            %cond3A_961 = arith.cmpi ne, %convert_element_type3A_959, %cond3A_960 : i32
            %cond3A_962:3 = scf.if %cond3A_961 -> (vector<16xf32>, vector<16xi32>, vector<16xf32>) {
              %add3A_981 = vector.broadcast %add3A_958 : i32 to vector<16xi32>
              %add3A_982 = arith.addi %add3A_981, %iota3A : vector<16xi32>
              %jit3A = arith.constant -3.000000e+38 : f32
              %broadcast_in_dim3A_983 = vector.broadcast %jit3A : f32 to vector<16xf32>
              %select_n3A_984 = arith.select %gt3A_480, %add3A_479, %broadcast_in_dim3A_983 : vector<16xi1>, vector<16xf32>
              %masked_sort3A = arith.constant dense<true> : vector<16xi1>
              %masked_sort3A_985, %masked_sort3A_986, %masked_sort3A_987 = tpu.sort %select_n3A_984, %add3A_982 masked %masked_sort3A {descending = true} : (vector<16xf32>, vector<16xi32>, vector<16xi1>) -> (vector<16xi1>, vector<16xf32>, vector<16xi32>)
              %rev3A = arith.constant 15 : i32
              %rev3A_988 = vector.broadcast %rev3A : i32 to vector<16xi32>
              %rev3A_989 = tpu.iota {dimensions = array<i32: 0>} : vector<16xi32>
              %rev3A_990 = arith.subi %rev3A_988, %rev3A_989 : vector<16xi32>
              %rev3A_991 = tpu.dynamic_gather %masked_sort3A_986[%rev3A_990] in [0] : vector<16xf32>, vector<16xi32> -> vector<16xf32>
              %rev3A_992 = arith.constant 15 : i32
              %rev3A_993 = vector.broadcast %rev3A_992 : i32 to vector<16xi32>
              %rev3A_994 = tpu.iota {dimensions = array<i32: 0>} : vector<16xi32>
              %rev3A_995 = arith.subi %rev3A_993, %rev3A_994 : vector<16xi32>
              %rev3A_996 = tpu.dynamic_gather %masked_sort3A_987[%rev3A_995] in [0] : vector<16xi32>, vector<16xi32> -> vector<16xi32>
              %ge3A = arith.cmpf oge, %cond3A_944#0, %rev3A_991 : vector<16xf32>
              %select_n3A_997 = arith.select %ge3A, %cond3A_944#0, %rev3A_991 : vector<16xi1>, vector<16xf32>
              %select_n3A_998 = arith.select %ge3A, %cond3A_944#1, %rev3A_996 : vector<16xi1>, vector<16xi32>
              %masked_sort3A_999 = arith.constant dense<true> : vector<16xi1>
              %masked_sort3A_1000, %masked_sort3A_1001, %masked_sort3A_1002 = tpu.sort %select_n3A_997, %select_n3A_998 masked %masked_sort3A_999 {descending = true} : (vector<16xf32>, vector<16xi32>, vector<16xi1>) -> (vector<16xi1>, vector<16xf32>, vector<16xi32>)
              %broadcast_in_dim3A_1003 = arith.constant 15 : i32
              %broadcast_in_dim3A_1004 = vector.broadcast %broadcast_in_dim3A_1003 : i32 to vector<16x1xi32>
              %gather3A = vector.shape_cast %broadcast_in_dim3A_1004 : vector<16x1xi32> to vector<16xi32>
              %gather3A_1005 = tpu.dynamic_gather %masked_sort3A_1001[%gather3A] in [0] : vector<16xf32>, vector<16xi32> -> vector<16xf32>
              scf.yield %masked_sort3A_1001, %masked_sort3A_1002, %gather3A_1005 : vector<16xf32>, vector<16xi32>, vector<16xf32>
            } else {
              scf.yield %cond3A_944#0, %cond3A_944#1, %cond3A_944#2 : vector<16xf32>, vector<16xi32>, vector<16xf32>
            }
            %reduce_or3A_963 = arith.constant 1.000000e+00 : f32
            %reduce_or3A_964 = arith.constant 0.000000e+00 : f32
            %reduce_or3A_965 = vector.broadcast %reduce_or3A_963 : f32 to vector<16xf32>
            %reduce_or3A_966 = vector.broadcast %reduce_or3A_964 : f32 to vector<16xf32>
            %reduce_or3A_967 = arith.select %gt3A_494, %reduce_or3A_965, %reduce_or3A_966 : vector<16xi1>, vector<16xf32>
            %reduce_or3A_968 = arith.constant true
            %reduce_or3A_969 = vector.broadcast %reduce_or3A_968 : i1 to vector<16xi1>
            %reduce_or3A_970 = tpu.scan <max>, %reduce_or3A_967 masked %reduce_or3A_969 : vector<16xf32>, vector<16xi1> -> vector<16xf32>
            %reduce_or3A_971 = vector.extract %reduce_or3A_970[15] : f32 from vector<16xf32>
            %reduce_or3A_972 = arith.constant 0.000000e+00 : f32
            %reduce_or3A_973 = arith.cmpf ogt, %reduce_or3A_971, %reduce_or3A_972 : f32
            %add3A_974 = arith.addi %mul3A_93, %mul3A_147 : i32
            %add3A_975 = arith.constant 384 : i32
            %add3A_976 = arith.addi %add3A_974, %add3A_975 : i32
            %convert_element_type3A_977 = arith.extui %reduce_or3A_973 : i1 to i32
            %cond3A_978 = arith.constant 0 : i32
            %cond3A_979 = arith.cmpi ne, %convert_element_type3A_977, %cond3A_978 : i32
            %cond3A_980:3 = scf.if %cond3A_979 -> (vector<16xf32>, vector<16xi32>, vector<16xf32>) {
              %add3A_981 = vector.broadcast %add3A_976 : i32 to vector<16xi32>
              %add3A_982 = arith.addi %add3A_981, %iota3A : vector<16xi32>
              %jit3A = arith.constant -3.000000e+38 : f32
              %broadcast_in_dim3A_983 = vector.broadcast %jit3A : f32 to vector<16xf32>
              %select_n3A_984 = arith.select %gt3A_494, %add3A_493, %broadcast_in_dim3A_983 : vector<16xi1>, vector<16xf32>
              %masked_sort3A = arith.constant dense<true> : vector<16xi1>
              %masked_sort3A_985, %masked_sort3A_986, %masked_sort3A_987 = tpu.sort %select_n3A_984, %add3A_982 masked %masked_sort3A {descending = true} : (vector<16xf32>, vector<16xi32>, vector<16xi1>) -> (vector<16xi1>, vector<16xf32>, vector<16xi32>)
              %rev3A = arith.constant 15 : i32
              %rev3A_988 = vector.broadcast %rev3A : i32 to vector<16xi32>
              %rev3A_989 = tpu.iota {dimensions = array<i32: 0>} : vector<16xi32>
              %rev3A_990 = arith.subi %rev3A_988, %rev3A_989 : vector<16xi32>
              %rev3A_991 = tpu.dynamic_gather %masked_sort3A_986[%rev3A_990] in [0] : vector<16xf32>, vector<16xi32> -> vector<16xf32>
              %rev3A_992 = arith.constant 15 : i32
              %rev3A_993 = vector.broadcast %rev3A_992 : i32 to vector<16xi32>
              %rev3A_994 = tpu.iota {dimensions = array<i32: 0>} : vector<16xi32>
              %rev3A_995 = arith.subi %rev3A_993, %rev3A_994 : vector<16xi32>
              %rev3A_996 = tpu.dynamic_gather %masked_sort3A_987[%rev3A_995] in [0] : vector<16xi32>, vector<16xi32> -> vector<16xi32>
              %ge3A = arith.cmpf oge, %cond3A_962#0, %rev3A_991 : vector<16xf32>
              %select_n3A_997 = arith.select %ge3A, %cond3A_962#0, %rev3A_991 : vector<16xi1>, vector<16xf32>
              %select_n3A_998 = arith.select %ge3A, %cond3A_962#1, %rev3A_996 : vector<16xi1>, vector<16xi32>
              %masked_sort3A_999 = arith.constant dense<true> : vector<16xi1>
              %masked_sort3A_1000, %masked_sort3A_1001, %masked_sort3A_1002 = tpu.sort %select_n3A_997, %select_n3A_998 masked %masked_sort3A_999 {descending = true} : (vector<16xf32>, vector<16xi32>, vector<16xi1>) -> (vector<16xi1>, vector<16xf32>, vector<16xi32>)
              %broadcast_in_dim3A_1003 = arith.constant 15 : i32
              %broadcast_in_dim3A_1004 = vector.broadcast %broadcast_in_dim3A_1003 : i32 to vector<16x1xi32>
              %gather3A = vector.shape_cast %broadcast_in_dim3A_1004 : vector<16x1xi32> to vector<16xi32>
              %gather3A_1005 = tpu.dynamic_gather %masked_sort3A_1001[%gather3A] in [0] : vector<16xf32>, vector<16xi32> -> vector<16xf32>
              scf.yield %masked_sort3A_1001, %masked_sort3A_1002, %gather3A_1005 : vector<16xf32>, vector<16xi32>, vector<16xf32>
            } else {
              scf.yield %cond3A_962#0, %cond3A_962#1, %cond3A_962#2 : vector<16xf32>, vector<16xi32>, vector<16xf32>
            }
            scf.yield %cond3A_980#0, %cond3A_980#1, %cond3A_980#2 : vector<16xf32>, vector<16xi32>, vector<16xf32>
          } else {
            scf.yield %scan3A_143, %scan3A_144, %scan3A_145 : vector<16xf32>, vector<16xi32>, vector<16xf32>
          }
          scf.yield %cond3A_530#0, %cond3A_530#1, %cond3A_530#2 : vector<16xf32>, vector<16xi32>, vector<16xf32>
        }
        %scan3A_107 = arith.constant 25 : i32
        %eq3A = arith.constant 4 : i32
        %eq3A_108 = arith.cmpi eq, %scan3A_86, %eq3A : i32
        %add3A_109 = arith.addi %mul3A_39, %mul3A_93 : i32
        %add3A_110 = arith.constant 20000 : i32
        %add3A_111 = arith.addi %add3A_109, %add3A_110 : i32
        %select_n3A = arith.select %eq3A_108, %mul3A_47, %add3A_111 : i32
        %dma_start3A_112 = tpu.memref_slice %arg2[%select_n3A] : memref<25600000xf32, #tpu.memory_space<hbm>> -> memref<10000xf32, #tpu.memory_space<hbm>>
        %dma_start3A_113 = tpu.memref_slice %arg2[%select_n3A] : memref<25600000xf32, #tpu.memory_space<hbm>> -> memref<10000xf32, #tpu.memory_space<hbm>>
        tpu.enqueue_dma source(%dma_start3A_113 : memref<10000xf32, #tpu.memory_space<hbm>>) target(%arg7 : memref<10000xf32, #tpu.memory_space<vmem>>) target_semaphore(%arg15 : memref<!tpu.dma_semaphore, #tpu.memory_space<semaphore_mem>>)
        %dma_start3A_114 = tpu.memref_slice %arg3[%select_n3A] : memref<12800000xi32, #tpu.memory_space<hbm>> -> memref<10000xi32, #tpu.memory_space<hbm>>
        %dma_start3A_115 = tpu.memref_slice %arg3[%select_n3A] : memref<12800000xi32, #tpu.memory_space<hbm>> -> memref<10000xi32, #tpu.memory_space<hbm>>
        tpu.enqueue_dma source(%dma_start3A_115 : memref<10000xi32, #tpu.memory_space<hbm>>) target(%arg9 : memref<10000xi32, #tpu.memory_space<vmem>>) target_semaphore(%arg17 : memref<!tpu.dma_semaphore, #tpu.memory_space<semaphore_mem>>)
        %dma_wait3A_116 = arith.constant 0 : i32
        %dma_wait3A_117 = tpu.memref_slice %arg2[%dma_wait3A_116] : memref<25600000xf32, #tpu.memory_space<hbm>> -> memref<10000xf32, #tpu.memory_space<hbm>>
        %dma_wait3A_118 = arith.constant 0 : i32
        %dma_wait3A_119 = tpu.memref_slice %arg2[%dma_wait3A_118] : memref<25600000xf32, #tpu.memory_space<hbm>> -> memref<10000xf32, #tpu.memory_space<hbm>>
        tpu.wait_dma2 semaphore(%arg16 : memref<!tpu.dma_semaphore, #tpu.memory_space<semaphore_mem>>) src(%dma_wait3A_119 : memref<10000xf32, #tpu.memory_space<hbm>>) dst(%arg8 : memref<10000xf32, #tpu.memory_space<vmem>>)
        %dma_wait3A_120 = arith.constant 0 : i32
        %dma_wait3A_121 = tpu.memref_slice %arg3[%dma_wait3A_120] : memref<12800000xi32, #tpu.memory_space<hbm>> -> memref<10000xi32, #tpu.memory_space<hbm>>
        %dma_wait3A_122 = arith.constant 0 : i32
        %dma_wait3A_123 = tpu.memref_slice %arg3[%dma_wait3A_122] : memref<12800000xi32, #tpu.memory_space<hbm>> -> memref<10000xi32, #tpu.memory_space<hbm>>
        tpu.wait_dma2 semaphore(%arg18 : memref<!tpu.dma_semaphore, #tpu.memory_space<semaphore_mem>>) src(%dma_wait3A_123 : memref<10000xi32, #tpu.memory_space<hbm>>) dst(%arg10 : memref<10000xi32, #tpu.memory_space<vmem>>)
        %add3A_124 = arith.constant 10000 : i32
        %add3A_125 = arith.addi %mul3A_93, %add3A_124 : i32
        %scan3A_126 = arith.constant 0 : i32
        %scan3A_127 = arith.constant 25 : i32
        %scan3A_128 = arith.addi %scan3A_126, %scan3A_127 : i32
        %scan3A_129 = arith.constant 1 : i32
        %scan3A_130:3 = scf.for %scan3A_142 = %scan3A_126 to %scan3A_128 step %scan3A_129 iter_args(%scan3A_143 = %scan3A_106#0, %scan3A_144 = %scan3A_106#1, %scan3A_145 = %scan3A_106#2) -> (vector<16xf32>, vector<16xi32>, vector<16xf32>)  : i32 {
          %mul3A_146 = arith.constant 400 : i32
          %mul3A_147 = arith.muli %scan3A_142, %mul3A_146 : i32
          %add3A_148 = arith.constant 0 : i32
          %add3A_149 = arith.addi %mul3A_147, %add3A_148 : i32
          %get3A = arith.index_cast %add3A_149 : i32 to index
          %get3A_150 = tpu.vector_load %arg8[%get3A] {strides = array<i32>} : memref<10000xf32, #tpu.memory_space<vmem>>, vector<16xf32>,
          %add3A_151 = arith.constant 0 : i32
          %add3A_152 = arith.addi %mul3A_147, %add3A_151 : i32
          %get3A_153 = arith.index_cast %add3A_152 : i32 to index
          %get3A_154 = tpu.vector_load %arg10[%get3A_153] {strides = array<i32>} : memref<10000xi32, #tpu.memory_space<vmem>>, vector<16xi32>,
          %convert_element_type3A = arith.sitofp %get3A_154 : vector<16xi32> to vector<16xf32>
          %mul3A_155 = arith.constant 9.999990e+05 : f32
          %mul3A_156 = vector.broadcast %mul3A_155 : f32 to vector<16xf32>
          %mul3A_157 = arith.mulf %mul3A_156, %convert_element_type3A : vector<16xf32>
          %add3A_158 = arith.addf %get3A_150, %mul3A_157 : vector<16xf32>
          %gt3A = arith.cmpf ogt, %add3A_158, %scan3A_145 : vector<16xf32>
          %add3A_159 = arith.constant 16 : i32
          %add3A_160 = arith.addi %mul3A_147, %add3A_159 : i32
          %get3A_161 = arith.index_cast %add3A_160 : i32 to index
          %get3A_162 = tpu.vector_load %arg8[%get3A_161] {strides = array<i32>} : memref<10000xf32, #tpu.memory_space<vmem>>, vector<16xf32>,
          %add3A_163 = arith.constant 16 : i32
          %add3A_164 = arith.addi %mul3A_147, %add3A_163 : i32
          %get3A_165 = arith.index_cast %add3A_164 : i32 to index
          %get3A_166 = tpu.vector_load %arg10[%get3A_165] {strides = array<i32>} : memref<10000xi32, #tpu.memory_space<vmem>>, vector<16xi32>,
          %convert_element_type3A_167 = arith.sitofp %get3A_166 : vector<16xi32> to vector<16xf32>
          %mul3A_168 = arith.constant 9.999990e+05 : f32
          %mul3A_169 = vector.broadcast %mul3A_168 : f32 to vector<16xf32>
          %mul3A_170 = arith.mulf %mul3A_169, %convert_element_type3A_167 : vector<16xf32>
          %add3A_171 = arith.addf %get3A_162, %mul3A_170 : vector<16xf32>
          %gt3A_172 = arith.cmpf ogt, %add3A_171, %scan3A_145 : vector<16xf32>
          %add3A_173 = arith.constant 32 : i32
          %add3A_174 = arith.addi %mul3A_147, %add3A_173 : i32
          %get3A_175 = arith.index_cast %add3A_174 : i32 to index
          %get3A_176 = tpu.vector_load %arg8[%get3A_175] {strides = array<i32>} : memref<10000xf32, #tpu.memory_space<vmem>>, vector<16xf32>,
          %add3A_177 = arith.constant 32 : i32
          %add3A_178 = arith.addi %mul3A_147, %add3A_177 : i32
          %get3A_179 = arith.index_cast %add3A_178 : i32 to index
          %get3A_180 = tpu.vector_load %arg10[%get3A_179] {strides = array<i32>} : memref<10000xi32, #tpu.memory_space<vmem>>, vector<16xi32>,
          %convert_element_type3A_181 = arith.sitofp %get3A_180 : vector<16xi32> to vector<16xf32>
          %mul3A_182 = arith.constant 9.999990e+05 : f32
          %mul3A_183 = vector.broadcast %mul3A_182 : f32 to vector<16xf32>
          %mul3A_184 = arith.mulf %mul3A_183, %convert_element_type3A_181 : vector<16xf32>
          %add3A_185 = arith.addf %get3A_176, %mul3A_184 : vector<16xf32>
          %gt3A_186 = arith.cmpf ogt, %add3A_185, %scan3A_145 : vector<16xf32>
          %add3A_187 = arith.constant 48 : i32
          %add3A_188 = arith.addi %mul3A_147, %add3A_187 : i32
          %get3A_189 = arith.index_cast %add3A_188 : i32 to index
          %get3A_190 = tpu.vector_load %arg8[%get3A_189] {strides = array<i32>} : memref<10000xf32, #tpu.memory_space<vmem>>, vector<16xf32>,
          %add3A_191 = arith.constant 48 : i32
          %add3A_192 = arith.addi %mul3A_147, %add3A_191 : i32
          %get3A_193 = arith.index_cast %add3A_192 : i32 to index
          %get3A_194 = tpu.vector_load %arg10[%get3A_193] {strides = array<i32>} : memref<10000xi32, #tpu.memory_space<vmem>>, vector<16xi32>,
          %convert_element_type3A_195 = arith.sitofp %get3A_194 : vector<16xi32> to vector<16xf32>
          %mul3A_196 = arith.constant 9.999990e+05 : f32
          %mul3A_197 = vector.broadcast %mul3A_196 : f32 to vector<16xf32>
          %mul3A_198 = arith.mulf %mul3A_197, %convert_element_type3A_195 : vector<16xf32>
          %add3A_199 = arith.addf %get3A_190, %mul3A_198 : vector<16xf32>
          %gt3A_200 = arith.cmpf ogt, %add3A_199, %scan3A_145 : vector<16xf32>
          %add3A_201 = arith.constant 64 : i32
          %add3A_202 = arith.addi %mul3A_147, %add3A_201 : i32
          %get3A_203 = arith.index_cast %add3A_202 : i32 to index
          %get3A_204 = tpu.vector_load %arg8[%get3A_203] {strides = array<i32>} : memref<10000xf32, #tpu.memory_space<vmem>>, vector<16xf32>,
          %add3A_205 = arith.constant 64 : i32
          %add3A_206 = arith.addi %mul3A_147, %add3A_205 : i32
          %get3A_207 = arith.index_cast %add3A_206 : i32 to index
          %get3A_208 = tpu.vector_load %arg10[%get3A_207] {strides = array<i32>} : memref<10000xi32, #tpu.memory_space<vmem>>, vector<16xi32>,
          %convert_element_type3A_209 = arith.sitofp %get3A_208 : vector<16xi32> to vector<16xf32>
          %mul3A_210 = arith.constant 9.999990e+05 : f32
          %mul3A_211 = vector.broadcast %mul3A_210 : f32 to vector<16xf32>
          %mul3A_212 = arith.mulf %mul3A_211, %convert_element_type3A_209 : vector<16xf32>
          %add3A_213 = arith.addf %get3A_204, %mul3A_212 : vector<16xf32>
          %gt3A_214 = arith.cmpf ogt, %add3A_213, %scan3A_145 : vector<16xf32>
          %add3A_215 = arith.constant 80 : i32
          %add3A_216 = arith.addi %mul3A_147, %add3A_215 : i32
          %get3A_217 = arith.index_cast %add3A_216 : i32 to index
          %get3A_218 = tpu.vector_load %arg8[%get3A_217] {strides = array<i32>} : memref<10000xf32, #tpu.memory_space<vmem>>, vector<16xf32>,
          %add3A_219 = arith.constant 80 : i32
          %add3A_220 = arith.addi %mul3A_147, %add3A_219 : i32
          %get3A_221 = arith.index_cast %add3A_220 : i32 to index
          %get3A_222 = tpu.vector_load %arg10[%get3A_221] {strides = array<i32>} : memref<10000xi32, #tpu.memory_space<vmem>>, vector<16xi32>,
          %convert_element_type3A_223 = arith.sitofp %get3A_222 : vector<16xi32> to vector<16xf32>
          %mul3A_224 = arith.constant 9.999990e+05 : f32
          %mul3A_225 = vector.broadcast %mul3A_224 : f32 to vector<16xf32>
          %mul3A_226 = arith.mulf %mul3A_225, %convert_element_type3A_223 : vector<16xf32>
          %add3A_227 = arith.addf %get3A_218, %mul3A_226 : vector<16xf32>
          %gt3A_228 = arith.cmpf ogt, %add3A_227, %scan3A_145 : vector<16xf32>
          %add3A_229 = arith.constant 96 : i32
          %add3A_230 = arith.addi %mul3A_147, %add3A_229 : i32
          %get3A_231 = arith.index_cast %add3A_230 : i32 to index
          %get3A_232 = tpu.vector_load %arg8[%get3A_231] {strides = array<i32>} : memref<10000xf32, #tpu.memory_space<vmem>>, vector<16xf32>,
          %add3A_233 = arith.constant 96 : i32
          %add3A_234 = arith.addi %mul3A_147, %add3A_233 : i32
          %get3A_235 = arith.index_cast %add3A_234 : i32 to index
          %get3A_236 = tpu.vector_load %arg10[%get3A_235] {strides = array<i32>} : memref<10000xi32, #tpu.memory_space<vmem>>, vector<16xi32>,
          %convert_element_type3A_237 = arith.sitofp %get3A_236 : vector<16xi32> to vector<16xf32>
          %mul3A_238 = arith.constant 9.999990e+05 : f32
          %mul3A_239 = vector.broadcast %mul3A_238 : f32 to vector<16xf32>
          %mul3A_240 = arith.mulf %mul3A_239, %convert_element_type3A_237 : vector<16xf32>
          %add3A_241 = arith.addf %get3A_232, %mul3A_240 : vector<16xf32>
          %gt3A_242 = arith.cmpf ogt, %add3A_241, %scan3A_145 : vector<16xf32>
          %add3A_243 = arith.constant 112 : i32
          %add3A_244 = arith.addi %mul3A_147, %add3A_243 : i32
          %get3A_245 = arith.index_cast %add3A_244 : i32 to index
          %get3A_246 = tpu.vector_load %arg8[%get3A_245] {strides = array<i32>} : memref<10000xf32, #tpu.memory_space<vmem>>, vector<16xf32>,
          %add3A_247 = arith.constant 112 : i32
          %add3A_248 = arith.addi %mul3A_147, %add3A_247 : i32
          %get3A_249 = arith.index_cast %add3A_248 : i32 to index
          %get3A_250 = tpu.vector_load %arg10[%get3A_249] {strides = array<i32>} : memref<10000xi32, #tpu.memory_space<vmem>>, vector<16xi32>,
          %convert_element_type3A_251 = arith.sitofp %get3A_250 : vector<16xi32> to vector<16xf32>
          %mul3A_252 = arith.constant 9.999990e+05 : f32
          %mul3A_253 = vector.broadcast %mul3A_252 : f32 to vector<16xf32>
          %mul3A_254 = arith.mulf %mul3A_253, %convert_element_type3A_251 : vector<16xf32>
          %add3A_255 = arith.addf %get3A_246, %mul3A_254 : vector<16xf32>
          %gt3A_256 = arith.cmpf ogt, %add3A_255, %scan3A_145 : vector<16xf32>
          %add3A_257 = arith.constant 128 : i32
          %add3A_258 = arith.addi %mul3A_147, %add3A_257 : i32
          %get3A_259 = arith.index_cast %add3A_258 : i32 to index
          %get3A_260 = tpu.vector_load %arg8[%get3A_259] {strides = array<i32>} : memref<10000xf32, #tpu.memory_space<vmem>>, vector<16xf32>,
          %add3A_261 = arith.constant 128 : i32
          %add3A_262 = arith.addi %mul3A_147, %add3A_261 : i32
          %get3A_263 = arith.index_cast %add3A_262 : i32 to index
          %get3A_264 = tpu.vector_load %arg10[%get3A_263] {strides = array<i32>} : memref<10000xi32, #tpu.memory_space<vmem>>, vector<16xi32>,
          %convert_element_type3A_265 = arith.sitofp %get3A_264 : vector<16xi32> to vector<16xf32>
          %mul3A_266 = arith.constant 9.999990e+05 : f32
          %mul3A_267 = vector.broadcast %mul3A_266 : f32 to vector<16xf32>
          %mul3A_268 = arith.mulf %mul3A_267, %convert_element_type3A_265 : vector<16xf32>
          %add3A_269 = arith.addf %get3A_260, %mul3A_268 : vector<16xf32>
          %gt3A_270 = arith.cmpf ogt, %add3A_269, %scan3A_145 : vector<16xf32>
          %add3A_271 = arith.constant 144 : i32
          %add3A_272 = arith.addi %mul3A_147, %add3A_271 : i32
          %get3A_273 = arith.index_cast %add3A_272 : i32 to index
          %get3A_274 = tpu.vector_load %arg8[%get3A_273] {strides = array<i32>} : memref<10000xf32, #tpu.memory_space<vmem>>, vector<16xf32>,
          %add3A_275 = arith.constant 144 : i32
          %add3A_276 = arith.addi %mul3A_147, %add3A_275 : i32
          %get3A_277 = arith.index_cast %add3A_276 : i32 to index
          %get3A_278 = tpu.vector_load %arg10[%get3A_277] {strides = array<i32>} : memref<10000xi32, #tpu.memory_space<vmem>>, vector<16xi32>,
          %convert_element_type3A_279 = arith.sitofp %get3A_278 : vector<16xi32> to vector<16xf32>
          %mul3A_280 = arith.constant 9.999990e+05 : f32
          %mul3A_281 = vector.broadcast %mul3A_280 : f32 to vector<16xf32>
          %mul3A_282 = arith.mulf %mul3A_281, %convert_element_type3A_279 : vector<16xf32>
          %add3A_283 = arith.addf %get3A_274, %mul3A_282 : vector<16xf32>
          %gt3A_284 = arith.cmpf ogt, %add3A_283, %scan3A_145 : vector<16xf32>
          %add3A_285 = arith.constant 160 : i32
          %add3A_286 = arith.addi %mul3A_147, %add3A_285 : i32
          %get3A_287 = arith.index_cast %add3A_286 : i32 to index
          %get3A_288 = tpu.vector_load %arg8[%get3A_287] {strides = array<i32>} : memref<10000xf32, #tpu.memory_space<vmem>>, vector<16xf32>,
          %add3A_289 = arith.constant 160 : i32
          %add3A_290 = arith.addi %mul3A_147, %add3A_289 : i32
          %get3A_291 = arith.index_cast %add3A_290 : i32 to index
          %get3A_292 = tpu.vector_load %arg10[%get3A_291] {strides = array<i32>} : memref<10000xi32, #tpu.memory_space<vmem>>, vector<16xi32>,
          %convert_element_type3A_293 = arith.sitofp %get3A_292 : vector<16xi32> to vector<16xf32>
          %mul3A_294 = arith.constant 9.999990e+05 : f32
          %mul3A_295 = vector.broadcast %mul3A_294 : f32 to vector<16xf32>
          %mul3A_296 = arith.mulf %mul3A_295, %convert_element_type3A_293 : vector<16xf32>
          %add3A_297 = arith.addf %get3A_288, %mul3A_296 : vector<16xf32>
          %gt3A_298 = arith.cmpf ogt, %add3A_297, %scan3A_145 : vector<16xf32>
          %add3A_299 = arith.constant 176 : i32
          %add3A_300 = arith.addi %mul3A_147, %add3A_299 : i32
          %get3A_301 = arith.index_cast %add3A_300 : i32 to index
          %get3A_302 = tpu.vector_load %arg8[%get3A_301] {strides = array<i32>} : memref<10000xf32, #tpu.memory_space<vmem>>, vector<16xf32>,
          %add3A_303 = arith.constant 176 : i32
          %add3A_304 = arith.addi %mul3A_147, %add3A_303 : i32
          %get3A_305 = arith.index_cast %add3A_304 : i32 to index
          %get3A_306 = tpu.vector_load %arg10[%get3A_305] {strides = array<i32>} : memref<10000xi32, #tpu.memory_space<vmem>>, vector<16xi32>,
          %convert_element_type3A_307 = arith.sitofp %get3A_306 : vector<16xi32> to vector<16xf32>
          %mul3A_308 = arith.constant 9.999990e+05 : f32
          %mul3A_309 = vector.broadcast %mul3A_308 : f32 to vector<16xf32>
          %mul3A_310 = arith.mulf %mul3A_309, %convert_element_type3A_307 : vector<16xf32>
          %add3A_311 = arith.addf %get3A_302, %mul3A_310 : vector<16xf32>
          %gt3A_312 = arith.cmpf ogt, %add3A_311, %scan3A_145 : vector<16xf32>
          %add3A_313 = arith.constant 192 : i32
          %add3A_314 = arith.addi %mul3A_147, %add3A_313 : i32
          %get3A_315 = arith.index_cast %add3A_314 : i32 to index
          %get3A_316 = tpu.vector_load %arg8[%get3A_315] {strides = array<i32>} : memref<10000xf32, #tpu.memory_space<vmem>>, vector<16xf32>,
          %add3A_317 = arith.constant 192 : i32
          %add3A_318 = arith.addi %mul3A_147, %add3A_317 : i32
          %get3A_319 = arith.index_cast %add3A_318 : i32 to index
          %get3A_320 = tpu.vector_load %arg10[%get3A_319] {strides = array<i32>} : memref<10000xi32, #tpu.memory_space<vmem>>, vector<16xi32>,
          %convert_element_type3A_321 = arith.sitofp %get3A_320 : vector<16xi32> to vector<16xf32>
          %mul3A_322 = arith.constant 9.999990e+05 : f32
          %mul3A_323 = vector.broadcast %mul3A_322 : f32 to vector<16xf32>
          %mul3A_324 = arith.mulf %mul3A_323, %convert_element_type3A_321 : vector<16xf32>
          %add3A_325 = arith.addf %get3A_316, %mul3A_324 : vector<16xf32>
          %gt3A_326 = arith.cmpf ogt, %add3A_325, %scan3A_145 : vector<16xf32>
          %add3A_327 = arith.constant 208 : i32
          %add3A_328 = arith.addi %mul3A_147, %add3A_327 : i32
          %get3A_329 = arith.index_cast %add3A_328 : i32 to index
          %get3A_330 = tpu.vector_load %arg8[%get3A_329] {strides = array<i32>} : memref<10000xf32, #tpu.memory_space<vmem>>, vector<16xf32>,
          %add3A_331 = arith.constant 208 : i32
          %add3A_332 = arith.addi %mul3A_147, %add3A_331 : i32
          %get3A_333 = arith.index_cast %add3A_332 : i32 to index
          %get3A_334 = tpu.vector_load %arg10[%get3A_333] {strides = array<i32>} : memref<10000xi32, #tpu.memory_space<vmem>>, vector<16xi32>,
          %convert_element_type3A_335 = arith.sitofp %get3A_334 : vector<16xi32> to vector<16xf32>
          %mul3A_336 = arith.constant 9.999990e+05 : f32
          %mul3A_337 = vector.broadcast %mul3A_336 : f32 to vector<16xf32>
          %mul3A_338 = arith.mulf %mul3A_337, %convert_element_type3A_335 : vector<16xf32>
          %add3A_339 = arith.addf %get3A_330, %mul3A_338 : vector<16xf32>
          %gt3A_340 = arith.cmpf ogt, %add3A_339, %scan3A_145 : vector<16xf32>
          %add3A_341 = arith.constant 224 : i32
          %add3A_342 = arith.addi %mul3A_147, %add3A_341 : i32
          %get3A_343 = arith.index_cast %add3A_342 : i32 to index
          %get3A_344 = tpu.vector_load %arg8[%get3A_343] {strides = array<i32>} : memref<10000xf32, #tpu.memory_space<vmem>>, vector<16xf32>,
          %add3A_345 = arith.constant 224 : i32
          %add3A_346 = arith.addi %mul3A_147, %add3A_345 : i32
          %get3A_347 = arith.index_cast %add3A_346 : i32 to index
          %get3A_348 = tpu.vector_load %arg10[%get3A_347] {strides = array<i32>} : memref<10000xi32, #tpu.memory_space<vmem>>, vector<16xi32>,
          %convert_element_type3A_349 = arith.sitofp %get3A_348 : vector<16xi32> to vector<16xf32>
          %mul3A_350 = arith.constant 9.999990e+05 : f32
          %mul3A_351 = vector.broadcast %mul3A_350 : f32 to vector<16xf32>
          %mul3A_352 = arith.mulf %mul3A_351, %convert_element_type3A_349 : vector<16xf32>
          %add3A_353 = arith.addf %get3A_344, %mul3A_352 : vector<16xf32>
          %gt3A_354 = arith.cmpf ogt, %add3A_353, %scan3A_145 : vector<16xf32>
          %add3A_355 = arith.constant 240 : i32
          %add3A_356 = arith.addi %mul3A_147, %add3A_355 : i32
          %get3A_357 = arith.index_cast %add3A_356 : i32 to index
          %get3A_358 = tpu.vector_load %arg8[%get3A_357] {strides = array<i32>} : memref<10000xf32, #tpu.memory_space<vmem>>, vector<16xf32>,
          %add3A_359 = arith.constant 240 : i32
          %add3A_360 = arith.addi %mul3A_147, %add3A_359 : i32
          %get3A_361 = arith.index_cast %add3A_360 : i32 to index
          %get3A_362 = tpu.vector_load %arg10[%get3A_361] {strides = array<i32>} : memref<10000xi32, #tpu.memory_space<vmem>>, vector<16xi32>,
          %convert_element_type3A_363 = arith.sitofp %get3A_362 : vector<16xi32> to vector<16xf32>
          %mul3A_364 = arith.constant 9.999990e+05 : f32
          %mul3A_365 = vector.broadcast %mul3A_364 : f32 to vector<16xf32>
          %mul3A_366 = arith.mulf %mul3A_365, %convert_element_type3A_363 : vector<16xf32>
          %add3A_367 = arith.addf %get3A_358, %mul3A_366 : vector<16xf32>
          %gt3A_368 = arith.cmpf ogt, %add3A_367, %scan3A_145 : vector<16xf32>
          %add3A_369 = arith.constant 256 : i32
          %add3A_370 = arith.addi %mul3A_147, %add3A_369 : i32
          %get3A_371 = arith.index_cast %add3A_370 : i32 to index
          %get3A_372 = tpu.vector_load %arg8[%get3A_371] {strides = array<i32>} : memref<10000xf32, #tpu.memory_space<vmem>>, vector<16xf32>,
          %add3A_373 = arith.constant 256 : i32
          %add3A_374 = arith.addi %mul3A_147, %add3A_373 : i32
          %get3A_375 = arith.index_cast %add3A_374 : i32 to index
          %get3A_376 = tpu.vector_load %arg10[%get3A_375] {strides = array<i32>} : memref<10000xi32, #tpu.memory_space<vmem>>, vector<16xi32>,
          %convert_element_type3A_377 = arith.sitofp %get3A_376 : vector<16xi32> to vector<16xf32>
          %mul3A_378 = arith.constant 9.999990e+05 : f32
          %mul3A_379 = vector.broadcast %mul3A_378 : f32 to vector<16xf32>
          %mul3A_380 = arith.mulf %mul3A_379, %convert_element_type3A_377 : vector<16xf32>
          %add3A_381 = arith.addf %get3A_372, %mul3A_380 : vector<16xf32>
          %gt3A_382 = arith.cmpf ogt, %add3A_381, %scan3A_145 : vector<16xf32>
          %add3A_383 = arith.constant 272 : i32
          %add3A_384 = arith.addi %mul3A_147, %add3A_383 : i32
          %get3A_385 = arith.index_cast %add3A_384 : i32 to index
          %get3A_386 = tpu.vector_load %arg8[%get3A_385] {strides = array<i32>} : memref<10000xf32, #tpu.memory_space<vmem>>, vector<16xf32>,
          %add3A_387 = arith.constant 272 : i32
          %add3A_388 = arith.addi %mul3A_147, %add3A_387 : i32
          %get3A_389 = arith.index_cast %add3A_388 : i32 to index
          %get3A_390 = tpu.vector_load %arg10[%get3A_389] {strides = array<i32>} : memref<10000xi32, #tpu.memory_space<vmem>>, vector<16xi32>,
          %convert_element_type3A_391 = arith.sitofp %get3A_390 : vector<16xi32> to vector<16xf32>
          %mul3A_392 = arith.constant 9.999990e+05 : f32
          %mul3A_393 = vector.broadcast %mul3A_392 : f32 to vector<16xf32>
          %mul3A_394 = arith.mulf %mul3A_393, %convert_element_type3A_391 : vector<16xf32>
          %add3A_395 = arith.addf %get3A_386, %mul3A_394 : vector<16xf32>
          %gt3A_396 = arith.cmpf ogt, %add3A_395, %scan3A_145 : vector<16xf32>
          %add3A_397 = arith.constant 288 : i32
          %add3A_398 = arith.addi %mul3A_147, %add3A_397 : i32
          %get3A_399 = arith.index_cast %add3A_398 : i32 to index
          %get3A_400 = tpu.vector_load %arg8[%get3A_399] {strides = array<i32>} : memref<10000xf32, #tpu.memory_space<vmem>>, vector<16xf32>,
          %add3A_401 = arith.constant 288 : i32
          %add3A_402 = arith.addi %mul3A_147, %add3A_401 : i32
          %get3A_403 = arith.index_cast %add3A_402 : i32 to index
          %get3A_404 = tpu.vector_load %arg10[%get3A_403] {strides = array<i32>} : memref<10000xi32, #tpu.memory_space<vmem>>, vector<16xi32>,
          %convert_element_type3A_405 = arith.sitofp %get3A_404 : vector<16xi32> to vector<16xf32>
          %mul3A_406 = arith.constant 9.999990e+05 : f32
          %mul3A_407 = vector.broadcast %mul3A_406 : f32 to vector<16xf32>
          %mul3A_408 = arith.mulf %mul3A_407, %convert_element_type3A_405 : vector<16xf32>
          %add3A_409 = arith.addf %get3A_400, %mul3A_408 : vector<16xf32>
          %gt3A_410 = arith.cmpf ogt, %add3A_409, %scan3A_145 : vector<16xf32>
          %add3A_411 = arith.constant 304 : i32
          %add3A_412 = arith.addi %mul3A_147, %add3A_411 : i32
          %get3A_413 = arith.index_cast %add3A_412 : i32 to index
          %get3A_414 = tpu.vector_load %arg8[%get3A_413] {strides = array<i32>} : memref<10000xf32, #tpu.memory_space<vmem>>, vector<16xf32>,
          %add3A_415 = arith.constant 304 : i32
          %add3A_416 = arith.addi %mul3A_147, %add3A_415 : i32
          %get3A_417 = arith.index_cast %add3A_416 : i32 to index
          %get3A_418 = tpu.vector_load %arg10[%get3A_417] {strides = array<i32>} : memref<10000xi32, #tpu.memory_space<vmem>>, vector<16xi32>,
          %convert_element_type3A_419 = arith.sitofp %get3A_418 : vector<16xi32> to vector<16xf32>
          %mul3A_420 = arith.constant 9.999990e+05 : f32
          %mul3A_421 = vector.broadcast %mul3A_420 : f32 to vector<16xf32>
          %mul3A_422 = arith.mulf %mul3A_421, %convert_element_type3A_419 : vector<16xf32>
          %add3A_423 = arith.addf %get3A_414, %mul3A_422 : vector<16xf32>
          %gt3A_424 = arith.cmpf ogt, %add3A_423, %scan3A_145 : vector<16xf32>
          %add3A_425 = arith.constant 320 : i32
          %add3A_426 = arith.addi %mul3A_147, %add3A_425 : i32
          %get3A_427 = arith.index_cast %add3A_426 : i32 to index
          %get3A_428 = tpu.vector_load %arg8[%get3A_427] {strides = array<i32>} : memref<10000xf32, #tpu.memory_space<vmem>>, vector<16xf32>,
          %add3A_429 = arith.constant 320 : i32
          %add3A_430 = arith.addi %mul3A_147, %add3A_429 : i32
          %get3A_431 = arith.index_cast %add3A_430 : i32 to index
          %get3A_432 = tpu.vector_load %arg10[%get3A_431] {strides = array<i32>} : memref<10000xi32, #tpu.memory_space<vmem>>, vector<16xi32>,
          %convert_element_type3A_433 = arith.sitofp %get3A_432 : vector<16xi32> to vector<16xf32>
          %mul3A_434 = arith.constant 9.999990e+05 : f32
          %mul3A_435 = vector.broadcast %mul3A_434 : f32 to vector<16xf32>
          %mul3A_436 = arith.mulf %mul3A_435, %convert_element_type3A_433 : vector<16xf32>
          %add3A_437 = arith.addf %get3A_428, %mul3A_436 : vector<16xf32>
          %gt3A_438 = arith.cmpf ogt, %add3A_437, %scan3A_145 : vector<16xf32>
          %add3A_439 = arith.constant 336 : i32
          %add3A_440 = arith.addi %mul3A_147, %add3A_439 : i32
          %get3A_441 = arith.index_cast %add3A_440 : i32 to index
          %get3A_442 = tpu.vector_load %arg8[%get3A_441] {strides = array<i32>} : memref<10000xf32, #tpu.memory_space<vmem>>, vector<16xf32>,
          %add3A_443 = arith.constant 336 : i32
          %add3A_444 = arith.addi %mul3A_147, %add3A_443 : i32
          %get3A_445 = arith.index_cast %add3A_444 : i32 to index
          %get3A_446 = tpu.vector_load %arg10[%get3A_445] {strides = array<i32>} : memref<10000xi32, #tpu.memory_space<vmem>>, vector<16xi32>,
          %convert_element_type3A_447 = arith.sitofp %get3A_446 : vector<16xi32> to vector<16xf32>
          %mul3A_448 = arith.constant 9.999990e+05 : f32
          %mul3A_449 = vector.broadcast %mul3A_448 : f32 to vector<16xf32>
          %mul3A_450 = arith.mulf %mul3A_449, %convert_element_type3A_447 : vector<16xf32>
          %add3A_451 = arith.addf %get3A_442, %mul3A_450 : vector<16xf32>
          %gt3A_452 = arith.cmpf ogt, %add3A_451, %scan3A_145 : vector<16xf32>
          %add3A_453 = arith.constant 352 : i32
          %add3A_454 = arith.addi %mul3A_147, %add3A_453 : i32
          %get3A_455 = arith.index_cast %add3A_454 : i32 to index
          %get3A_456 = tpu.vector_load %arg8[%get3A_455] {strides = array<i32>} : memref<10000xf32, #tpu.memory_space<vmem>>, vector<16xf32>,
          %add3A_457 = arith.constant 352 : i32
          %add3A_458 = arith.addi %mul3A_147, %add3A_457 : i32
          %get3A_459 = arith.index_cast %add3A_458 : i32 to index
          %get3A_460 = tpu.vector_load %arg10[%get3A_459] {strides = array<i32>} : memref<10000xi32, #tpu.memory_space<vmem>>, vector<16xi32>,
          %convert_element_type3A_461 = arith.sitofp %get3A_460 : vector<16xi32> to vector<16xf32>
          %mul3A_462 = arith.constant 9.999990e+05 : f32
          %mul3A_463 = vector.broadcast %mul3A_462 : f32 to vector<16xf32>
          %mul3A_464 = arith.mulf %mul3A_463, %convert_element_type3A_461 : vector<16xf32>
          %add3A_465 = arith.addf %get3A_456, %mul3A_464 : vector<16xf32>
          %gt3A_466 = arith.cmpf ogt, %add3A_465, %scan3A_145 : vector<16xf32>
          %add3A_467 = arith.constant 368 : i32
          %add3A_468 = arith.addi %mul3A_147, %add3A_467 : i32
          %get3A_469 = arith.index_cast %add3A_468 : i32 to index
          %get3A_470 = tpu.vector_load %arg8[%get3A_469] {strides = array<i32>} : memref<10000xf32, #tpu.memory_space<vmem>>, vector<16xf32>,
          %add3A_471 = arith.constant 368 : i32
          %add3A_472 = arith.addi %mul3A_147, %add3A_471 : i32
          %get3A_473 = arith.index_cast %add3A_472 : i32 to index
          %get3A_474 = tpu.vector_load %arg10[%get3A_473] {strides = array<i32>} : memref<10000xi32, #tpu.memory_space<vmem>>, vector<16xi32>,
          %convert_element_type3A_475 = arith.sitofp %get3A_474 : vector<16xi32> to vector<16xf32>
          %mul3A_476 = arith.constant 9.999990e+05 : f32
          %mul3A_477 = vector.broadcast %mul3A_476 : f32 to vector<16xf32>
          %mul3A_478 = arith.mulf %mul3A_477, %convert_element_type3A_475 : vector<16xf32>
          %add3A_479 = arith.addf %get3A_470, %mul3A_478 : vector<16xf32>
          %gt3A_480 = arith.cmpf ogt, %add3A_479, %scan3A_145 : vector<16xf32>
          %add3A_481 = arith.constant 384 : i32
          %add3A_482 = arith.addi %mul3A_147, %add3A_481 : i32
          %get3A_483 = arith.index_cast %add3A_482 : i32 to index
          %get3A_484 = tpu.vector_load %arg8[%get3A_483] {strides = array<i32>} : memref<10000xf32, #tpu.memory_space<vmem>>, vector<16xf32>,
          %add3A_485 = arith.constant 384 : i32
          %add3A_486 = arith.addi %mul3A_147, %add3A_485 : i32
          %get3A_487 = arith.index_cast %add3A_486 : i32 to index
          %get3A_488 = tpu.vector_load %arg10[%get3A_487] {strides = array<i32>} : memref<10000xi32, #tpu.memory_space<vmem>>, vector<16xi32>,
          %convert_element_type3A_489 = arith.sitofp %get3A_488 : vector<16xi32> to vector<16xf32>
          %mul3A_490 = arith.constant 9.999990e+05 : f32
          %mul3A_491 = vector.broadcast %mul3A_490 : f32 to vector<16xf32>
          %mul3A_492 = arith.mulf %mul3A_491, %convert_element_type3A_489 : vector<16xf32>
          %add3A_493 = arith.addf %get3A_484, %mul3A_492 : vector<16xf32>
          %gt3A_494 = arith.cmpf ogt, %add3A_493, %scan3A_145 : vector<16xf32>
          %or3A = arith.ori %gt3A, %gt3A_172 : vector<16xi1>
          %or3A_495 = arith.ori %or3A, %gt3A_186 : vector<16xi1>
          %or3A_496 = arith.ori %or3A_495, %gt3A_200 : vector<16xi1>
          %or3A_497 = arith.ori %or3A_496, %gt3A_214 : vector<16xi1>
          %or3A_498 = arith.ori %or3A_497, %gt3A_228 : vector<16xi1>
          %or3A_499 = arith.ori %or3A_498, %gt3A_242 : vector<16xi1>
          %or3A_500 = arith.ori %or3A_499, %gt3A_256 : vector<16xi1>
          %or3A_501 = arith.ori %or3A_500, %gt3A_270 : vector<16xi1>
          %or3A_502 = arith.ori %or3A_501, %gt3A_284 : vector<16xi1>
          %or3A_503 = arith.ori %or3A_502, %gt3A_298 : vector<16xi1>
          %or3A_504 = arith.ori %or3A_503, %gt3A_312 : vector<16xi1>
          %or3A_505 = arith.ori %or3A_504, %gt3A_326 : vector<16xi1>
          %or3A_506 = arith.ori %or3A_505, %gt3A_340 : vector<16xi1>
          %or3A_507 = arith.ori %or3A_506, %gt3A_354 : vector<16xi1>
          %or3A_508 = arith.ori %or3A_507, %gt3A_368 : vector<16xi1>
          %or3A_509 = arith.ori %or3A_508, %gt3A_382 : vector<16xi1>
          %or3A_510 = arith.ori %or3A_509, %gt3A_396 : vector<16xi1>
          %or3A_511 = arith.ori %or3A_510, %gt3A_410 : vector<16xi1>
          %or3A_512 = arith.ori %or3A_511, %gt3A_424 : vector<16xi1>
          %or3A_513 = arith.ori %or3A_512, %gt3A_438 : vector<16xi1>
          %or3A_514 = arith.ori %or3A_513, %gt3A_452 : vector<16xi1>
          %or3A_515 = arith.ori %or3A_514, %gt3A_466 : vector<16xi1>
          %or3A_516 = arith.ori %or3A_515, %gt3A_480 : vector<16xi1>
          %or3A_517 = arith.ori %or3A_516, %gt3A_494 : vector<16xi1>
          %reduce_or3A = arith.constant 1.000000e+00 : f32
          %reduce_or3A_518 = arith.constant 0.000000e+00 : f32
          %reduce_or3A_519 = vector.broadcast %reduce_or3A : f32 to vector<16xf32>
          %reduce_or3A_520 = vector.broadcast %reduce_or3A_518 : f32 to vector<16xf32>
          %reduce_or3A_521 = arith.select %or3A_517, %reduce_or3A_519, %reduce_or3A_520 : vector<16xi1>, vector<16xf32>
          %reduce_or3A_522 = arith.constant true
          %reduce_or3A_523 = vector.broadcast %reduce_or3A_522 : i1 to vector<16xi1>
          %reduce_or3A_524 = tpu.scan <max>, %reduce_or3A_521 masked %reduce_or3A_523 : vector<16xf32>, vector<16xi1> -> vector<16xf32>
          %reduce_or3A_525 = vector.extract %reduce_or3A_524[15] : f32 from vector<16xf32>
          %reduce_or3A_526 = arith.constant 0.000000e+00 : f32
          %reduce_or3A_527 = arith.cmpf ogt, %reduce_or3A_525, %reduce_or3A_526 : f32
          %convert_element_type3A_528 = arith.extui %reduce_or3A_527 : i1 to i32
          %cond3A = arith.constant 0 : i32
          %cond3A_529 = arith.cmpi ne, %convert_element_type3A_528, %cond3A : i32
          %cond3A_530:3 = scf.if %cond3A_529 -> (vector<16xf32>, vector<16xi32>, vector<16xf32>) {
            %reduce_or3A_531 = arith.constant 1.000000e+00 : f32
            %reduce_or3A_532 = arith.constant 0.000000e+00 : f32
            %reduce_or3A_533 = vector.broadcast %reduce_or3A_531 : f32 to vector<16xf32>
            %reduce_or3A_534 = vector.broadcast %reduce_or3A_532 : f32 to vector<16xf32>
            %reduce_or3A_535 = arith.select %gt3A, %reduce_or3A_533, %reduce_or3A_534 : vector<16xi1>, vector<16xf32>
            %reduce_or3A_536 = arith.constant true
            %reduce_or3A_537 = vector.broadcast %reduce_or3A_536 : i1 to vector<16xi1>
            %reduce_or3A_538 = tpu.scan <max>, %reduce_or3A_535 masked %reduce_or3A_537 : vector<16xf32>, vector<16xi1> -> vector<16xf32>
            %reduce_or3A_539 = vector.extract %reduce_or3A_538[15] : f32 from vector<16xf32>
            %reduce_or3A_540 = arith.constant 0.000000e+00 : f32
            %reduce_or3A_541 = arith.cmpf ogt, %reduce_or3A_539, %reduce_or3A_540 : f32
            %add3A_542 = arith.addi %add3A_125, %mul3A_147 : i32
            %add3A_543 = arith.constant 0 : i32
            %add3A_544 = arith.addi %add3A_542, %add3A_543 : i32
            %convert_element_type3A_545 = arith.extui %reduce_or3A_541 : i1 to i32
            %cond3A_546 = arith.constant 0 : i32
            %cond3A_547 = arith.cmpi ne, %convert_element_type3A_545, %cond3A_546 : i32
            %cond3A_548:3 = scf.if %cond3A_547 -> (vector<16xf32>, vector<16xi32>, vector<16xf32>) {
              %add3A_981 = vector.broadcast %add3A_544 : i32 to vector<16xi32>
              %add3A_982 = arith.addi %add3A_981, %iota3A : vector<16xi32>
              %jit3A = arith.constant -3.000000e+38 : f32
              %broadcast_in_dim3A_983 = vector.broadcast %jit3A : f32 to vector<16xf32>
              %select_n3A_984 = arith.select %gt3A, %add3A_158, %broadcast_in_dim3A_983 : vector<16xi1>, vector<16xf32>
              %masked_sort3A = arith.constant dense<true> : vector<16xi1>
              %masked_sort3A_985, %masked_sort3A_986, %masked_sort3A_987 = tpu.sort %select_n3A_984, %add3A_982 masked %masked_sort3A {descending = true} : (vector<16xf32>, vector<16xi32>, vector<16xi1>) -> (vector<16xi1>, vector<16xf32>, vector<16xi32>)
              %rev3A = arith.constant 15 : i32
              %rev3A_988 = vector.broadcast %rev3A : i32 to vector<16xi32>
              %rev3A_989 = tpu.iota {dimensions = array<i32: 0>} : vector<16xi32>
              %rev3A_990 = arith.subi %rev3A_988, %rev3A_989 : vector<16xi32>
              %rev3A_991 = tpu.dynamic_gather %masked_sort3A_986[%rev3A_990] in [0] : vector<16xf32>, vector<16xi32> -> vector<16xf32>
              %rev3A_992 = arith.constant 15 : i32
              %rev3A_993 = vector.broadcast %rev3A_992 : i32 to vector<16xi32>
              %rev3A_994 = tpu.iota {dimensions = array<i32: 0>} : vector<16xi32>
              %rev3A_995 = arith.subi %rev3A_993, %rev3A_994 : vector<16xi32>
              %rev3A_996 = tpu.dynamic_gather %masked_sort3A_987[%rev3A_995] in [0] : vector<16xi32>, vector<16xi32> -> vector<16xi32>
              %ge3A = arith.cmpf oge, %scan3A_143, %rev3A_991 : vector<16xf32>
              %select_n3A_997 = arith.select %ge3A, %scan3A_143, %rev3A_991 : vector<16xi1>, vector<16xf32>
              %select_n3A_998 = arith.select %ge3A, %scan3A_144, %rev3A_996 : vector<16xi1>, vector<16xi32>
              %masked_sort3A_999 = arith.constant dense<true> : vector<16xi1>
              %masked_sort3A_1000, %masked_sort3A_1001, %masked_sort3A_1002 = tpu.sort %select_n3A_997, %select_n3A_998 masked %masked_sort3A_999 {descending = true} : (vector<16xf32>, vector<16xi32>, vector<16xi1>) -> (vector<16xi1>, vector<16xf32>, vector<16xi32>)
              %broadcast_in_dim3A_1003 = arith.constant 15 : i32
              %broadcast_in_dim3A_1004 = vector.broadcast %broadcast_in_dim3A_1003 : i32 to vector<16x1xi32>
              %gather3A = vector.shape_cast %broadcast_in_dim3A_1004 : vector<16x1xi32> to vector<16xi32>
              %gather3A_1005 = tpu.dynamic_gather %masked_sort3A_1001[%gather3A] in [0] : vector<16xf32>, vector<16xi32> -> vector<16xf32>
              scf.yield %masked_sort3A_1001, %masked_sort3A_1002, %gather3A_1005 : vector<16xf32>, vector<16xi32>, vector<16xf32>
            } else {
              scf.yield %scan3A_143, %scan3A_144, %scan3A_145 : vector<16xf32>, vector<16xi32>, vector<16xf32>
            }
            %reduce_or3A_549 = arith.constant 1.000000e+00 : f32
            %reduce_or3A_550 = arith.constant 0.000000e+00 : f32
            %reduce_or3A_551 = vector.broadcast %reduce_or3A_549 : f32 to vector<16xf32>
            %reduce_or3A_552 = vector.broadcast %reduce_or3A_550 : f32 to vector<16xf32>
            %reduce_or3A_553 = arith.select %gt3A_172, %reduce_or3A_551, %reduce_or3A_552 : vector<16xi1>, vector<16xf32>
            %reduce_or3A_554 = arith.constant true
            %reduce_or3A_555 = vector.broadcast %reduce_or3A_554 : i1 to vector<16xi1>
            %reduce_or3A_556 = tpu.scan <max>, %reduce_or3A_553 masked %reduce_or3A_555 : vector<16xf32>, vector<16xi1> -> vector<16xf32>
            %reduce_or3A_557 = vector.extract %reduce_or3A_556[15] : f32 from vector<16xf32>
            %reduce_or3A_558 = arith.constant 0.000000e+00 : f32
            %reduce_or3A_559 = arith.cmpf ogt, %reduce_or3A_557, %reduce_or3A_558 : f32
            %add3A_560 = arith.addi %add3A_125, %mul3A_147 : i32
            %add3A_561 = arith.constant 16 : i32
            %add3A_562 = arith.addi %add3A_560, %add3A_561 : i32
            %convert_element_type3A_563 = arith.extui %reduce_or3A_559 : i1 to i32
            %cond3A_564 = arith.constant 0 : i32
            %cond3A_565 = arith.cmpi ne, %convert_element_type3A_563, %cond3A_564 : i32
            %cond3A_566:3 = scf.if %cond3A_565 -> (vector<16xf32>, vector<16xi32>, vector<16xf32>) {
              %add3A_981 = vector.broadcast %add3A_562 : i32 to vector<16xi32>
              %add3A_982 = arith.addi %add3A_981, %iota3A : vector<16xi32>
              %jit3A = arith.constant -3.000000e+38 : f32
              %broadcast_in_dim3A_983 = vector.broadcast %jit3A : f32 to vector<16xf32>
              %select_n3A_984 = arith.select %gt3A_172, %add3A_171, %broadcast_in_dim3A_983 : vector<16xi1>, vector<16xf32>
              %masked_sort3A = arith.constant dense<true> : vector<16xi1>
              %masked_sort3A_985, %masked_sort3A_986, %masked_sort3A_987 = tpu.sort %select_n3A_984, %add3A_982 masked %masked_sort3A {descending = true} : (vector<16xf32>, vector<16xi32>, vector<16xi1>) -> (vector<16xi1>, vector<16xf32>, vector<16xi32>)
              %rev3A = arith.constant 15 : i32
              %rev3A_988 = vector.broadcast %rev3A : i32 to vector<16xi32>
              %rev3A_989 = tpu.iota {dimensions = array<i32: 0>} : vector<16xi32>
              %rev3A_990 = arith.subi %rev3A_988, %rev3A_989 : vector<16xi32>
              %rev3A_991 = tpu.dynamic_gather %masked_sort3A_986[%rev3A_990] in [0] : vector<16xf32>, vector<16xi32> -> vector<16xf32>
              %rev3A_992 = arith.constant 15 : i32
              %rev3A_993 = vector.broadcast %rev3A_992 : i32 to vector<16xi32>
              %rev3A_994 = tpu.iota {dimensions = array<i32: 0>} : vector<16xi32>
              %rev3A_995 = arith.subi %rev3A_993, %rev3A_994 : vector<16xi32>
              %rev3A_996 = tpu.dynamic_gather %masked_sort3A_987[%rev3A_995] in [0] : vector<16xi32>, vector<16xi32> -> vector<16xi32>
              %ge3A = arith.cmpf oge, %cond3A_548#0, %rev3A_991 : vector<16xf32>
              %select_n3A_997 = arith.select %ge3A, %cond3A_548#0, %rev3A_991 : vector<16xi1>, vector<16xf32>
              %select_n3A_998 = arith.select %ge3A, %cond3A_548#1, %rev3A_996 : vector<16xi1>, vector<16xi32>
              %masked_sort3A_999 = arith.constant dense<true> : vector<16xi1>
              %masked_sort3A_1000, %masked_sort3A_1001, %masked_sort3A_1002 = tpu.sort %select_n3A_997, %select_n3A_998 masked %masked_sort3A_999 {descending = true} : (vector<16xf32>, vector<16xi32>, vector<16xi1>) -> (vector<16xi1>, vector<16xf32>, vector<16xi32>)
              %broadcast_in_dim3A_1003 = arith.constant 15 : i32
              %broadcast_in_dim3A_1004 = vector.broadcast %broadcast_in_dim3A_1003 : i32 to vector<16x1xi32>
              %gather3A = vector.shape_cast %broadcast_in_dim3A_1004 : vector<16x1xi32> to vector<16xi32>
              %gather3A_1005 = tpu.dynamic_gather %masked_sort3A_1001[%gather3A] in [0] : vector<16xf32>, vector<16xi32> -> vector<16xf32>
              scf.yield %masked_sort3A_1001, %masked_sort3A_1002, %gather3A_1005 : vector<16xf32>, vector<16xi32>, vector<16xf32>
            } else {
              scf.yield %cond3A_548#0, %cond3A_548#1, %cond3A_548#2 : vector<16xf32>, vector<16xi32>, vector<16xf32>
            }
            %reduce_or3A_567 = arith.constant 1.000000e+00 : f32
            %reduce_or3A_568 = arith.constant 0.000000e+00 : f32
            %reduce_or3A_569 = vector.broadcast %reduce_or3A_567 : f32 to vector<16xf32>
            %reduce_or3A_570 = vector.broadcast %reduce_or3A_568 : f32 to vector<16xf32>
            %reduce_or3A_571 = arith.select %gt3A_186, %reduce_or3A_569, %reduce_or3A_570 : vector<16xi1>, vector<16xf32>
            %reduce_or3A_572 = arith.constant true
            %reduce_or3A_573 = vector.broadcast %reduce_or3A_572 : i1 to vector<16xi1>
            %reduce_or3A_574 = tpu.scan <max>, %reduce_or3A_571 masked %reduce_or3A_573 : vector<16xf32>, vector<16xi1> -> vector<16xf32>
            %reduce_or3A_575 = vector.extract %reduce_or3A_574[15] : f32 from vector<16xf32>
            %reduce_or3A_576 = arith.constant 0.000000e+00 : f32
            %reduce_or3A_577 = arith.cmpf ogt, %reduce_or3A_575, %reduce_or3A_576 : f32
            %add3A_578 = arith.addi %add3A_125, %mul3A_147 : i32
            %add3A_579 = arith.constant 32 : i32
            %add3A_580 = arith.addi %add3A_578, %add3A_579 : i32
            %convert_element_type3A_581 = arith.extui %reduce_or3A_577 : i1 to i32
            %cond3A_582 = arith.constant 0 : i32
            %cond3A_583 = arith.cmpi ne, %convert_element_type3A_581, %cond3A_582 : i32
            %cond3A_584:3 = scf.if %cond3A_583 -> (vector<16xf32>, vector<16xi32>, vector<16xf32>) {
              %add3A_981 = vector.broadcast %add3A_580 : i32 to vector<16xi32>
              %add3A_982 = arith.addi %add3A_981, %iota3A : vector<16xi32>
              %jit3A = arith.constant -3.000000e+38 : f32
              %broadcast_in_dim3A_983 = vector.broadcast %jit3A : f32 to vector<16xf32>
              %select_n3A_984 = arith.select %gt3A_186, %add3A_185, %broadcast_in_dim3A_983 : vector<16xi1>, vector<16xf32>
              %masked_sort3A = arith.constant dense<true> : vector<16xi1>
              %masked_sort3A_985, %masked_sort3A_986, %masked_sort3A_987 = tpu.sort %select_n3A_984, %add3A_982 masked %masked_sort3A {descending = true} : (vector<16xf32>, vector<16xi32>, vector<16xi1>) -> (vector<16xi1>, vector<16xf32>, vector<16xi32>)
              %rev3A = arith.constant 15 : i32
              %rev3A_988 = vector.broadcast %rev3A : i32 to vector<16xi32>
              %rev3A_989 = tpu.iota {dimensions = array<i32: 0>} : vector<16xi32>
              %rev3A_990 = arith.subi %rev3A_988, %rev3A_989 : vector<16xi32>
              %rev3A_991 = tpu.dynamic_gather %masked_sort3A_986[%rev3A_990] in [0] : vector<16xf32>, vector<16xi32> -> vector<16xf32>
              %rev3A_992 = arith.constant 15 : i32
              %rev3A_993 = vector.broadcast %rev3A_992 : i32 to vector<16xi32>
              %rev3A_994 = tpu.iota {dimensions = array<i32: 0>} : vector<16xi32>
              %rev3A_995 = arith.subi %rev3A_993, %rev3A_994 : vector<16xi32>
              %rev3A_996 = tpu.dynamic_gather %masked_sort3A_987[%rev3A_995] in [0] : vector<16xi32>, vector<16xi32> -> vector<16xi32>
              %ge3A = arith.cmpf oge, %cond3A_566#0, %rev3A_991 : vector<16xf32>
              %select_n3A_997 = arith.select %ge3A, %cond3A_566#0, %rev3A_991 : vector<16xi1>, vector<16xf32>
              %select_n3A_998 = arith.select %ge3A, %cond3A_566#1, %rev3A_996 : vector<16xi1>, vector<16xi32>
              %masked_sort3A_999 = arith.constant dense<true> : vector<16xi1>
              %masked_sort3A_1000, %masked_sort3A_1001, %masked_sort3A_1002 = tpu.sort %select_n3A_997, %select_n3A_998 masked %masked_sort3A_999 {descending = true} : (vector<16xf32>, vector<16xi32>, vector<16xi1>) -> (vector<16xi1>, vector<16xf32>, vector<16xi32>)
              %broadcast_in_dim3A_1003 = arith.constant 15 : i32
              %broadcast_in_dim3A_1004 = vector.broadcast %broadcast_in_dim3A_1003 : i32 to vector<16x1xi32>
              %gather3A = vector.shape_cast %broadcast_in_dim3A_1004 : vector<16x1xi32> to vector<16xi32>
              %gather3A_1005 = tpu.dynamic_gather %masked_sort3A_1001[%gather3A] in [0] : vector<16xf32>, vector<16xi32> -> vector<16xf32>
              scf.yield %masked_sort3A_1001, %masked_sort3A_1002, %gather3A_1005 : vector<16xf32>, vector<16xi32>, vector<16xf32>
            } else {
              scf.yield %cond3A_566#0, %cond3A_566#1, %cond3A_566#2 : vector<16xf32>, vector<16xi32>, vector<16xf32>
            }
            %reduce_or3A_585 = arith.constant 1.000000e+00 : f32
            %reduce_or3A_586 = arith.constant 0.000000e+00 : f32
            %reduce_or3A_587 = vector.broadcast %reduce_or3A_585 : f32 to vector<16xf32>
            %reduce_or3A_588 = vector.broadcast %reduce_or3A_586 : f32 to vector<16xf32>
            %reduce_or3A_589 = arith.select %gt3A_200, %reduce_or3A_587, %reduce_or3A_588 : vector<16xi1>, vector<16xf32>
            %reduce_or3A_590 = arith.constant true
            %reduce_or3A_591 = vector.broadcast %reduce_or3A_590 : i1 to vector<16xi1>
            %reduce_or3A_592 = tpu.scan <max>, %reduce_or3A_589 masked %reduce_or3A_591 : vector<16xf32>, vector<16xi1> -> vector<16xf32>
            %reduce_or3A_593 = vector.extract %reduce_or3A_592[15] : f32 from vector<16xf32>
            %reduce_or3A_594 = arith.constant 0.000000e+00 : f32
            %reduce_or3A_595 = arith.cmpf ogt, %reduce_or3A_593, %reduce_or3A_594 : f32
            %add3A_596 = arith.addi %add3A_125, %mul3A_147 : i32
            %add3A_597 = arith.constant 48 : i32
            %add3A_598 = arith.addi %add3A_596, %add3A_597 : i32
            %convert_element_type3A_599 = arith.extui %reduce_or3A_595 : i1 to i32
            %cond3A_600 = arith.constant 0 : i32
            %cond3A_601 = arith.cmpi ne, %convert_element_type3A_599, %cond3A_600 : i32
            %cond3A_602:3 = scf.if %cond3A_601 -> (vector<16xf32>, vector<16xi32>, vector<16xf32>) {
              %add3A_981 = vector.broadcast %add3A_598 : i32 to vector<16xi32>
              %add3A_982 = arith.addi %add3A_981, %iota3A : vector<16xi32>
              %jit3A = arith.constant -3.000000e+38 : f32
              %broadcast_in_dim3A_983 = vector.broadcast %jit3A : f32 to vector<16xf32>
              %select_n3A_984 = arith.select %gt3A_200, %add3A_199, %broadcast_in_dim3A_983 : vector<16xi1>, vector<16xf32>
              %masked_sort3A = arith.constant dense<true> : vector<16xi1>
              %masked_sort3A_985, %masked_sort3A_986, %masked_sort3A_987 = tpu.sort %select_n3A_984, %add3A_982 masked %masked_sort3A {descending = true} : (vector<16xf32>, vector<16xi32>, vector<16xi1>) -> (vector<16xi1>, vector<16xf32>, vector<16xi32>)
              %rev3A = arith.constant 15 : i32
              %rev3A_988 = vector.broadcast %rev3A : i32 to vector<16xi32>
              %rev3A_989 = tpu.iota {dimensions = array<i32: 0>} : vector<16xi32>
              %rev3A_990 = arith.subi %rev3A_988, %rev3A_989 : vector<16xi32>
              %rev3A_991 = tpu.dynamic_gather %masked_sort3A_986[%rev3A_990] in [0] : vector<16xf32>, vector<16xi32> -> vector<16xf32>
              %rev3A_992 = arith.constant 15 : i32
              %rev3A_993 = vector.broadcast %rev3A_992 : i32 to vector<16xi32>
              %rev3A_994 = tpu.iota {dimensions = array<i32: 0>} : vector<16xi32>
              %rev3A_995 = arith.subi %rev3A_993, %rev3A_994 : vector<16xi32>
              %rev3A_996 = tpu.dynamic_gather %masked_sort3A_987[%rev3A_995] in [0] : vector<16xi32>, vector<16xi32> -> vector<16xi32>
              %ge3A = arith.cmpf oge, %cond3A_584#0, %rev3A_991 : vector<16xf32>
              %select_n3A_997 = arith.select %ge3A, %cond3A_584#0, %rev3A_991 : vector<16xi1>, vector<16xf32>
              %select_n3A_998 = arith.select %ge3A, %cond3A_584#1, %rev3A_996 : vector<16xi1>, vector<16xi32>
              %masked_sort3A_999 = arith.constant dense<true> : vector<16xi1>
              %masked_sort3A_1000, %masked_sort3A_1001, %masked_sort3A_1002 = tpu.sort %select_n3A_997, %select_n3A_998 masked %masked_sort3A_999 {descending = true} : (vector<16xf32>, vector<16xi32>, vector<16xi1>) -> (vector<16xi1>, vector<16xf32>, vector<16xi32>)
              %broadcast_in_dim3A_1003 = arith.constant 15 : i32
              %broadcast_in_dim3A_1004 = vector.broadcast %broadcast_in_dim3A_1003 : i32 to vector<16x1xi32>
              %gather3A = vector.shape_cast %broadcast_in_dim3A_1004 : vector<16x1xi32> to vector<16xi32>
              %gather3A_1005 = tpu.dynamic_gather %masked_sort3A_1001[%gather3A] in [0] : vector<16xf32>, vector<16xi32> -> vector<16xf32>
              scf.yield %masked_sort3A_1001, %masked_sort3A_1002, %gather3A_1005 : vector<16xf32>, vector<16xi32>, vector<16xf32>
            } else {
              scf.yield %cond3A_584#0, %cond3A_584#1, %cond3A_584#2 : vector<16xf32>, vector<16xi32>, vector<16xf32>
            }
            %reduce_or3A_603 = arith.constant 1.000000e+00 : f32
            %reduce_or3A_604 = arith.constant 0.000000e+00 : f32
            %reduce_or3A_605 = vector.broadcast %reduce_or3A_603 : f32 to vector<16xf32>
            %reduce_or3A_606 = vector.broadcast %reduce_or3A_604 : f32 to vector<16xf32>
            %reduce_or3A_607 = arith.select %gt3A_214, %reduce_or3A_605, %reduce_or3A_606 : vector<16xi1>, vector<16xf32>
            %reduce_or3A_608 = arith.constant true
            %reduce_or3A_609 = vector.broadcast %reduce_or3A_608 : i1 to vector<16xi1>
            %reduce_or3A_610 = tpu.scan <max>, %reduce_or3A_607 masked %reduce_or3A_609 : vector<16xf32>, vector<16xi1> -> vector<16xf32>
            %reduce_or3A_611 = vector.extract %reduce_or3A_610[15] : f32 from vector<16xf32>
            %reduce_or3A_612 = arith.constant 0.000000e+00 : f32
            %reduce_or3A_613 = arith.cmpf ogt, %reduce_or3A_611, %reduce_or3A_612 : f32
            %add3A_614 = arith.addi %add3A_125, %mul3A_147 : i32
            %add3A_615 = arith.constant 64 : i32
            %add3A_616 = arith.addi %add3A_614, %add3A_615 : i32
            %convert_element_type3A_617 = arith.extui %reduce_or3A_613 : i1 to i32
            %cond3A_618 = arith.constant 0 : i32
            %cond3A_619 = arith.cmpi ne, %convert_element_type3A_617, %cond3A_618 : i32
            %cond3A_620:3 = scf.if %cond3A_619 -> (vector<16xf32>, vector<16xi32>, vector<16xf32>) {
              %add3A_981 = vector.broadcast %add3A_616 : i32 to vector<16xi32>
              %add3A_982 = arith.addi %add3A_981, %iota3A : vector<16xi32>
              %jit3A = arith.constant -3.000000e+38 : f32
              %broadcast_in_dim3A_983 = vector.broadcast %jit3A : f32 to vector<16xf32>
              %select_n3A_984 = arith.select %gt3A_214, %add3A_213, %broadcast_in_dim3A_983 : vector<16xi1>, vector<16xf32>
              %masked_sort3A = arith.constant dense<true> : vector<16xi1>
              %masked_sort3A_985, %masked_sort3A_986, %masked_sort3A_987 = tpu.sort %select_n3A_984, %add3A_982 masked %masked_sort3A {descending = true} : (vector<16xf32>, vector<16xi32>, vector<16xi1>) -> (vector<16xi1>, vector<16xf32>, vector<16xi32>)
              %rev3A = arith.constant 15 : i32
              %rev3A_988 = vector.broadcast %rev3A : i32 to vector<16xi32>
              %rev3A_989 = tpu.iota {dimensions = array<i32: 0>} : vector<16xi32>
              %rev3A_990 = arith.subi %rev3A_988, %rev3A_989 : vector<16xi32>
              %rev3A_991 = tpu.dynamic_gather %masked_sort3A_986[%rev3A_990] in [0] : vector<16xf32>, vector<16xi32> -> vector<16xf32>
              %rev3A_992 = arith.constant 15 : i32
              %rev3A_993 = vector.broadcast %rev3A_992 : i32 to vector<16xi32>
              %rev3A_994 = tpu.iota {dimensions = array<i32: 0>} : vector<16xi32>
              %rev3A_995 = arith.subi %rev3A_993, %rev3A_994 : vector<16xi32>
              %rev3A_996 = tpu.dynamic_gather %masked_sort3A_987[%rev3A_995] in [0] : vector<16xi32>, vector<16xi32> -> vector<16xi32>
              %ge3A = arith.cmpf oge, %cond3A_602#0, %rev3A_991 : vector<16xf32>
              %select_n3A_997 = arith.select %ge3A, %cond3A_602#0, %rev3A_991 : vector<16xi1>, vector<16xf32>
              %select_n3A_998 = arith.select %ge3A, %cond3A_602#1, %rev3A_996 : vector<16xi1>, vector<16xi32>
              %masked_sort3A_999 = arith.constant dense<true> : vector<16xi1>
              %masked_sort3A_1000, %masked_sort3A_1001, %masked_sort3A_1002 = tpu.sort %select_n3A_997, %select_n3A_998 masked %masked_sort3A_999 {descending = true} : (vector<16xf32>, vector<16xi32>, vector<16xi1>) -> (vector<16xi1>, vector<16xf32>, vector<16xi32>)
              %broadcast_in_dim3A_1003 = arith.constant 15 : i32
              %broadcast_in_dim3A_1004 = vector.broadcast %broadcast_in_dim3A_1003 : i32 to vector<16x1xi32>
              %gather3A = vector.shape_cast %broadcast_in_dim3A_1004 : vector<16x1xi32> to vector<16xi32>
              %gather3A_1005 = tpu.dynamic_gather %masked_sort3A_1001[%gather3A] in [0] : vector<16xf32>, vector<16xi32> -> vector<16xf32>
              scf.yield %masked_sort3A_1001, %masked_sort3A_1002, %gather3A_1005 : vector<16xf32>, vector<16xi32>, vector<16xf32>
            } else {
              scf.yield %cond3A_602#0, %cond3A_602#1, %cond3A_602#2 : vector<16xf32>, vector<16xi32>, vector<16xf32>
            }
            %reduce_or3A_621 = arith.constant 1.000000e+00 : f32
            %reduce_or3A_622 = arith.constant 0.000000e+00 : f32
            %reduce_or3A_623 = vector.broadcast %reduce_or3A_621 : f32 to vector<16xf32>
            %reduce_or3A_624 = vector.broadcast %reduce_or3A_622 : f32 to vector<16xf32>
            %reduce_or3A_625 = arith.select %gt3A_228, %reduce_or3A_623, %reduce_or3A_624 : vector<16xi1>, vector<16xf32>
            %reduce_or3A_626 = arith.constant true
            %reduce_or3A_627 = vector.broadcast %reduce_or3A_626 : i1 to vector<16xi1>
            %reduce_or3A_628 = tpu.scan <max>, %reduce_or3A_625 masked %reduce_or3A_627 : vector<16xf32>, vector<16xi1> -> vector<16xf32>
            %reduce_or3A_629 = vector.extract %reduce_or3A_628[15] : f32 from vector<16xf32>
            %reduce_or3A_630 = arith.constant 0.000000e+00 : f32
            %reduce_or3A_631 = arith.cmpf ogt, %reduce_or3A_629, %reduce_or3A_630 : f32
            %add3A_632 = arith.addi %add3A_125, %mul3A_147 : i32
            %add3A_633 = arith.constant 80 : i32
            %add3A_634 = arith.addi %add3A_632, %add3A_633 : i32
            %convert_element_type3A_635 = arith.extui %reduce_or3A_631 : i1 to i32
            %cond3A_636 = arith.constant 0 : i32
            %cond3A_637 = arith.cmpi ne, %convert_element_type3A_635, %cond3A_636 : i32
            %cond3A_638:3 = scf.if %cond3A_637 -> (vector<16xf32>, vector<16xi32>, vector<16xf32>) {
              %add3A_981 = vector.broadcast %add3A_634 : i32 to vector<16xi32>
              %add3A_982 = arith.addi %add3A_981, %iota3A : vector<16xi32>
              %jit3A = arith.constant -3.000000e+38 : f32
              %broadcast_in_dim3A_983 = vector.broadcast %jit3A : f32 to vector<16xf32>
              %select_n3A_984 = arith.select %gt3A_228, %add3A_227, %broadcast_in_dim3A_983 : vector<16xi1>, vector<16xf32>
              %masked_sort3A = arith.constant dense<true> : vector<16xi1>
              %masked_sort3A_985, %masked_sort3A_986, %masked_sort3A_987 = tpu.sort %select_n3A_984, %add3A_982 masked %masked_sort3A {descending = true} : (vector<16xf32>, vector<16xi32>, vector<16xi1>) -> (vector<16xi1>, vector<16xf32>, vector<16xi32>)
              %rev3A = arith.constant 15 : i32
              %rev3A_988 = vector.broadcast %rev3A : i32 to vector<16xi32>
              %rev3A_989 = tpu.iota {dimensions = array<i32: 0>} : vector<16xi32>
              %rev3A_990 = arith.subi %rev3A_988, %rev3A_989 : vector<16xi32>
              %rev3A_991 = tpu.dynamic_gather %masked_sort3A_986[%rev3A_990] in [0] : vector<16xf32>, vector<16xi32> -> vector<16xf32>
              %rev3A_992 = arith.constant 15 : i32
              %rev3A_993 = vector.broadcast %rev3A_992 : i32 to vector<16xi32>
              %rev3A_994 = tpu.iota {dimensions = array<i32: 0>} : vector<16xi32>
              %rev3A_995 = arith.subi %rev3A_993, %rev3A_994 : vector<16xi32>
              %rev3A_996 = tpu.dynamic_gather %masked_sort3A_987[%rev3A_995] in [0] : vector<16xi32>, vector<16xi32> -> vector<16xi32>
              %ge3A = arith.cmpf oge, %cond3A_620#0, %rev3A_991 : vector<16xf32>
              %select_n3A_997 = arith.select %ge3A, %cond3A_620#0, %rev3A_991 : vector<16xi1>, vector<16xf32>
              %select_n3A_998 = arith.select %ge3A, %cond3A_620#1, %rev3A_996 : vector<16xi1>, vector<16xi32>
              %masked_sort3A_999 = arith.constant dense<true> : vector<16xi1>
              %masked_sort3A_1000, %masked_sort3A_1001, %masked_sort3A_1002 = tpu.sort %select_n3A_997, %select_n3A_998 masked %masked_sort3A_999 {descending = true} : (vector<16xf32>, vector<16xi32>, vector<16xi1>) -> (vector<16xi1>, vector<16xf32>, vector<16xi32>)
              %broadcast_in_dim3A_1003 = arith.constant 15 : i32
              %broadcast_in_dim3A_1004 = vector.broadcast %broadcast_in_dim3A_1003 : i32 to vector<16x1xi32>
              %gather3A = vector.shape_cast %broadcast_in_dim3A_1004 : vector<16x1xi32> to vector<16xi32>
              %gather3A_1005 = tpu.dynamic_gather %masked_sort3A_1001[%gather3A] in [0] : vector<16xf32>, vector<16xi32> -> vector<16xf32>
              scf.yield %masked_sort3A_1001, %masked_sort3A_1002, %gather3A_1005 : vector<16xf32>, vector<16xi32>, vector<16xf32>
            } else {
              scf.yield %cond3A_620#0, %cond3A_620#1, %cond3A_620#2 : vector<16xf32>, vector<16xi32>, vector<16xf32>
            }
            %reduce_or3A_639 = arith.constant 1.000000e+00 : f32
            %reduce_or3A_640 = arith.constant 0.000000e+00 : f32
            %reduce_or3A_641 = vector.broadcast %reduce_or3A_639 : f32 to vector<16xf32>
            %reduce_or3A_642 = vector.broadcast %reduce_or3A_640 : f32 to vector<16xf32>
            %reduce_or3A_643 = arith.select %gt3A_242, %reduce_or3A_641, %reduce_or3A_642 : vector<16xi1>, vector<16xf32>
            %reduce_or3A_644 = arith.constant true
            %reduce_or3A_645 = vector.broadcast %reduce_or3A_644 : i1 to vector<16xi1>
            %reduce_or3A_646 = tpu.scan <max>, %reduce_or3A_643 masked %reduce_or3A_645 : vector<16xf32>, vector<16xi1> -> vector<16xf32>
            %reduce_or3A_647 = vector.extract %reduce_or3A_646[15] : f32 from vector<16xf32>
            %reduce_or3A_648 = arith.constant 0.000000e+00 : f32
            %reduce_or3A_649 = arith.cmpf ogt, %reduce_or3A_647, %reduce_or3A_648 : f32
            %add3A_650 = arith.addi %add3A_125, %mul3A_147 : i32
            %add3A_651 = arith.constant 96 : i32
            %add3A_652 = arith.addi %add3A_650, %add3A_651 : i32
            %convert_element_type3A_653 = arith.extui %reduce_or3A_649 : i1 to i32
            %cond3A_654 = arith.constant 0 : i32
            %cond3A_655 = arith.cmpi ne, %convert_element_type3A_653, %cond3A_654 : i32
            %cond3A_656:3 = scf.if %cond3A_655 -> (vector<16xf32>, vector<16xi32>, vector<16xf32>) {
              %add3A_981 = vector.broadcast %add3A_652 : i32 to vector<16xi32>
              %add3A_982 = arith.addi %add3A_981, %iota3A : vector<16xi32>
              %jit3A = arith.constant -3.000000e+38 : f32
              %broadcast_in_dim3A_983 = vector.broadcast %jit3A : f32 to vector<16xf32>
              %select_n3A_984 = arith.select %gt3A_242, %add3A_241, %broadcast_in_dim3A_983 : vector<16xi1>, vector<16xf32>
              %masked_sort3A = arith.constant dense<true> : vector<16xi1>
              %masked_sort3A_985, %masked_sort3A_986, %masked_sort3A_987 = tpu.sort %select_n3A_984, %add3A_982 masked %masked_sort3A {descending = true} : (vector<16xf32>, vector<16xi32>, vector<16xi1>) -> (vector<16xi1>, vector<16xf32>, vector<16xi32>)
              %rev3A = arith.constant 15 : i32
              %rev3A_988 = vector.broadcast %rev3A : i32 to vector<16xi32>
              %rev3A_989 = tpu.iota {dimensions = array<i32: 0>} : vector<16xi32>
              %rev3A_990 = arith.subi %rev3A_988, %rev3A_989 : vector<16xi32>
              %rev3A_991 = tpu.dynamic_gather %masked_sort3A_986[%rev3A_990] in [0] : vector<16xf32>, vector<16xi32> -> vector<16xf32>
              %rev3A_992 = arith.constant 15 : i32
              %rev3A_993 = vector.broadcast %rev3A_992 : i32 to vector<16xi32>
              %rev3A_994 = tpu.iota {dimensions = array<i32: 0>} : vector<16xi32>
              %rev3A_995 = arith.subi %rev3A_993, %rev3A_994 : vector<16xi32>
              %rev3A_996 = tpu.dynamic_gather %masked_sort3A_987[%rev3A_995] in [0] : vector<16xi32>, vector<16xi32> -> vector<16xi32>
              %ge3A = arith.cmpf oge, %cond3A_638#0, %rev3A_991 : vector<16xf32>
              %select_n3A_997 = arith.select %ge3A, %cond3A_638#0, %rev3A_991 : vector<16xi1>, vector<16xf32>
              %select_n3A_998 = arith.select %ge3A, %cond3A_638#1, %rev3A_996 : vector<16xi1>, vector<16xi32>
              %masked_sort3A_999 = arith.constant dense<true> : vector<16xi1>
              %masked_sort3A_1000, %masked_sort3A_1001, %masked_sort3A_1002 = tpu.sort %select_n3A_997, %select_n3A_998 masked %masked_sort3A_999 {descending = true} : (vector<16xf32>, vector<16xi32>, vector<16xi1>) -> (vector<16xi1>, vector<16xf32>, vector<16xi32>)
              %broadcast_in_dim3A_1003 = arith.constant 15 : i32
              %broadcast_in_dim3A_1004 = vector.broadcast %broadcast_in_dim3A_1003 : i32 to vector<16x1xi32>
              %gather3A = vector.shape_cast %broadcast_in_dim3A_1004 : vector<16x1xi32> to vector<16xi32>
              %gather3A_1005 = tpu.dynamic_gather %masked_sort3A_1001[%gather3A] in [0] : vector<16xf32>, vector<16xi32> -> vector<16xf32>
              scf.yield %masked_sort3A_1001, %masked_sort3A_1002, %gather3A_1005 : vector<16xf32>, vector<16xi32>, vector<16xf32>
            } else {
              scf.yield %cond3A_638#0, %cond3A_638#1, %cond3A_638#2 : vector<16xf32>, vector<16xi32>, vector<16xf32>
            }
            %reduce_or3A_657 = arith.constant 1.000000e+00 : f32
            %reduce_or3A_658 = arith.constant 0.000000e+00 : f32
            %reduce_or3A_659 = vector.broadcast %reduce_or3A_657 : f32 to vector<16xf32>
            %reduce_or3A_660 = vector.broadcast %reduce_or3A_658 : f32 to vector<16xf32>
            %reduce_or3A_661 = arith.select %gt3A_256, %reduce_or3A_659, %reduce_or3A_660 : vector<16xi1>, vector<16xf32>
            %reduce_or3A_662 = arith.constant true
            %reduce_or3A_663 = vector.broadcast %reduce_or3A_662 : i1 to vector<16xi1>
            %reduce_or3A_664 = tpu.scan <max>, %reduce_or3A_661 masked %reduce_or3A_663 : vector<16xf32>, vector<16xi1> -> vector<16xf32>
            %reduce_or3A_665 = vector.extract %reduce_or3A_664[15] : f32 from vector<16xf32>
            %reduce_or3A_666 = arith.constant 0.000000e+00 : f32
            %reduce_or3A_667 = arith.cmpf ogt, %reduce_or3A_665, %reduce_or3A_666 : f32
            %add3A_668 = arith.addi %add3A_125, %mul3A_147 : i32
            %add3A_669 = arith.constant 112 : i32
            %add3A_670 = arith.addi %add3A_668, %add3A_669 : i32
            %convert_element_type3A_671 = arith.extui %reduce_or3A_667 : i1 to i32
            %cond3A_672 = arith.constant 0 : i32
            %cond3A_673 = arith.cmpi ne, %convert_element_type3A_671, %cond3A_672 : i32
            %cond3A_674:3 = scf.if %cond3A_673 -> (vector<16xf32>, vector<16xi32>, vector<16xf32>) {
              %add3A_981 = vector.broadcast %add3A_670 : i32 to vector<16xi32>
              %add3A_982 = arith.addi %add3A_981, %iota3A : vector<16xi32>
              %jit3A = arith.constant -3.000000e+38 : f32
              %broadcast_in_dim3A_983 = vector.broadcast %jit3A : f32 to vector<16xf32>
              %select_n3A_984 = arith.select %gt3A_256, %add3A_255, %broadcast_in_dim3A_983 : vector<16xi1>, vector<16xf32>
              %masked_sort3A = arith.constant dense<true> : vector<16xi1>
              %masked_sort3A_985, %masked_sort3A_986, %masked_sort3A_987 = tpu.sort %select_n3A_984, %add3A_982 masked %masked_sort3A {descending = true} : (vector<16xf32>, vector<16xi32>, vector<16xi1>) -> (vector<16xi1>, vector<16xf32>, vector<16xi32>)
              %rev3A = arith.constant 15 : i32
              %rev3A_988 = vector.broadcast %rev3A : i32 to vector<16xi32>
              %rev3A_989 = tpu.iota {dimensions = array<i32: 0>} : vector<16xi32>
              %rev3A_990 = arith.subi %rev3A_988, %rev3A_989 : vector<16xi32>
              %rev3A_991 = tpu.dynamic_gather %masked_sort3A_986[%rev3A_990] in [0] : vector<16xf32>, vector<16xi32> -> vector<16xf32>
              %rev3A_992 = arith.constant 15 : i32
              %rev3A_993 = vector.broadcast %rev3A_992 : i32 to vector<16xi32>
              %rev3A_994 = tpu.iota {dimensions = array<i32: 0>} : vector<16xi32>
              %rev3A_995 = arith.subi %rev3A_993, %rev3A_994 : vector<16xi32>
              %rev3A_996 = tpu.dynamic_gather %masked_sort3A_987[%rev3A_995] in [0] : vector<16xi32>, vector<16xi32> -> vector<16xi32>
              %ge3A = arith.cmpf oge, %cond3A_656#0, %rev3A_991 : vector<16xf32>
              %select_n3A_997 = arith.select %ge3A, %cond3A_656#0, %rev3A_991 : vector<16xi1>, vector<16xf32>
              %select_n3A_998 = arith.select %ge3A, %cond3A_656#1, %rev3A_996 : vector<16xi1>, vector<16xi32>
              %masked_sort3A_999 = arith.constant dense<true> : vector<16xi1>
              %masked_sort3A_1000, %masked_sort3A_1001, %masked_sort3A_1002 = tpu.sort %select_n3A_997, %select_n3A_998 masked %masked_sort3A_999 {descending = true} : (vector<16xf32>, vector<16xi32>, vector<16xi1>) -> (vector<16xi1>, vector<16xf32>, vector<16xi32>)
              %broadcast_in_dim3A_1003 = arith.constant 15 : i32
              %broadcast_in_dim3A_1004 = vector.broadcast %broadcast_in_dim3A_1003 : i32 to vector<16x1xi32>
              %gather3A = vector.shape_cast %broadcast_in_dim3A_1004 : vector<16x1xi32> to vector<16xi32>
              %gather3A_1005 = tpu.dynamic_gather %masked_sort3A_1001[%gather3A] in [0] : vector<16xf32>, vector<16xi32> -> vector<16xf32>
              scf.yield %masked_sort3A_1001, %masked_sort3A_1002, %gather3A_1005 : vector<16xf32>, vector<16xi32>, vector<16xf32>
            } else {
              scf.yield %cond3A_656#0, %cond3A_656#1, %cond3A_656#2 : vector<16xf32>, vector<16xi32>, vector<16xf32>
            }
            %reduce_or3A_675 = arith.constant 1.000000e+00 : f32
            %reduce_or3A_676 = arith.constant 0.000000e+00 : f32
            %reduce_or3A_677 = vector.broadcast %reduce_or3A_675 : f32 to vector<16xf32>
            %reduce_or3A_678 = vector.broadcast %reduce_or3A_676 : f32 to vector<16xf32>
            %reduce_or3A_679 = arith.select %gt3A_270, %reduce_or3A_677, %reduce_or3A_678 : vector<16xi1>, vector<16xf32>
            %reduce_or3A_680 = arith.constant true
            %reduce_or3A_681 = vector.broadcast %reduce_or3A_680 : i1 to vector<16xi1>
            %reduce_or3A_682 = tpu.scan <max>, %reduce_or3A_679 masked %reduce_or3A_681 : vector<16xf32>, vector<16xi1> -> vector<16xf32>
            %reduce_or3A_683 = vector.extract %reduce_or3A_682[15] : f32 from vector<16xf32>
            %reduce_or3A_684 = arith.constant 0.000000e+00 : f32
            %reduce_or3A_685 = arith.cmpf ogt, %reduce_or3A_683, %reduce_or3A_684 : f32
            %add3A_686 = arith.addi %add3A_125, %mul3A_147 : i32
            %add3A_687 = arith.constant 128 : i32
            %add3A_688 = arith.addi %add3A_686, %add3A_687 : i32
            %convert_element_type3A_689 = arith.extui %reduce_or3A_685 : i1 to i32
            %cond3A_690 = arith.constant 0 : i32
            %cond3A_691 = arith.cmpi ne, %convert_element_type3A_689, %cond3A_690 : i32
            %cond3A_692:3 = scf.if %cond3A_691 -> (vector<16xf32>, vector<16xi32>, vector<16xf32>) {
              %add3A_981 = vector.broadcast %add3A_688 : i32 to vector<16xi32>
              %add3A_982 = arith.addi %add3A_981, %iota3A : vector<16xi32>
              %jit3A = arith.constant -3.000000e+38 : f32
              %broadcast_in_dim3A_983 = vector.broadcast %jit3A : f32 to vector<16xf32>
              %select_n3A_984 = arith.select %gt3A_270, %add3A_269, %broadcast_in_dim3A_983 : vector<16xi1>, vector<16xf32>
              %masked_sort3A = arith.constant dense<true> : vector<16xi1>
              %masked_sort3A_985, %masked_sort3A_986, %masked_sort3A_987 = tpu.sort %select_n3A_984, %add3A_982 masked %masked_sort3A {descending = true} : (vector<16xf32>, vector<16xi32>, vector<16xi1>) -> (vector<16xi1>, vector<16xf32>, vector<16xi32>)
              %rev3A = arith.constant 15 : i32
              %rev3A_988 = vector.broadcast %rev3A : i32 to vector<16xi32>
              %rev3A_989 = tpu.iota {dimensions = array<i32: 0>} : vector<16xi32>
              %rev3A_990 = arith.subi %rev3A_988, %rev3A_989 : vector<16xi32>
              %rev3A_991 = tpu.dynamic_gather %masked_sort3A_986[%rev3A_990] in [0] : vector<16xf32>, vector<16xi32> -> vector<16xf32>
              %rev3A_992 = arith.constant 15 : i32
              %rev3A_993 = vector.broadcast %rev3A_992 : i32 to vector<16xi32>
              %rev3A_994 = tpu.iota {dimensions = array<i32: 0>} : vector<16xi32>
              %rev3A_995 = arith.subi %rev3A_993, %rev3A_994 : vector<16xi32>
              %rev3A_996 = tpu.dynamic_gather %masked_sort3A_987[%rev3A_995] in [0] : vector<16xi32>, vector<16xi32> -> vector<16xi32>
              %ge3A = arith.cmpf oge, %cond3A_674#0, %rev3A_991 : vector<16xf32>
              %select_n3A_997 = arith.select %ge3A, %cond3A_674#0, %rev3A_991 : vector<16xi1>, vector<16xf32>
              %select_n3A_998 = arith.select %ge3A, %cond3A_674#1, %rev3A_996 : vector<16xi1>, vector<16xi32>
              %masked_sort3A_999 = arith.constant dense<true> : vector<16xi1>
              %masked_sort3A_1000, %masked_sort3A_1001, %masked_sort3A_1002 = tpu.sort %select_n3A_997, %select_n3A_998 masked %masked_sort3A_999 {descending = true} : (vector<16xf32>, vector<16xi32>, vector<16xi1>) -> (vector<16xi1>, vector<16xf32>, vector<16xi32>)
              %broadcast_in_dim3A_1003 = arith.constant 15 : i32
              %broadcast_in_dim3A_1004 = vector.broadcast %broadcast_in_dim3A_1003 : i32 to vector<16x1xi32>
              %gather3A = vector.shape_cast %broadcast_in_dim3A_1004 : vector<16x1xi32> to vector<16xi32>
              %gather3A_1005 = tpu.dynamic_gather %masked_sort3A_1001[%gather3A] in [0] : vector<16xf32>, vector<16xi32> -> vector<16xf32>
              scf.yield %masked_sort3A_1001, %masked_sort3A_1002, %gather3A_1005 : vector<16xf32>, vector<16xi32>, vector<16xf32>
            } else {
              scf.yield %cond3A_674#0, %cond3A_674#1, %cond3A_674#2 : vector<16xf32>, vector<16xi32>, vector<16xf32>
            }
            %reduce_or3A_693 = arith.constant 1.000000e+00 : f32
            %reduce_or3A_694 = arith.constant 0.000000e+00 : f32
            %reduce_or3A_695 = vector.broadcast %reduce_or3A_693 : f32 to vector<16xf32>
            %reduce_or3A_696 = vector.broadcast %reduce_or3A_694 : f32 to vector<16xf32>
            %reduce_or3A_697 = arith.select %gt3A_284, %reduce_or3A_695, %reduce_or3A_696 : vector<16xi1>, vector<16xf32>
            %reduce_or3A_698 = arith.constant true
            %reduce_or3A_699 = vector.broadcast %reduce_or3A_698 : i1 to vector<16xi1>
            %reduce_or3A_700 = tpu.scan <max>, %reduce_or3A_697 masked %reduce_or3A_699 : vector<16xf32>, vector<16xi1> -> vector<16xf32>
            %reduce_or3A_701 = vector.extract %reduce_or3A_700[15] : f32 from vector<16xf32>
            %reduce_or3A_702 = arith.constant 0.000000e+00 : f32
            %reduce_or3A_703 = arith.cmpf ogt, %reduce_or3A_701, %reduce_or3A_702 : f32
            %add3A_704 = arith.addi %add3A_125, %mul3A_147 : i32
            %add3A_705 = arith.constant 144 : i32
            %add3A_706 = arith.addi %add3A_704, %add3A_705 : i32
            %convert_element_type3A_707 = arith.extui %reduce_or3A_703 : i1 to i32
            %cond3A_708 = arith.constant 0 : i32
            %cond3A_709 = arith.cmpi ne, %convert_element_type3A_707, %cond3A_708 : i32
            %cond3A_710:3 = scf.if %cond3A_709 -> (vector<16xf32>, vector<16xi32>, vector<16xf32>) {
              %add3A_981 = vector.broadcast %add3A_706 : i32 to vector<16xi32>
              %add3A_982 = arith.addi %add3A_981, %iota3A : vector<16xi32>
              %jit3A = arith.constant -3.000000e+38 : f32
              %broadcast_in_dim3A_983 = vector.broadcast %jit3A : f32 to vector<16xf32>
              %select_n3A_984 = arith.select %gt3A_284, %add3A_283, %broadcast_in_dim3A_983 : vector<16xi1>, vector<16xf32>
              %masked_sort3A = arith.constant dense<true> : vector<16xi1>
              %masked_sort3A_985, %masked_sort3A_986, %masked_sort3A_987 = tpu.sort %select_n3A_984, %add3A_982 masked %masked_sort3A {descending = true} : (vector<16xf32>, vector<16xi32>, vector<16xi1>) -> (vector<16xi1>, vector<16xf32>, vector<16xi32>)
              %rev3A = arith.constant 15 : i32
              %rev3A_988 = vector.broadcast %rev3A : i32 to vector<16xi32>
              %rev3A_989 = tpu.iota {dimensions = array<i32: 0>} : vector<16xi32>
              %rev3A_990 = arith.subi %rev3A_988, %rev3A_989 : vector<16xi32>
              %rev3A_991 = tpu.dynamic_gather %masked_sort3A_986[%rev3A_990] in [0] : vector<16xf32>, vector<16xi32> -> vector<16xf32>
              %rev3A_992 = arith.constant 15 : i32
              %rev3A_993 = vector.broadcast %rev3A_992 : i32 to vector<16xi32>
              %rev3A_994 = tpu.iota {dimensions = array<i32: 0>} : vector<16xi32>
              %rev3A_995 = arith.subi %rev3A_993, %rev3A_994 : vector<16xi32>
              %rev3A_996 = tpu.dynamic_gather %masked_sort3A_987[%rev3A_995] in [0] : vector<16xi32>, vector<16xi32> -> vector<16xi32>
              %ge3A = arith.cmpf oge, %cond3A_692#0, %rev3A_991 : vector<16xf32>
              %select_n3A_997 = arith.select %ge3A, %cond3A_692#0, %rev3A_991 : vector<16xi1>, vector<16xf32>
              %select_n3A_998 = arith.select %ge3A, %cond3A_692#1, %rev3A_996 : vector<16xi1>, vector<16xi32>
              %masked_sort3A_999 = arith.constant dense<true> : vector<16xi1>
              %masked_sort3A_1000, %masked_sort3A_1001, %masked_sort3A_1002 = tpu.sort %select_n3A_997, %select_n3A_998 masked %masked_sort3A_999 {descending = true} : (vector<16xf32>, vector<16xi32>, vector<16xi1>) -> (vector<16xi1>, vector<16xf32>, vector<16xi32>)
              %broadcast_in_dim3A_1003 = arith.constant 15 : i32
              %broadcast_in_dim3A_1004 = vector.broadcast %broadcast_in_dim3A_1003 : i32 to vector<16x1xi32>
              %gather3A = vector.shape_cast %broadcast_in_dim3A_1004 : vector<16x1xi32> to vector<16xi32>
              %gather3A_1005 = tpu.dynamic_gather %masked_sort3A_1001[%gather3A] in [0] : vector<16xf32>, vector<16xi32> -> vector<16xf32>
              scf.yield %masked_sort3A_1001, %masked_sort3A_1002, %gather3A_1005 : vector<16xf32>, vector<16xi32>, vector<16xf32>
            } else {
              scf.yield %cond3A_692#0, %cond3A_692#1, %cond3A_692#2 : vector<16xf32>, vector<16xi32>, vector<16xf32>
            }
            %reduce_or3A_711 = arith.constant 1.000000e+00 : f32
            %reduce_or3A_712 = arith.constant 0.000000e+00 : f32
            %reduce_or3A_713 = vector.broadcast %reduce_or3A_711 : f32 to vector<16xf32>
            %reduce_or3A_714 = vector.broadcast %reduce_or3A_712 : f32 to vector<16xf32>
            %reduce_or3A_715 = arith.select %gt3A_298, %reduce_or3A_713, %reduce_or3A_714 : vector<16xi1>, vector<16xf32>
            %reduce_or3A_716 = arith.constant true
            %reduce_or3A_717 = vector.broadcast %reduce_or3A_716 : i1 to vector<16xi1>
            %reduce_or3A_718 = tpu.scan <max>, %reduce_or3A_715 masked %reduce_or3A_717 : vector<16xf32>, vector<16xi1> -> vector<16xf32>
            %reduce_or3A_719 = vector.extract %reduce_or3A_718[15] : f32 from vector<16xf32>
            %reduce_or3A_720 = arith.constant 0.000000e+00 : f32
            %reduce_or3A_721 = arith.cmpf ogt, %reduce_or3A_719, %reduce_or3A_720 : f32
            %add3A_722 = arith.addi %add3A_125, %mul3A_147 : i32
            %add3A_723 = arith.constant 160 : i32
            %add3A_724 = arith.addi %add3A_722, %add3A_723 : i32
            %convert_element_type3A_725 = arith.extui %reduce_or3A_721 : i1 to i32
            %cond3A_726 = arith.constant 0 : i32
            %cond3A_727 = arith.cmpi ne, %convert_element_type3A_725, %cond3A_726 : i32
            %cond3A_728:3 = scf.if %cond3A_727 -> (vector<16xf32>, vector<16xi32>, vector<16xf32>) {
              %add3A_981 = vector.broadcast %add3A_724 : i32 to vector<16xi32>
              %add3A_982 = arith.addi %add3A_981, %iota3A : vector<16xi32>
              %jit3A = arith.constant -3.000000e+38 : f32
              %broadcast_in_dim3A_983 = vector.broadcast %jit3A : f32 to vector<16xf32>
              %select_n3A_984 = arith.select %gt3A_298, %add3A_297, %broadcast_in_dim3A_983 : vector<16xi1>, vector<16xf32>
              %masked_sort3A = arith.constant dense<true> : vector<16xi1>
              %masked_sort3A_985, %masked_sort3A_986, %masked_sort3A_987 = tpu.sort %select_n3A_984, %add3A_982 masked %masked_sort3A {descending = true} : (vector<16xf32>, vector<16xi32>, vector<16xi1>) -> (vector<16xi1>, vector<16xf32>, vector<16xi32>)
              %rev3A = arith.constant 15 : i32
              %rev3A_988 = vector.broadcast %rev3A : i32 to vector<16xi32>
              %rev3A_989 = tpu.iota {dimensions = array<i32: 0>} : vector<16xi32>
              %rev3A_990 = arith.subi %rev3A_988, %rev3A_989 : vector<16xi32>
              %rev3A_991 = tpu.dynamic_gather %masked_sort3A_986[%rev3A_990] in [0] : vector<16xf32>, vector<16xi32> -> vector<16xf32>
              %rev3A_992 = arith.constant 15 : i32
              %rev3A_993 = vector.broadcast %rev3A_992 : i32 to vector<16xi32>
              %rev3A_994 = tpu.iota {dimensions = array<i32: 0>} : vector<16xi32>
              %rev3A_995 = arith.subi %rev3A_993, %rev3A_994 : vector<16xi32>
              %rev3A_996 = tpu.dynamic_gather %masked_sort3A_987[%rev3A_995] in [0] : vector<16xi32>, vector<16xi32> -> vector<16xi32>
              %ge3A = arith.cmpf oge, %cond3A_710#0, %rev3A_991 : vector<16xf32>
              %select_n3A_997 = arith.select %ge3A, %cond3A_710#0, %rev3A_991 : vector<16xi1>, vector<16xf32>
              %select_n3A_998 = arith.select %ge3A, %cond3A_710#1, %rev3A_996 : vector<16xi1>, vector<16xi32>
              %masked_sort3A_999 = arith.constant dense<true> : vector<16xi1>
              %masked_sort3A_1000, %masked_sort3A_1001, %masked_sort3A_1002 = tpu.sort %select_n3A_997, %select_n3A_998 masked %masked_sort3A_999 {descending = true} : (vector<16xf32>, vector<16xi32>, vector<16xi1>) -> (vector<16xi1>, vector<16xf32>, vector<16xi32>)
              %broadcast_in_dim3A_1003 = arith.constant 15 : i32
              %broadcast_in_dim3A_1004 = vector.broadcast %broadcast_in_dim3A_1003 : i32 to vector<16x1xi32>
              %gather3A = vector.shape_cast %broadcast_in_dim3A_1004 : vector<16x1xi32> to vector<16xi32>
              %gather3A_1005 = tpu.dynamic_gather %masked_sort3A_1001[%gather3A] in [0] : vector<16xf32>, vector<16xi32> -> vector<16xf32>
              scf.yield %masked_sort3A_1001, %masked_sort3A_1002, %gather3A_1005 : vector<16xf32>, vector<16xi32>, vector<16xf32>
            } else {
              scf.yield %cond3A_710#0, %cond3A_710#1, %cond3A_710#2 : vector<16xf32>, vector<16xi32>, vector<16xf32>
            }
            %reduce_or3A_729 = arith.constant 1.000000e+00 : f32
            %reduce_or3A_730 = arith.constant 0.000000e+00 : f32
            %reduce_or3A_731 = vector.broadcast %reduce_or3A_729 : f32 to vector<16xf32>
            %reduce_or3A_732 = vector.broadcast %reduce_or3A_730 : f32 to vector<16xf32>
            %reduce_or3A_733 = arith.select %gt3A_312, %reduce_or3A_731, %reduce_or3A_732 : vector<16xi1>, vector<16xf32>
            %reduce_or3A_734 = arith.constant true
            %reduce_or3A_735 = vector.broadcast %reduce_or3A_734 : i1 to vector<16xi1>
            %reduce_or3A_736 = tpu.scan <max>, %reduce_or3A_733 masked %reduce_or3A_735 : vector<16xf32>, vector<16xi1> -> vector<16xf32>
            %reduce_or3A_737 = vector.extract %reduce_or3A_736[15] : f32 from vector<16xf32>
            %reduce_or3A_738 = arith.constant 0.000000e+00 : f32
            %reduce_or3A_739 = arith.cmpf ogt, %reduce_or3A_737, %reduce_or3A_738 : f32
            %add3A_740 = arith.addi %add3A_125, %mul3A_147 : i32
            %add3A_741 = arith.constant 176 : i32
            %add3A_742 = arith.addi %add3A_740, %add3A_741 : i32
            %convert_element_type3A_743 = arith.extui %reduce_or3A_739 : i1 to i32
            %cond3A_744 = arith.constant 0 : i32
            %cond3A_745 = arith.cmpi ne, %convert_element_type3A_743, %cond3A_744 : i32
            %cond3A_746:3 = scf.if %cond3A_745 -> (vector<16xf32>, vector<16xi32>, vector<16xf32>) {
              %add3A_981 = vector.broadcast %add3A_742 : i32 to vector<16xi32>
              %add3A_982 = arith.addi %add3A_981, %iota3A : vector<16xi32>
              %jit3A = arith.constant -3.000000e+38 : f32
              %broadcast_in_dim3A_983 = vector.broadcast %jit3A : f32 to vector<16xf32>
              %select_n3A_984 = arith.select %gt3A_312, %add3A_311, %broadcast_in_dim3A_983 : vector<16xi1>, vector<16xf32>
              %masked_sort3A = arith.constant dense<true> : vector<16xi1>
              %masked_sort3A_985, %masked_sort3A_986, %masked_sort3A_987 = tpu.sort %select_n3A_984, %add3A_982 masked %masked_sort3A {descending = true} : (vector<16xf32>, vector<16xi32>, vector<16xi1>) -> (vector<16xi1>, vector<16xf32>, vector<16xi32>)
              %rev3A = arith.constant 15 : i32
              %rev3A_988 = vector.broadcast %rev3A : i32 to vector<16xi32>
              %rev3A_989 = tpu.iota {dimensions = array<i32: 0>} : vector<16xi32>
              %rev3A_990 = arith.subi %rev3A_988, %rev3A_989 : vector<16xi32>
              %rev3A_991 = tpu.dynamic_gather %masked_sort3A_986[%rev3A_990] in [0] : vector<16xf32>, vector<16xi32> -> vector<16xf32>
              %rev3A_992 = arith.constant 15 : i32
              %rev3A_993 = vector.broadcast %rev3A_992 : i32 to vector<16xi32>
              %rev3A_994 = tpu.iota {dimensions = array<i32: 0>} : vector<16xi32>
              %rev3A_995 = arith.subi %rev3A_993, %rev3A_994 : vector<16xi32>
              %rev3A_996 = tpu.dynamic_gather %masked_sort3A_987[%rev3A_995] in [0] : vector<16xi32>, vector<16xi32> -> vector<16xi32>
              %ge3A = arith.cmpf oge, %cond3A_728#0, %rev3A_991 : vector<16xf32>
              %select_n3A_997 = arith.select %ge3A, %cond3A_728#0, %rev3A_991 : vector<16xi1>, vector<16xf32>
              %select_n3A_998 = arith.select %ge3A, %cond3A_728#1, %rev3A_996 : vector<16xi1>, vector<16xi32>
              %masked_sort3A_999 = arith.constant dense<true> : vector<16xi1>
              %masked_sort3A_1000, %masked_sort3A_1001, %masked_sort3A_1002 = tpu.sort %select_n3A_997, %select_n3A_998 masked %masked_sort3A_999 {descending = true} : (vector<16xf32>, vector<16xi32>, vector<16xi1>) -> (vector<16xi1>, vector<16xf32>, vector<16xi32>)
              %broadcast_in_dim3A_1003 = arith.constant 15 : i32
              %broadcast_in_dim3A_1004 = vector.broadcast %broadcast_in_dim3A_1003 : i32 to vector<16x1xi32>
              %gather3A = vector.shape_cast %broadcast_in_dim3A_1004 : vector<16x1xi32> to vector<16xi32>
              %gather3A_1005 = tpu.dynamic_gather %masked_sort3A_1001[%gather3A] in [0] : vector<16xf32>, vector<16xi32> -> vector<16xf32>
              scf.yield %masked_sort3A_1001, %masked_sort3A_1002, %gather3A_1005 : vector<16xf32>, vector<16xi32>, vector<16xf32>
            } else {
              scf.yield %cond3A_728#0, %cond3A_728#1, %cond3A_728#2 : vector<16xf32>, vector<16xi32>, vector<16xf32>
            }
            %reduce_or3A_747 = arith.constant 1.000000e+00 : f32
            %reduce_or3A_748 = arith.constant 0.000000e+00 : f32
            %reduce_or3A_749 = vector.broadcast %reduce_or3A_747 : f32 to vector<16xf32>
            %reduce_or3A_750 = vector.broadcast %reduce_or3A_748 : f32 to vector<16xf32>
            %reduce_or3A_751 = arith.select %gt3A_326, %reduce_or3A_749, %reduce_or3A_750 : vector<16xi1>, vector<16xf32>
            %reduce_or3A_752 = arith.constant true
            %reduce_or3A_753 = vector.broadcast %reduce_or3A_752 : i1 to vector<16xi1>
            %reduce_or3A_754 = tpu.scan <max>, %reduce_or3A_751 masked %reduce_or3A_753 : vector<16xf32>, vector<16xi1> -> vector<16xf32>
            %reduce_or3A_755 = vector.extract %reduce_or3A_754[15] : f32 from vector<16xf32>
            %reduce_or3A_756 = arith.constant 0.000000e+00 : f32
            %reduce_or3A_757 = arith.cmpf ogt, %reduce_or3A_755, %reduce_or3A_756 : f32
            %add3A_758 = arith.addi %add3A_125, %mul3A_147 : i32
            %add3A_759 = arith.constant 192 : i32
            %add3A_760 = arith.addi %add3A_758, %add3A_759 : i32
            %convert_element_type3A_761 = arith.extui %reduce_or3A_757 : i1 to i32
            %cond3A_762 = arith.constant 0 : i32
            %cond3A_763 = arith.cmpi ne, %convert_element_type3A_761, %cond3A_762 : i32
            %cond3A_764:3 = scf.if %cond3A_763 -> (vector<16xf32>, vector<16xi32>, vector<16xf32>) {
              %add3A_981 = vector.broadcast %add3A_760 : i32 to vector<16xi32>
              %add3A_982 = arith.addi %add3A_981, %iota3A : vector<16xi32>
              %jit3A = arith.constant -3.000000e+38 : f32
              %broadcast_in_dim3A_983 = vector.broadcast %jit3A : f32 to vector<16xf32>
              %select_n3A_984 = arith.select %gt3A_326, %add3A_325, %broadcast_in_dim3A_983 : vector<16xi1>, vector<16xf32>
              %masked_sort3A = arith.constant dense<true> : vector<16xi1>
              %masked_sort3A_985, %masked_sort3A_986, %masked_sort3A_987 = tpu.sort %select_n3A_984, %add3A_982 masked %masked_sort3A {descending = true} : (vector<16xf32>, vector<16xi32>, vector<16xi1>) -> (vector<16xi1>, vector<16xf32>, vector<16xi32>)
              %rev3A = arith.constant 15 : i32
              %rev3A_988 = vector.broadcast %rev3A : i32 to vector<16xi32>
              %rev3A_989 = tpu.iota {dimensions = array<i32: 0>} : vector<16xi32>
              %rev3A_990 = arith.subi %rev3A_988, %rev3A_989 : vector<16xi32>
              %rev3A_991 = tpu.dynamic_gather %masked_sort3A_986[%rev3A_990] in [0] : vector<16xf32>, vector<16xi32> -> vector<16xf32>
              %rev3A_992 = arith.constant 15 : i32
              %rev3A_993 = vector.broadcast %rev3A_992 : i32 to vector<16xi32>
              %rev3A_994 = tpu.iota {dimensions = array<i32: 0>} : vector<16xi32>
              %rev3A_995 = arith.subi %rev3A_993, %rev3A_994 : vector<16xi32>
              %rev3A_996 = tpu.dynamic_gather %masked_sort3A_987[%rev3A_995] in [0] : vector<16xi32>, vector<16xi32> -> vector<16xi32>
              %ge3A = arith.cmpf oge, %cond3A_746#0, %rev3A_991 : vector<16xf32>
              %select_n3A_997 = arith.select %ge3A, %cond3A_746#0, %rev3A_991 : vector<16xi1>, vector<16xf32>
              %select_n3A_998 = arith.select %ge3A, %cond3A_746#1, %rev3A_996 : vector<16xi1>, vector<16xi32>
              %masked_sort3A_999 = arith.constant dense<true> : vector<16xi1>
              %masked_sort3A_1000, %masked_sort3A_1001, %masked_sort3A_1002 = tpu.sort %select_n3A_997, %select_n3A_998 masked %masked_sort3A_999 {descending = true} : (vector<16xf32>, vector<16xi32>, vector<16xi1>) -> (vector<16xi1>, vector<16xf32>, vector<16xi32>)
              %broadcast_in_dim3A_1003 = arith.constant 15 : i32
              %broadcast_in_dim3A_1004 = vector.broadcast %broadcast_in_dim3A_1003 : i32 to vector<16x1xi32>
              %gather3A = vector.shape_cast %broadcast_in_dim3A_1004 : vector<16x1xi32> to vector<16xi32>
              %gather3A_1005 = tpu.dynamic_gather %masked_sort3A_1001[%gather3A] in [0] : vector<16xf32>, vector<16xi32> -> vector<16xf32>
              scf.yield %masked_sort3A_1001, %masked_sort3A_1002, %gather3A_1005 : vector<16xf32>, vector<16xi32>, vector<16xf32>
            } else {
              scf.yield %cond3A_746#0, %cond3A_746#1, %cond3A_746#2 : vector<16xf32>, vector<16xi32>, vector<16xf32>
            }
            %reduce_or3A_765 = arith.constant 1.000000e+00 : f32
            %reduce_or3A_766 = arith.constant 0.000000e+00 : f32
            %reduce_or3A_767 = vector.broadcast %reduce_or3A_765 : f32 to vector<16xf32>
            %reduce_or3A_768 = vector.broadcast %reduce_or3A_766 : f32 to vector<16xf32>
            %reduce_or3A_769 = arith.select %gt3A_340, %reduce_or3A_767, %reduce_or3A_768 : vector<16xi1>, vector<16xf32>
            %reduce_or3A_770 = arith.constant true
            %reduce_or3A_771 = vector.broadcast %reduce_or3A_770 : i1 to vector<16xi1>
            %reduce_or3A_772 = tpu.scan <max>, %reduce_or3A_769 masked %reduce_or3A_771 : vector<16xf32>, vector<16xi1> -> vector<16xf32>
            %reduce_or3A_773 = vector.extract %reduce_or3A_772[15] : f32 from vector<16xf32>
            %reduce_or3A_774 = arith.constant 0.000000e+00 : f32
            %reduce_or3A_775 = arith.cmpf ogt, %reduce_or3A_773, %reduce_or3A_774 : f32
            %add3A_776 = arith.addi %add3A_125, %mul3A_147 : i32
            %add3A_777 = arith.constant 208 : i32
            %add3A_778 = arith.addi %add3A_776, %add3A_777 : i32
            %convert_element_type3A_779 = arith.extui %reduce_or3A_775 : i1 to i32
            %cond3A_780 = arith.constant 0 : i32
            %cond3A_781 = arith.cmpi ne, %convert_element_type3A_779, %cond3A_780 : i32
            %cond3A_782:3 = scf.if %cond3A_781 -> (vector<16xf32>, vector<16xi32>, vector<16xf32>) {
              %add3A_981 = vector.broadcast %add3A_778 : i32 to vector<16xi32>
              %add3A_982 = arith.addi %add3A_981, %iota3A : vector<16xi32>
              %jit3A = arith.constant -3.000000e+38 : f32
              %broadcast_in_dim3A_983 = vector.broadcast %jit3A : f32 to vector<16xf32>
              %select_n3A_984 = arith.select %gt3A_340, %add3A_339, %broadcast_in_dim3A_983 : vector<16xi1>, vector<16xf32>
              %masked_sort3A = arith.constant dense<true> : vector<16xi1>
              %masked_sort3A_985, %masked_sort3A_986, %masked_sort3A_987 = tpu.sort %select_n3A_984, %add3A_982 masked %masked_sort3A {descending = true} : (vector<16xf32>, vector<16xi32>, vector<16xi1>) -> (vector<16xi1>, vector<16xf32>, vector<16xi32>)
              %rev3A = arith.constant 15 : i32
              %rev3A_988 = vector.broadcast %rev3A : i32 to vector<16xi32>
              %rev3A_989 = tpu.iota {dimensions = array<i32: 0>} : vector<16xi32>
              %rev3A_990 = arith.subi %rev3A_988, %rev3A_989 : vector<16xi32>
              %rev3A_991 = tpu.dynamic_gather %masked_sort3A_986[%rev3A_990] in [0] : vector<16xf32>, vector<16xi32> -> vector<16xf32>
              %rev3A_992 = arith.constant 15 : i32
              %rev3A_993 = vector.broadcast %rev3A_992 : i32 to vector<16xi32>
              %rev3A_994 = tpu.iota {dimensions = array<i32: 0>} : vector<16xi32>
              %rev3A_995 = arith.subi %rev3A_993, %rev3A_994 : vector<16xi32>
              %rev3A_996 = tpu.dynamic_gather %masked_sort3A_987[%rev3A_995] in [0] : vector<16xi32>, vector<16xi32> -> vector<16xi32>
              %ge3A = arith.cmpf oge, %cond3A_764#0, %rev3A_991 : vector<16xf32>
              %select_n3A_997 = arith.select %ge3A, %cond3A_764#0, %rev3A_991 : vector<16xi1>, vector<16xf32>
              %select_n3A_998 = arith.select %ge3A, %cond3A_764#1, %rev3A_996 : vector<16xi1>, vector<16xi32>
              %masked_sort3A_999 = arith.constant dense<true> : vector<16xi1>
              %masked_sort3A_1000, %masked_sort3A_1001, %masked_sort3A_1002 = tpu.sort %select_n3A_997, %select_n3A_998 masked %masked_sort3A_999 {descending = true} : (vector<16xf32>, vector<16xi32>, vector<16xi1>) -> (vector<16xi1>, vector<16xf32>, vector<16xi32>)
              %broadcast_in_dim3A_1003 = arith.constant 15 : i32
              %broadcast_in_dim3A_1004 = vector.broadcast %broadcast_in_dim3A_1003 : i32 to vector<16x1xi32>
              %gather3A = vector.shape_cast %broadcast_in_dim3A_1004 : vector<16x1xi32> to vector<16xi32>
              %gather3A_1005 = tpu.dynamic_gather %masked_sort3A_1001[%gather3A] in [0] : vector<16xf32>, vector<16xi32> -> vector<16xf32>
              scf.yield %masked_sort3A_1001, %masked_sort3A_1002, %gather3A_1005 : vector<16xf32>, vector<16xi32>, vector<16xf32>
            } else {
              scf.yield %cond3A_764#0, %cond3A_764#1, %cond3A_764#2 : vector<16xf32>, vector<16xi32>, vector<16xf32>
            }
            %reduce_or3A_783 = arith.constant 1.000000e+00 : f32
            %reduce_or3A_784 = arith.constant 0.000000e+00 : f32
            %reduce_or3A_785 = vector.broadcast %reduce_or3A_783 : f32 to vector<16xf32>
            %reduce_or3A_786 = vector.broadcast %reduce_or3A_784 : f32 to vector<16xf32>
            %reduce_or3A_787 = arith.select %gt3A_354, %reduce_or3A_785, %reduce_or3A_786 : vector<16xi1>, vector<16xf32>
            %reduce_or3A_788 = arith.constant true
            %reduce_or3A_789 = vector.broadcast %reduce_or3A_788 : i1 to vector<16xi1>
            %reduce_or3A_790 = tpu.scan <max>, %reduce_or3A_787 masked %reduce_or3A_789 : vector<16xf32>, vector<16xi1> -> vector<16xf32>
            %reduce_or3A_791 = vector.extract %reduce_or3A_790[15] : f32 from vector<16xf32>
            %reduce_or3A_792 = arith.constant 0.000000e+00 : f32
            %reduce_or3A_793 = arith.cmpf ogt, %reduce_or3A_791, %reduce_or3A_792 : f32
            %add3A_794 = arith.addi %add3A_125, %mul3A_147 : i32
            %add3A_795 = arith.constant 224 : i32
            %add3A_796 = arith.addi %add3A_794, %add3A_795 : i32
            %convert_element_type3A_797 = arith.extui %reduce_or3A_793 : i1 to i32
            %cond3A_798 = arith.constant 0 : i32
            %cond3A_799 = arith.cmpi ne, %convert_element_type3A_797, %cond3A_798 : i32
            %cond3A_800:3 = scf.if %cond3A_799 -> (vector<16xf32>, vector<16xi32>, vector<16xf32>) {
              %add3A_981 = vector.broadcast %add3A_796 : i32 to vector<16xi32>
              %add3A_982 = arith.addi %add3A_981, %iota3A : vector<16xi32>
              %jit3A = arith.constant -3.000000e+38 : f32
              %broadcast_in_dim3A_983 = vector.broadcast %jit3A : f32 to vector<16xf32>
              %select_n3A_984 = arith.select %gt3A_354, %add3A_353, %broadcast_in_dim3A_983 : vector<16xi1>, vector<16xf32>
              %masked_sort3A = arith.constant dense<true> : vector<16xi1>
              %masked_sort3A_985, %masked_sort3A_986, %masked_sort3A_987 = tpu.sort %select_n3A_984, %add3A_982 masked %masked_sort3A {descending = true} : (vector<16xf32>, vector<16xi32>, vector<16xi1>) -> (vector<16xi1>, vector<16xf32>, vector<16xi32>)
              %rev3A = arith.constant 15 : i32
              %rev3A_988 = vector.broadcast %rev3A : i32 to vector<16xi32>
              %rev3A_989 = tpu.iota {dimensions = array<i32: 0>} : vector<16xi32>
              %rev3A_990 = arith.subi %rev3A_988, %rev3A_989 : vector<16xi32>
              %rev3A_991 = tpu.dynamic_gather %masked_sort3A_986[%rev3A_990] in [0] : vector<16xf32>, vector<16xi32> -> vector<16xf32>
              %rev3A_992 = arith.constant 15 : i32
              %rev3A_993 = vector.broadcast %rev3A_992 : i32 to vector<16xi32>
              %rev3A_994 = tpu.iota {dimensions = array<i32: 0>} : vector<16xi32>
              %rev3A_995 = arith.subi %rev3A_993, %rev3A_994 : vector<16xi32>
              %rev3A_996 = tpu.dynamic_gather %masked_sort3A_987[%rev3A_995] in [0] : vector<16xi32>, vector<16xi32> -> vector<16xi32>
              %ge3A = arith.cmpf oge, %cond3A_782#0, %rev3A_991 : vector<16xf32>
              %select_n3A_997 = arith.select %ge3A, %cond3A_782#0, %rev3A_991 : vector<16xi1>, vector<16xf32>
              %select_n3A_998 = arith.select %ge3A, %cond3A_782#1, %rev3A_996 : vector<16xi1>, vector<16xi32>
              %masked_sort3A_999 = arith.constant dense<true> : vector<16xi1>
              %masked_sort3A_1000, %masked_sort3A_1001, %masked_sort3A_1002 = tpu.sort %select_n3A_997, %select_n3A_998 masked %masked_sort3A_999 {descending = true} : (vector<16xf32>, vector<16xi32>, vector<16xi1>) -> (vector<16xi1>, vector<16xf32>, vector<16xi32>)
              %broadcast_in_dim3A_1003 = arith.constant 15 : i32
              %broadcast_in_dim3A_1004 = vector.broadcast %broadcast_in_dim3A_1003 : i32 to vector<16x1xi32>
              %gather3A = vector.shape_cast %broadcast_in_dim3A_1004 : vector<16x1xi32> to vector<16xi32>
              %gather3A_1005 = tpu.dynamic_gather %masked_sort3A_1001[%gather3A] in [0] : vector<16xf32>, vector<16xi32> -> vector<16xf32>
              scf.yield %masked_sort3A_1001, %masked_sort3A_1002, %gather3A_1005 : vector<16xf32>, vector<16xi32>, vector<16xf32>
            } else {
              scf.yield %cond3A_782#0, %cond3A_782#1, %cond3A_782#2 : vector<16xf32>, vector<16xi32>, vector<16xf32>
            }
            %reduce_or3A_801 = arith.constant 1.000000e+00 : f32
            %reduce_or3A_802 = arith.constant 0.000000e+00 : f32
            %reduce_or3A_803 = vector.broadcast %reduce_or3A_801 : f32 to vector<16xf32>
            %reduce_or3A_804 = vector.broadcast %reduce_or3A_802 : f32 to vector<16xf32>
            %reduce_or3A_805 = arith.select %gt3A_368, %reduce_or3A_803, %reduce_or3A_804 : vector<16xi1>, vector<16xf32>
            %reduce_or3A_806 = arith.constant true
            %reduce_or3A_807 = vector.broadcast %reduce_or3A_806 : i1 to vector<16xi1>
            %reduce_or3A_808 = tpu.scan <max>, %reduce_or3A_805 masked %reduce_or3A_807 : vector<16xf32>, vector<16xi1> -> vector<16xf32>
            %reduce_or3A_809 = vector.extract %reduce_or3A_808[15] : f32 from vector<16xf32>
            %reduce_or3A_810 = arith.constant 0.000000e+00 : f32
            %reduce_or3A_811 = arith.cmpf ogt, %reduce_or3A_809, %reduce_or3A_810 : f32
            %add3A_812 = arith.addi %add3A_125, %mul3A_147 : i32
            %add3A_813 = arith.constant 240 : i32
            %add3A_814 = arith.addi %add3A_812, %add3A_813 : i32
            %convert_element_type3A_815 = arith.extui %reduce_or3A_811 : i1 to i32
            %cond3A_816 = arith.constant 0 : i32
            %cond3A_817 = arith.cmpi ne, %convert_element_type3A_815, %cond3A_816 : i32
            %cond3A_818:3 = scf.if %cond3A_817 -> (vector<16xf32>, vector<16xi32>, vector<16xf32>) {
              %add3A_981 = vector.broadcast %add3A_814 : i32 to vector<16xi32>
              %add3A_982 = arith.addi %add3A_981, %iota3A : vector<16xi32>
              %jit3A = arith.constant -3.000000e+38 : f32
              %broadcast_in_dim3A_983 = vector.broadcast %jit3A : f32 to vector<16xf32>
              %select_n3A_984 = arith.select %gt3A_368, %add3A_367, %broadcast_in_dim3A_983 : vector<16xi1>, vector<16xf32>
              %masked_sort3A = arith.constant dense<true> : vector<16xi1>
              %masked_sort3A_985, %masked_sort3A_986, %masked_sort3A_987 = tpu.sort %select_n3A_984, %add3A_982 masked %masked_sort3A {descending = true} : (vector<16xf32>, vector<16xi32>, vector<16xi1>) -> (vector<16xi1>, vector<16xf32>, vector<16xi32>)
              %rev3A = arith.constant 15 : i32
              %rev3A_988 = vector.broadcast %rev3A : i32 to vector<16xi32>
              %rev3A_989 = tpu.iota {dimensions = array<i32: 0>} : vector<16xi32>
              %rev3A_990 = arith.subi %rev3A_988, %rev3A_989 : vector<16xi32>
              %rev3A_991 = tpu.dynamic_gather %masked_sort3A_986[%rev3A_990] in [0] : vector<16xf32>, vector<16xi32> -> vector<16xf32>
              %rev3A_992 = arith.constant 15 : i32
              %rev3A_993 = vector.broadcast %rev3A_992 : i32 to vector<16xi32>
              %rev3A_994 = tpu.iota {dimensions = array<i32: 0>} : vector<16xi32>
              %rev3A_995 = arith.subi %rev3A_993, %rev3A_994 : vector<16xi32>
              %rev3A_996 = tpu.dynamic_gather %masked_sort3A_987[%rev3A_995] in [0] : vector<16xi32>, vector<16xi32> -> vector<16xi32>
              %ge3A = arith.cmpf oge, %cond3A_800#0, %rev3A_991 : vector<16xf32>
              %select_n3A_997 = arith.select %ge3A, %cond3A_800#0, %rev3A_991 : vector<16xi1>, vector<16xf32>
              %select_n3A_998 = arith.select %ge3A, %cond3A_800#1, %rev3A_996 : vector<16xi1>, vector<16xi32>
              %masked_sort3A_999 = arith.constant dense<true> : vector<16xi1>
              %masked_sort3A_1000, %masked_sort3A_1001, %masked_sort3A_1002 = tpu.sort %select_n3A_997, %select_n3A_998 masked %masked_sort3A_999 {descending = true} : (vector<16xf32>, vector<16xi32>, vector<16xi1>) -> (vector<16xi1>, vector<16xf32>, vector<16xi32>)
              %broadcast_in_dim3A_1003 = arith.constant 15 : i32
              %broadcast_in_dim3A_1004 = vector.broadcast %broadcast_in_dim3A_1003 : i32 to vector<16x1xi32>
              %gather3A = vector.shape_cast %broadcast_in_dim3A_1004 : vector<16x1xi32> to vector<16xi32>
              %gather3A_1005 = tpu.dynamic_gather %masked_sort3A_1001[%gather3A] in [0] : vector<16xf32>, vector<16xi32> -> vector<16xf32>
              scf.yield %masked_sort3A_1001, %masked_sort3A_1002, %gather3A_1005 : vector<16xf32>, vector<16xi32>, vector<16xf32>
            } else {
              scf.yield %cond3A_800#0, %cond3A_800#1, %cond3A_800#2 : vector<16xf32>, vector<16xi32>, vector<16xf32>
            }
            %reduce_or3A_819 = arith.constant 1.000000e+00 : f32
            %reduce_or3A_820 = arith.constant 0.000000e+00 : f32
            %reduce_or3A_821 = vector.broadcast %reduce_or3A_819 : f32 to vector<16xf32>
            %reduce_or3A_822 = vector.broadcast %reduce_or3A_820 : f32 to vector<16xf32>
            %reduce_or3A_823 = arith.select %gt3A_382, %reduce_or3A_821, %reduce_or3A_822 : vector<16xi1>, vector<16xf32>
            %reduce_or3A_824 = arith.constant true
            %reduce_or3A_825 = vector.broadcast %reduce_or3A_824 : i1 to vector<16xi1>
            %reduce_or3A_826 = tpu.scan <max>, %reduce_or3A_823 masked %reduce_or3A_825 : vector<16xf32>, vector<16xi1> -> vector<16xf32>
            %reduce_or3A_827 = vector.extract %reduce_or3A_826[15] : f32 from vector<16xf32>
            %reduce_or3A_828 = arith.constant 0.000000e+00 : f32
            %reduce_or3A_829 = arith.cmpf ogt, %reduce_or3A_827, %reduce_or3A_828 : f32
            %add3A_830 = arith.addi %add3A_125, %mul3A_147 : i32
            %add3A_831 = arith.constant 256 : i32
            %add3A_832 = arith.addi %add3A_830, %add3A_831 : i32
            %convert_element_type3A_833 = arith.extui %reduce_or3A_829 : i1 to i32
            %cond3A_834 = arith.constant 0 : i32
            %cond3A_835 = arith.cmpi ne, %convert_element_type3A_833, %cond3A_834 : i32
            %cond3A_836:3 = scf.if %cond3A_835 -> (vector<16xf32>, vector<16xi32>, vector<16xf32>) {
              %add3A_981 = vector.broadcast %add3A_832 : i32 to vector<16xi32>
              %add3A_982 = arith.addi %add3A_981, %iota3A : vector<16xi32>
              %jit3A = arith.constant -3.000000e+38 : f32
              %broadcast_in_dim3A_983 = vector.broadcast %jit3A : f32 to vector<16xf32>
              %select_n3A_984 = arith.select %gt3A_382, %add3A_381, %broadcast_in_dim3A_983 : vector<16xi1>, vector<16xf32>
              %masked_sort3A = arith.constant dense<true> : vector<16xi1>
              %masked_sort3A_985, %masked_sort3A_986, %masked_sort3A_987 = tpu.sort %select_n3A_984, %add3A_982 masked %masked_sort3A {descending = true} : (vector<16xf32>, vector<16xi32>, vector<16xi1>) -> (vector<16xi1>, vector<16xf32>, vector<16xi32>)
              %rev3A = arith.constant 15 : i32
              %rev3A_988 = vector.broadcast %rev3A : i32 to vector<16xi32>
              %rev3A_989 = tpu.iota {dimensions = array<i32: 0>} : vector<16xi32>
              %rev3A_990 = arith.subi %rev3A_988, %rev3A_989 : vector<16xi32>
              %rev3A_991 = tpu.dynamic_gather %masked_sort3A_986[%rev3A_990] in [0] : vector<16xf32>, vector<16xi32> -> vector<16xf32>
              %rev3A_992 = arith.constant 15 : i32
              %rev3A_993 = vector.broadcast %rev3A_992 : i32 to vector<16xi32>
              %rev3A_994 = tpu.iota {dimensions = array<i32: 0>} : vector<16xi32>
              %rev3A_995 = arith.subi %rev3A_993, %rev3A_994 : vector<16xi32>
              %rev3A_996 = tpu.dynamic_gather %masked_sort3A_987[%rev3A_995] in [0] : vector<16xi32>, vector<16xi32> -> vector<16xi32>
              %ge3A = arith.cmpf oge, %cond3A_818#0, %rev3A_991 : vector<16xf32>
              %select_n3A_997 = arith.select %ge3A, %cond3A_818#0, %rev3A_991 : vector<16xi1>, vector<16xf32>
              %select_n3A_998 = arith.select %ge3A, %cond3A_818#1, %rev3A_996 : vector<16xi1>, vector<16xi32>
              %masked_sort3A_999 = arith.constant dense<true> : vector<16xi1>
              %masked_sort3A_1000, %masked_sort3A_1001, %masked_sort3A_1002 = tpu.sort %select_n3A_997, %select_n3A_998 masked %masked_sort3A_999 {descending = true} : (vector<16xf32>, vector<16xi32>, vector<16xi1>) -> (vector<16xi1>, vector<16xf32>, vector<16xi32>)
              %broadcast_in_dim3A_1003 = arith.constant 15 : i32
              %broadcast_in_dim3A_1004 = vector.broadcast %broadcast_in_dim3A_1003 : i32 to vector<16x1xi32>
              %gather3A = vector.shape_cast %broadcast_in_dim3A_1004 : vector<16x1xi32> to vector<16xi32>
              %gather3A_1005 = tpu.dynamic_gather %masked_sort3A_1001[%gather3A] in [0] : vector<16xf32>, vector<16xi32> -> vector<16xf32>
              scf.yield %masked_sort3A_1001, %masked_sort3A_1002, %gather3A_1005 : vector<16xf32>, vector<16xi32>, vector<16xf32>
            } else {
              scf.yield %cond3A_818#0, %cond3A_818#1, %cond3A_818#2 : vector<16xf32>, vector<16xi32>, vector<16xf32>
            }
            %reduce_or3A_837 = arith.constant 1.000000e+00 : f32
            %reduce_or3A_838 = arith.constant 0.000000e+00 : f32
            %reduce_or3A_839 = vector.broadcast %reduce_or3A_837 : f32 to vector<16xf32>
            %reduce_or3A_840 = vector.broadcast %reduce_or3A_838 : f32 to vector<16xf32>
            %reduce_or3A_841 = arith.select %gt3A_396, %reduce_or3A_839, %reduce_or3A_840 : vector<16xi1>, vector<16xf32>
            %reduce_or3A_842 = arith.constant true
            %reduce_or3A_843 = vector.broadcast %reduce_or3A_842 : i1 to vector<16xi1>
            %reduce_or3A_844 = tpu.scan <max>, %reduce_or3A_841 masked %reduce_or3A_843 : vector<16xf32>, vector<16xi1> -> vector<16xf32>
            %reduce_or3A_845 = vector.extract %reduce_or3A_844[15] : f32 from vector<16xf32>
            %reduce_or3A_846 = arith.constant 0.000000e+00 : f32
            %reduce_or3A_847 = arith.cmpf ogt, %reduce_or3A_845, %reduce_or3A_846 : f32
            %add3A_848 = arith.addi %add3A_125, %mul3A_147 : i32
            %add3A_849 = arith.constant 272 : i32
            %add3A_850 = arith.addi %add3A_848, %add3A_849 : i32
            %convert_element_type3A_851 = arith.extui %reduce_or3A_847 : i1 to i32
            %cond3A_852 = arith.constant 0 : i32
            %cond3A_853 = arith.cmpi ne, %convert_element_type3A_851, %cond3A_852 : i32
            %cond3A_854:3 = scf.if %cond3A_853 -> (vector<16xf32>, vector<16xi32>, vector<16xf32>) {
              %add3A_981 = vector.broadcast %add3A_850 : i32 to vector<16xi32>
              %add3A_982 = arith.addi %add3A_981, %iota3A : vector<16xi32>
              %jit3A = arith.constant -3.000000e+38 : f32
              %broadcast_in_dim3A_983 = vector.broadcast %jit3A : f32 to vector<16xf32>
              %select_n3A_984 = arith.select %gt3A_396, %add3A_395, %broadcast_in_dim3A_983 : vector<16xi1>, vector<16xf32>
              %masked_sort3A = arith.constant dense<true> : vector<16xi1>
              %masked_sort3A_985, %masked_sort3A_986, %masked_sort3A_987 = tpu.sort %select_n3A_984, %add3A_982 masked %masked_sort3A {descending = true} : (vector<16xf32>, vector<16xi32>, vector<16xi1>) -> (vector<16xi1>, vector<16xf32>, vector<16xi32>)
              %rev3A = arith.constant 15 : i32
              %rev3A_988 = vector.broadcast %rev3A : i32 to vector<16xi32>
              %rev3A_989 = tpu.iota {dimensions = array<i32: 0>} : vector<16xi32>
              %rev3A_990 = arith.subi %rev3A_988, %rev3A_989 : vector<16xi32>
              %rev3A_991 = tpu.dynamic_gather %masked_sort3A_986[%rev3A_990] in [0] : vector<16xf32>, vector<16xi32> -> vector<16xf32>
              %rev3A_992 = arith.constant 15 : i32
              %rev3A_993 = vector.broadcast %rev3A_992 : i32 to vector<16xi32>
              %rev3A_994 = tpu.iota {dimensions = array<i32: 0>} : vector<16xi32>
              %rev3A_995 = arith.subi %rev3A_993, %rev3A_994 : vector<16xi32>
              %rev3A_996 = tpu.dynamic_gather %masked_sort3A_987[%rev3A_995] in [0] : vector<16xi32>, vector<16xi32> -> vector<16xi32>
              %ge3A = arith.cmpf oge, %cond3A_836#0, %rev3A_991 : vector<16xf32>
              %select_n3A_997 = arith.select %ge3A, %cond3A_836#0, %rev3A_991 : vector<16xi1>, vector<16xf32>
              %select_n3A_998 = arith.select %ge3A, %cond3A_836#1, %rev3A_996 : vector<16xi1>, vector<16xi32>
              %masked_sort3A_999 = arith.constant dense<true> : vector<16xi1>
              %masked_sort3A_1000, %masked_sort3A_1001, %masked_sort3A_1002 = tpu.sort %select_n3A_997, %select_n3A_998 masked %masked_sort3A_999 {descending = true} : (vector<16xf32>, vector<16xi32>, vector<16xi1>) -> (vector<16xi1>, vector<16xf32>, vector<16xi32>)
              %broadcast_in_dim3A_1003 = arith.constant 15 : i32
              %broadcast_in_dim3A_1004 = vector.broadcast %broadcast_in_dim3A_1003 : i32 to vector<16x1xi32>
              %gather3A = vector.shape_cast %broadcast_in_dim3A_1004 : vector<16x1xi32> to vector<16xi32>
              %gather3A_1005 = tpu.dynamic_gather %masked_sort3A_1001[%gather3A] in [0] : vector<16xf32>, vector<16xi32> -> vector<16xf32>
              scf.yield %masked_sort3A_1001, %masked_sort3A_1002, %gather3A_1005 : vector<16xf32>, vector<16xi32>, vector<16xf32>
            } else {
              scf.yield %cond3A_836#0, %cond3A_836#1, %cond3A_836#2 : vector<16xf32>, vector<16xi32>, vector<16xf32>
            }
            %reduce_or3A_855 = arith.constant 1.000000e+00 : f32
            %reduce_or3A_856 = arith.constant 0.000000e+00 : f32
            %reduce_or3A_857 = vector.broadcast %reduce_or3A_855 : f32 to vector<16xf32>
            %reduce_or3A_858 = vector.broadcast %reduce_or3A_856 : f32 to vector<16xf32>
            %reduce_or3A_859 = arith.select %gt3A_410, %reduce_or3A_857, %reduce_or3A_858 : vector<16xi1>, vector<16xf32>
            %reduce_or3A_860 = arith.constant true
            %reduce_or3A_861 = vector.broadcast %reduce_or3A_860 : i1 to vector<16xi1>
            %reduce_or3A_862 = tpu.scan <max>, %reduce_or3A_859 masked %reduce_or3A_861 : vector<16xf32>, vector<16xi1> -> vector<16xf32>
            %reduce_or3A_863 = vector.extract %reduce_or3A_862[15] : f32 from vector<16xf32>
            %reduce_or3A_864 = arith.constant 0.000000e+00 : f32
            %reduce_or3A_865 = arith.cmpf ogt, %reduce_or3A_863, %reduce_or3A_864 : f32
            %add3A_866 = arith.addi %add3A_125, %mul3A_147 : i32
            %add3A_867 = arith.constant 288 : i32
            %add3A_868 = arith.addi %add3A_866, %add3A_867 : i32
            %convert_element_type3A_869 = arith.extui %reduce_or3A_865 : i1 to i32
            %cond3A_870 = arith.constant 0 : i32
            %cond3A_871 = arith.cmpi ne, %convert_element_type3A_869, %cond3A_870 : i32
            %cond3A_872:3 = scf.if %cond3A_871 -> (vector<16xf32>, vector<16xi32>, vector<16xf32>) {
              %add3A_981 = vector.broadcast %add3A_868 : i32 to vector<16xi32>
              %add3A_982 = arith.addi %add3A_981, %iota3A : vector<16xi32>
              %jit3A = arith.constant -3.000000e+38 : f32
              %broadcast_in_dim3A_983 = vector.broadcast %jit3A : f32 to vector<16xf32>
              %select_n3A_984 = arith.select %gt3A_410, %add3A_409, %broadcast_in_dim3A_983 : vector<16xi1>, vector<16xf32>
              %masked_sort3A = arith.constant dense<true> : vector<16xi1>
              %masked_sort3A_985, %masked_sort3A_986, %masked_sort3A_987 = tpu.sort %select_n3A_984, %add3A_982 masked %masked_sort3A {descending = true} : (vector<16xf32>, vector<16xi32>, vector<16xi1>) -> (vector<16xi1>, vector<16xf32>, vector<16xi32>)
              %rev3A = arith.constant 15 : i32
              %rev3A_988 = vector.broadcast %rev3A : i32 to vector<16xi32>
              %rev3A_989 = tpu.iota {dimensions = array<i32: 0>} : vector<16xi32>
              %rev3A_990 = arith.subi %rev3A_988, %rev3A_989 : vector<16xi32>
              %rev3A_991 = tpu.dynamic_gather %masked_sort3A_986[%rev3A_990] in [0] : vector<16xf32>, vector<16xi32> -> vector<16xf32>
              %rev3A_992 = arith.constant 15 : i32
              %rev3A_993 = vector.broadcast %rev3A_992 : i32 to vector<16xi32>
              %rev3A_994 = tpu.iota {dimensions = array<i32: 0>} : vector<16xi32>
              %rev3A_995 = arith.subi %rev3A_993, %rev3A_994 : vector<16xi32>
              %rev3A_996 = tpu.dynamic_gather %masked_sort3A_987[%rev3A_995] in [0] : vector<16xi32>, vector<16xi32> -> vector<16xi32>
              %ge3A = arith.cmpf oge, %cond3A_854#0, %rev3A_991 : vector<16xf32>
              %select_n3A_997 = arith.select %ge3A, %cond3A_854#0, %rev3A_991 : vector<16xi1>, vector<16xf32>
              %select_n3A_998 = arith.select %ge3A, %cond3A_854#1, %rev3A_996 : vector<16xi1>, vector<16xi32>
              %masked_sort3A_999 = arith.constant dense<true> : vector<16xi1>
              %masked_sort3A_1000, %masked_sort3A_1001, %masked_sort3A_1002 = tpu.sort %select_n3A_997, %select_n3A_998 masked %masked_sort3A_999 {descending = true} : (vector<16xf32>, vector<16xi32>, vector<16xi1>) -> (vector<16xi1>, vector<16xf32>, vector<16xi32>)
              %broadcast_in_dim3A_1003 = arith.constant 15 : i32
              %broadcast_in_dim3A_1004 = vector.broadcast %broadcast_in_dim3A_1003 : i32 to vector<16x1xi32>
              %gather3A = vector.shape_cast %broadcast_in_dim3A_1004 : vector<16x1xi32> to vector<16xi32>
              %gather3A_1005 = tpu.dynamic_gather %masked_sort3A_1001[%gather3A] in [0] : vector<16xf32>, vector<16xi32> -> vector<16xf32>
              scf.yield %masked_sort3A_1001, %masked_sort3A_1002, %gather3A_1005 : vector<16xf32>, vector<16xi32>, vector<16xf32>
            } else {
              scf.yield %cond3A_854#0, %cond3A_854#1, %cond3A_854#2 : vector<16xf32>, vector<16xi32>, vector<16xf32>
            }
            %reduce_or3A_873 = arith.constant 1.000000e+00 : f32
            %reduce_or3A_874 = arith.constant 0.000000e+00 : f32
            %reduce_or3A_875 = vector.broadcast %reduce_or3A_873 : f32 to vector<16xf32>
            %reduce_or3A_876 = vector.broadcast %reduce_or3A_874 : f32 to vector<16xf32>
            %reduce_or3A_877 = arith.select %gt3A_424, %reduce_or3A_875, %reduce_or3A_876 : vector<16xi1>, vector<16xf32>
            %reduce_or3A_878 = arith.constant true
            %reduce_or3A_879 = vector.broadcast %reduce_or3A_878 : i1 to vector<16xi1>
            %reduce_or3A_880 = tpu.scan <max>, %reduce_or3A_877 masked %reduce_or3A_879 : vector<16xf32>, vector<16xi1> -> vector<16xf32>
            %reduce_or3A_881 = vector.extract %reduce_or3A_880[15] : f32 from vector<16xf32>
            %reduce_or3A_882 = arith.constant 0.000000e+00 : f32
            %reduce_or3A_883 = arith.cmpf ogt, %reduce_or3A_881, %reduce_or3A_882 : f32
            %add3A_884 = arith.addi %add3A_125, %mul3A_147 : i32
            %add3A_885 = arith.constant 304 : i32
            %add3A_886 = arith.addi %add3A_884, %add3A_885 : i32
            %convert_element_type3A_887 = arith.extui %reduce_or3A_883 : i1 to i32
            %cond3A_888 = arith.constant 0 : i32
            %cond3A_889 = arith.cmpi ne, %convert_element_type3A_887, %cond3A_888 : i32
            %cond3A_890:3 = scf.if %cond3A_889 -> (vector<16xf32>, vector<16xi32>, vector<16xf32>) {
              %add3A_981 = vector.broadcast %add3A_886 : i32 to vector<16xi32>
              %add3A_982 = arith.addi %add3A_981, %iota3A : vector<16xi32>
              %jit3A = arith.constant -3.000000e+38 : f32
              %broadcast_in_dim3A_983 = vector.broadcast %jit3A : f32 to vector<16xf32>
              %select_n3A_984 = arith.select %gt3A_424, %add3A_423, %broadcast_in_dim3A_983 : vector<16xi1>, vector<16xf32>
              %masked_sort3A = arith.constant dense<true> : vector<16xi1>
              %masked_sort3A_985, %masked_sort3A_986, %masked_sort3A_987 = tpu.sort %select_n3A_984, %add3A_982 masked %masked_sort3A {descending = true} : (vector<16xf32>, vector<16xi32>, vector<16xi1>) -> (vector<16xi1>, vector<16xf32>, vector<16xi32>)
              %rev3A = arith.constant 15 : i32
              %rev3A_988 = vector.broadcast %rev3A : i32 to vector<16xi32>
              %rev3A_989 = tpu.iota {dimensions = array<i32: 0>} : vector<16xi32>
              %rev3A_990 = arith.subi %rev3A_988, %rev3A_989 : vector<16xi32>
              %rev3A_991 = tpu.dynamic_gather %masked_sort3A_986[%rev3A_990] in [0] : vector<16xf32>, vector<16xi32> -> vector<16xf32>
              %rev3A_992 = arith.constant 15 : i32
              %rev3A_993 = vector.broadcast %rev3A_992 : i32 to vector<16xi32>
              %rev3A_994 = tpu.iota {dimensions = array<i32: 0>} : vector<16xi32>
              %rev3A_995 = arith.subi %rev3A_993, %rev3A_994 : vector<16xi32>
              %rev3A_996 = tpu.dynamic_gather %masked_sort3A_987[%rev3A_995] in [0] : vector<16xi32>, vector<16xi32> -> vector<16xi32>
              %ge3A = arith.cmpf oge, %cond3A_872#0, %rev3A_991 : vector<16xf32>
              %select_n3A_997 = arith.select %ge3A, %cond3A_872#0, %rev3A_991 : vector<16xi1>, vector<16xf32>
              %select_n3A_998 = arith.select %ge3A, %cond3A_872#1, %rev3A_996 : vector<16xi1>, vector<16xi32>
              %masked_sort3A_999 = arith.constant dense<true> : vector<16xi1>
              %masked_sort3A_1000, %masked_sort3A_1001, %masked_sort3A_1002 = tpu.sort %select_n3A_997, %select_n3A_998 masked %masked_sort3A_999 {descending = true} : (vector<16xf32>, vector<16xi32>, vector<16xi1>) -> (vector<16xi1>, vector<16xf32>, vector<16xi32>)
              %broadcast_in_dim3A_1003 = arith.constant 15 : i32
              %broadcast_in_dim3A_1004 = vector.broadcast %broadcast_in_dim3A_1003 : i32 to vector<16x1xi32>
              %gather3A = vector.shape_cast %broadcast_in_dim3A_1004 : vector<16x1xi32> to vector<16xi32>
              %gather3A_1005 = tpu.dynamic_gather %masked_sort3A_1001[%gather3A] in [0] : vector<16xf32>, vector<16xi32> -> vector<16xf32>
              scf.yield %masked_sort3A_1001, %masked_sort3A_1002, %gather3A_1005 : vector<16xf32>, vector<16xi32>, vector<16xf32>
            } else {
              scf.yield %cond3A_872#0, %cond3A_872#1, %cond3A_872#2 : vector<16xf32>, vector<16xi32>, vector<16xf32>
            }
            %reduce_or3A_891 = arith.constant 1.000000e+00 : f32
            %reduce_or3A_892 = arith.constant 0.000000e+00 : f32
            %reduce_or3A_893 = vector.broadcast %reduce_or3A_891 : f32 to vector<16xf32>
            %reduce_or3A_894 = vector.broadcast %reduce_or3A_892 : f32 to vector<16xf32>
            %reduce_or3A_895 = arith.select %gt3A_438, %reduce_or3A_893, %reduce_or3A_894 : vector<16xi1>, vector<16xf32>
            %reduce_or3A_896 = arith.constant true
            %reduce_or3A_897 = vector.broadcast %reduce_or3A_896 : i1 to vector<16xi1>
            %reduce_or3A_898 = tpu.scan <max>, %reduce_or3A_895 masked %reduce_or3A_897 : vector<16xf32>, vector<16xi1> -> vector<16xf32>
            %reduce_or3A_899 = vector.extract %reduce_or3A_898[15] : f32 from vector<16xf32>
            %reduce_or3A_900 = arith.constant 0.000000e+00 : f32
            %reduce_or3A_901 = arith.cmpf ogt, %reduce_or3A_899, %reduce_or3A_900 : f32
            %add3A_902 = arith.addi %add3A_125, %mul3A_147 : i32
            %add3A_903 = arith.constant 320 : i32
            %add3A_904 = arith.addi %add3A_902, %add3A_903 : i32
            %convert_element_type3A_905 = arith.extui %reduce_or3A_901 : i1 to i32
            %cond3A_906 = arith.constant 0 : i32
            %cond3A_907 = arith.cmpi ne, %convert_element_type3A_905, %cond3A_906 : i32
            %cond3A_908:3 = scf.if %cond3A_907 -> (vector<16xf32>, vector<16xi32>, vector<16xf32>) {
              %add3A_981 = vector.broadcast %add3A_904 : i32 to vector<16xi32>
              %add3A_982 = arith.addi %add3A_981, %iota3A : vector<16xi32>
              %jit3A = arith.constant -3.000000e+38 : f32
              %broadcast_in_dim3A_983 = vector.broadcast %jit3A : f32 to vector<16xf32>
              %select_n3A_984 = arith.select %gt3A_438, %add3A_437, %broadcast_in_dim3A_983 : vector<16xi1>, vector<16xf32>
              %masked_sort3A = arith.constant dense<true> : vector<16xi1>
              %masked_sort3A_985, %masked_sort3A_986, %masked_sort3A_987 = tpu.sort %select_n3A_984, %add3A_982 masked %masked_sort3A {descending = true} : (vector<16xf32>, vector<16xi32>, vector<16xi1>) -> (vector<16xi1>, vector<16xf32>, vector<16xi32>)
              %rev3A = arith.constant 15 : i32
              %rev3A_988 = vector.broadcast %rev3A : i32 to vector<16xi32>
              %rev3A_989 = tpu.iota {dimensions = array<i32: 0>} : vector<16xi32>
              %rev3A_990 = arith.subi %rev3A_988, %rev3A_989 : vector<16xi32>
              %rev3A_991 = tpu.dynamic_gather %masked_sort3A_986[%rev3A_990] in [0] : vector<16xf32>, vector<16xi32> -> vector<16xf32>
              %rev3A_992 = arith.constant 15 : i32
              %rev3A_993 = vector.broadcast %rev3A_992 : i32 to vector<16xi32>
              %rev3A_994 = tpu.iota {dimensions = array<i32: 0>} : vector<16xi32>
              %rev3A_995 = arith.subi %rev3A_993, %rev3A_994 : vector<16xi32>
              %rev3A_996 = tpu.dynamic_gather %masked_sort3A_987[%rev3A_995] in [0] : vector<16xi32>, vector<16xi32> -> vector<16xi32>
              %ge3A = arith.cmpf oge, %cond3A_890#0, %rev3A_991 : vector<16xf32>
              %select_n3A_997 = arith.select %ge3A, %cond3A_890#0, %rev3A_991 : vector<16xi1>, vector<16xf32>
              %select_n3A_998 = arith.select %ge3A, %cond3A_890#1, %rev3A_996 : vector<16xi1>, vector<16xi32>
              %masked_sort3A_999 = arith.constant dense<true> : vector<16xi1>
              %masked_sort3A_1000, %masked_sort3A_1001, %masked_sort3A_1002 = tpu.sort %select_n3A_997, %select_n3A_998 masked %masked_sort3A_999 {descending = true} : (vector<16xf32>, vector<16xi32>, vector<16xi1>) -> (vector<16xi1>, vector<16xf32>, vector<16xi32>)
              %broadcast_in_dim3A_1003 = arith.constant 15 : i32
              %broadcast_in_dim3A_1004 = vector.broadcast %broadcast_in_dim3A_1003 : i32 to vector<16x1xi32>
              %gather3A = vector.shape_cast %broadcast_in_dim3A_1004 : vector<16x1xi32> to vector<16xi32>
              %gather3A_1005 = tpu.dynamic_gather %masked_sort3A_1001[%gather3A] in [0] : vector<16xf32>, vector<16xi32> -> vector<16xf32>
              scf.yield %masked_sort3A_1001, %masked_sort3A_1002, %gather3A_1005 : vector<16xf32>, vector<16xi32>, vector<16xf32>
            } else {
              scf.yield %cond3A_890#0, %cond3A_890#1, %cond3A_890#2 : vector<16xf32>, vector<16xi32>, vector<16xf32>
            }
            %reduce_or3A_909 = arith.constant 1.000000e+00 : f32
            %reduce_or3A_910 = arith.constant 0.000000e+00 : f32
            %reduce_or3A_911 = vector.broadcast %reduce_or3A_909 : f32 to vector<16xf32>
            %reduce_or3A_912 = vector.broadcast %reduce_or3A_910 : f32 to vector<16xf32>
            %reduce_or3A_913 = arith.select %gt3A_452, %reduce_or3A_911, %reduce_or3A_912 : vector<16xi1>, vector<16xf32>
            %reduce_or3A_914 = arith.constant true
            %reduce_or3A_915 = vector.broadcast %reduce_or3A_914 : i1 to vector<16xi1>
            %reduce_or3A_916 = tpu.scan <max>, %reduce_or3A_913 masked %reduce_or3A_915 : vector<16xf32>, vector<16xi1> -> vector<16xf32>
            %reduce_or3A_917 = vector.extract %reduce_or3A_916[15] : f32 from vector<16xf32>
            %reduce_or3A_918 = arith.constant 0.000000e+00 : f32
            %reduce_or3A_919 = arith.cmpf ogt, %reduce_or3A_917, %reduce_or3A_918 : f32
            %add3A_920 = arith.addi %add3A_125, %mul3A_147 : i32
            %add3A_921 = arith.constant 336 : i32
            %add3A_922 = arith.addi %add3A_920, %add3A_921 : i32
            %convert_element_type3A_923 = arith.extui %reduce_or3A_919 : i1 to i32
            %cond3A_924 = arith.constant 0 : i32
            %cond3A_925 = arith.cmpi ne, %convert_element_type3A_923, %cond3A_924 : i32
            %cond3A_926:3 = scf.if %cond3A_925 -> (vector<16xf32>, vector<16xi32>, vector<16xf32>) {
              %add3A_981 = vector.broadcast %add3A_922 : i32 to vector<16xi32>
              %add3A_982 = arith.addi %add3A_981, %iota3A : vector<16xi32>
              %jit3A = arith.constant -3.000000e+38 : f32
              %broadcast_in_dim3A_983 = vector.broadcast %jit3A : f32 to vector<16xf32>
              %select_n3A_984 = arith.select %gt3A_452, %add3A_451, %broadcast_in_dim3A_983 : vector<16xi1>, vector<16xf32>
              %masked_sort3A = arith.constant dense<true> : vector<16xi1>
              %masked_sort3A_985, %masked_sort3A_986, %masked_sort3A_987 = tpu.sort %select_n3A_984, %add3A_982 masked %masked_sort3A {descending = true} : (vector<16xf32>, vector<16xi32>, vector<16xi1>) -> (vector<16xi1>, vector<16xf32>, vector<16xi32>)
              %rev3A = arith.constant 15 : i32
              %rev3A_988 = vector.broadcast %rev3A : i32 to vector<16xi32>
              %rev3A_989 = tpu.iota {dimensions = array<i32: 0>} : vector<16xi32>
              %rev3A_990 = arith.subi %rev3A_988, %rev3A_989 : vector<16xi32>
              %rev3A_991 = tpu.dynamic_gather %masked_sort3A_986[%rev3A_990] in [0] : vector<16xf32>, vector<16xi32> -> vector<16xf32>
              %rev3A_992 = arith.constant 15 : i32
              %rev3A_993 = vector.broadcast %rev3A_992 : i32 to vector<16xi32>
              %rev3A_994 = tpu.iota {dimensions = array<i32: 0>} : vector<16xi32>
              %rev3A_995 = arith.subi %rev3A_993, %rev3A_994 : vector<16xi32>
              %rev3A_996 = tpu.dynamic_gather %masked_sort3A_987[%rev3A_995] in [0] : vector<16xi32>, vector<16xi32> -> vector<16xi32>
              %ge3A = arith.cmpf oge, %cond3A_908#0, %rev3A_991 : vector<16xf32>
              %select_n3A_997 = arith.select %ge3A, %cond3A_908#0, %rev3A_991 : vector<16xi1>, vector<16xf32>
              %select_n3A_998 = arith.select %ge3A, %cond3A_908#1, %rev3A_996 : vector<16xi1>, vector<16xi32>
              %masked_sort3A_999 = arith.constant dense<true> : vector<16xi1>
              %masked_sort3A_1000, %masked_sort3A_1001, %masked_sort3A_1002 = tpu.sort %select_n3A_997, %select_n3A_998 masked %masked_sort3A_999 {descending = true} : (vector<16xf32>, vector<16xi32>, vector<16xi1>) -> (vector<16xi1>, vector<16xf32>, vector<16xi32>)
              %broadcast_in_dim3A_1003 = arith.constant 15 : i32
              %broadcast_in_dim3A_1004 = vector.broadcast %broadcast_in_dim3A_1003 : i32 to vector<16x1xi32>
              %gather3A = vector.shape_cast %broadcast_in_dim3A_1004 : vector<16x1xi32> to vector<16xi32>
              %gather3A_1005 = tpu.dynamic_gather %masked_sort3A_1001[%gather3A] in [0] : vector<16xf32>, vector<16xi32> -> vector<16xf32>
              scf.yield %masked_sort3A_1001, %masked_sort3A_1002, %gather3A_1005 : vector<16xf32>, vector<16xi32>, vector<16xf32>
            } else {
              scf.yield %cond3A_908#0, %cond3A_908#1, %cond3A_908#2 : vector<16xf32>, vector<16xi32>, vector<16xf32>
            }
            %reduce_or3A_927 = arith.constant 1.000000e+00 : f32
            %reduce_or3A_928 = arith.constant 0.000000e+00 : f32
            %reduce_or3A_929 = vector.broadcast %reduce_or3A_927 : f32 to vector<16xf32>
            %reduce_or3A_930 = vector.broadcast %reduce_or3A_928 : f32 to vector<16xf32>
            %reduce_or3A_931 = arith.select %gt3A_466, %reduce_or3A_929, %reduce_or3A_930 : vector<16xi1>, vector<16xf32>
            %reduce_or3A_932 = arith.constant true
            %reduce_or3A_933 = vector.broadcast %reduce_or3A_932 : i1 to vector<16xi1>
            %reduce_or3A_934 = tpu.scan <max>, %reduce_or3A_931 masked %reduce_or3A_933 : vector<16xf32>, vector<16xi1> -> vector<16xf32>
            %reduce_or3A_935 = vector.extract %reduce_or3A_934[15] : f32 from vector<16xf32>
            %reduce_or3A_936 = arith.constant 0.000000e+00 : f32
            %reduce_or3A_937 = arith.cmpf ogt, %reduce_or3A_935, %reduce_or3A_936 : f32
            %add3A_938 = arith.addi %add3A_125, %mul3A_147 : i32
            %add3A_939 = arith.constant 352 : i32
            %add3A_940 = arith.addi %add3A_938, %add3A_939 : i32
            %convert_element_type3A_941 = arith.extui %reduce_or3A_937 : i1 to i32
            %cond3A_942 = arith.constant 0 : i32
            %cond3A_943 = arith.cmpi ne, %convert_element_type3A_941, %cond3A_942 : i32
            %cond3A_944:3 = scf.if %cond3A_943 -> (vector<16xf32>, vector<16xi32>, vector<16xf32>) {
              %add3A_981 = vector.broadcast %add3A_940 : i32 to vector<16xi32>
              %add3A_982 = arith.addi %add3A_981, %iota3A : vector<16xi32>
              %jit3A = arith.constant -3.000000e+38 : f32
              %broadcast_in_dim3A_983 = vector.broadcast %jit3A : f32 to vector<16xf32>
              %select_n3A_984 = arith.select %gt3A_466, %add3A_465, %broadcast_in_dim3A_983 : vector<16xi1>, vector<16xf32>
              %masked_sort3A = arith.constant dense<true> : vector<16xi1>
              %masked_sort3A_985, %masked_sort3A_986, %masked_sort3A_987 = tpu.sort %select_n3A_984, %add3A_982 masked %masked_sort3A {descending = true} : (vector<16xf32>, vector<16xi32>, vector<16xi1>) -> (vector<16xi1>, vector<16xf32>, vector<16xi32>)
              %rev3A = arith.constant 15 : i32
              %rev3A_988 = vector.broadcast %rev3A : i32 to vector<16xi32>
              %rev3A_989 = tpu.iota {dimensions = array<i32: 0>} : vector<16xi32>
              %rev3A_990 = arith.subi %rev3A_988, %rev3A_989 : vector<16xi32>
              %rev3A_991 = tpu.dynamic_gather %masked_sort3A_986[%rev3A_990] in [0] : vector<16xf32>, vector<16xi32> -> vector<16xf32>
              %rev3A_992 = arith.constant 15 : i32
              %rev3A_993 = vector.broadcast %rev3A_992 : i32 to vector<16xi32>
              %rev3A_994 = tpu.iota {dimensions = array<i32: 0>} : vector<16xi32>
              %rev3A_995 = arith.subi %rev3A_993, %rev3A_994 : vector<16xi32>
              %rev3A_996 = tpu.dynamic_gather %masked_sort3A_987[%rev3A_995] in [0] : vector<16xi32>, vector<16xi32> -> vector<16xi32>
              %ge3A = arith.cmpf oge, %cond3A_926#0, %rev3A_991 : vector<16xf32>
              %select_n3A_997 = arith.select %ge3A, %cond3A_926#0, %rev3A_991 : vector<16xi1>, vector<16xf32>
              %select_n3A_998 = arith.select %ge3A, %cond3A_926#1, %rev3A_996 : vector<16xi1>, vector<16xi32>
              %masked_sort3A_999 = arith.constant dense<true> : vector<16xi1>
              %masked_sort3A_1000, %masked_sort3A_1001, %masked_sort3A_1002 = tpu.sort %select_n3A_997, %select_n3A_998 masked %masked_sort3A_999 {descending = true} : (vector<16xf32>, vector<16xi32>, vector<16xi1>) -> (vector<16xi1>, vector<16xf32>, vector<16xi32>)
              %broadcast_in_dim3A_1003 = arith.constant 15 : i32
              %broadcast_in_dim3A_1004 = vector.broadcast %broadcast_in_dim3A_1003 : i32 to vector<16x1xi32>
              %gather3A = vector.shape_cast %broadcast_in_dim3A_1004 : vector<16x1xi32> to vector<16xi32>
              %gather3A_1005 = tpu.dynamic_gather %masked_sort3A_1001[%gather3A] in [0] : vector<16xf32>, vector<16xi32> -> vector<16xf32>
              scf.yield %masked_sort3A_1001, %masked_sort3A_1002, %gather3A_1005 : vector<16xf32>, vector<16xi32>, vector<16xf32>
            } else {
              scf.yield %cond3A_926#0, %cond3A_926#1, %cond3A_926#2 : vector<16xf32>, vector<16xi32>, vector<16xf32>
            }
            %reduce_or3A_945 = arith.constant 1.000000e+00 : f32
            %reduce_or3A_946 = arith.constant 0.000000e+00 : f32
            %reduce_or3A_947 = vector.broadcast %reduce_or3A_945 : f32 to vector<16xf32>
            %reduce_or3A_948 = vector.broadcast %reduce_or3A_946 : f32 to vector<16xf32>
            %reduce_or3A_949 = arith.select %gt3A_480, %reduce_or3A_947, %reduce_or3A_948 : vector<16xi1>, vector<16xf32>
            %reduce_or3A_950 = arith.constant true
            %reduce_or3A_951 = vector.broadcast %reduce_or3A_950 : i1 to vector<16xi1>
            %reduce_or3A_952 = tpu.scan <max>, %reduce_or3A_949 masked %reduce_or3A_951 : vector<16xf32>, vector<16xi1> -> vector<16xf32>
            %reduce_or3A_953 = vector.extract %reduce_or3A_952[15] : f32 from vector<16xf32>
            %reduce_or3A_954 = arith.constant 0.000000e+00 : f32
            %reduce_or3A_955 = arith.cmpf ogt, %reduce_or3A_953, %reduce_or3A_954 : f32
            %add3A_956 = arith.addi %add3A_125, %mul3A_147 : i32
            %add3A_957 = arith.constant 368 : i32
            %add3A_958 = arith.addi %add3A_956, %add3A_957 : i32
            %convert_element_type3A_959 = arith.extui %reduce_or3A_955 : i1 to i32
            %cond3A_960 = arith.constant 0 : i32
            %cond3A_961 = arith.cmpi ne, %convert_element_type3A_959, %cond3A_960 : i32
            %cond3A_962:3 = scf.if %cond3A_961 -> (vector<16xf32>, vector<16xi32>, vector<16xf32>) {
              %add3A_981 = vector.broadcast %add3A_958 : i32 to vector<16xi32>
              %add3A_982 = arith.addi %add3A_981, %iota3A : vector<16xi32>
              %jit3A = arith.constant -3.000000e+38 : f32
              %broadcast_in_dim3A_983 = vector.broadcast %jit3A : f32 to vector<16xf32>
              %select_n3A_984 = arith.select %gt3A_480, %add3A_479, %broadcast_in_dim3A_983 : vector<16xi1>, vector<16xf32>
              %masked_sort3A = arith.constant dense<true> : vector<16xi1>
              %masked_sort3A_985, %masked_sort3A_986, %masked_sort3A_987 = tpu.sort %select_n3A_984, %add3A_982 masked %masked_sort3A {descending = true} : (vector<16xf32>, vector<16xi32>, vector<16xi1>) -> (vector<16xi1>, vector<16xf32>, vector<16xi32>)
              %rev3A = arith.constant 15 : i32
              %rev3A_988 = vector.broadcast %rev3A : i32 to vector<16xi32>
              %rev3A_989 = tpu.iota {dimensions = array<i32: 0>} : vector<16xi32>
              %rev3A_990 = arith.subi %rev3A_988, %rev3A_989 : vector<16xi32>
              %rev3A_991 = tpu.dynamic_gather %masked_sort3A_986[%rev3A_990] in [0] : vector<16xf32>, vector<16xi32> -> vector<16xf32>
              %rev3A_992 = arith.constant 15 : i32
              %rev3A_993 = vector.broadcast %rev3A_992 : i32 to vector<16xi32>
              %rev3A_994 = tpu.iota {dimensions = array<i32: 0>} : vector<16xi32>
              %rev3A_995 = arith.subi %rev3A_993, %rev3A_994 : vector<16xi32>
              %rev3A_996 = tpu.dynamic_gather %masked_sort3A_987[%rev3A_995] in [0] : vector<16xi32>, vector<16xi32> -> vector<16xi32>
              %ge3A = arith.cmpf oge, %cond3A_944#0, %rev3A_991 : vector<16xf32>
              %select_n3A_997 = arith.select %ge3A, %cond3A_944#0, %rev3A_991 : vector<16xi1>, vector<16xf32>
              %select_n3A_998 = arith.select %ge3A, %cond3A_944#1, %rev3A_996 : vector<16xi1>, vector<16xi32>
              %masked_sort3A_999 = arith.constant dense<true> : vector<16xi1>
              %masked_sort3A_1000, %masked_sort3A_1001, %masked_sort3A_1002 = tpu.sort %select_n3A_997, %select_n3A_998 masked %masked_sort3A_999 {descending = true} : (vector<16xf32>, vector<16xi32>, vector<16xi1>) -> (vector<16xi1>, vector<16xf32>, vector<16xi32>)
              %broadcast_in_dim3A_1003 = arith.constant 15 : i32
              %broadcast_in_dim3A_1004 = vector.broadcast %broadcast_in_dim3A_1003 : i32 to vector<16x1xi32>
              %gather3A = vector.shape_cast %broadcast_in_dim3A_1004 : vector<16x1xi32> to vector<16xi32>
              %gather3A_1005 = tpu.dynamic_gather %masked_sort3A_1001[%gather3A] in [0] : vector<16xf32>, vector<16xi32> -> vector<16xf32>
              scf.yield %masked_sort3A_1001, %masked_sort3A_1002, %gather3A_1005 : vector<16xf32>, vector<16xi32>, vector<16xf32>
            } else {
              scf.yield %cond3A_944#0, %cond3A_944#1, %cond3A_944#2 : vector<16xf32>, vector<16xi32>, vector<16xf32>
            }
            %reduce_or3A_963 = arith.constant 1.000000e+00 : f32
            %reduce_or3A_964 = arith.constant 0.000000e+00 : f32
            %reduce_or3A_965 = vector.broadcast %reduce_or3A_963 : f32 to vector<16xf32>
            %reduce_or3A_966 = vector.broadcast %reduce_or3A_964 : f32 to vector<16xf32>
            %reduce_or3A_967 = arith.select %gt3A_494, %reduce_or3A_965, %reduce_or3A_966 : vector<16xi1>, vector<16xf32>
            %reduce_or3A_968 = arith.constant true
            %reduce_or3A_969 = vector.broadcast %reduce_or3A_968 : i1 to vector<16xi1>
            %reduce_or3A_970 = tpu.scan <max>, %reduce_or3A_967 masked %reduce_or3A_969 : vector<16xf32>, vector<16xi1> -> vector<16xf32>
            %reduce_or3A_971 = vector.extract %reduce_or3A_970[15] : f32 from vector<16xf32>
            %reduce_or3A_972 = arith.constant 0.000000e+00 : f32
            %reduce_or3A_973 = arith.cmpf ogt, %reduce_or3A_971, %reduce_or3A_972 : f32
            %add3A_974 = arith.addi %add3A_125, %mul3A_147 : i32
            %add3A_975 = arith.constant 384 : i32
            %add3A_976 = arith.addi %add3A_974, %add3A_975 : i32
            %convert_element_type3A_977 = arith.extui %reduce_or3A_973 : i1 to i32
            %cond3A_978 = arith.constant 0 : i32
            %cond3A_979 = arith.cmpi ne, %convert_element_type3A_977, %cond3A_978 : i32
            %cond3A_980:3 = scf.if %cond3A_979 -> (vector<16xf32>, vector<16xi32>, vector<16xf32>) {
              %add3A_981 = vector.broadcast %add3A_976 : i32 to vector<16xi32>
              %add3A_982 = arith.addi %add3A_981, %iota3A : vector<16xi32>
              %jit3A = arith.constant -3.000000e+38 : f32
              %broadcast_in_dim3A_983 = vector.broadcast %jit3A : f32 to vector<16xf32>
              %select_n3A_984 = arith.select %gt3A_494, %add3A_493, %broadcast_in_dim3A_983 : vector<16xi1>, vector<16xf32>
              %masked_sort3A = arith.constant dense<true> : vector<16xi1>
              %masked_sort3A_985, %masked_sort3A_986, %masked_sort3A_987 = tpu.sort %select_n3A_984, %add3A_982 masked %masked_sort3A {descending = true} : (vector<16xf32>, vector<16xi32>, vector<16xi1>) -> (vector<16xi1>, vector<16xf32>, vector<16xi32>)
              %rev3A = arith.constant 15 : i32
              %rev3A_988 = vector.broadcast %rev3A : i32 to vector<16xi32>
              %rev3A_989 = tpu.iota {dimensions = array<i32: 0>} : vector<16xi32>
              %rev3A_990 = arith.subi %rev3A_988, %rev3A_989 : vector<16xi32>
              %rev3A_991 = tpu.dynamic_gather %masked_sort3A_986[%rev3A_990] in [0] : vector<16xf32>, vector<16xi32> -> vector<16xf32>
              %rev3A_992 = arith.constant 15 : i32
              %rev3A_993 = vector.broadcast %rev3A_992 : i32 to vector<16xi32>
              %rev3A_994 = tpu.iota {dimensions = array<i32: 0>} : vector<16xi32>
              %rev3A_995 = arith.subi %rev3A_993, %rev3A_994 : vector<16xi32>
              %rev3A_996 = tpu.dynamic_gather %masked_sort3A_987[%rev3A_995] in [0] : vector<16xi32>, vector<16xi32> -> vector<16xi32>
              %ge3A = arith.cmpf oge, %cond3A_962#0, %rev3A_991 : vector<16xf32>
              %select_n3A_997 = arith.select %ge3A, %cond3A_962#0, %rev3A_991 : vector<16xi1>, vector<16xf32>
              %select_n3A_998 = arith.select %ge3A, %cond3A_962#1, %rev3A_996 : vector<16xi1>, vector<16xi32>
              %masked_sort3A_999 = arith.constant dense<true> : vector<16xi1>
              %masked_sort3A_1000, %masked_sort3A_1001, %masked_sort3A_1002 = tpu.sort %select_n3A_997, %select_n3A_998 masked %masked_sort3A_999 {descending = true} : (vector<16xf32>, vector<16xi32>, vector<16xi1>) -> (vector<16xi1>, vector<16xf32>, vector<16xi32>)
              %broadcast_in_dim3A_1003 = arith.constant 15 : i32
              %broadcast_in_dim3A_1004 = vector.broadcast %broadcast_in_dim3A_1003 : i32 to vector<16x1xi32>
              %gather3A = vector.shape_cast %broadcast_in_dim3A_1004 : vector<16x1xi32> to vector<16xi32>
              %gather3A_1005 = tpu.dynamic_gather %masked_sort3A_1001[%gather3A] in [0] : vector<16xf32>, vector<16xi32> -> vector<16xf32>
              scf.yield %masked_sort3A_1001, %masked_sort3A_1002, %gather3A_1005 : vector<16xf32>, vector<16xi32>, vector<16xf32>
            } else {
              scf.yield %cond3A_962#0, %cond3A_962#1, %cond3A_962#2 : vector<16xf32>, vector<16xi32>, vector<16xf32>
            }
            scf.yield %cond3A_980#0, %cond3A_980#1, %cond3A_980#2 : vector<16xf32>, vector<16xi32>, vector<16xf32>
          } else {
            scf.yield %scan3A_143, %scan3A_144, %scan3A_145 : vector<16xf32>, vector<16xi32>, vector<16xf32>
          }
          scf.yield %cond3A_530#0, %cond3A_530#1, %cond3A_530#2 : vector<16xf32>, vector<16xi32>, vector<16xf32>
        }
        %scan3A_131 = arith.constant 25 : i32
        %add3A_132 = arith.constant 10000 : i32
        %add3A_133 = arith.addi %mul3A_47, %add3A_132 : i32
        %add3A_134 = arith.addi %mul3A_39, %mul3A_93 : i32
        %add3A_135 = arith.constant 30000 : i32
        %add3A_136 = arith.addi %add3A_134, %add3A_135 : i32
        %select_n3A_137 = arith.select %eq3A_108, %add3A_133, %add3A_136 : i32
        %dma_start3A_138 = tpu.memref_slice %arg2[%select_n3A_137] : memref<25600000xf32, #tpu.memory_space<hbm>> -> memref<10000xf32, #tpu.memory_space<hbm>>
        %dma_start3A_139 = tpu.memref_slice %arg2[%select_n3A_137] : memref<25600000xf32, #tpu.memory_space<hbm>> -> memref<10000xf32, #tpu.memory_space<hbm>>
        tpu.enqueue_dma source(%dma_start3A_139 : memref<10000xf32, #tpu.memory_space<hbm>>) target(%arg8 : memref<10000xf32, #tpu.memory_space<vmem>>) target_semaphore(%arg16 : memref<!tpu.dma_semaphore, #tpu.memory_space<semaphore_mem>>)
        %dma_start3A_140 = tpu.memref_slice %arg3[%select_n3A_137] : memref<12800000xi32, #tpu.memory_space<hbm>> -> memref<10000xi32, #tpu.memory_space<hbm>>
        %dma_start3A_141 = tpu.memref_slice %arg3[%select_n3A_137] : memref<12800000xi32, #tpu.memory_space<hbm>> -> memref<10000xi32, #tpu.memory_space<hbm>>
        tpu.enqueue_dma source(%dma_start3A_141 : memref<10000xi32, #tpu.memory_space<hbm>>) target(%arg10 : memref<10000xi32, #tpu.memory_space<vmem>>) target_semaphore(%arg18 : memref<!tpu.dma_semaphore, #tpu.memory_space<semaphore_mem>>)
        scf.yield %scan3A_130#0, %scan3A_130#1, %scan3A_130#2 : vector<16xf32>, vector<16xi32>, vector<16xf32>
      }
      %scan3A_58 = arith.constant 5 : i32
      %add3A_59 = vector.broadcast %mul3A_39 : i32 to vector<16xi32>
      %add3A_60 = arith.addi %add3A_59, %scan3A_57#1 : vector<16xi32>
      %swap3A = arith.constant 0 : index
      %swap3A_61 = tpu.vector_load %arg11[%swap3A] {strides = array<i32>} : memref<16xi32, #tpu.memory_space<vmem>>, vector<16xi32>,
      tpu.vector_store %arg11[%swap3A], %add3A_60 {strides = array<i32>} : memref<16xi32, #tpu.memory_space<vmem>>, vector<16xi32>,
      %dma_start3A_62 = arith.constant 0 : i32
      %dma_start3A_63 = tpu.memref_slice %arg2[%dma_start3A_62] : memref<25600000xf32, #tpu.memory_space<hbm>> -> memref<25600000xf32, #tpu.memory_space<hbm>>
      tpu.enqueue_indirect_dma source(%dma_start3A_63 : memref<25600000xf32, #tpu.memory_space<hbm>>) target(%arg12 : memref<16xf32, #tpu.memory_space<vmem>>) offsets(%arg11 : memref<16xi32, #tpu.memory_space<vmem>>) semaphore(%arg19 : memref<!tpu.dma_semaphore, #tpu.memory_space<semaphore_mem>>)
      %dma_wait3A_64 = arith.constant 0 : i32
      %dma_wait3A_65 = tpu.memref_slice %arg2[%dma_wait3A_64] : memref<25600000xf32, #tpu.memory_space<hbm>> -> memref<25600000xf32, #tpu.memory_space<hbm>>
      tpu.wait_indirect_dma semaphore(%arg19 : memref<!tpu.dma_semaphore, #tpu.memory_space<semaphore_mem>>) src(%dma_wait3A_65 : memref<25600000xf32, #tpu.memory_space<hbm>>) dst(%arg12 : memref<16xf32, #tpu.memory_space<vmem>>)
      %add3A_66 = arith.constant 12800000 : i32
      %add3A_67 = arith.addi %add3A_66, %mul3A_39 : i32
      %add3A_68 = vector.broadcast %add3A_67 : i32 to vector<16xi32>
      %add3A_69 = arith.addi %add3A_68, %scan3A_57#1 : vector<16xi32>
      %swap3A_70 = arith.constant 0 : index
      %swap3A_71 = tpu.vector_load %arg11[%swap3A_70] {strides = array<i32>} : memref<16xi32, #tpu.memory_space<vmem>>, vector<16xi32>,
      tpu.vector_store %arg11[%swap3A_70], %add3A_69 {strides = array<i32>} : memref<16xi32, #tpu.memory_space<vmem>>, vector<16xi32>,
      %dma_start3A_72 = arith.constant 0 : i32
      %dma_start3A_73 = tpu.memref_slice %arg2[%dma_start3A_72] : memref<25600000xf32, #tpu.memory_space<hbm>> -> memref<25600000xf32, #tpu.memory_space<hbm>>
      tpu.enqueue_indirect_dma source(%dma_start3A_73 : memref<25600000xf32, #tpu.memory_space<hbm>>) target(%arg13 : memref<16xf32, #tpu.memory_space<vmem>>) offsets(%arg11 : memref<16xi32, #tpu.memory_space<vmem>>) semaphore(%arg19 : memref<!tpu.dma_semaphore, #tpu.memory_space<semaphore_mem>>)
      %dma_wait3A_74 = arith.constant 0 : i32
      %dma_wait3A_75 = tpu.memref_slice %arg2[%dma_wait3A_74] : memref<25600000xf32, #tpu.memory_space<hbm>> -> memref<25600000xf32, #tpu.memory_space<hbm>>
      tpu.wait_indirect_dma semaphore(%arg19 : memref<!tpu.dma_semaphore, #tpu.memory_space<semaphore_mem>>) src(%dma_wait3A_75 : memref<25600000xf32, #tpu.memory_space<hbm>>) dst(%arg13 : memref<16xf32, #tpu.memory_space<vmem>>)
      %add3A_76 = vector.broadcast %mul3A_39 : i32 to vector<16xi32>
      %add3A_77 = arith.addi %add3A_76, %scan3A_57#1 : vector<16xi32>
      %swap3A_78 = arith.constant 0 : index
      %swap3A_79 = tpu.vector_load %arg11[%swap3A_78] {strides = array<i32>} : memref<16xi32, #tpu.memory_space<vmem>>, vector<16xi32>,
      tpu.vector_store %arg11[%swap3A_78], %add3A_77 {strides = array<i32>} : memref<16xi32, #tpu.memory_space<vmem>>, vector<16xi32>,
      %dma_start3A_80 = arith.constant 0 : i32
      %dma_start3A_81 = tpu.memref_slice %arg3[%dma_start3A_80] : memref<12800000xi32, #tpu.memory_space<hbm>> -> memref<12800000xi32, #tpu.memory_space<hbm>>
      tpu.enqueue_indirect_dma source(%dma_start3A_81 : memref<12800000xi32, #tpu.memory_space<hbm>>) target(%arg14 : memref<16xi32, #tpu.memory_space<vmem>>) offsets(%arg11 : memref<16xi32, #tpu.memory_space<vmem>>) semaphore(%arg19 : memref<!tpu.dma_semaphore, #tpu.memory_space<semaphore_mem>>)
      %dma_wait3A_82 = arith.constant 0 : i32
      %dma_wait3A_83 = tpu.memref_slice %arg3[%dma_wait3A_82] : memref<12800000xi32, #tpu.memory_space<hbm>> -> memref<12800000xi32, #tpu.memory_space<hbm>>
      tpu.wait_indirect_dma semaphore(%arg19 : memref<!tpu.dma_semaphore, #tpu.memory_space<semaphore_mem>>) src(%dma_wait3A_83 : memref<12800000xi32, #tpu.memory_space<hbm>>) dst(%arg14 : memref<16xi32, #tpu.memory_space<vmem>>)
      %mul3A_84 = arith.constant 16 : i32
      %mul3A_85 = arith.muli %add3A_37, %mul3A_84 : i32
      "tpu.region"() ({
        %run_scoped3A = tpu.sem_alloc : memref<!tpu.dma_semaphore, #tpu.memory_space<semaphore_mem>>
        %dma_start3A_86 = tpu.memref_slice %arg4[%mul3A_85] : memref<2048xf32, #tpu.memory_space<hbm>> -> memref<16xf32, #tpu.memory_space<hbm>>
        %dma_start3A_87 = tpu.memref_slice %arg4[%mul3A_85] : memref<2048xf32, #tpu.memory_space<hbm>> -> memref<16xf32, #tpu.memory_space<hbm>>
        tpu.enqueue_dma source(%arg12 : memref<16xf32, #tpu.memory_space<vmem>>) target(%dma_start3A_87 : memref<16xf32, #tpu.memory_space<hbm>>) target_semaphore(%run_scoped3A : memref<!tpu.dma_semaphore, #tpu.memory_space<semaphore_mem>>)
        %dma_wait3A_88 = tpu.memref_slice %arg4[%mul3A_85] : memref<2048xf32, #tpu.memory_space<hbm>> -> memref<16xf32, #tpu.memory_space<hbm>>
        %dma_wait3A_89 = tpu.memref_slice %arg4[%mul3A_85] : memref<2048xf32, #tpu.memory_space<hbm>> -> memref<16xf32, #tpu.memory_space<hbm>>
        tpu.wait_dma2 semaphore(%run_scoped3A : memref<!tpu.dma_semaphore, #tpu.memory_space<semaphore_mem>>) src(%arg12 : memref<16xf32, #tpu.memory_space<vmem>>) dst(%dma_wait3A_89 : memref<16xf32, #tpu.memory_space<hbm>>)
        tpu.yield
      }) : () -> ()
      "tpu.region"() ({
        %run_scoped3A = tpu.sem_alloc : memref<!tpu.dma_semaphore, #tpu.memory_space<semaphore_mem>>
        %dma_start3A_86 = tpu.memref_slice %arg5[%mul3A_85] : memref<2048xf32, #tpu.memory_space<hbm>> -> memref<16xf32, #tpu.memory_space<hbm>>
        %dma_start3A_87 = tpu.memref_slice %arg5[%mul3A_85] : memref<2048xf32, #tpu.memory_space<hbm>> -> memref<16xf32, #tpu.memory_space<hbm>>
        tpu.enqueue_dma source(%arg13 : memref<16xf32, #tpu.memory_space<vmem>>) target(%dma_start3A_87 : memref<16xf32, #tpu.memory_space<hbm>>) target_semaphore(%run_scoped3A : memref<!tpu.dma_semaphore, #tpu.memory_space<semaphore_mem>>)
        %dma_wait3A_88 = tpu.memref_slice %arg5[%mul3A_85] : memref<2048xf32, #tpu.memory_space<hbm>> -> memref<16xf32, #tpu.memory_space<hbm>>
        %dma_wait3A_89 = tpu.memref_slice %arg5[%mul3A_85] : memref<2048xf32, #tpu.memory_space<hbm>> -> memref<16xf32, #tpu.memory_space<hbm>>
        tpu.wait_dma2 semaphore(%run_scoped3A : memref<!tpu.dma_semaphore, #tpu.memory_space<semaphore_mem>>) src(%arg13 : memref<16xf32, #tpu.memory_space<vmem>>) dst(%dma_wait3A_89 : memref<16xf32, #tpu.memory_space<hbm>>)
        tpu.yield
      }) : () -> ()
      "tpu.region"() ({
        %run_scoped3A = tpu.sem_alloc : memref<!tpu.dma_semaphore, #tpu.memory_space<semaphore_mem>>
        %dma_start3A_86 = tpu.memref_slice %arg6[%mul3A_85] : memref<2048xi32, #tpu.memory_space<hbm>> -> memref<16xi32, #tpu.memory_space<hbm>>
        %dma_start3A_87 = tpu.memref_slice %arg6[%mul3A_85] : memref<2048xi32, #tpu.memory_space<hbm>> -> memref<16xi32, #tpu.memory_space<hbm>>
        tpu.enqueue_dma source(%arg14 : memref<16xi32, #tpu.memory_space<vmem>>) target(%dma_start3A_87 : memref<16xi32, #tpu.memory_space<hbm>>) target_semaphore(%run_scoped3A : memref<!tpu.dma_semaphore, #tpu.memory_space<semaphore_mem>>)
        %dma_wait3A_88 = tpu.memref_slice %arg6[%mul3A_85] : memref<2048xi32, #tpu.memory_space<hbm>> -> memref<16xi32, #tpu.memory_space<hbm>>
        %dma_wait3A_89 = tpu.memref_slice %arg6[%mul3A_85] : memref<2048xi32, #tpu.memory_space<hbm>> -> memref<16xi32, #tpu.memory_space<hbm>>
        tpu.wait_dma2 semaphore(%run_scoped3A : memref<!tpu.dma_semaphore, #tpu.memory_space<semaphore_mem>>) src(%arg14 : memref<16xi32, #tpu.memory_space<vmem>>) dst(%dma_wait3A_89 : memref<16xi32, #tpu.memory_space<hbm>>)
        tpu.yield
      }) : () -> ()
    }
    %scan3A_18 = arith.constant 4 : i32
    %dma_wait3A = arith.constant 0 : i32
    %dma_wait3A_19 = tpu.memref_slice %arg2[%dma_wait3A] : memref<25600000xf32, #tpu.memory_space<hbm>> -> memref<10000xf32, #tpu.memory_space<hbm>>
    %dma_wait3A_20 = arith.constant 0 : i32
    %dma_wait3A_21 = tpu.memref_slice %arg2[%dma_wait3A_20] : memref<25600000xf32, #tpu.memory_space<hbm>> -> memref<10000xf32, #tpu.memory_space<hbm>>
    tpu.wait_dma2 semaphore(%arg15 : memref<!tpu.dma_semaphore, #tpu.memory_space<semaphore_mem>>) src(%dma_wait3A_21 : memref<10000xf32, #tpu.memory_space<hbm>>) dst(%arg7 : memref<10000xf32, #tpu.memory_space<vmem>>)
    %dma_wait3A_22 = arith.constant 0 : i32
    %dma_wait3A_23 = tpu.memref_slice %arg3[%dma_wait3A_22] : memref<12800000xi32, #tpu.memory_space<hbm>> -> memref<10000xi32, #tpu.memory_space<hbm>>
    %dma_wait3A_24 = arith.constant 0 : i32
    %dma_wait3A_25 = tpu.memref_slice %arg3[%dma_wait3A_24] : memref<12800000xi32, #tpu.memory_space<hbm>> -> memref<10000xi32, #tpu.memory_space<hbm>>
    tpu.wait_dma2 semaphore(%arg17 : memref<!tpu.dma_semaphore, #tpu.memory_space<semaphore_mem>>) src(%dma_wait3A_25 : memref<10000xi32, #tpu.memory_space<hbm>>) dst(%arg9 : memref<10000xi32, #tpu.memory_space<vmem>>)
    %dma_wait3A_26 = arith.constant 0 : i32
    %dma_wait3A_27 = tpu.memref_slice %arg2[%dma_wait3A_26] : memref<25600000xf32, #tpu.memory_space<hbm>> -> memref<10000xf32, #tpu.memory_space<hbm>>
    %dma_wait3A_28 = arith.constant 0 : i32
    %dma_wait3A_29 = tpu.memref_slice %arg2[%dma_wait3A_28] : memref<25600000xf32, #tpu.memory_space<hbm>> -> memref<10000xf32, #tpu.memory_space<hbm>>
    tpu.wait_dma2 semaphore(%arg16 : memref<!tpu.dma_semaphore, #tpu.memory_space<semaphore_mem>>) src(%dma_wait3A_29 : memref<10000xf32, #tpu.memory_space<hbm>>) dst(%arg8 : memref<10000xf32, #tpu.memory_space<vmem>>)
    %dma_wait3A_30 = arith.constant 0 : i32
    %dma_wait3A_31 = tpu.memref_slice %arg3[%dma_wait3A_30] : memref<12800000xi32, #tpu.memory_space<hbm>> -> memref<10000xi32, #tpu.memory_space<hbm>>
    %dma_wait3A_32 = arith.constant 0 : i32
    %dma_wait3A_33 = tpu.memref_slice %arg3[%dma_wait3A_32] : memref<12800000xi32, #tpu.memory_space<hbm>> -> memref<10000xi32, #tpu.memory_space<hbm>>
    tpu.wait_dma2 semaphore(%arg18 : memref<!tpu.dma_semaphore, #tpu.memory_space<semaphore_mem>>) src(%dma_wait3A_33 : memref<10000xi32, #tpu.memory_space<hbm>>) dst(%arg10 : memref<10000xi32, #tpu.memory_space<vmem>>)
    return
  }
}

module attributes {stable_mosaic.version = 14 : i64} {
  func.func @_dense_body(%arg0: i32, %arg1: memref<2x128x2048xf32, #tpu.memory_space<vmem>>, %arg2: memref<128x2048xi32, #tpu.memory_space<vmem>>, %arg3: memref<2xf32, #tpu.memory_space<smem>>) attributes {dimension_semantics = [#tpu.dimension_semantics<arbitrary>], iteration_bounds = array<i64: 49>, scalar_prefetch = 0 : i64, scratch_operands = 0 : i64, tpu.core_type = #tpu.core_type<tc>, window_params = [{transform_indices = @transform_0, window_bounds = array<i64: 2, 128, 2048>}, {transform_indices = @transform_1, window_bounds = array<i64: 128, 2048>}, {transform_indices = @transform_2, window_bounds = array<i64: 2>}]} {
    %eq3A = arith.constant 0 : i32
    %eq3A_0 = arith.cmpi eq, %arg0, %eq3A : i32
    %convert_element_type3A = arith.extui %eq3A_0 : i1 to i32
    %cond3A = arith.constant 0 : i32
    %cond3A_1 = arith.cmpi ne, %convert_element_type3A, %cond3A : i32
    scf.if %cond3A_1 {
      %swap3A = arith.constant 0.000000e+00 : f32
      %swap3A_11 = arith.constant 0 : index
      %swap3A_12 = memref.load %arg3[%swap3A_11] : memref<2xf32, #tpu.memory_space<smem>>
      memref.store %swap3A, %arg3[%swap3A_11] : memref<2xf32, #tpu.memory_space<smem>>
      %swap3A_13 = arith.constant 0.000000e+00 : f32
      %swap3A_14 = arith.constant 1 : index
      %swap3A_15 = memref.load %arg3[%swap3A_14] : memref<2xf32, #tpu.memory_space<smem>>
      memref.store %swap3A_13, %arg3[%swap3A_14] : memref<2xf32, #tpu.memory_space<smem>>
    } else {
    }
    %lt3A = arith.constant 48 : i32
    %lt3A_2 = arith.cmpi slt, %arg0, %lt3A : i32
    %convert_element_type3A_3 = arith.extui %lt3A_2 : i1 to i32
    %cond3A_4 = arith.constant 0 : i32
    %cond3A_5 = arith.cmpi ne, %convert_element_type3A_3, %cond3A_4 : i32
    scf.if %cond3A_5 {
      %get3A = arith.constant 0 : index
      %get3A_11 = arith.constant 0 : index
      %get3A_12 = arith.constant 0 : index
      %get3A_13 = vector.load %arg1[%get3A, %get3A_11, %get3A_12] : memref<2x128x2048xf32, #tpu.memory_space<vmem>>, vector<1x128x2048xf32>
      %get3A_14 = vector.shape_cast %get3A_13 : vector<1x128x2048xf32> to vector<128x2048xf32>
      %get3A_15 = arith.constant 1 : index
      %get3A_16 = arith.constant 0 : index
      %get3A_17 = arith.constant 0 : index
      %get3A_18 = vector.load %arg1[%get3A_15, %get3A_16, %get3A_17] : memref<2x128x2048xf32, #tpu.memory_space<vmem>>, vector<1x128x2048xf32>
      %get3A_19 = vector.shape_cast %get3A_18 : vector<1x128x2048xf32> to vector<128x2048xf32>
      %get3A_20 = arith.constant 0 : index
      %get3A_21 = arith.constant 0 : index
      %get3A_22 = vector.load %arg2[%get3A_20, %get3A_21] : memref<128x2048xi32, #tpu.memory_space<vmem>>, vector<128x2048xi32>
      %convert_element_type3A_23 = arith.sitofp %get3A_22 : vector<128x2048xi32> to vector<128x2048xf32>
      %abs3A = math.absf %get3A_14 : vector<128x2048xf32>
      %neg3A = arith.constant 0.000000e+00 : f32
      %neg3A_24 = vector.broadcast %neg3A : f32 to vector<128x2048xf32>
      %neg3A_25 = arith.subf %neg3A_24, %abs3A : vector<128x2048xf32>
      %exp3A = math.exp %neg3A_25 : vector<128x2048xf32>
      %log1p3A = math.log1p %exp3A : vector<128x2048xf32>
      %add3A = arith.constant 1.000000e+00 : f32
      %add3A_26 = vector.broadcast %add3A : f32 to vector<128x2048xf32>
      %add3A_27 = arith.addf %add3A_26, %exp3A : vector<128x2048xf32>
      %div3A = arith.constant 1.000000e+00 : f32
      %div3A_28 = vector.broadcast %div3A : f32 to vector<128x2048xf32>
      %div3A_29 = arith.divf %div3A_28, %add3A_27 : vector<128x2048xf32>
      %ge3A = arith.constant 0.000000e+00 : f32
      %ge3A_30 = vector.broadcast %ge3A : f32 to vector<128x2048xf32>
      %ge3A_31 = arith.cmpf oge, %get3A_14, %ge3A_30 : vector<128x2048xf32>
      %mul3A = arith.mulf %exp3A, %div3A_29 : vector<128x2048xf32>
      %select_n3A = arith.select %ge3A_31, %div3A_29, %mul3A : vector<128x2048xi1>, vector<128x2048xf32>
      %max3A = arith.constant 0.000000e+00 : f32
      %max3A_32 = vector.broadcast %max3A : f32 to vector<128x2048xf32>
      %max3A_33 = arith.maximumf %get3A_14, %max3A_32 : vector<128x2048xf32>
      %add3A_34 = arith.addf %max3A_33, %log1p3A : vector<128x2048xf32>
      %min3A = arith.constant 0.000000e+00 : f32
      %min3A_35 = vector.broadcast %min3A : f32 to vector<128x2048xf32>
      %min3A_36 = arith.minimumf %get3A_14, %min3A_35 : vector<128x2048xf32>
      %sub3A = arith.subf %min3A_36, %log1p3A : vector<128x2048xf32>
      %abs3A_37 = math.absf %get3A_19 : vector<128x2048xf32>
      %neg3A_38 = arith.constant 0.000000e+00 : f32
      %neg3A_39 = vector.broadcast %neg3A_38 : f32 to vector<128x2048xf32>
      %neg3A_40 = arith.subf %neg3A_39, %abs3A_37 : vector<128x2048xf32>
      %exp3A_41 = math.exp %neg3A_40 : vector<128x2048xf32>
      %log1p3A_42 = math.log1p %exp3A_41 : vector<128x2048xf32>
      %add3A_43 = arith.constant 1.000000e+00 : f32
      %add3A_44 = vector.broadcast %add3A_43 : f32 to vector<128x2048xf32>
      %add3A_45 = arith.addf %add3A_44, %exp3A_41 : vector<128x2048xf32>
      %div3A_46 = arith.constant 1.000000e+00 : f32
      %div3A_47 = vector.broadcast %div3A_46 : f32 to vector<128x2048xf32>
      %div3A_48 = arith.divf %div3A_47, %add3A_45 : vector<128x2048xf32>
      %ge3A_49 = arith.constant 0.000000e+00 : f32
      %ge3A_50 = vector.broadcast %ge3A_49 : f32 to vector<128x2048xf32>
      %ge3A_51 = arith.cmpf oge, %get3A_19, %ge3A_50 : vector<128x2048xf32>
      %mul3A_52 = arith.mulf %exp3A_41, %div3A_48 : vector<128x2048xf32>
      %select_n3A_53 = arith.select %ge3A_51, %div3A_48, %mul3A_52 : vector<128x2048xi1>, vector<128x2048xf32>
      %max3A_54 = arith.constant 0.000000e+00 : f32
      %max3A_55 = vector.broadcast %max3A_54 : f32 to vector<128x2048xf32>
      %max3A_56 = arith.maximumf %get3A_19, %max3A_55 : vector<128x2048xf32>
      %add3A_57 = arith.addf %max3A_56, %log1p3A_42 : vector<128x2048xf32>
      %min3A_58 = arith.constant 0.000000e+00 : f32
      %min3A_59 = vector.broadcast %min3A_58 : f32 to vector<128x2048xf32>
      %min3A_60 = arith.minimumf %get3A_19, %min3A_59 : vector<128x2048xf32>
      %sub3A_61 = arith.subf %min3A_60, %log1p3A_42 : vector<128x2048xf32>
      %add3A_62 = arith.addf %add3A_34, %add3A_57 : vector<128x2048xf32>
      %add3A_63 = arith.addf %get3A_14, %get3A_19 : vector<128x2048xf32>
      %mul3A_64 = arith.mulf %add3A_63, %convert_element_type3A_23 : vector<128x2048xf32>
      %sub3A_65 = arith.subf %add3A_62, %mul3A_64 : vector<128x2048xf32>
      %sub3A_66 = arith.subf %select_n3A_53, %select_n3A : vector<128x2048xf32>
      %sub3A_67 = arith.subf %sub3A_61, %sub3A : vector<128x2048xf32>
      %mul3A_68 = arith.mulf %sub3A_66, %sub3A_67 : vector<128x2048xf32>
      %reduce_sum3A = vector.shape_cast %sub3A_65 : vector<128x2048xf32> to vector<1x128x2048xf32>
      %reduce_sum3A_69 = arith.constant dense<0.000000e+00> : vector<1xf32>
      %reduce_sum3A_70 = vector.multi_reduction <add>, %reduce_sum3A, %reduce_sum3A_69 [1, 2] : vector<1x128x2048xf32> to vector<1xf32>
      %reduce_sum3A_71 = vector.shape_cast %reduce_sum3A_70 : vector<1xf32> to vector<1x1x1xf32>
      %reduce_sum3A_72 = vector.extract %reduce_sum3A_71[0, 0, 0] : f32 from vector<1x1x1xf32>
      %reduce_sum3A_73 = vector.shape_cast %mul3A_68 : vector<128x2048xf32> to vector<1x128x2048xf32>
      %reduce_sum3A_74 = arith.constant dense<0.000000e+00> : vector<1xf32>
      %reduce_sum3A_75 = vector.multi_reduction <add>, %reduce_sum3A_73, %reduce_sum3A_74 [1, 2] : vector<1x128x2048xf32> to vector<1xf32>
      %reduce_sum3A_76 = vector.shape_cast %reduce_sum3A_75 : vector<1xf32> to vector<1x1x1xf32>
      %reduce_sum3A_77 = vector.extract %reduce_sum3A_76[0, 0, 0] : f32 from vector<1x1x1xf32>
      %get3A_78 = arith.constant 0 : index
      %get3A_79 = memref.load %arg3[%get3A_78] : memref<2xf32, #tpu.memory_space<smem>>
      %add3A_80 = arith.addf %get3A_79, %reduce_sum3A_72 : f32
      %swap3A = arith.constant 0 : index
      %swap3A_81 = memref.load %arg3[%swap3A] : memref<2xf32, #tpu.memory_space<smem>>
      memref.store %add3A_80, %arg3[%swap3A] : memref<2xf32, #tpu.memory_space<smem>>
      %get3A_82 = arith.constant 1 : index
      %get3A_83 = memref.load %arg3[%get3A_82] : memref<2xf32, #tpu.memory_space<smem>>
      %add3A_84 = arith.addf %get3A_83, %reduce_sum3A_77 : f32
      %swap3A_85 = arith.constant 1 : index
      %swap3A_86 = memref.load %arg3[%swap3A_85] : memref<2xf32, #tpu.memory_space<smem>>
      memref.store %add3A_84, %arg3[%swap3A_85] : memref<2xf32, #tpu.memory_space<smem>>
    } else {
    }
    %eq3A_6 = arith.constant 48 : i32
    %eq3A_7 = arith.cmpi eq, %arg0, %eq3A_6 : i32
    %convert_element_type3A_8 = arith.extui %eq3A_7 : i1 to i32
    %cond3A_9 = arith.constant 0 : i32
    %cond3A_10 = arith.cmpi ne, %convert_element_type3A_8, %cond3A_9 : i32
    scf.if %cond3A_10 {
      %get3A = arith.constant 0 : index
      %get3A_11 = arith.constant 0 : index
      %get3A_12 = arith.constant 0 : index
      %get3A_13 = vector.load %arg1[%get3A, %get3A_11, %get3A_12] : memref<2x128x2048xf32, #tpu.memory_space<vmem>>, vector<1x128x2048xf32>
      %get3A_14 = vector.shape_cast %get3A_13 : vector<1x128x2048xf32> to vector<128x2048xf32>
      %get3A_15 = arith.constant 1 : index
      %get3A_16 = arith.constant 0 : index
      %get3A_17 = arith.constant 0 : index
      %get3A_18 = vector.load %arg1[%get3A_15, %get3A_16, %get3A_17] : memref<2x128x2048xf32, #tpu.memory_space<vmem>>, vector<1x128x2048xf32>
      %get3A_19 = vector.shape_cast %get3A_18 : vector<1x128x2048xf32> to vector<128x2048xf32>
      %get3A_20 = arith.constant 0 : index
      %get3A_21 = arith.constant 0 : index
      %get3A_22 = vector.load %arg2[%get3A_20, %get3A_21] : memref<128x2048xi32, #tpu.memory_space<vmem>>, vector<128x2048xi32>
      %convert_element_type3A_23 = arith.sitofp %get3A_22 : vector<128x2048xi32> to vector<128x2048xf32>
      %mul3A = arith.constant 2048 : i32
      %mul3A_24 = arith.muli %arg0, %mul3A : i32
      %iota3A = tpu.iota {dimensions = array<i32: 1>} : vector<128x2048xi32>
      %add3A = vector.broadcast %mul3A_24 : i32 to vector<128x2048xi32>
      %add3A_25 = arith.addi %add3A, %iota3A : vector<128x2048xi32>
      %lt3A_26 = arith.constant 100000 : i32
      %lt3A_27 = vector.broadcast %lt3A_26 : i32 to vector<128x2048xi32>
      %lt3A_28 = arith.cmpi slt, %add3A_25, %lt3A_27 : vector<128x2048xi32>
      %jit3A = arith.constant 0.000000e+00 : f32
      %broadcast_in_dim3A = vector.broadcast %jit3A : f32 to vector<128x2048xf32>
      %select_n3A = arith.select %lt3A_28, %get3A_14, %broadcast_in_dim3A : vector<128x2048xi1>, vector<128x2048xf32>
      %jit3A_29 = arith.constant 0.000000e+00 : f32
      %broadcast_in_dim3A_30 = vector.broadcast %jit3A_29 : f32 to vector<128x2048xf32>
      %select_n3A_31 = arith.select %lt3A_28, %get3A_19, %broadcast_in_dim3A_30 : vector<128x2048xi1>, vector<128x2048xf32>
      %jit3A_32 = arith.constant 0.000000e+00 : f32
      %broadcast_in_dim3A_33 = vector.broadcast %jit3A_32 : f32 to vector<128x2048xf32>
      %select_n3A_34 = arith.select %lt3A_28, %convert_element_type3A_23, %broadcast_in_dim3A_33 : vector<128x2048xi1>, vector<128x2048xf32>
      %abs3A = math.absf %select_n3A : vector<128x2048xf32>
      %neg3A = arith.constant 0.000000e+00 : f32
      %neg3A_35 = vector.broadcast %neg3A : f32 to vector<128x2048xf32>
      %neg3A_36 = arith.subf %neg3A_35, %abs3A : vector<128x2048xf32>
      %exp3A = math.exp %neg3A_36 : vector<128x2048xf32>
      %log1p3A = math.log1p %exp3A : vector<128x2048xf32>
      %add3A_37 = arith.constant 1.000000e+00 : f32
      %add3A_38 = vector.broadcast %add3A_37 : f32 to vector<128x2048xf32>
      %add3A_39 = arith.addf %add3A_38, %exp3A : vector<128x2048xf32>
      %div3A = arith.constant 1.000000e+00 : f32
      %div3A_40 = vector.broadcast %div3A : f32 to vector<128x2048xf32>
      %div3A_41 = arith.divf %div3A_40, %add3A_39 : vector<128x2048xf32>
      %ge3A = arith.constant 0.000000e+00 : f32
      %ge3A_42 = vector.broadcast %ge3A : f32 to vector<128x2048xf32>
      %ge3A_43 = arith.cmpf oge, %select_n3A, %ge3A_42 : vector<128x2048xf32>
      %mul3A_44 = arith.mulf %exp3A, %div3A_41 : vector<128x2048xf32>
      %select_n3A_45 = arith.select %ge3A_43, %div3A_41, %mul3A_44 : vector<128x2048xi1>, vector<128x2048xf32>
      %max3A = arith.constant 0.000000e+00 : f32
      %max3A_46 = vector.broadcast %max3A : f32 to vector<128x2048xf32>
      %max3A_47 = arith.maximumf %select_n3A, %max3A_46 : vector<128x2048xf32>
      %add3A_48 = arith.addf %max3A_47, %log1p3A : vector<128x2048xf32>
      %min3A = arith.constant 0.000000e+00 : f32
      %min3A_49 = vector.broadcast %min3A : f32 to vector<128x2048xf32>
      %min3A_50 = arith.minimumf %select_n3A, %min3A_49 : vector<128x2048xf32>
      %sub3A = arith.subf %min3A_50, %log1p3A : vector<128x2048xf32>
      %abs3A_51 = math.absf %select_n3A_31 : vector<128x2048xf32>
      %neg3A_52 = arith.constant 0.000000e+00 : f32
      %neg3A_53 = vector.broadcast %neg3A_52 : f32 to vector<128x2048xf32>
      %neg3A_54 = arith.subf %neg3A_53, %abs3A_51 : vector<128x2048xf32>
      %exp3A_55 = math.exp %neg3A_54 : vector<128x2048xf32>
      %log1p3A_56 = math.log1p %exp3A_55 : vector<128x2048xf32>
      %add3A_57 = arith.constant 1.000000e+00 : f32
      %add3A_58 = vector.broadcast %add3A_57 : f32 to vector<128x2048xf32>
      %add3A_59 = arith.addf %add3A_58, %exp3A_55 : vector<128x2048xf32>
      %div3A_60 = arith.constant 1.000000e+00 : f32
      %div3A_61 = vector.broadcast %div3A_60 : f32 to vector<128x2048xf32>
      %div3A_62 = arith.divf %div3A_61, %add3A_59 : vector<128x2048xf32>
      %ge3A_63 = arith.constant 0.000000e+00 : f32
      %ge3A_64 = vector.broadcast %ge3A_63 : f32 to vector<128x2048xf32>
      %ge3A_65 = arith.cmpf oge, %select_n3A_31, %ge3A_64 : vector<128x2048xf32>
      %mul3A_66 = arith.mulf %exp3A_55, %div3A_62 : vector<128x2048xf32>
      %select_n3A_67 = arith.select %ge3A_65, %div3A_62, %mul3A_66 : vector<128x2048xi1>, vector<128x2048xf32>
      %max3A_68 = arith.constant 0.000000e+00 : f32
      %max3A_69 = vector.broadcast %max3A_68 : f32 to vector<128x2048xf32>
      %max3A_70 = arith.maximumf %select_n3A_31, %max3A_69 : vector<128x2048xf32>
      %add3A_71 = arith.addf %max3A_70, %log1p3A_56 : vector<128x2048xf32>
      %min3A_72 = arith.constant 0.000000e+00 : f32
      %min3A_73 = vector.broadcast %min3A_72 : f32 to vector<128x2048xf32>
      %min3A_74 = arith.minimumf %select_n3A_31, %min3A_73 : vector<128x2048xf32>
      %sub3A_75 = arith.subf %min3A_74, %log1p3A_56 : vector<128x2048xf32>
      %add3A_76 = arith.addf %add3A_48, %add3A_71 : vector<128x2048xf32>
      %add3A_77 = arith.addf %select_n3A, %select_n3A_31 : vector<128x2048xf32>
      %mul3A_78 = arith.mulf %add3A_77, %select_n3A_34 : vector<128x2048xf32>
      %sub3A_79 = arith.subf %add3A_76, %mul3A_78 : vector<128x2048xf32>
      %sub3A_80 = arith.subf %select_n3A_67, %select_n3A_45 : vector<128x2048xf32>
      %sub3A_81 = arith.subf %sub3A_75, %sub3A : vector<128x2048xf32>
      %mul3A_82 = arith.mulf %sub3A_80, %sub3A_81 : vector<128x2048xf32>
      %jit3A_83 = arith.constant 0.000000e+00 : f32
      %broadcast_in_dim3A_84 = vector.broadcast %jit3A_83 : f32 to vector<128x2048xf32>
      %select_n3A_85 = arith.select %lt3A_28, %sub3A_79, %broadcast_in_dim3A_84 : vector<128x2048xi1>, vector<128x2048xf32>
      %jit3A_86 = arith.constant 0.000000e+00 : f32
      %broadcast_in_dim3A_87 = vector.broadcast %jit3A_86 : f32 to vector<128x2048xf32>
      %select_n3A_88 = arith.select %lt3A_28, %mul3A_82, %broadcast_in_dim3A_87 : vector<128x2048xi1>, vector<128x2048xf32>
      %reduce_sum3A = vector.shape_cast %select_n3A_85 : vector<128x2048xf32> to vector<1x128x2048xf32>
      %reduce_sum3A_89 = arith.constant dense<0.000000e+00> : vector<1xf32>
      %reduce_sum3A_90 = vector.multi_reduction <add>, %reduce_sum3A, %reduce_sum3A_89 [1, 2] : vector<1x128x2048xf32> to vector<1xf32>
      %reduce_sum3A_91 = vector.shape_cast %reduce_sum3A_90 : vector<1xf32> to vector<1x1x1xf32>
      %reduce_sum3A_92 = vector.extract %reduce_sum3A_91[0, 0, 0] : f32 from vector<1x1x1xf32>
      %reduce_sum3A_93 = vector.shape_cast %select_n3A_88 : vector<128x2048xf32> to vector<1x128x2048xf32>
      %reduce_sum3A_94 = arith.constant dense<0.000000e+00> : vector<1xf32>
      %reduce_sum3A_95 = vector.multi_reduction <add>, %reduce_sum3A_93, %reduce_sum3A_94 [1, 2] : vector<1x128x2048xf32> to vector<1xf32>
      %reduce_sum3A_96 = vector.shape_cast %reduce_sum3A_95 : vector<1xf32> to vector<1x1x1xf32>
      %reduce_sum3A_97 = vector.extract %reduce_sum3A_96[0, 0, 0] : f32 from vector<1x1x1xf32>
      %get3A_98 = arith.constant 0 : index
      %get3A_99 = memref.load %arg3[%get3A_98] : memref<2xf32, #tpu.memory_space<smem>>
      %add3A_100 = arith.addf %get3A_99, %reduce_sum3A_92 : f32
      %swap3A = arith.constant 0 : index
      %swap3A_101 = memref.load %arg3[%swap3A] : memref<2xf32, #tpu.memory_space<smem>>
      memref.store %add3A_100, %arg3[%swap3A] : memref<2xf32, #tpu.memory_space<smem>>
      %get3A_102 = arith.constant 1 : index
      %get3A_103 = memref.load %arg3[%get3A_102] : memref<2xf32, #tpu.memory_space<smem>>
      %add3A_104 = arith.addf %get3A_103, %reduce_sum3A_97 : f32
      %swap3A_105 = arith.constant 1 : index
      %swap3A_106 = memref.load %arg3[%swap3A_105] : memref<2xf32, #tpu.memory_space<smem>>
      memref.store %add3A_104, %arg3[%swap3A_105] : memref<2xf32, #tpu.memory_space<smem>>
    } else {
    }
    return
  }
  func.func @transform_0(%arg0: i32) -> (i32, i32, i32) {
    %c0_i32 = arith.constant 0 : i32
    %c0_i32_0 = arith.constant 0 : i32
    %c0_i32_1 = arith.constant 0 : i32
    return %c0_i32, %c0_i32_0, %arg0 : i32, i32, i32
  }
  func.func @transform_1(%arg0: i32) -> (i32, i32) {
    %c0_i32 = arith.constant 0 : i32
    %c0_i32_0 = arith.constant 0 : i32
    return %c0_i32, %arg0 : i32, i32
  }
  func.func @transform_2(%arg0: i32) -> i32 {
    %c0_i32 = arith.constant 0 : i32
    %c0_i32_0 = arith.constant 0 : i32
    return %c0_i32 : i32
  }
}

module attributes {stable_mosaic.version = 14 : i64} {
  func.func @_combine_body(%arg0: memref<2xf32, #tpu.memory_space<smem>>, %arg1: memref<128x16xf32, #tpu.memory_space<vmem>>, %arg2: memref<128x16xf32, #tpu.memory_space<vmem>>, %arg3: memref<128x16xi32, #tpu.memory_space<vmem>>, %arg4: memref<1xf32, #tpu.memory_space<smem>>) attributes {dimension_semantics = [], scalar_prefetch = 0 : i64, scratch_operands = 0 : i64, tpu.core_type = #tpu.core_type<tc>} {
    %get3A = arith.constant 0 : index
    %get3A_0 = arith.constant 0 : index
    %get3A_1 = vector.load %arg1[%get3A, %get3A_0] : memref<128x16xf32, #tpu.memory_space<vmem>>, vector<128x16xf32>
    %get3A_2 = arith.constant 0 : index
    %get3A_3 = arith.constant 0 : index
    %get3A_4 = vector.load %arg2[%get3A_2, %get3A_3] : memref<128x16xf32, #tpu.memory_space<vmem>>, vector<128x16xf32>
    %get3A_5 = arith.constant 0 : index
    %get3A_6 = arith.constant 0 : index
    %get3A_7 = vector.load %arg3[%get3A_5, %get3A_6] : memref<128x16xi32, #tpu.memory_space<vmem>>, vector<128x16xi32>
    %convert_element_type3A = arith.sitofp %get3A_7 : vector<128x16xi32> to vector<128x16xf32>
    %iota3A = tpu.iota {dimensions = array<i32: 1>} : vector<128x16xi32>
    %lt3A = arith.constant 15 : i32
    %lt3A_8 = vector.broadcast %lt3A : i32 to vector<128x16xi32>
    %lt3A_9 = arith.cmpi slt, %iota3A, %lt3A_8 : vector<128x16xi32>
    %jit3A = arith.constant 0.000000e+00 : f32
    %broadcast_in_dim3A = vector.broadcast %jit3A : f32 to vector<128x16xf32>
    %select_n3A = arith.select %lt3A_9, %get3A_1, %broadcast_in_dim3A : vector<128x16xi1>, vector<128x16xf32>
    %jit3A_10 = arith.constant 0.000000e+00 : f32
    %broadcast_in_dim3A_11 = vector.broadcast %jit3A_10 : f32 to vector<128x16xf32>
    %select_n3A_12 = arith.select %lt3A_9, %get3A_4, %broadcast_in_dim3A_11 : vector<128x16xi1>, vector<128x16xf32>
    %jit3A_13 = arith.constant 0.000000e+00 : f32
    %broadcast_in_dim3A_14 = vector.broadcast %jit3A_13 : f32 to vector<128x16xf32>
    %select_n3A_15 = arith.select %lt3A_9, %convert_element_type3A, %broadcast_in_dim3A_14 : vector<128x16xi1>, vector<128x16xf32>
    %abs3A = math.absf %select_n3A : vector<128x16xf32>
    %neg3A = arith.constant 0.000000e+00 : f32
    %neg3A_16 = vector.broadcast %neg3A : f32 to vector<128x16xf32>
    %neg3A_17 = arith.subf %neg3A_16, %abs3A : vector<128x16xf32>
    %exp3A = math.exp %neg3A_17 : vector<128x16xf32>
    %log1p3A = math.log1p %exp3A : vector<128x16xf32>
    %add3A = arith.constant 1.000000e+00 : f32
    %add3A_18 = vector.broadcast %add3A : f32 to vector<128x16xf32>
    %add3A_19 = arith.addf %add3A_18, %exp3A : vector<128x16xf32>
    %div3A = arith.constant 1.000000e+00 : f32
    %div3A_20 = vector.broadcast %div3A : f32 to vector<128x16xf32>
    %div3A_21 = arith.divf %div3A_20, %add3A_19 : vector<128x16xf32>
    %ge3A = arith.constant 0.000000e+00 : f32
    %ge3A_22 = vector.broadcast %ge3A : f32 to vector<128x16xf32>
    %ge3A_23 = arith.cmpf oge, %select_n3A, %ge3A_22 : vector<128x16xf32>
    %mul3A = arith.mulf %exp3A, %div3A_21 : vector<128x16xf32>
    %select_n3A_24 = arith.select %ge3A_23, %div3A_21, %mul3A : vector<128x16xi1>, vector<128x16xf32>
    %max3A = arith.constant 0.000000e+00 : f32
    %max3A_25 = vector.broadcast %max3A : f32 to vector<128x16xf32>
    %max3A_26 = arith.maximumf %select_n3A, %max3A_25 : vector<128x16xf32>
    %add3A_27 = arith.addf %max3A_26, %log1p3A : vector<128x16xf32>
    %min3A = arith.constant 0.000000e+00 : f32
    %min3A_28 = vector.broadcast %min3A : f32 to vector<128x16xf32>
    %min3A_29 = arith.minimumf %select_n3A, %min3A_28 : vector<128x16xf32>
    %sub3A = arith.subf %min3A_29, %log1p3A : vector<128x16xf32>
    %abs3A_30 = math.absf %select_n3A_12 : vector<128x16xf32>
    %neg3A_31 = arith.constant 0.000000e+00 : f32
    %neg3A_32 = vector.broadcast %neg3A_31 : f32 to vector<128x16xf32>
    %neg3A_33 = arith.subf %neg3A_32, %abs3A_30 : vector<128x16xf32>
    %exp3A_34 = math.exp %neg3A_33 : vector<128x16xf32>
    %log1p3A_35 = math.log1p %exp3A_34 : vector<128x16xf32>
    %add3A_36 = arith.constant 1.000000e+00 : f32
    %add3A_37 = vector.broadcast %add3A_36 : f32 to vector<128x16xf32>
    %add3A_38 = arith.addf %add3A_37, %exp3A_34 : vector<128x16xf32>
    %div3A_39 = arith.constant 1.000000e+00 : f32
    %div3A_40 = vector.broadcast %div3A_39 : f32 to vector<128x16xf32>
    %div3A_41 = arith.divf %div3A_40, %add3A_38 : vector<128x16xf32>
    %ge3A_42 = arith.constant 0.000000e+00 : f32
    %ge3A_43 = vector.broadcast %ge3A_42 : f32 to vector<128x16xf32>
    %ge3A_44 = arith.cmpf oge, %select_n3A_12, %ge3A_43 : vector<128x16xf32>
    %mul3A_45 = arith.mulf %exp3A_34, %div3A_41 : vector<128x16xf32>
    %select_n3A_46 = arith.select %ge3A_44, %div3A_41, %mul3A_45 : vector<128x16xi1>, vector<128x16xf32>
    %max3A_47 = arith.constant 0.000000e+00 : f32
    %max3A_48 = vector.broadcast %max3A_47 : f32 to vector<128x16xf32>
    %max3A_49 = arith.maximumf %select_n3A_12, %max3A_48 : vector<128x16xf32>
    %add3A_50 = arith.addf %max3A_49, %log1p3A_35 : vector<128x16xf32>
    %min3A_51 = arith.constant 0.000000e+00 : f32
    %min3A_52 = vector.broadcast %min3A_51 : f32 to vector<128x16xf32>
    %min3A_53 = arith.minimumf %select_n3A_12, %min3A_52 : vector<128x16xf32>
    %sub3A_54 = arith.subf %min3A_53, %log1p3A_35 : vector<128x16xf32>
    %add3A_55 = arith.addf %add3A_27, %add3A_50 : vector<128x16xf32>
    %add3A_56 = arith.addf %select_n3A, %select_n3A_12 : vector<128x16xf32>
    %mul3A_57 = arith.mulf %add3A_56, %select_n3A_15 : vector<128x16xf32>
    %sub3A_58 = arith.subf %add3A_55, %mul3A_57 : vector<128x16xf32>
    %sub3A_59 = arith.subf %select_n3A_46, %select_n3A_24 : vector<128x16xf32>
    %sub3A_60 = arith.subf %sub3A_54, %sub3A : vector<128x16xf32>
    %mul3A_61 = arith.mulf %sub3A_59, %sub3A_60 : vector<128x16xf32>
    %jit3A_62 = arith.constant 0.000000e+00 : f32
    %broadcast_in_dim3A_63 = vector.broadcast %jit3A_62 : f32 to vector<128x16xf32>
    %select_n3A_64 = arith.select %lt3A_9, %sub3A_58, %broadcast_in_dim3A_63 : vector<128x16xi1>, vector<128x16xf32>
    %reduce_sum3A = vector.shape_cast %select_n3A_64 : vector<128x16xf32> to vector<1x128x16xf32>
    %reduce_sum3A_65 = arith.constant dense<0.000000e+00> : vector<1xf32>
    %reduce_sum3A_66 = vector.multi_reduction <add>, %reduce_sum3A, %reduce_sum3A_65 [1, 2] : vector<1x128x16xf32> to vector<1xf32>
    %reduce_sum3A_67 = vector.shape_cast %reduce_sum3A_66 : vector<1xf32> to vector<1x1x1xf32>
    %reduce_sum3A_68 = vector.extract %reduce_sum3A_67[0, 0, 0] : f32 from vector<1x1x1xf32>
    %jit3A_69 = arith.constant 0.000000e+00 : f32
    %broadcast_in_dim3A_70 = vector.broadcast %jit3A_69 : f32 to vector<128x16xf32>
    %select_n3A_71 = arith.select %lt3A_9, %mul3A_61, %broadcast_in_dim3A_70 : vector<128x16xi1>, vector<128x16xf32>
    %reduce_sum3A_72 = vector.shape_cast %select_n3A_71 : vector<128x16xf32> to vector<1x128x16xf32>
    %reduce_sum3A_73 = arith.constant dense<0.000000e+00> : vector<1xf32>
    %reduce_sum3A_74 = vector.multi_reduction <add>, %reduce_sum3A_72, %reduce_sum3A_73 [1, 2] : vector<1x128x16xf32> to vector<1xf32>
    %reduce_sum3A_75 = vector.shape_cast %reduce_sum3A_74 : vector<1xf32> to vector<1x1x1xf32>
    %reduce_sum3A_76 = vector.extract %reduce_sum3A_75[0, 0, 0] : f32 from vector<1x1x1xf32>
    %get3A_77 = arith.constant 0 : index
    %get3A_78 = memref.load %arg0[%get3A_77] : memref<2xf32, #tpu.memory_space<smem>>
    %get3A_79 = arith.constant 1 : index
    %get3A_80 = memref.load %arg0[%get3A_79] : memref<2xf32, #tpu.memory_space<smem>>
    %mul3A_81 = arith.constant 7.812500e-08 : f32
    %mul3A_82 = arith.mulf %get3A_78, %mul3A_81 : f32
    %add3A_83 = arith.constant 0x4B875C29 : f32
    %add3A_84 = arith.addf %reduce_sum3A_68, %add3A_83 : f32
    %mul3A_85 = arith.constant 7.812500e-08 : f32
    %mul3A_86 = arith.mulf %add3A_84, %mul3A_85 : f32
    %mul3A_87 = arith.constant 7.812500e-03 : f32
    %mul3A_88 = arith.mulf %get3A_80, %mul3A_87 : f32
    %mul3A_89 = arith.constant 7.812500e-03 : f32
    %mul3A_90 = arith.mulf %reduce_sum3A_76, %mul3A_89 : f32
    %add3A_91 = arith.addf %mul3A_88, %mul3A_90 : f32
    %add3A_92 = arith.addf %add3A_91, %mul3A_82 : f32
    %add3A_93 = arith.addf %add3A_92, %mul3A_86 : f32
    %swap3A = arith.constant 0 : index
    %swap3A_94 = memref.load %arg4[%swap3A] : memref<1xf32, #tpu.memory_space<smem>>
    memref.store %add3A_93, %arg4[%swap3A] : memref<1xf32, #tpu.memory_space<smem>>
    return
  }
}

</mosaic_0001>

<sc_bundles>
// kernel: kernel.5.cloned.1.call-start
scs
__scs_entry_jumppad:
0x0: {  	(pc) =	sbr.rel $0x88, $3  }
0x1: {  	(tag) =	ssettag $0x0;
	lr =	simm.s32 $0x1  }
0x2: {  	[smem:$0x3F9F] =	sst lr;
	_ =	strace $0xD0000000  }
0x3: {  	_ = 	snop  }
0x4: {  	_ = 	snop  }
0x5: {  	_ = 	snop  }
0x6: {  	_ = 	snop  }
0x7: {  	_ = 	snop  }
__scs_overlays_trampoline_lowered:
0x8: {  	[smem:$0x3FAE] =	sst s0  }
0x9: {  	[smem:$0x3FAF] =	sst s1  }
0xa: {  	[smem:$0x3FB0] =	sst s2  }
0xb: {  	[smem:$0x3FB1] =	sst s3  }
0xc: {  	[smem:$0x3FB2] =	sst s4  }
0xd: {  	[smem:$0x3FB3] =	sst s5  }
0xe: {  	[smem:$0x3FB4] =	sst s6  }
0xf: {  	[smem:$0x3FB5] =	sst s7  }
0x10: {  	[smem:$0x3FB6] =	sst s8  }
0x11: {  	[smem:$0x3FB7] =	sst s9;
	s0 =	simm.s32 @!p0 $0x0  }
0x12: {  	s1 =	sld [smem:$0x3F9D];
	s0 =	simm.s32 @p0 $0x1  }
0x13: {  	[smem:$0x3FB8] =	sst s0;
	s0 =	simm.s32 @!p1 $0x0  }
0x14: {  	s2 =	sld [smem:$0x3F9C];
	s0 =	simm.s32 @p1 $0x1  }
0x15: {  	[smem:$0x3FB9] =	sst s0;
	s0 =	simm.s32 @!p2 $0x0  }
0x16: {  	s3 =	sld [smem:$0x3FDB];
	s0 =	simm.s32 @p2 $0x1  }
0x17: {  	s4 =	simm.s32 $0x1BF5;
	[smem:$0x3FBB] =	sst s0  }
0x18: {  	s0 =	sld [smem:$0x3F9E];
	_ =	swait.ge [sflag:s4], $0x0  }
0x19: {  	s7 =	sld [smem:$0x3F9F]  }
0x1a: {  	s8 =	sadd.s32 $0xFFFFE003, lr  }
0x1b: {  	s9 =	sadd.s32 $0xFFFFFEF7, lr;
	s5 =	simm.s32 $0xFFFFFFFF;
	p2 =	slt.u32 s8, $0xFFFFF086  }
0x1c: {  	p1 =	slt.u32 s9, $0xF7A;
	s5 =	simm.s32 @!p2 $0x0  }
0x1d: {  	s5 =	simm.s32 @p1 $0x1;
	p0 =	seq.s32 s7, s2  }
0x1e: {  	s7 =	smul.u32 @!p0 $0xF7A, s2;
	p2 =	seq.s32 @!p0 s5, $0x0  }
0x1f: {  	s9 =	smul.u32 $0xF7A, s1;
	s8 =	simm.s32 @!p0 $0x1BF5;
	p2 =	por !p2, p0  }
0x20: {  	[sflag:s8] =	ssyncset.s32 @!p0 $0xFFFFF086;
	s6 =	sadd.s32 @!p0 s3, s7;
	s7 =	simm.s32 @!p0 $0x108  }
0x21: {  	s3 =	sadd.s32 s3, s9;
	s6 =	sadd.s32 @!p0 $0x88, s6;
	s7 =	simm.s32 @p2 $0x1082  }
0x22: {  	[simem:s7], [sflag:s8] =	dma.local @!p0 [hbm:s6], $0xF7A  }
0x23: {  	s9 =	sor.u32 $0xD0000000, s2;
	s6 =	simm.s32 $0x108;
	_ =	swait.ge @!p0 [sflag:s8], $0x0  }
0x24: {  	s3 =	sadd.s32 $0x88, s3;
	s6 =	simm.s32 @!p1 $0x1082;
	[sflag:s4] =	ssyncset.s32 $0xFFFFF086  }
0x25: {  	[simem:s6], [sflag:s4] =	dma.local [hbm:s3], $0xF7A  }
0x26: {  	[smem:$0x3F9F] =	sst s1;
	(tag) =	ssettag s2;
	_ =	strace s9  }
0x27: {  	s1 =	sld [smem:$0x3FAF]  }
0x28: {  	s2 =	sld [smem:$0x3FB0]  }
0x29: {  	s4 =	sld [smem:$0x3FB2]  }
0x2a: {  	p0 =	seq.s32 s5, $0x0;
	s5 =	sld [smem:$0x3FB3]  }
0x2b: {  	s6 =	sld [smem:$0x3FB4]  }
0x2c: {  	s7 =	sld [smem:$0x3FB5]  }
0x2d: {  	s3 =	simm.s32 $0x108;
	s8 =	sld [smem:$0x3FB6]  }
0x2e: {  	s3 =	simm.s32 @!p0 $0x1082;
	s9 =	sld [smem:$0x3FB7]  }
0x2f: {  	lr =	sadd.s32 s0, s3;
	s0 =	sld [smem:$0x3FAE]  }
0x30: {  	s3 =	sld [smem:$0x3FB1]  }
0x31: {  	[smem:$0x3FBA] =	sst s10  }
0x32: {  	s10 =	sld [smem:$0x3FB8];
	_ =	sdelay $0x3  }
0x33: {  	p0 =	seq.s32 s10, $0x1;
	s10 =	sld [smem:$0x3FBA];
	_ =	sdelay $0x3  }
0x34: {  	[smem:$0x3FBA] =	sst s10  }
0x35: {  	s10 =	sld [smem:$0x3FB9];
	_ =	sdelay $0x3  }
0x36: {  	p1 =	seq.s32 s10, $0x1;
	s10 =	sld [smem:$0x3FBA];
	_ =	sdelay $0x3  }
0x37: {  	[smem:$0x3FBA] =	sst s10  }
0x38: {  	s10 =	sld [smem:$0x3FBB]  }
0x39: {  	_ = 	snop;
	(pc) =	sbr.ind lr, $3  }
0x3a: {  	_ = 	snop  }
0x3b: {  	_ = 	snop  }
0x3c: {  	p2 =	seq.s32 s10, $0x1;
	s10 =	sld [smem:$0x3FBA]  }
0x3d: {  	_ =	shalt  }
0x3e: {  	_ =	shalt  }
0x3f: {  	_ =	shalt  }
0x40: {  	_ =	shalt  }
0x41: {  	_ =	shalt  }
0x42: {  	_ =	shalt  }
0x43: {  	_ =	shalt  }
0x44: {  	_ =	shalt  }
0x45: {  	_ =	shalt  }
0x46: {  	_ =	shalt  }
0x47: {  	_ =	shalt  }
0x48: {  	_ =	shalt  }
0x49: {  	_ =	shalt  }
0x4a: {  	_ =	shalt  }
0x4b: {  	_ =	shalt  }
0x4c: {  	_ =	shalt  }
0x4d: {  	_ =	shalt  }
0x4e: {  	_ =	shalt  }
0x4f: {  	_ =	shalt  }
0x50: {  	_ =	shalt  }
0x51: {  	_ =	shalt  }
0x52: {  	_ =	shalt  }
0x53: {  	_ =	shalt  }
0x54: {  	_ =	shalt  }
0x55: {  	_ =	shalt  }
0x56: {  	_ =	shalt  }
0x57: {  	_ =	shalt  }
0x58: {  	_ =	shalt  }
0x59: {  	_ =	shalt  }
0x5a: {  	_ =	shalt  }
0x5b: {  	_ =	shalt  }
0x5c: {  	_ =	shalt  }
0x5d: {  	_ =	shalt  }
0x5e: {  	_ =	shalt  }
0x5f: {  	_ =	shalt  }
0x60: {  	_ =	shalt  }
0x61: {  	_ =	shalt  }
0x62: {  	_ =	shalt  }
0x63: {  	_ =	shalt  }
0x64: {  	_ =	shalt  }
0x65: {  	_ =	shalt  }
0x66: {  	_ =	shalt  }
0x67: {  	_ =	shalt  }
0x68: {  	_ =	shalt  }
0x69: {  	_ =	shalt  }
0x6a: {  	_ =	shalt  }
0x6b: {  	_ =	shalt  }
0x6c: {  	_ =	shalt  }
0x6d: {  	_ =	shalt  }
0x6e: {  	_ =	shalt  }
0x6f: {  	_ =	shalt  }
0x70: {  	_ =	shalt  }
0x71: {  	_ =	shalt  }
0x72: {  	_ =	shalt  }
0x73: {  	_ =	shalt  }
0x74: {  	_ =	shalt  }
0x75: {  	_ =	shalt  }
0x76: {  	_ =	shalt  }
0x77: {  	_ =	shalt  }
0x78: {  	_ =	shalt  }
0x79: {  	_ =	shalt  }
0x7a: {  	_ =	shalt  }
0x7b: {  	_ =	shalt  }
0x7c: {  	_ =	shalt  }
0x7d: {  	_ =	shalt  }
0x7e: {  	_ =	shalt  }
0x7f: {  	_ =	shalt  }
0x80: {  	_ =	shalt  }
0x81: {  	_ =	shalt  }
0x82: {  	_ =	shalt  }
0x83: {  	_ =	shalt  }
0x84: {  	_ =	shalt  }
0x85: {  	_ =	shalt  }
0x86: {  	_ =	shalt  }
0x87: {  	_ =	shalt  }
.Lfunc_end0:
.L_simem_size_0:
called_computation_lowered:
.L_overlay_start_0:
0x88: {  	s2 =	sld [smem:$0x3FD9]  }
0x89: {  	s3 =	sld [smem:$0x3FFE];
	_ =	sdelay $0x1  }
0x8a: {  	s1 =	srdreg.scid  }
0x8b: {  	s0 =	sand.u32 $0x1, s1  }
0x8c: {  	s16 =	sshll.u32 s0, $0xA;
	s2 =	sadd.s32 s3, s2  }
0x8d: {  	s2 =	sadd.s32 s2, s16  }
0x8e: {  	[smem:$0x3FC6] =	sst s2  }
0x8f: {  	_ = 	snop  }
0x90: {  	(tm) =	ssettm $0x1  }
0x91: {  	s17 =	sld [smem:$0x3FFB];
	_ =	sdelay $0x3  }
0x92: {  	_ =	strace s17  }
0x93: {  	s2 =	sld [smem:$0x3FFC];
	_ =	sdelay $0x3  }
0x94: {  	_ =	strace s2  }
0x95: {  	s2 =	sld [smem:$0x3FFD];
	_ =	sdelay $0x3  }
0x96: {  	_ =	strace s2  }
0x97: {  	_ =	strace $0x8FFFFFFF  }
0x98: {  	s18 =	sld [smem:$0x3FDB];
	_ =	sdelay $0x1  }
0x99: {  	s19 =	simm.s32 $_scs_section_size  }
0x9a: {  	s4 =	simm.s32 $_size__tile_overlayer_lowered;
	s5 =	simm.s32 $_tile_overlayer_lowered  }
0x9b: {  	s22 =	simm.s32 $0x1BFF;
	s21 =	sshll.u32 s5, $0x1;
	s2 =	sadd.s32 s19, s18  }
0x9c: {  	s6 =	simm.s32 $0x0;
	s20 =	sshll.u32 s4, $0x1;
	s4 =	sadd.s32 s21, s2  }
0x9d: {  	[timem:s6], [sflag:s22] =	dma.local [hbm:s4], s20  }
0x9e: {  	_ =	swait.ge [sflag:s22], s20  }
0x9f: {  	s3 =	ssub.s32 $0x0, s20;
	[sflag:s22] =	ssyncset.done $0x0  }
0xa0: {  	[sflag:s22] =	ssyncadd.s32 s3;
	_ =	sdelay $0x1  }
0xa1: {  	s23 =	simm.s32 $0x1B8B  }
0xa2: {  	_ =	swait.ge [sflag:s23], $0x1  }
0xa3: {  	[sflag:s23] =	ssyncset.done $0x0  }
0xa4: {  	s25 =	simm.s32 $0x1B8E;
	s24 =	sld [smem:$0x3FFE];
	[sflag:s23] =	ssyncadd.s32 $0xFFFFFFFF  }
0xa5: {  	s26 =	simm.s32 $execute0_lowered;
	[smem:$0x3FD2] =	sst s25  }
0xa6: {  	s4 =	sshll.u32 s26, $0x1;
	_ =	strace $0x80000046;
	[dreg:$0x1] =	wrdreg $0xFFFFFFFF  }
0xa7: {  	s28 =	simm.s32 $_size_execute0_lowered;
	s2 =	sadd.s32 s2, s4;
	[dreg:$0x0] =	wrdreg $0x0  }
0xa8: {  	s4 =	sshll.u32 s28, $0x1;
	[dreg:$0x2] =	wrdreg s2  }
0xa9: {  	[dreg:$0x3] =	wrdreg s4  }
0xaa: {  	[dreg:$0x4] =	wrdreg $0xC0  }
0xab: {  	_ =	task [dreg:s6], $0x5FFFF  }
0xac: {  	[dreg:$0x1] =	wrdreg $0xFFFFFFFF  }
0xad: {  	[dreg:$0x0] =	wrdreg $0x60  }
0xae: {  	[dreg:$0x2] =	wrdreg s24  }
0xaf: {  	[dreg:$0x3] =	wrdreg $0x9  }
0xb0: {  	_ =	task.clear_ibuf [dreg:s6], $0x4FFFF;
	_ =	strace $0x90000046  }
0xb1: {  	s29 =	simm.s32 $0x9;
	_ =	strace $0x80000048  }
0xb2: {  	_ =	swait.ge [sflag:s29], $0x1  }
0xb3: {  	[sflag:s29] =	ssyncadd.s32 $0xFFFFFFFF  }
0xb4: {  	_ =	strace $0x90000048  }
0xb5: {  	_ =	sfence  }
0xb6: {  	s30 =	sld [smem:$0x0];
	_ =	sdelay $0x2  }
0xb7: {  	s31 =	sshll.u32 s1, $0xD;
	s1 =	sshrl.u32 s1, $0x2  }
0xb8: {  	s3 =	sand.u32 $0x4000, s31;
	s1 =	sadd.s32 s1, s30  }
0xb9: {  	s0 =	sor.u32 s3, s0;
	s1 =	sshll.u32 s1, $0x11  }
0xba: {  	s0 =	sor.u32 s1, s0  }
0xbb: {  	s0 =	sadd.s32 $0x8F2B, s0  }
0xbc: {  	[sflag:s0] =	ssyncadd.remote.s32 $0x1  }
0xbd: {  	_ =	sfence.sel $0xFFFF  }
0xbe: {  	[dreg:$0x0] =	wrdreg $0xFFFFFFFF;
	(pc) =	sbr.abs _section_cstart, $3  }
0xbf: {  	[dreg:$0x1] =	wrdreg $0xFFFFFFFF  }
0xc0: {  	_ =	task.clear_ibuf [dreg:s6], $0x2FFFF;
	_ =	strace $0x9FFFFFFF  }
0xc1: {  	(tm) =	ssettm $0x7FFFFFFF  }
tec
execute0_lowered:
.L_overlay_start_1:
0x0: {  	(tag) =	ssettag $0x1  }
0x1: {  	s0 =	rddreg [dreg:$0x0]  }
0x2: {  	s2 =	simm.s32 $0x0;
	s1 =	srdreg.scid;
	s3 =	stileid.u32  }
0x3: {  	s14 =	simm.s32 $0x4F00;
	s15 =	simm.s32 $0x2780;
	s16 =	simm.s32 $0x7680  }
0x4: {  	s17 =	simm.s32 $0x1;
	s18 =	simm.s32 $0x3;
	s19 =	simm.s32 $0x2  }
0x5: {  	s20 =	simm.s32 $0x4;
	s21 =	simm.s32 $0x10;
	s22 =	simm.s32 $0x9E00  }
0x6: {  	s23 =	simm.s32 $0x9E80;
	s24 =	simm.s32 $0x5;
	s28 =	simm.s32 $0x6  }
0x7: {  	[smem:$0x7FF] =	sst s2;
	s1 =	sand.u32 $0x1, s1;
	s4 =	sadd.s32 $0x187800, s0  }
0x8: {  	s3 =	sshll.u32 s3, $0x1;
	s7 =	sadd.s32 $0x929600, s0;
	s25 =	sadd.s32 $0x929800, s0  }
0x9: {  	_ =	strace $0x80000047;
	s5 =	sor.u32 s1, s3;
	s1 =	ssub.s32 $0x2, s1  }
0xa: {  	[dreg:$0x2] =	wrdreg s7;
	s6 =	smul.u32 $0x61A80, s5;
	s8 =	sshrl.u32 s1, $0x1  }
0xb: {  	s3 =	sadd.s32 $0x61C200, s0;
	[dreg:$0x3] =	wrdreg s25;
	s26 =	ssub.s32 s1, s8  }
0xc: {  	s7 =	sadd.s32 $0x929A00, s0;
	s6 =	sshrl.u32 s6, $0x3;
	s0 =	smax.u32 s26, $0x1  }
.Ltmp0:
0xd: {  	s30 =	sadd.s32 s3, s6;
	[dreg:$0x8] =	wrdreg s0;
	(pc) =	sbr.rel .LBB2_1-.Ltmp0, $4  }
0xe: {  	s29 =	sadd.s32 $0x4E2, s6;
	s6 =	sadd.s32 s4, s6;
	[dreg:$0x4] =	wrdreg s30  }
0xf: {  	s25 =	simm.s32 $0x9F00;
	[dreg:$0x5] =	wrdreg s6;
	s31 =	sadd.s32 s3, s29  }
0x10: {  	s12 =	sshll.u32 s5, $0x2;
	s1 =	sadd.s32 s4, s29;
	[dreg:$0x6] =	wrdreg s31  }
0x11: {  	v0 =	vimm.f32 $0.0e+00;
	s26 =	simm.s32 $0x9F80;
	[dreg:$0x7] =	wrdreg s1;
	s1 =	simm.s32 $0x0  }
.LBB2_13:
0x12: {  	_ =	swait.ge [sflag:s17], $0x2710  }
0x13: {  	[sflag:s17] =	ssyncset.done $0x0  }
0x14: {  	[sflag:s17] =	ssyncadd.s32 $0xFFFFD8F0  }
0x15: {  	_ =	swait.ge [sflag:s18], $0x2710  }
0x16: {  	[sflag:s18] =	ssyncset.done $0x0  }
0x17: {  	[sflag:s18] =	ssyncadd.s32 $0xFFFFD8F0  }
0x18: {  	_ =	swait.ge [sflag:s19], $0x2710  }
0x19: {  	[sflag:s19] =	ssyncset.done $0x0  }
0x1a: {  	[sflag:s19] =	ssyncadd.s32 $0xFFFFD8F0  }
0x1b: {  	_ =	swait.ge [sflag:s20], $0x2710  }
0x1c: {  	s1 =	rddreg [dreg:$0x9]  }
0x1d: {  	s0 =	rddreg [dreg:$0x8];
	s1 =	sadd.s32 $0x1, s1  }
0x1e: {  	p0 =	sne.s32 s1, s0  }
.Ltmp1:
0x1f: {  	_ = 	snop;
	(pc) =	sbr.rel @!p0 .LBB2_14-.Ltmp1, $3  }
0x20: {  	_ =	sdelay $0x1  }
0x21: {  	[sflag:s20] =	ssyncset.done $0x0  }
0x22: {  	[sflag:s20] =	ssyncadd.s32 $0xFFFFD8F0  }
.LBB2_1:
0x23: {  	s0 =	rddreg [dreg:$0x4]  }
0x24: {  	[tilespmem:s2], [sflag:$0x1] =	stream.linear.gather [hbm4b:s0+s2], $0x2710, $0x38;
	[tilespmem:$0xA000] =	vst v63  }
0x25: {  	s13 =	rddreg [dreg:$0x5]  }
0x26: {  	[tilespmem:s14], [sflag:$0x3] =	stream.linear.gather [hbm4b:s13+s2], $0x2710, $0x38;
	[tilespmem:$0xA000] =	vst v63  }
.Ltmp2:
0x27: {  	[dreg:$0x9] =	wrdreg s1;
	(pc) =	sbr.rel .LBB2_2-.Ltmp2, $4  }
0x28: {  	s29 =	rddreg [dreg:$0x6]  }
0x29: {  	[tilespmem:s15], [sflag:$0x2] =	stream.linear.gather [hbm4b:s29+s2], $0x2710, $0x38;
	[tilespmem:$0xA000] =	vst v63  }
0x2a: {  	s31 =	rddreg [dreg:$0x7];
	s30 =	simm.s32 $0x0  }
0x2b: {  	[tilespmem:s16], [sflag:$0x4] =	stream.linear.gather [hbm4b:s31+s2], $0x2710, $0x38;
	[tilespmem:$0xA000] =	vst v63  }
.LBB2_12:
0x2c: {  	v1 =	vadd.s32 s0, v8  }
0x2d: {  	[tilespmem:$0x9E00] =	vst v1  }
0x2e: {  	[tilespmem:s23], [sflag:$0x5] =	stream.indirect.gather [hbm4b:s3+s21], $0x1, s22, s21, $0xb8;
	[tilespmem:$0xA000] =	vst v63  }
0x2f: {  	_ =	swait.ge [sflag:s24], $0x10  }
0x30: {  	s13 =	sadd.s32 $0xC35000, s0;
	[sflag:s24] =	ssyncset.done $0x0  }
0x31: {  	v2 =	vadd.s32 s13, v8;
	[sflag:s24] =	ssyncadd.s32 $0xFFFFFFF0  }
0x32: {  	[tilespmem:$0x9E00] =	vst v2  }
0x33: {  	[tilespmem:s25], [sflag:$0x5] =	stream.indirect.gather [hbm4b:s3+s21], $0x1, s22, s21, $0xb8;
	[tilespmem:$0xA000] =	vst v63  }
0x34: {  	_ =	swait.ge [sflag:s24], $0x10  }
0x35: {  	[sflag:s24] =	ssyncset.done $0x0  }
0x36: {  	[sflag:s24] =	ssyncadd.s32 $0xFFFFFFF0  }
0x37: {  	[tilespmem:$0x9E00] =	vst v1  }
0x38: {  	[tilespmem:s26], [sflag:$0x5] =	stream.indirect.gather [hbm4b:s4+s21], $0x1, s22, s21, $0xb8;
	[tilespmem:$0xA000] =	vst v63  }
0x39: {  	_ =	swait.ge [sflag:s24], $0x10  }
0x3a: {  	s29 =	sshll.u32 s31, $0x1;
	[sflag:s24] =	ssyncset.done $0x0;
	s1 =	rddreg [dreg:$0x2]  }
0x3b: {  	[sflag:s24] =	ssyncadd.s32 $0xFFFFFFF0;
	s1 =	sadd.s32 s1, s29  }
0x3c: {  	[hbm4b:s1+s2] =	stream.linear.scatter [tilespmem:s23], [sflag:$0x6], $0x10, $0x38;
	[tilespmem:$0xA000] =	vst v63  }
0x3d: {  	_ =	swait.ge [sflag:s28], $0x10  }
0x3e: {  	[sflag:s28] =	ssyncset.done $0x0;
	s31 =	rddreg [dreg:$0x3]  }
0x3f: {  	[sflag:s28] =	ssyncadd.s32 $0xFFFFFFF0;
	s1 =	sadd.s32 s31, s29  }
0x40: {  	[hbm4b:s1+s2] =	stream.linear.scatter [tilespmem:s25], [sflag:$0x6], $0x10, $0x38;
	[tilespmem:$0xA000] =	vst v63  }
0x41: {  	_ =	swait.ge [sflag:s28], $0x10  }
0x42: {  	p0 =	sne.s32 s30, $0x4;
	[sflag:s28] =	ssyncset.done $0x0  }
.Ltmp3:
0x43: {  	s0 =	sadd.s32 s7, s29;
	[sflag:s28] =	ssyncadd.s32 $0xFFFFFFF0;
	(pc) =	sbr.rel @!p0 .LBB2_13-.Ltmp3, $4  }
0x44: {  	[hbm4b:s0+s2] =	stream.linear.scatter [tilespmem:s26], [sflag:$0x6], $0x10, $0x38;
	[tilespmem:$0xA000] =	vst v63  }
0x45: {  	_ =	swait.ge [sflag:s28], $0x10  }
0x46: {  	[sflag:s28] =	ssyncset.done $0x0  }
0x47: {  	[sflag:s28] =	ssyncadd.s32 $0xFFFFFFF0  }
.LBB2_2:
0x48: {  	s31 =	sor.u32 s12, s30;
	s30 =	sadd.s32 $0x1, s30  }
.Ltmp4:
0x49: {  	s0 =	smin.u32 s30, $0x3;
	(pc) =	sbr.rel .LBB2_3-.Ltmp4, $4  }
0x4a: {  	s0 =	sor.u32 s12, s0  }
0x4b: {  	s1 =	smul.u32 $0x186A0, s0  }
0x4c: {  	s0 =	smul.u32 $0x186A0, s31  }
0x4d: {  	v8 =	vimm.s32 $0x0;
	v1 =	vimm.f32 $-3.000000010e+38;
	s9 =	simm.s32 $0x0;
	v10 =	vimm.f32 $-3.000000010e+38;
	s10 =	simm.s32 $0x0;
	s8 =	sadd.s32 $0x2710, s1  }
.LBB2_11:
0x4e: {  	s6 =	sld [smem:$0x7E8];
	_ =	sdelay $0x2  }
0x4f: {  	s5 =	sadd.s32 $0x7530, s11;
	s10 =	sadd.s32 $0x1, s10;
	p0 =	seq.s32 s6, $0x1  }
0x50: {  	s5 =	smov.u32 @p0 s8;
	p0 =	sne.s32 s10, $0x5  }
.Ltmp5:
0x51: {  	s5 =	sshrl.u32 s5, $0x3;
	(pc) =	sbr.rel @!p0 .LBB2_12-.Ltmp5, $4  }
0x52: {  	s29 =	sadd.s32 s3, s5  }
0x53: {  	[tilespmem:s15], [sflag:$0x2] =	stream.linear.gather [hbm4b:s29+s2], $0x2710, $0x38;
	[tilespmem:$0xA000] =	vst v63  }
0x54: {  	s9 =	sadd.s32 $0x4E20, s9;
	s5 =	sadd.s32 s4, s5  }
0x55: {  	[tilespmem:s16], [sflag:$0x4] =	stream.linear.gather [hbm4b:s5+s2], $0x2710, $0x38;
	[tilespmem:$0xA000] =	vst v63  }
.LBB2_3:
0x56: {  	_ =	swait.ge [sflag:s17], $0x2710  }
.Ltmp6:
0x57: {  	[sflag:s17] =	ssyncset.done $0x0;
	(pc) =	sbr.rel .LBB2_4-.Ltmp6, $4  }
0x58: {  	[sflag:s17] =	ssyncadd.s32 $0xFFFFD8F0  }
0x59: {  	_ =	swait.ge [sflag:s18], $0x2710  }
0x5a: {  	s11 =	smul.u32 $0x4E20, s10;
	s13 =	simm.s32 $0xC0;
	[sflag:s18] =	ssyncset.done $0x0  }
0x5b: {  	s29 =	simm.s32 $0x4FC0;
	s5 =	simm.s32 $0x0;
	[sflag:s18] =	ssyncadd.s32 $0xFFFFD8F0  }
.LBB2_6:
0x5c: {  	s5 =	sadd.s32 $0x190, s5  }
0x5d: {  	p0 =	sne.s32 s5, $0x2710  }
.Ltmp7:
0x5e: {  	_ = 	snop;
	(pc) =	sbr.rel @!p0 .LBB2_7-.Ltmp7, $2  }
0x5f: {  	_ =	sdelay $0x2  }
0x60: {  	s13 =	sadd.s32 $0x190, s13;
	s29 =	sadd.s32 $0x190, s29  }
.LBB2_4:
0x61: {  	v2 =	vld [tilespmem:s13+$0xFFFFFF40]  }
0x62: {  	v3 =	vld [tilespmem:s29+$0xFFFFFF40]  }
0x63: {  	v4 =	vld [tilespmem:s13+$0xFFFFFF50]  }
0x64: {  	v5 =	vld [tilespmem:s29+$0xFFFFFF50]  }
0x65: {  	v7 =	vld [tilespmem:s13+$0xFFFFFF60]  }
0x66: {  	v6 =	vld [tilespmem:s29+$0xFFFFFF60]  }
0x67: {  	v9 =	vld [tilespmem:s13+$0xFFFFFF70]  }
0x68: {  	v11 =	vld [tilespmem:s29+$0xFFFFFF70]  }
0x69: {  	v12 =	vld [tilespmem:s13+$0xFFFFFF80]  }
0x6a: {  	v13 =	vld [tilespmem:s29+$0xFFFFFF80]  }
0x6b: {  	v14 =	vld [tilespmem:s13+$0xFFFFFF90]  }
0x6c: {  	v15 =	vld [tilespmem:s29+$0xFFFFFF90]  }
0x6d: {  	v16 =	vld [tilespmem:s13+$0xFFFFFFA0]  }
0x6e: {  	v17 =	vld [tilespmem:s29+$0xFFFFFFA0]  }
0x6f: {  	v18 =	vld [tilespmem:s13+$0xFFFFFFB0];
	v3 =	vcvt.s32.f32 v3  }
0x70: {  	v19 =	vld [tilespmem:s29+$0xFFFFFFB0]  }
0x71: {  	v22 =	vld [tilespmem:s13+$0xFFFFFFD0];
	v5 =	vcvt.s32.f32 v5;
	v3 =	vmul.f32 $9.999990000e+05, v3  }
0x72: {  	v24 =	vld [tilespmem:s13+$0xFFFFFFE0];
	v6 =	vcvt.s32.f32 v6  }
0x73: {  	v29 =	vld [tilespmem:s29+$0x20];
	v28 =	vadd.f32 v3, v2;
	v2 =	vmul.f32 $9.999990000e+05, v5  }
0x74: {  	v31 =	vld [tilespmem:s13+$0x70];
	v11 =	vcvt.s32.f32 v11;
	v5 =	vmul.f32 $9.999990000e+05, v6  }
0x75: {  	s6 =	sand.u32 $0x3FF0, s5;
	v3 =	vld [tilespmem:s29+$0xFFFFFFD0];
	v6 =	vadd.f32 v2, v4  }
0x76: {  	v21 =	vld [tilespmem:s6+$0x4F80];
	v2 =	vcvt.s32.f32 v13;
	v27 =	vadd.f32 v5, v7;
	v5 =	vmul.f32 $9.999990000e+05, v11  }
0x77: {  	vm7 =	vgt.f32 v28, v1;
	v4 =	vld [tilespmem:s29+$0xFFFFFFE0];
	v7 =	vcvt.s32.f32 v15;
	v13 =	vcvt.s32.f32 v17  }
0x78: {  	v15 =	vld [tilespmem:s29+$0xFFFFFFF0];
	vm8 =	vgt.f32 v6, v1;
	v2 =	vmul.f32 $9.999990000e+05, v2;
	vm6 =	vgt.f32 v27, v1  }
0x79: {  	v20 =	vld [tilespmem:s6+$0x80];
	v26 =	vadd.f32 v5, v9;
	v5 =	vmul.f32 $9.999990000e+05, v7;
	v9 =	vcvt.s32.f32 v19  }
0x7a: {  	v3 =	vcvt.s32.f32 v3;
	v12 =	vadd.f32 v2, v12;
	v2 =	vmul.f32 $9.999990000e+05, v13;
	v13 =	vld [tilespmem:s29+$0x0]  }
0x7b: {  	v30 =	vld [tilespmem:s6+$0x100];
	vm9 =	vmor vm7, vm8;
	vm5 =	vgt.f32 v26, v1;
	v14 =	vadd.f32 v5, v14  }
0x7c: {  	v5 =	vcvt.s32.f32 v21;
	v16 =	vadd.f32 v2, v16;
	v2 =	vmul.f32 $9.999990000e+05, v9;
	v9 =	vld [tilespmem:s29+$0x10]  }
0x7d: {  	v11 =	vld [tilespmem:s13+$0xFFFFFFF0];
	vm9 =	vmor vm9, vm6;
	v4 =	vcvt.s32.f32 v4;
	v15 =	vcvt.s32.f32 v15  }
0x7e: {  	v7 =	vld [tilespmem:s13+$0x0];
	vm9 =	vmor vm9, vm5;
	vm4 =	vgt.f32 v12, v1;
	v5 =	vmul.f32 $9.999990000e+05, v5  }
0x7f: {  	v17 =	vld [tilespmem:s13+$0x10];
	v18 =	vadd.f32 v2, v18;
	v2 =	vmul.f32 $9.999990000e+05, v3;
	v3 =	vcvt.s32.f32 v13  }
0x80: {  	v19 =	vld [tilespmem:s13+$0x20];
	v4 =	vmul.f32 $9.999990000e+05, v4;
	v21 =	vadd.f32 v5, v20;
	v5 =	vmul.f32 $9.999990000e+05, v15  }
0x81: {  	vm3 =	vgt.f32 v14, v1;
	v15 =	vld [tilespmem:s29+$0x30];
	v3 =	vmul.f32 $9.999990000e+05, v3;
	v9 =	vcvt.s32.f32 v9  }
0x82: {  	vm9 =	vmor vm9, vm4;
	vm2 =	vgt.f32 v16, v1;
	v23 =	vadd.f32 v2, v22;
	v2 =	vld [tilespmem:s6+$0x5000]  }
0x83: {  	vm9 =	vmor vm9, vm3;
	v13 =	vld [tilespmem:s13+$0x30];
	v22 =	vadd.f32 v3, v7;
	v3 =	vmul.f32 $9.999990000e+05, v9  }
0x84: {  	v25 =	vadd.f32 v4, v24;
	v24 =	vadd.f32 v5, v11;
	v5 =	vcvt.s32.f32 v29;
	v7 =	vld [tilespmem:s29+$0x50]  }
0x85: {  	vm9 =	vmor vm9, vm2;
	vm1 =	vgt.f32 v18, v1;
	v20 =	vadd.f32 v3, v17;
	v3 =	vld [tilespmem:s29+$0x60]  }
0x86: {  	v4 =	vld [tilespmem:s13+$0x50];
	vm0 =	vgt.f32 v21, v1;
	v5 =	vmul.f32 $9.999990000e+05, v5;
	v9 =	vcvt.s32.f32 v15  }
0x87: {  	v29 =	vld [tilespmem:s29+$0x70];
	vm14 =	vgt.f32 v25, v1;
	vm9 =	vmor vm9, vm1;
	v2 =	vcvt.s32.f32 v2  }
0x88: {  	vm15 =	vgt.f32 v23, v1;
	v19 =	vadd.f32 v5, v19;
	v5 =	vmul.f32 $9.999990000e+05, v9;
	v9 =	vld [tilespmem:s29+$0x80]  }
0x89: {  	v11 =	vld [tilespmem:s13+$0x60];
	vm13 =	vgt.f32 v24, v1;
	v2 =	vmul.f32 $9.999990000e+05, v2;
	v7 =	vcvt.s32.f32 v7  }
0x8a: {  	vm9 =	vmor vm9, vm0;
	v17 =	vadd.f32 v5, v13;
	v5 =	vld [tilespmem:s29+$0x90];
	v3 =	vcvt.s32.f32 v3  }
0x8b: {  	vm9 =	vmor vm9, vm15;
	v15 =	vadd.f32 v2, v30;
	v2 =	vmul.f32 $9.999990000e+05, v7;
	v7 =	vld [tilespmem:s29+$0xA0]  }
0x8c: {  	vm9 =	vmor vm9, vm14;
	v29 =	vcvt.s32.f32 v29;
	v30 =	vld [tilespmem:s13+$0x80];
	v3 =	vmul.f32 $9.999990000e+05, v3  }
0x8d: {  	vm11 =	vgt.f32 v22, v1;
	v13 =	vadd.f32 v2, v4;
	v2 =	vcvt.s32.f32 v9  }
0x8e: {  	vm9 =	vmor vm9, vm13;
	v4 =	vld [tilespmem:s13+$0x90];
	v11 =	vadd.f32 v3, v11;
	v3 =	vmul.f32 $9.999990000e+05, v29  }
0x8f: {  	vm9 =	vmor vm9, vm11;
	vm10 =	vgt.f32 v20, v1;
	v2 =	vmul.f32 $9.999990000e+05, v2;
	v29 =	vld [tilespmem:s13+$0xA0]  }
0x90: {  	v5 =	vcvt.s32.f32 v5;
	v9 =	vadd.f32 v3, v31;
	v3 =	vcvt.s32.f32 v7  }
0x91: {  	vm12 =	vgt.f32 v19, v1;
	vm9 =	vmor vm9, vm10;
	v31 =	vld [tilespmem:s29+$0xB0];
	v7 =	vadd.f32 v2, v30  }
0x92: {  	v2 =	vmul.f32 $9.999990000e+05, v5;
	v30 =	vld [tilespmem:s6+$0x5080];
	v5 =	vimm.s32 $0x0;
	v3 =	vmul.f32 $9.999990000e+05, v3  }
0x93: {  	vm9 =	vmor vm9, vm12;
	v5 =	vsel vm10, $0xFFFFFFFF, v5;
	vm10 =	vgt.f32 v17, v1  }
0x94: {  	[tilespmem:$0x1FF50] =	vst v5;
	v5 =	vadd.f32 v2, v4;
	v4 =	vadd.f32 v3, v29;
	v3 =	vimm.s32 $0x0  }
0x95: {  	vm9 =	vmor vm9, vm10;
	v3 =	vsel vm10, $0xFFFFFFFF, v3  }
0x96: {  	v2 =	vld [tilespmem:s13+$0xB0];
	vm10 =	vgt.f32 v15, v1;
	[tilespmem:$0x1FF60] =	vst v3;
	v3 =	vcvt.s32.f32 v31;
	v31 =	vimm.s32 $0x0  }
0x97: {  	v30 =	vcvt.s32.f32 v30;
	v31 =	vsel vm10, $0xFFFFFFFF, v31  }
0x98: {  	vm9 =	vmor vm9, vm10;
	vm10 =	vgt.f32 v13, v1;
	[tilespmem:$0x1FF70] =	vst v31;
	v31 =	vimm.s32 $0x0  }
0x99: {  	v30 =	vmul.f32 $9.999990000e+05, v30;
	v3 =	vmul.f32 $9.999990000e+05, v3;
	v31 =	vsel vm10, $0xFFFFFFFF, v31  }
0x9a: {  	v29 =	vld [tilespmem:s6+$0x180];
	vm9 =	vmor vm9, vm10;
	vm10 =	vgt.f32 v11, v1;
	[tilespmem:$0x1FF80] =	vst v31;
	v31 =	vimm.s32 $0x0  }
0x9b: {  	vm9 =	vmor vm9, vm10;
	v3 =	vadd.f32 v3, v2;
	v31 =	vsel vm10, $0xFFFFFFFF, v31  }
0x9c: {  	v2 =	vimm.s32 $0x0;
	vm10 =	vgt.f32 v9, v1;
	[tilespmem:$0x1FF90] =	vst v31;
	v31 =	vimm.s32 $0x0  }
0x9d: {  	vm9 =	vmor vm9, vm10;
	v31 =	vsel vm10, $0xFFFFFFFF, v31;
	vm10 =	vgt.f32 v7, v1  }
0x9e: {  	v2 =	vsel vm10, $0xFFFFFFFF, v2;
	vm9 =	vmor vm9, vm10  }
0x9f: {  	vm10 =	vgt.f32 v5, v1;
	[tilespmem:$0x1FFB0] =	vst v2;
	v2 =	vadd.f32 v30, v29;
	v29 =	vimm.s32 $0x0  }
0xa0: {  	v29 =	vsel vm10, $0xFFFFFFFF, v29  }
0xa1: {  	vm9 =	vmor vm9, vm10;
	vm10 =	vgt.f32 v4, v1;
	[tilespmem:$0x1FFC0] =	vst v29;
	v29 =	vimm.s32 $0x0  }
0xa2: {  	v29 =	vsel vm10, $0xFFFFFFFF, v29  }
0xa3: {  	vm9 =	vmor vm9, vm10;
	vm10 =	vgt.f32 v3, v1;
	[tilespmem:$0x1FFD0] =	vst v29;
	v29 =	vimm.s32 $0x0  }
0xa4: {  	v29 =	vsel vm10, $0xFFFFFFFF, v29  }
0xa5: {  	vm9 =	vmor vm9, vm10;
	vm10 =	vgt.f32 v2, v1;
	[tilespmem:$0x1FFE0] =	vst v29;
	v29 =	vimm.s32 $0x0  }
0xa6: {  	vm9 =	vmor vm9, vm10;
	v29 =	vsel vm10, $0xFFFFFFFF, v29  }
0xa7: {  	[tilespmem:$0x1FFF0] =	vst v29;
	v29 =	vsel vm9, $0x3F800000, v0  }
0xa8: {  	(xrf0) =	vmax.scan.msk.f32 $0xffff, v29;
	_ =	sdelay $0x5  }
0xa9: {  	v29, _, _ =	vpop (xrf0)  }
0xaa: {  	(v2sf) =	vpush v29, $0xF;
	_ =	sdelay $0xe  }
0xab: {  	s6 =	spop (v2sf)  }
0xac: {  	p0 =	sgt.f32 s6, $0.0e+00  }
.Ltmp8:
0xad: {  	_ = 	snop;
	(pc) =	sbr.rel @!p0 .LBB2_6-.Ltmp8, $2  }
0xae: {  	_ =	sdelay $0x2  }
0xaf: {  	[tilespmem:$0x1FFA0] =	vst v31  }
0xb0: {  	v29 =	vsel vm7, $0x3F800000, v0  }
0xb1: {  	(xrf0) =	vmax.scan.msk.f32 $0xffff, v29;
	_ =	sdelay $0x5  }
0xb2: {  	v29, _, _ =	vpop (xrf0)  }
0xb3: {  	(v2sf) =	vpush v29, $0xF;
	_ =	sdelay $0xa  }
0xb4: {  	v49 =	vsel vm8, $0x3F800000, v0  }
0xb5: {  	(xrf0) =	vmax.scan.msk.f32 $0xffff, v49;
	_ =	sdelay $0x2  }
0xb6: {  	s6 =	spop (v2sf)  }
0xb7: {  	p5 =	sgt.f32 s6, $0.0e+00;
	_ =	sdelay $0x1  }
0xb8: {  	v31, _, _ =	vpop (xrf0);
	s6 =	sadd.s32 s5, s9;
	v29 =	vlaneseq.u32 @p5;
	vm7 =	vgt.f32 @p5 v28, v1  }
0xb9: {  	(v2sf) =	vpush v31, $0xF;
	v28 =	vnsel @p5 vm7, $0xFF61B1E6, v28;
	v30 =	vor.u32 @p5 s6, v29  }
0xba: {  	(xrf1) =	vsort.dscd.msk.f32 @p5 $0xffff, v28, v30;
	_ =	sdelay $0xb  }
0xbb: {  	v50 =	vsel vm6, $0x3F800000, v0;
	v28 =	vmul.u32 @p5 $0xFFFFFFFF, v29  }
0xbc: {  	(xrf0) =	vmax.scan.msk.f32 $0xffff, v50  }
0xbd: {  	v28 =	vadd.s32 @p5 $0xF, v28;
	s6 =	spop (v2sf);
	v30, v31, _ =	vpop @p5 (xrf1)  }
0xbe: {  	p0 =	sgt.f32 s6, $0.0e+00;
	v29 =	vperm.xlane @p5 v30, v28  }
0xbf: {  	v28 =	vperm.xlane @p5 v31, v28  }
0xc0: {  	s6 =	sadd.s32 @p0 s5, s9;
	v30 =	vlaneseq.u32 @p0;
	vm6 =	vge.f32 @p5 v10, v29  }
0xc1: {  	s6 =	sadd.s32 @p0 $0x10, s6;
	v29 =	vsel @p5 vm6, v10, v29;
	v28 =	vsel @p5 vm6, v8, v28;
	vm6 =	vgt.f32 @p0 v6, v1  }
0xc2: {  	v51, _, _ =	vpop (xrf0);
	v6 =	vnsel @p0 vm6, $0xFF61B1E6, v6;
	(xrf1) =	vsort.dscd.msk.f32 @p5 $0xffff, v29, v28;
	v28 =	vor.u32 @p0 s6, v30  }
0xc3: {  	(v2sf) =	vpush v51, $0xF;
	(xrf1) =	vsort.dscd.msk.f32 @p0 $0xffff, v6, v28;
	_ =	sdelay $0xb  }
0xc4: {  	v52 =	vsel vm5, $0x3F800000, v0;
	v28 =	vmul.u32 @p0 $0xFFFFFFFF, v30  }
0xc5: {  	(xrf0) =	vmax.scan.msk.f32 $0xffff, v52;
	v6, v30, _ =	vpop @p5 (xrf1)  }
0xc6: {  	v28 =	vadd.s32 @p0 $0xF, v28;
	v29, v31, _ =	vpop @p0 (xrf1)  }
0xc7: {  	s6 =	spop (v2sf);
	v29 =	vperm.xlane @p0 v29, v28  }
0xc8: {  	p1 =	sgt.f32 s6, $0.0e+00;
	v10 =	vpsel p5, v6, v10;
	[smem:$0x7E9] =	sst s0;
	s0 =	simm.s32 @!p0 $0x0  }
0xc9: {  	v28 =	vperm.xlane @p0 v31, v28;
	s0 =	simm.s32 @p0 $0x1;
	vm5 =	vge.f32 @p0 v10, v29  }
0xca: {  	s6 =	sadd.s32 @p1 s5, s9;
	v30 =	vpsel p5, v30, v8;
	[smem:$0x7EA] =	sst s0;
	v8 =	vsel @p0 vm5, v10, v29  }
0xcb: {  	s6 =	sadd.s32 @p1 $0x20, s6;
	s0 =	sld [smem:$0x7E9];
	v53, _, _ =	vpop (xrf0);
	v28 =	vsel @p0 vm5, v30, v28;
	v29 =	vlaneseq.u32 @p1;
	vm5 =	vgt.f32 @p1 v27, v1  }
0xcc: {  	(v2sf) =	vpush v53, $0xF;
	v27 =	vnsel @p1 vm5, $0xFF61B1E6, v27;
	(xrf1) =	vsort.dscd.msk.f32 @p0 $0xffff, v8, v28;
	v8 =	vor.u32 @p1 s6, v29  }
0xcd: {  	(xrf1) =	vsort.dscd.msk.f32 @p1 $0xffff, v27, v8;
	_ =	sdelay $0xa  }
0xce: {  	v54 =	vsel vm4, $0x3F800000, v0  }
0xcf: {  	(xrf0) =	vmax.scan.msk.f32 $0xffff, v54;
	v27 =	vmul.u32 @p1 $0xFFFFFFFF, v29  }
0xd0: {  	v8, v29, _ =	vpop @p0 (xrf1)  }
0xd1: {  	v27 =	vadd.s32 @p1 $0xF, v27;
	s6 =	spop (v2sf);
	v28, v31, _ =	vpop @p1 (xrf1)  }
0xd2: {  	p3 =	sgt.f32 s6, $0.0e+00;
	[smem:$0x7E9] =	sst s0;
	s0 =	simm.s32 @!p1 $0x0;
	v28 =	vperm.xlane @p1 v28, v27  }
0xd3: {  	v32 =	vpsel p0, v8, v10;
	v10 =	vperm.xlane @p1 v31, v27;
	s0 =	simm.s32 @p1 $0x1  }
0xd4: {  	v27 =	vpsel p0, v29, v30;
	s6 =	sadd.s32 @p3 s5, s9;
	[smem:$0x7EB] =	sst s0;
	v29 =	vlaneseq.u32 @p3;
	vm4 =	vge.f32 @p1 v32, v28  }
0xd5: {  	s0 =	sld [smem:$0x7E9];
	s6 =	sadd.s32 @p3 $0x30, s6;
	v55, _, _ =	vpop (xrf0);
	v28 =	vsel @p1 vm4, v32, v28;
	v10 =	vsel @p1 vm4, v27, v10;
	vm4 =	vgt.f32 @p3 v26, v1  }
0xd6: {  	(v2sf) =	vpush v55, $0xF;
	v26 =	vnsel @p3 vm4, $0xFF61B1E6, v26;
	(xrf1) =	vsort.dscd.msk.f32 @p1 $0xffff, v28, v10;
	v10 =	vor.u32 @p3 s6, v29  }
0xd7: {  	(xrf1) =	vsort.dscd.msk.f32 @p3 $0xffff, v26, v10;
	_ =	sdelay $0xa  }
0xd8: {  	v56 =	vsel vm3, $0x3F800000, v0  }
0xd9: {  	(xrf0) =	vmax.scan.msk.f32 $0xffff, v56;
	v26 =	vmul.u32 @p3 $0xFFFFFFFF, v29  }
0xda: {  	v10, v29, _ =	vpop @p1 (xrf1)  }
0xdb: {  	p0 =	por p3, p3;
	v26 =	vadd.s32 @p3 $0xF, v26;
	s6 =	spop (v2sf);
	v28, v30, _ =	vpop @p3 (xrf1)  }
0xdc: {  	[smem:$0x7E9] =	sst s0;
	s0 =	simm.s32 @!p0 $0x0;
	v28 =	vperm.xlane @p3 v28, v26;
	p3 =	sgt.f32 s6, $0.0e+00  }
0xdd: {  	v31 =	vpsel p1, v10, v32;
	v26 =	vperm.xlane @p0 v30, v26;
	s0 =	simm.s32 @p0 $0x1  }
0xde: {  	v27 =	vpsel p1, v29, v27;
	[smem:$0x7EC] =	sst s0;
	vm3 =	vge.f32 @p0 v31, v28;
	s6 =	sadd.s32 @p3 s5, s9;
	v29 =	vlaneseq.u32 @p3  }
0xdf: {  	s0 =	sld [smem:$0x7E9];
	v57, _, _ =	vpop (xrf0);
	v28 =	vsel @p0 vm3, v31, v28;
	v26 =	vsel @p0 vm3, v27, v26;
	s6 =	sadd.s32 @p3 $0x40, s6;
	vm3 =	vgt.f32 @p3 v12, v1  }
0xe0: {  	(v2sf) =	vpush v57, $0xF;
	v12 =	vnsel @p3 vm3, $0xFF61B1E6, v12;
	(xrf1) =	vsort.dscd.msk.f32 @p0 $0xffff, v28, v26;
	v26 =	vor.u32 @p3 s6, v29  }
0xe1: {  	(xrf1) =	vsort.dscd.msk.f32 @p3 $0xffff, v12, v26;
	_ =	sdelay $0xa  }
0xe2: {  	v58 =	vsel vm2, $0x3F800000, v0  }
0xe3: {  	(xrf0) =	vmax.scan.msk.f32 $0xffff, v58;
	v26 =	vmul.u32 @p3 $0xFFFFFFFF, v29  }
0xe4: {  	v12, v29, _ =	vpop @p0 (xrf1)  }
0xe5: {  	p1 =	por p3, p3;
	v26 =	vadd.s32 @p3 $0xF, v26;
	s6 =	spop (v2sf);
	v28, v30, _ =	vpop @p3 (xrf1)  }
0xe6: {  	[smem:$0x7E9] =	sst s0;
	s0 =	simm.s32 @!p1 $0x0;
	v28 =	vperm.xlane @p3 v28, v26;
	p3 =	sgt.f32 s6, $0.0e+00  }
0xe7: {  	v31 =	vpsel p0, v12, v31;
	v26 =	vperm.xlane @p1 v30, v26;
	s0 =	simm.s32 @p1 $0x1  }
0xe8: {  	v27 =	vpsel p0, v29, v27;
	[smem:$0x7EE] =	sst s0;
	vm2 =	vge.f32 @p1 v31, v28;
	s6 =	sadd.s32 @p3 s5, s9;
	v29 =	vlaneseq.u32 @p3  }
0xe9: {  	s0 =	sld [smem:$0x7E9];
	v59, _, _ =	vpop (xrf0);
	v28 =	vsel @p1 vm2, v31, v28;
	v26 =	vsel @p1 vm2, v27, v26;
	s6 =	sadd.s32 @p3 $0x50, s6;
	vm2 =	vgt.f32 @p3 v14, v1  }
0xea: {  	(v2sf) =	vpush v59, $0xF;
	v14 =	vnsel @p3 vm2, $0xFF61B1E6, v14;
	(xrf1) =	vsort.dscd.msk.f32 @p1 $0xffff, v28, v26;
	v26 =	vor.u32 @p3 s6, v29  }
0xeb: {  	(xrf1) =	vsort.dscd.msk.f32 @p3 $0xffff, v14, v26;
	_ =	sdelay $0xa  }
0xec: {  	v60 =	vsel vm1, $0x3F800000, v0  }
0xed: {  	(xrf0) =	vmax.scan.msk.f32 $0xffff, v60;
	v26 =	vmul.u32 @p3 $0xFFFFFFFF, v29  }
0xee: {  	v14, v29, _ =	vpop @p1 (xrf1)  }
0xef: {  	p0 =	por p3, p3;
	v26 =	vadd.s32 @p3 $0xF, v26;
	s6 =	spop (v2sf);
	v28, v30, _ =	vpop @p3 (xrf1)  }
0xf0: {  	[smem:$0x7E9] =	sst s0;
	s0 =	simm.s32 @!p0 $0x0;
	v28 =	vperm.xlane @p3 v28, v26;
	p3 =	sgt.f32 s6, $0.0e+00  }
0xf1: {  	v31 =	vpsel p1, v14, v31;
	v26 =	vperm.xlane @p0 v30, v26;
	s0 =	simm.s32 @p0 $0x1  }
0xf2: {  	v27 =	vpsel p1, v29, v27;
	[smem:$0x7EF] =	sst s0;
	vm1 =	vge.f32 @p0 v31, v28;
	s6 =	sadd.s32 @p3 s5, s9;
	v29 =	vlaneseq.u32 @p3  }
0xf3: {  	s0 =	sld [smem:$0x7E9];
	v61, _, _ =	vpop (xrf0);
	v28 =	vsel @p0 vm1, v31, v28;
	v26 =	vsel @p0 vm1, v27, v26;
	s6 =	sadd.s32 @p3 $0x60, s6;
	vm1 =	vgt.f32 @p3 v16, v1  }
0xf4: {  	(v2sf) =	vpush v61, $0xF;
	v16 =	vnsel @p3 vm1, $0xFF61B1E6, v16;
	(xrf1) =	vsort.dscd.msk.f32 @p0 $0xffff, v28, v26;
	v26 =	vor.u32 @p3 s6, v29  }
0xf5: {  	(xrf1) =	vsort.dscd.msk.f32 @p3 $0xffff, v16, v26;
	_ =	sdelay $0xb  }
0xf6: {  	v62 =	vsel vm0, $0x3F800000, v0;
	v26 =	vmul.u32 @p3 $0xFFFFFFFF, v29  }
0xf7: {  	(xrf0) =	vmax.scan.msk.f32 $0xffff, v62;
	v16, v29, _ =	vpop @p0 (xrf1)  }
0xf8: {  	v26 =	vadd.s32 @p3 $0xF, v26;
	s6 =	spop (v2sf);
	v28, v30, _ =	vpop @p3 (xrf1)  }
0xf9: {  	p1 =	por p3, p3;
	v28 =	vperm.xlane @p3 v28, v26;
	p3 =	sgt.f32 s6, $0.0e+00  }
0xfa: {  	v31 =	vpsel p0, v16, v31;
	[smem:$0x7E9] =	sst s0;
	s0 =	simm.s32 @!p1 $0x0;
	v26 =	vperm.xlane @p1 v30, v26  }
0xfb: {  	v27 =	vpsel p0, v29, v27;
	s0 =	simm.s32 @p1 $0x1;
	vm0 =	vge.f32 @p1 v31, v28;
	s6 =	sadd.s32 @p3 s5, s9;
	v29 =	vlaneseq.u32 @p3  }
0xfc: {  	[smem:$0x7ED] =	sst s0;
	v28 =	vsel @p1 vm0, v31, v28;
	v26 =	vsel @p1 vm0, v27, v26;
	s6 =	sadd.s32 @p3 $0x70, s6;
	vm0 =	vgt.f32 @p3 v18, v1  }
0xfd: {  	s0 =	sld [smem:$0x7E9];
	v63, _, _ =	vpop (xrf0);
	v18 =	vnsel @p3 vm0, $0xFF61B1E6, v18;
	(xrf1) =	vsort.dscd.msk.f32 @p1 $0xffff, v28, v26;
	v26 =	vor.u32 @p3 s6, v29  }
0xfe: {  	(v2sf) =	vpush v63, $0xF;
	(xrf1) =	vsort.dscd.msk.f32 @p3 $0xffff, v18, v26;
	_ =	sdelay $0xb  }
0xff: {  	v26 =	vmul.u32 @p3 $0xFFFFFFFF, v29  }
0x100: {  	v32 =	vsel vm15, $0x3F800000, v0;
	v18, v28, _ =	vpop @p1 (xrf1)  }
0x101: {  	(xrf0) =	vmax.scan.msk.f32 $0xffff, v32;
	v26 =	vadd.s32 @p3 $0xF, v26;
	v29, v30, _ =	vpop @p3 (xrf1)  }
0x102: {  	s6 =	spop (v2sf);
	v29 =	vperm.xlane @p3 v29, v26  }
0x103: {  	p0 =	por p3, p3;
	v31 =	vpsel p1, v18, v31;
	p3 =	sgt.f32 s6, $0.0e+00  }
0x104: {  	[smem:$0x7E9] =	sst s0;
	s0 =	simm.s32 @!p0 $0x0;
	v26 =	vperm.xlane @p0 v30, v26;
	vm0 =	vge.f32 @p0 v31, v29  }
0x105: {  	v27 =	vpsel p1, v28, v27;
	s0 =	simm.s32 @p0 $0x1;
	p1 =	por p3, p3;
	s6 =	sadd.s32 @p3 s5, s9;
	v28 =	vsel @p0 vm0, v31, v29  }
0x106: {  	[smem:$0x7F0] =	sst s0;
	v26 =	vsel @p0 vm0, v27, v26;
	vm0 =	vgt.f32 @p1 v21, v1;
	s6 =	sadd.s32 @p1 $0x80, s6;
	v29 =	vlaneseq.u32 @p1  }
0x107: {  	s0 =	sld [smem:$0x7E9];
	v33, _, _ =	vpop (xrf0);
	v21 =	vnsel @p1 vm0, $0xFF61B1E6, v21;
	(xrf1) =	vsort.dscd.msk.f32 @p0 $0xffff, v28, v26;
	v26 =	vor.u32 @p1 s6, v29  }
0x108: {  	(v2sf) =	vpush v33, $0xF;
	(xrf1) =	vsort.dscd.msk.f32 @p1 $0xffff, v21, v26;
	_ =	sdelay $0xb  }
0x109: {  	v26 =	vmul.u32 @p1 $0xFFFFFFFF, v29  }
0x10a: {  	v34 =	vsel vm14, $0x3F800000, v0;
	v21, v28, _ =	vpop @p0 (xrf1)  }
0x10b: {  	(xrf0) =	vmax.scan.msk.f32 $0xffff, v34;
	v26 =	vadd.s32 @p1 $0xF, v26;
	v29, v30, _ =	vpop @p1 (xrf1)  }
0x10c: {  	s6 =	spop (v2sf);
	v29 =	vperm.xlane @p1 v29, v26  }
0x10d: {  	p6 =	por p0, p0;
	v31 =	vpsel p0, v21, v31;
	p0 =	sgt.f32 s6, $0.0e+00  }
0x10e: {  	[smem:$0x7E9] =	sst s0;
	s0 =	simm.s32 @!p1 $0x0;
	v26 =	vperm.xlane @p1 v30, v26;
	vm0 =	vge.f32 @p1 v31, v29  }
0x10f: {  	v27 =	vpsel p6, v28, v27;
	s0 =	simm.s32 @p1 $0x1;
	s6 =	sadd.s32 @p0 s5, s9;
	v28 =	vsel @p1 vm0, v31, v29  }
0x110: {  	[smem:$0x7F1] =	sst s0;
	s6 =	sadd.s32 @p0 $0x90, s6;
	v26 =	vsel @p1 vm0, v27, v26;
	vm0 =	vgt.f32 @p0 v23, v1;
	v29 =	vlaneseq.u32 @p0  }
0x111: {  	s0 =	sld [smem:$0x7E9];
	v35, _, _ =	vpop (xrf0);
	v23 =	vnsel @p0 vm0, $0xFF61B1E6, v23;
	(xrf1) =	vsort.dscd.msk.f32 @p1 $0xffff, v28, v26;
	v26 =	vor.u32 @p0 s6, v29  }
0x112: {  	(v2sf) =	vpush v35, $0xF;
	(xrf1) =	vsort.dscd.msk.f32 @p0 $0xffff, v23, v26;
	_ =	sdelay $0xb  }
0x113: {  	v26 =	vmul.u32 @p0 $0xFFFFFFFF, v29  }
0x114: {  	v36 =	vsel vm13, $0x3F800000, v0;
	v23, v28, _ =	vpop @p1 (xrf1)  }
0x115: {  	(xrf0) =	vmax.scan.msk.f32 $0xffff, v36;
	v26 =	vadd.s32 @p0 $0xF, v26;
	v29, v30, _ =	vpop @p0 (xrf1)  }
0x116: {  	s6 =	spop (v2sf);
	v29 =	vperm.xlane @p0 v29, v26  }
0x117: {  	v31 =	vpsel p1, v23, v31;
	p3 =	sgt.f32 s6, $0.0e+00  }
0x118: {  	[smem:$0x7E9] =	sst s0;
	s0 =	simm.s32 @!p0 $0x0;
	v26 =	vperm.xlane @p0 v30, v26;
	vm0 =	vge.f32 @p0 v31, v29  }
0x119: {  	v27 =	vpsel p1, v28, v27;
	s0 =	simm.s32 @p0 $0x1;
	s6 =	sadd.s32 @p3 s5, s9;
	v28 =	vsel @p0 vm0, v31, v29  }
0x11a: {  	[smem:$0x7F2] =	sst s0;
	s6 =	sadd.s32 @p3 $0xA0, s6;
	v26 =	vsel @p0 vm0, v27, v26;
	vm0 =	vgt.f32 @p3 v25, v1;
	v29 =	vlaneseq.u32 @p3  }
0x11b: {  	s0 =	sld [smem:$0x7E9];
	v37, _, _ =	vpop (xrf0);
	v25 =	vnsel @p3 vm0, $0xFF61B1E6, v25;
	(xrf1) =	vsort.dscd.msk.f32 @p0 $0xffff, v28, v26;
	v26 =	vor.u32 @p3 s6, v29  }
0x11c: {  	(v2sf) =	vpush v37, $0xF;
	(xrf1) =	vsort.dscd.msk.f32 @p3 $0xffff, v25, v26;
	_ =	sdelay $0xb  }
0x11d: {  	v26 =	vmul.u32 @p3 $0xFFFFFFFF, v29  }
0x11e: {  	v38 =	vsel vm11, $0x3F800000, v0;
	v25, v28, _ =	vpop @p0 (xrf1)  }
0x11f: {  	(xrf0) =	vmax.scan.msk.f32 $0xffff, v38;
	v26 =	vadd.s32 @p3 $0xF, v26;
	v29, v30, _ =	vpop @p3 (xrf1)  }
0x120: {  	s6 =	spop (v2sf);
	v29 =	vperm.xlane @p3 v29, v26  }
0x121: {  	p1 =	por p3, p3;
	v31 =	vpsel p0, v25, v31;
	p3 =	sgt.f32 s6, $0.0e+00  }
0x122: {  	[smem:$0x7E9] =	sst s0;
	s0 =	simm.s32 @!p1 $0x0;
	v26 =	vperm.xlane @p1 v30, v26;
	vm0 =	vge.f32 @p1 v31, v29  }
0x123: {  	v27 =	vpsel p0, v28, v27;
	s0 =	simm.s32 @p1 $0x1;
	s6 =	sadd.s32 @p3 s5, s9;
	v28 =	vsel @p1 vm0, v31, v29  }
0x124: {  	[smem:$0x7F3] =	sst s0;
	v26 =	vsel @p1 vm0, v27, v26;
	vm0 =	vgt.f32 @p3 v24, v1;
	s6 =	sadd.s32 @p3 $0xB0, s6;
	v29 =	vlaneseq.u32 @p3  }
0x125: {  	s0 =	sld [smem:$0x7E9];
	v39, _, _ =	vpop (xrf0);
	v24 =	vnsel @p3 vm0, $0xFF61B1E6, v24;
	(xrf1) =	vsort.dscd.msk.f32 @p1 $0xffff, v28, v26;
	v26 =	vor.u32 @p3 s6, v29  }
0x126: {  	(v2sf) =	vpush v39, $0xF;
	(xrf1) =	vsort.dscd.msk.f32 @p3 $0xffff, v24, v26;
	_ =	sdelay $0x4  }
0x127: {  	v40 =	vld [tilespmem:$0x1FF50];
	_ =	sdelay $0x4  }
0x128: {  	vm5 =	vnez.u8 v40  }
0x129: {  	v26 =	vmul.u32 @p3 $0xFFFFFFFF, v29;
	v29 =	vsel vm5, $0x3F800000, v0;
	_ =	sdelay $0x1  }
0x12a: {  	v24, v28, _ =	vpop @p1 (xrf1)  }
0x12b: {  	v26 =	vadd.s32 @p3 $0xF, v26;
	(xrf0) =	vmax.scan.msk.f32 $0xffff, v29;
	v29, v30, _ =	vpop @p3 (xrf1)  }
0x12c: {  	s6 =	spop (v2sf);
	v29 =	vperm.xlane @p3 v29, v26  }
0x12d: {  	p0 =	por p3, p3;
	v31 =	vpsel p1, v24, v31;
	p3 =	sgt.f32 s6, $0.0e+00  }
0x12e: {  	[smem:$0x7E9] =	sst s0;
	s0 =	simm.s32 @!p0 $0x0;
	v26 =	vperm.xlane @p0 v30, v26;
	vm0 =	vge.f32 @p0 v31, v29  }
0x12f: {  	v27 =	vpsel p1, v28, v27;
	s0 =	simm.s32 @p0 $0x1;
	s6 =	sadd.s32 @p3 s5, s9;
	v28 =	vsel @p0 vm0, v31, v29  }
0x130: {  	[smem:$0x7F4] =	sst s0;
	v26 =	vsel @p0 vm0, v27, v26;
	vm0 =	vgt.f32 @p3 v22, v1;
	s6 =	sadd.s32 @p3 $0xC0, s6;
	v29 =	vlaneseq.u32 @p3  }
0x131: {  	s0 =	sld [smem:$0x7E9];
	v41, _, _ =	vpop (xrf0);
	v22 =	vnsel @p3 vm0, $0xFF61B1E6, v22;
	(xrf1) =	vsort.dscd.msk.f32 @p0 $0xffff, v28, v26;
	v26 =	vor.u32 @p3 s6, v29  }
0x132: {  	(v2sf) =	vpush v41, $0xF;
	(xrf1) =	vsort.dscd.msk.f32 @p3 $0xffff, v22, v26;
	_ =	sdelay $0xb  }
0x133: {  	v26 =	vmul.u32 @p3 $0xFFFFFFFF, v29  }
0x134: {  	v42 =	vsel vm12, $0x3F800000, v0;
	v22, v28, _ =	vpop @p0 (xrf1)  }
0x135: {  	(xrf0) =	vmax.scan.msk.f32 $0xffff, v42;
	v26 =	vadd.s32 @p3 $0xF, v26;
	v29, v30, _ =	vpop @p3 (xrf1)  }
0x136: {  	s6 =	spop (v2sf);
	v29 =	vperm.xlane @p3 v29, v26  }
0x137: {  	p1 =	por p3, p3;
	v31 =	vpsel p0, v22, v31;
	p3 =	sgt.f32 s6, $0.0e+00  }
0x138: {  	[smem:$0x7E9] =	sst s0;
	s0 =	simm.s32 @!p1 $0x0;
	v26 =	vperm.xlane @p1 v30, v26;
	vm0 =	vge.f32 @p1 v31, v29  }
0x139: {  	v27 =	vpsel p0, v28, v27;
	s0 =	simm.s32 @p1 $0x1;
	s6 =	sadd.s32 @p3 s5, s9;
	v28 =	vsel @p1 vm0, v31, v29  }
0x13a: {  	[smem:$0x7F5] =	sst s0;
	v26 =	vsel @p1 vm0, v27, v26;
	vm0 =	vgt.f32 @p3 v20, v1;
	s6 =	sadd.s32 @p3 $0xD0, s6;
	v29 =	vlaneseq.u32 @p3  }
0x13b: {  	s0 =	sld [smem:$0x7E9];
	v43, _, _ =	vpop (xrf0);
	v20 =	vnsel @p3 vm0, $0xFF61B1E6, v20;
	(xrf1) =	vsort.dscd.msk.f32 @p1 $0xffff, v28, v26;
	v26 =	vor.u32 @p3 s6, v29  }
0x13c: {  	(v2sf) =	vpush v43, $0xF;
	(xrf1) =	vsort.dscd.msk.f32 @p3 $0xffff, v20, v26;
	_ =	sdelay $0x4  }
0x13d: {  	v44 =	vld [tilespmem:$0x1FF60];
	_ =	sdelay $0x4  }
0x13e: {  	vm6 =	vnez.u8 v44  }
0x13f: {  	v26 =	vmul.u32 @p3 $0xFFFFFFFF, v29;
	v29 =	vsel vm6, $0x3F800000, v0;
	_ =	sdelay $0x1  }
0x140: {  	v20, v28, _ =	vpop @p1 (xrf1)  }
0x141: {  	v26 =	vadd.s32 @p3 $0xF, v26;
	(xrf0) =	vmax.scan.msk.f32 $0xffff, v29;
	v29, v30, _ =	vpop @p3 (xrf1)  }
0x142: {  	s6 =	spop (v2sf);
	v29 =	vperm.xlane @p3 v29, v26  }
0x143: {  	p0 =	por p3, p3;
	v31 =	vpsel p1, v20, v31;
	p3 =	sgt.f32 s6, $0.0e+00  }
0x144: {  	[smem:$0x7E9] =	sst s0;
	s0 =	simm.s32 @!p0 $0x0;
	v26 =	vperm.xlane @p0 v30, v26;
	vm0 =	vge.f32 @p0 v31, v29  }
0x145: {  	v27 =	vpsel p1, v28, v27;
	s0 =	simm.s32 @p0 $0x1;
	s6 =	sadd.s32 @p3 s5, s9;
	v28 =	vsel @p0 vm0, v31, v29  }
0x146: {  	[smem:$0x7F6] =	sst s0;
	v26 =	vsel @p0 vm0, v27, v26;
	vm0 =	vgt.f32 @p3 v19, v1;
	s6 =	sadd.s32 @p3 $0xE0, s6;
	v29 =	vlaneseq.u32 @p3  }
0x147: {  	s0 =	sld [smem:$0x7E9];
	v45, _, _ =	vpop (xrf0);
	v19 =	vnsel @p3 vm0, $0xFF61B1E6, v19;
	(xrf1) =	vsort.dscd.msk.f32 @p0 $0xffff, v28, v26;
	v26 =	vor.u32 @p3 s6, v29  }
0x148: {  	(v2sf) =	vpush v45, $0xF;
	(xrf1) =	vsort.dscd.msk.f32 @p3 $0xffff, v19, v26;
	_ =	sdelay $0x4  }
0x149: {  	v46 =	vld [tilespmem:$0x1FF70];
	_ =	sdelay $0x4  }
0x14a: {  	vm7 =	vnez.u8 v46  }
0x14b: {  	v26 =	vmul.u32 @p3 $0xFFFFFFFF, v29;
	v29 =	vsel vm7, $0x3F800000, v0;
	_ =	sdelay $0x1  }
0x14c: {  	v19, v28, _ =	vpop @p0 (xrf1)  }
0x14d: {  	v26 =	vadd.s32 @p3 $0xF, v26;
	(xrf0) =	vmax.scan.msk.f32 $0xffff, v29;
	v29, v30, _ =	vpop @p3 (xrf1)  }
0x14e: {  	s6 =	spop (v2sf);
	v29 =	vperm.xlane @p3 v29, v26  }
0x14f: {  	p1 =	por p3, p3;
	v31 =	vpsel p0, v19, v31;
	p3 =	sgt.f32 s6, $0.0e+00  }
0x150: {  	[smem:$0x7E9] =	sst s0;
	s0 =	simm.s32 @!p1 $0x0;
	v26 =	vperm.xlane @p1 v30, v26;
	vm0 =	vge.f32 @p1 v31, v29  }
0x151: {  	v27 =	vpsel p0, v28, v27;
	s0 =	simm.s32 @p1 $0x1;
	s6 =	sadd.s32 @p3 s5, s9;
	v28 =	vsel @p1 vm0, v31, v29  }
0x152: {  	[smem:$0x7F7] =	sst s0;
	v26 =	vsel @p1 vm0, v27, v26;
	vm0 =	vgt.f32 @p3 v17, v1;
	s6 =	sadd.s32 @p3 $0xF0, s6;
	v29 =	vlaneseq.u32 @p3  }
0x153: {  	s0 =	sld [smem:$0x7E9];
	v47, _, _ =	vpop (xrf0);
	v17 =	vnsel @p3 vm0, $0xFF61B1E6, v17;
	(xrf1) =	vsort.dscd.msk.f32 @p1 $0xffff, v28, v26;
	v26 =	vor.u32 @p3 s6, v29  }
0x154: {  	(v2sf) =	vpush v47, $0xF;
	(xrf1) =	vsort.dscd.msk.f32 @p3 $0xffff, v17, v26;
	_ =	sdelay $0x4  }
0x155: {  	v48 =	vld [tilespmem:$0x1FF80];
	_ =	sdelay $0x4  }
0x156: {  	vm8 =	vnez.u8 v48  }
0x157: {  	v26 =	vmul.u32 @p3 $0xFFFFFFFF, v29;
	v29 =	vsel vm8, $0x3F800000, v0;
	_ =	sdelay $0x1  }
0x158: {  	v17, v28, _ =	vpop @p1 (xrf1)  }
0x159: {  	v26 =	vadd.s32 @p3 $0xF, v26;
	(xrf0) =	vmax.scan.msk.f32 $0xffff, v29;
	v29, v30, _ =	vpop @p3 (xrf1)  }
0x15a: {  	s6 =	spop (v2sf);
	v29 =	vperm.xlane @p3 v29, v26  }
0x15b: {  	p0 =	por p3, p3;
	v31 =	vpsel p1, v17, v31;
	p3 =	sgt.f32 s6, $0.0e+00  }
0x15c: {  	[smem:$0x7E9] =	sst s0;
	s0 =	simm.s32 @!p0 $0x0;
	v26 =	vperm.xlane @p0 v30, v26;
	vm0 =	vge.f32 @p0 v31, v29  }
0x15d: {  	v27 =	vpsel p1, v28, v27;
	s0 =	simm.s32 @p0 $0x1;
	s6 =	sadd.s32 @p3 s5, s9;
	v28 =	vsel @p0 vm0, v31, v29  }
0x15e: {  	[smem:$0x7F8] =	sst s0;
	v26 =	vsel @p0 vm0, v27, v26;
	vm0 =	vgt.f32 @p3 v15, v1;
	s6 =	sadd.s32 @p3 $0x100, s6;
	v29 =	vlaneseq.u32 @p3  }
0x15f: {  	s0 =	sld [smem:$0x7E9];
	v49, _, _ =	vpop (xrf0);
	v15 =	vnsel @p3 vm0, $0xFF61B1E6, v15;
	(xrf1) =	vsort.dscd.msk.f32 @p0 $0xffff, v28, v26;
	v26 =	vor.u32 @p3 s6, v29  }
0x160: {  	(v2sf) =	vpush v49, $0xF;
	(xrf1) =	vsort.dscd.msk.f32 @p3 $0xffff, v15, v26;
	_ =	sdelay $0x4  }
0x161: {  	v50 =	vld [tilespmem:$0x1FF90];
	_ =	sdelay $0x4  }
0x162: {  	vm9 =	vnez.u8 v50  }
0x163: {  	v26 =	vmul.u32 @p3 $0xFFFFFFFF, v29;
	v29 =	vsel vm9, $0x3F800000, v0;
	_ =	sdelay $0x1  }
0x164: {  	v15, v28, _ =	vpop @p0 (xrf1)  }
0x165: {  	v26 =	vadd.s32 @p3 $0xF, v26;
	(xrf0) =	vmax.scan.msk.f32 $0xffff, v29;
	v29, v30, _ =	vpop @p3 (xrf1)  }
0x166: {  	s6 =	spop (v2sf);
	v29 =	vperm.xlane @p3 v29, v26  }
0x167: {  	p1 =	por p3, p3;
	v31 =	vpsel p0, v15, v31;
	p3 =	sgt.f32 s6, $0.0e+00  }
0x168: {  	[smem:$0x7E9] =	sst s0;
	s0 =	simm.s32 @!p1 $0x0;
	v26 =	vperm.xlane @p1 v30, v26;
	vm0 =	vge.f32 @p1 v31, v29  }
0x169: {  	v27 =	vpsel p0, v28, v27;
	s0 =	simm.s32 @p1 $0x1;
	s6 =	sadd.s32 @p3 s5, s9;
	v28 =	vsel @p1 vm0, v31, v29  }
0x16a: {  	[smem:$0x7FA] =	sst s0;
	v26 =	vsel @p1 vm0, v27, v26;
	vm0 =	vgt.f32 @p3 v13, v1;
	s6 =	sadd.s32 @p3 $0x110, s6;
	v29 =	vlaneseq.u32 @p3  }
0x16b: {  	s0 =	sld [smem:$0x7E9];
	v51, _, _ =	vpop (xrf0);
	v13 =	vnsel @p3 vm0, $0xFF61B1E6, v13;
	(xrf1) =	vsort.dscd.msk.f32 @p1 $0xffff, v28, v26;
	v26 =	vor.u32 @p3 s6, v29  }
0x16c: {  	(v2sf) =	vpush v51, $0xF;
	(xrf1) =	vsort.dscd.msk.f32 @p3 $0xffff, v13, v26;
	_ =	sdelay $0x4  }
0x16d: {  	v52 =	vld [tilespmem:$0x1FFA0];
	_ =	sdelay $0x4  }
0x16e: {  	vm10 =	vnez.u8 v52  }
0x16f: {  	v26 =	vmul.u32 @p3 $0xFFFFFFFF, v29;
	v29 =	vsel vm10, $0x3F800000, v0;
	_ =	sdelay $0x1  }
0x170: {  	v13, v28, _ =	vpop @p1 (xrf1)  }
0x171: {  	v26 =	vadd.s32 @p3 $0xF, v26;
	(xrf0) =	vmax.scan.msk.f32 $0xffff, v29;
	v29, v30, _ =	vpop @p3 (xrf1)  }
0x172: {  	s6 =	spop (v2sf);
	v29 =	vperm.xlane @p3 v29, v26  }
0x173: {  	p0 =	por p3, p3;
	v31 =	vpsel p1, v13, v31;
	p3 =	sgt.f32 s6, $0.0e+00  }
0x174: {  	[smem:$0x7E9] =	sst s0;
	s0 =	simm.s32 @!p0 $0x0;
	v26 =	vperm.xlane @p0 v30, v26;
	vm0 =	vge.f32 @p0 v31, v29  }
0x175: {  	v27 =	vpsel p1, v28, v27;
	s0 =	simm.s32 @p0 $0x1;
	s6 =	sadd.s32 @p3 s5, s9;
	v28 =	vsel @p0 vm0, v31, v29  }
0x176: {  	[smem:$0x7FC] =	sst s0;
	v26 =	vsel @p0 vm0, v27, v26;
	vm0 =	vgt.f32 @p3 v11, v1;
	s6 =	sadd.s32 @p3 $0x120, s6;
	v29 =	vlaneseq.u32 @p3  }
0x177: {  	s0 =	sld [smem:$0x7E9];
	v53, _, _ =	vpop (xrf0);
	v11 =	vnsel @p3 vm0, $0xFF61B1E6, v11;
	(xrf1) =	vsort.dscd.msk.f32 @p0 $0xffff, v28, v26;
	v26 =	vor.u32 @p3 s6, v29  }
0x178: {  	(v2sf) =	vpush v53, $0xF;
	(xrf1) =	vsort.dscd.msk.f32 @p3 $0xffff, v11, v26;
	_ =	sdelay $0x4  }
0x179: {  	v54 =	vld [tilespmem:$0x1FFB0];
	_ =	sdelay $0x4  }
0x17a: {  	vm11 =	vnez.u8 v54  }
0x17b: {  	v26 =	vmul.u32 @p3 $0xFFFFFFFF, v29;
	v29 =	vsel vm11, $0x3F800000, v0;
	_ =	sdelay $0x1  }
0x17c: {  	v11, v28, _ =	vpop @p0 (xrf1)  }
0x17d: {  	v26 =	vadd.s32 @p3 $0xF, v26;
	(xrf0) =	vmax.scan.msk.f32 $0xffff, v29;
	v29, v30, _ =	vpop @p3 (xrf1)  }
0x17e: {  	s6 =	spop (v2sf);
	v29 =	vperm.xlane @p3 v29, v26  }
0x17f: {  	p1 =	por p3, p3;
	v31 =	vpsel p0, v11, v31;
	p3 =	sgt.f32 s6, $0.0e+00  }
0x180: {  	[smem:$0x7E9] =	sst s0;
	s0 =	simm.s32 @!p1 $0x0;
	v26 =	vperm.xlane @p1 v30, v26;
	vm0 =	vge.f32 @p1 v31, v29  }
0x181: {  	v27 =	vpsel p0, v28, v27;
	s0 =	simm.s32 @p1 $0x1;
	s6 =	sadd.s32 @p3 s5, s9;
	v28 =	vsel @p1 vm0, v31, v29  }
0x182: {  	[smem:$0x7F9] =	sst s0;
	v26 =	vsel @p1 vm0, v27, v26;
	vm0 =	vgt.f32 @p3 v9, v1;
	s6 =	sadd.s32 @p3 $0x130, s6;
	v29 =	vlaneseq.u32 @p3  }
0x183: {  	s0 =	sld [smem:$0x7E9];
	v55, _, _ =	vpop (xrf0);
	v9 =	vnsel @p3 vm0, $0xFF61B1E6, v9;
	(xrf1) =	vsort.dscd.msk.f32 @p1 $0xffff, v28, v26;
	v26 =	vor.u32 @p3 s6, v29  }
0x184: {  	(v2sf) =	vpush v55, $0xF;
	(xrf1) =	vsort.dscd.msk.f32 @p3 $0xffff, v9, v26;
	_ =	sdelay $0x4  }
0x185: {  	v56 =	vld [tilespmem:$0x1FFC0];
	_ =	sdelay $0x4  }
0x186: {  	vm12 =	vnez.u8 v56  }
0x187: {  	v26 =	vmul.u32 @p3 $0xFFFFFFFF, v29;
	v29 =	vsel vm12, $0x3F800000, v0;
	_ =	sdelay $0x1  }
0x188: {  	v9, v28, _ =	vpop @p1 (xrf1)  }
0x189: {  	v26 =	vadd.s32 @p3 $0xF, v26;
	(xrf0) =	vmax.scan.msk.f32 $0xffff, v29;
	v29, v30, _ =	vpop @p3 (xrf1)  }
0x18a: {  	s6 =	spop (v2sf);
	v29 =	vperm.xlane @p3 v29, v26  }
0x18b: {  	p0 =	por p3, p3;
	v31 =	vpsel p1, v9, v31;
	p3 =	sgt.f32 s6, $0.0e+00  }
0x18c: {  	[smem:$0x7E9] =	sst s0;
	s0 =	simm.s32 @!p0 $0x0;
	v26 =	vperm.xlane @p0 v30, v26;
	vm0 =	vge.f32 @p0 v31, v29  }
0x18d: {  	v27 =	vpsel p1, v28, v27;
	s0 =	simm.s32 @p0 $0x1;
	s6 =	sadd.s32 @p3 s5, s9;
	v28 =	vsel @p0 vm0, v31, v29  }
0x18e: {  	[smem:$0x7FB] =	sst s0;
	v26 =	vsel @p0 vm0, v27, v26;
	vm0 =	vgt.f32 @p3 v7, v1;
	s6 =	sadd.s32 @p3 $0x140, s6;
	v29 =	vlaneseq.u32 @p3  }
0x18f: {  	s0 =	sld [smem:$0x7E9];
	v57, _, _ =	vpop (xrf0);
	v7 =	vnsel @p3 vm0, $0xFF61B1E6, v7;
	(xrf1) =	vsort.dscd.msk.f32 @p0 $0xffff, v28, v26;
	v26 =	vor.u32 @p3 s6, v29  }
0x190: {  	(v2sf) =	vpush v57, $0xF;
	(xrf1) =	vsort.dscd.msk.f32 @p3 $0xffff, v7, v26;
	_ =	sdelay $0x4  }
0x191: {  	v58 =	vld [tilespmem:$0x1FFD0];
	_ =	sdelay $0x4  }
0x192: {  	vm13 =	vnez.u8 v58  }
0x193: {  	v26 =	vmul.u32 @p3 $0xFFFFFFFF, v29;
	v29 =	vsel vm13, $0x3F800000, v0;
	_ =	sdelay $0x1  }
0x194: {  	v7, v28, _ =	vpop @p0 (xrf1)  }
0x195: {  	v26 =	vadd.s32 @p3 $0xF, v26;
	(xrf0) =	vmax.scan.msk.f32 $0xffff, v29;
	v29, v30, _ =	vpop @p3 (xrf1)  }
0x196: {  	s6 =	spop (v2sf);
	v29 =	vperm.xlane @p3 v29, v26  }
0x197: {  	v31 =	vpsel p0, v7, v31;
	p4 =	sgt.f32 s6, $0.0e+00  }
0x198: {  	[smem:$0x7E9] =	sst s0;
	s0 =	simm.s32 @!p3 $0x0;
	v26 =	vperm.xlane @p3 v30, v26;
	vm0 =	vge.f32 @p3 v31, v29  }
0x199: {  	v27 =	vpsel p0, v28, v27;
	s0 =	simm.s32 @p3 $0x1;
	s6 =	sadd.s32 @p4 s5, s9;
	v28 =	vsel @p3 vm0, v31, v29  }
0x19a: {  	[smem:$0x7FD] =	sst s0;
	s6 =	sadd.s32 @p4 $0x150, s6;
	v26 =	vsel @p3 vm0, v27, v26;
	vm0 =	vgt.f32 @p4 v5, v1;
	v29 =	vlaneseq.u32 @p4  }
0x19b: {  	s0 =	sld [smem:$0x7E9];
	v59, _, _ =	vpop (xrf0);
	v5 =	vnsel @p4 vm0, $0xFF61B1E6, v5;
	(xrf1) =	vsort.dscd.msk.f32 @p3 $0xffff, v28, v26;
	v26 =	vor.u32 @p4 s6, v29  }
0x19c: {  	(v2sf) =	vpush v59, $0xF;
	(xrf1) =	vsort.dscd.msk.f32 @p4 $0xffff, v5, v26;
	_ =	sdelay $0x4  }
0x19d: {  	v60 =	vld [tilespmem:$0x1FFE0];
	_ =	sdelay $0x4  }
0x19e: {  	vm14 =	vnez.u8 v60  }
0x19f: {  	v26 =	vmul.u32 @p4 $0xFFFFFFFF, v29;
	v29 =	vsel vm14, $0x3F800000, v0;
	_ =	sdelay $0x1  }
0x1a0: {  	v5, v28, _ =	vpop @p3 (xrf1)  }
0x1a1: {  	v26 =	vadd.s32 @p4 $0xF, v26;
	(xrf0) =	vmax.scan.msk.f32 $0xffff, v29;
	v29, v30, _ =	vpop @p4 (xrf1)  }
0x1a2: {  	s6 =	spop (v2sf);
	v29 =	vperm.xlane @p4 v29, v26  }
0x1a3: {  	p2 =	por p3, p3;
	v31 =	vpsel p3, v5, v31;
	p3 =	sgt.f32 s6, $0.0e+00  }
0x1a4: {  	v26 =	vperm.xlane @p4 v30, v26;
	vm0 =	vge.f32 @p4 v31, v29  }
0x1a5: {  	v27 =	vpsel p2, v28, v27;
	s6 =	sadd.s32 @p3 s5, s9;
	v28 =	vsel @p4 vm0, v31, v29  }
0x1a6: {  	s6 =	sadd.s32 @p3 $0x160, s6;
	v26 =	vsel @p4 vm0, v27, v26;
	vm0 =	vgt.f32 @p3 v4, v1;
	v29 =	vlaneseq.u32 @p3  }
0x1a7: {  	v61, _, _ =	vpop (xrf0);
	v4 =	vnsel @p3 vm0, $0xFF61B1E6, v4;
	(xrf1) =	vsort.dscd.msk.f32 @p4 $0xffff, v28, v26;
	v26 =	vor.u32 @p3 s6, v29  }
0x1a8: {  	(v2sf) =	vpush v61, $0xF;
	(xrf1) =	vsort.dscd.msk.f32 @p3 $0xffff, v4, v26;
	_ =	sdelay $0x4  }
0x1a9: {  	v62 =	vld [tilespmem:$0x1FFF0];
	_ =	sdelay $0x4  }
0x1aa: {  	vm15 =	vnez.u8 v62  }
0x1ab: {  	v4 =	vmul.u32 @p3 $0xFFFFFFFF, v29;
	v29 =	vsel vm15, $0x3F800000, v0;
	_ =	sdelay $0x1  }
0x1ac: {  	(xrf0) =	vmax.scan.msk.f32 $0xffff, v29;
	v26, v28, _ =	vpop @p4 (xrf1)  }
0x1ad: {  	v4 =	vadd.s32 @p3 $0xF, v4;
	v29, v30, _ =	vpop @p3 (xrf1)  }
0x1ae: {  	s6 =	spop (v2sf);
	v29 =	vperm.xlane @p3 v29, v4  }
0x1af: {  	p1 =	sgt.f32 s6, $0.0e+00;
	v31 =	vpsel p4, v26, v31  }
0x1b0: {  	v4 =	vperm.xlane @p3 v30, v4;
	vm0 =	vge.f32 @p3 v31, v29  }
0x1b1: {  	s6 =	sadd.s32 @p1 s5, s9;
	v27 =	vpsel p4, v28, v27;
	v28 =	vsel @p3 vm0, v31, v29  }
0x1b2: {  	v63, _, _ =	vpop (xrf0);
	s6 =	sadd.s32 @p1 $0x170, s6;
	v4 =	vsel @p3 vm0, v27, v4;
	vm0 =	vgt.f32 @p1 v3, v1;
	v29 =	vlaneseq.u32 @p1  }
0x1b3: {  	(v2sf) =	vpush v63, $0xF;
	(xrf1) =	vsort.dscd.msk.f32 @p3 $0xffff, v28, v4;
	v4 =	vor.u32 @p1 s6, v29;
	v3 =	vnsel @p1 vm0, $0xFF61B1E6, v3  }
0x1b4: {  	(xrf1) =	vsort.dscd.msk.f32 @p1 $0xffff, v3, v4;
	_ =	sdelay $0xb  }
0x1b5: {  	v3 =	vmul.u32 @p1 $0xFFFFFFFF, v29  }
0x1b6: {  	v4, v28, _ =	vpop @p3 (xrf1)  }
0x1b7: {  	v3 =	vadd.s32 @p1 $0xF, v3;
	s6 =	spop (v2sf);
	v29, v30, _ =	vpop @p1 (xrf1)  }
0x1b8: {  	p0 =	sgt.f32 s6, $0.0e+00;
	v29 =	vperm.xlane @p1 v29, v3  }
0x1b9: {  	v31 =	vpsel p3, v4, v31;
	v3 =	vperm.xlane @p1 v30, v3  }
0x1ba: {  	s6 =	sadd.s32 @p0 s5, s9;
	v27 =	vpsel p3, v28, v27;
	vm0 =	vge.f32 @p1 v31, v29  }
0x1bb: {  	s6 =	sadd.s32 @p0 $0x180, s6;
	v28 =	vsel @p1 vm0, v31, v29;
	v3 =	vsel @p1 vm0, v27, v3;
	v29 =	vlaneseq.u32 @p0  }
0x1bc: {  	(xrf1) =	vsort.dscd.msk.f32 @p1 $0xffff, v28, v3;
	v3 =	vor.u32 @p0 s6, v29;
	s6 =	sld [smem:$0x7EA];
	_ =	sdelay $0x2  }
0x1bd: {  	p6 =	seq.s32 s6, $0x1;
	s6 =	sld [smem:$0x7EB]  }
0x1be: {  	vm0 =	vgt.f32 @p0 v2, v1  }
0x1bf: {  	v2 =	vnsel @p0 vm0, $0xFF61B1E6, v2  }
0x1c0: {  	(xrf1) =	vsort.dscd.msk.f32 @p0 $0xffff, v2, v3;
	v2 =	vimm.s32 @p5 $0xF;
	p2 =	seq.s32 s6, $0x1;
	s6 =	sld [smem:$0x7EC]  }
0x1c1: {  	v2 =	vperm.xlane @p5 v6, v2  }
0x1c2: {  	v3 =	vimm.s32 @p6 $0xF;
	v6 =	vimm.s32 @p2 $0xF  }
0x1c3: {  	v1 =	vpsel p5, v2, v1;
	v3 =	vperm.xlane @p6 v8, v3;
	p5 =	por p2, p2;
	v2 =	vperm.xlane @p2 v10, v6;
	p2 =	seq.s32 s6, $0x1;
	s6 =	sld [smem:$0x7EE]  }
0x1c4: {  	_ = 	snop  }
0x1c5: {  	v1 =	vpsel p6, v3, v1;
	v3 =	vimm.s32 @p2 $0xF  }
0x1c6: {  	v1 =	vpsel p5, v2, v1;
	v2 =	vperm.xlane @p2 v12, v3;
	p2 =	seq.s32 s6, $0x1;
	s6 =	sld [smem:$0x7EF];
	_ =	sdelay $0x1  }
0x1c7: {  	v3 =	vimm.s32 @p2 $0xF  }
0x1c8: {  	v3 =	vperm.xlane @p2 v14, v3;
	p2 =	seq.s32 s6, $0x1;
	s6 =	sld [smem:$0x7EC];
	_ =	sdelay $0x2  }
0x1c9: {  	p5 =	seq.s32 s6, $0x1;
	s6 =	sld [smem:$0x7ED];
	_ =	sdelay $0x1  }
0x1ca: {  	v6 =	vimm.s32 @p2 $0xF  }
0x1cb: {  	v6 =	vperm.xlane @p2 v16, v6;
	p2 =	seq.s32 s6, $0x1;
	s6 =	sld [smem:$0x7EE];
	_ =	sdelay $0x2  }
0x1cc: {  	v1 =	vpsel p5, v2, v1;
	p5 =	seq.s32 s6, $0x1;
	s6 =	sld [smem:$0x7EF];
	_ =	sdelay $0x2  }
0x1cd: {  	v12 =	vimm.s32 @p2 $0xF;
	v1 =	vpsel p5, v3, v1;
	p5 =	seq.s32 s6, $0x1;
	s6 =	sld [smem:$0x7F0]  }
0x1ce: {  	v3 =	vperm.xlane @p2 v18, v12  }
0x1cf: {  	v1 =	vpsel p5, v6, v1  }
0x1d0: {  	v1 =	vpsel p2, v3, v1;
	p2 =	seq.s32 s6, $0x1;
	s6 =	sld [smem:$0x7F1];
	_ =	sdelay $0x1  }
0x1d1: {  	v8 =	vmul.u32 @p0 $0xFFFFFFFF, v29;
	v3 =	vimm.s32 @p2 $0xF  }
0x1d2: {  	v2, v10, _ =	vpop @p1 (xrf1);
	v3 =	vperm.xlane @p2 v21, v3;
	p2 =	seq.s32 s6, $0x1;
	s6 =	sld [smem:$0x7F2]  }
0x1d3: {  	v8 =	vadd.s32 @p0 $0xF, v8;
	v12, v14, _ =	vpop @p0 (xrf1)  }
0x1d4: {  	v6 =	vperm.xlane @p0 v12, v8;
	v8 =	vperm.xlane @p0 v14, v8;
	v14 =	vimm.s32 @p2 $0xF  }
0x1d5: {  	v16 =	vpsel p1, v10, v27;
	v10 =	vperm.xlane @p2 v23, v14;
	p2 =	seq.s32 s6, $0x1;
	s6 =	sld [smem:$0x7F0];
	_ =	sdelay $0x2  }
0x1d6: {  	p5 =	seq.s32 s6, $0x1;
	s6 =	sld [smem:$0x7F3];
	_ =	sdelay $0x1  }
0x1d7: {  	v14 =	vimm.s32 @p2 $0xF  }
0x1d8: {  	v1 =	vpsel p5, v3, v1;
	v3 =	vperm.xlane @p2 v25, v14;
	p2 =	seq.s32 s6, $0x1;
	s6 =	sld [smem:$0x7F1];
	_ =	sdelay $0x2  }
0x1d9: {  	v12 =	vpsel p1, v2, v31;
	p5 =	seq.s32 s6, $0x1;
	s6 =	sld [smem:$0x7F4]  }
0x1da: {  	vm0 =	vge.f32 @p0 v12, v6  }
0x1db: {  	v6 =	vsel @p0 vm0, v12, v6;
	v8 =	vsel @p0 vm0, v16, v8;
	v14 =	vimm.s32 @p2 $0xF  }
0x1dc: {  	(xrf1) =	vsort.dscd.msk.f32 @p0 $0xffff, v6, v8;
	v6 =	vperm.xlane @p2 v24, v14;
	p2 =	seq.s32 s6, $0x1;
	s6 =	sld [smem:$0x7F2];
	_ =	sdelay $0x2  }
0x1dd: {  	v1 =	vpsel p5, v10, v1;
	p5 =	seq.s32 s6, $0x1;
	s6 =	sld [smem:$0x7F5];
	_ =	sdelay $0x1  }
0x1de: {  	v8 =	vimm.s32 @p2 $0xF  }
0x1df: {  	v1 =	vpsel p5, v3, v1;
	v3 =	vperm.xlane @p2 v22, v8;
	p2 =	seq.s32 s6, $0x1;
	s6 =	sld [smem:$0x7F3];
	_ =	sdelay $0x2  }
0x1e0: {  	p5 =	seq.s32 s6, $0x1;
	s6 =	sld [smem:$0x7F6];
	_ =	sdelay $0x1  }
0x1e1: {  	v8 =	vimm.s32 @p2 $0xF  }
0x1e2: {  	v1 =	vpsel p5, v6, v1;
	v6 =	vperm.xlane @p2 v20, v8;
	p2 =	seq.s32 s6, $0x1;
	s6 =	sld [smem:$0x7F4];
	_ =	sdelay $0x2  }
0x1e3: {  	p5 =	seq.s32 s6, $0x1;
	s6 =	sld [smem:$0x7F7];
	_ =	sdelay $0x1  }
0x1e4: {  	v8 =	vimm.s32 @p2 $0xF  }
0x1e5: {  	v1 =	vpsel p5, v3, v1;
	v3 =	vperm.xlane @p2 v19, v8;
	p2 =	seq.s32 s6, $0x1;
	s6 =	sld [smem:$0x7F5];
	_ =	sdelay $0x2  }
0x1e6: {  	p5 =	seq.s32 s6, $0x1;
	s6 =	sld [smem:$0x7F8];
	_ =	sdelay $0x1  }
0x1e7: {  	v8 =	vimm.s32 @p2 $0xF  }
0x1e8: {  	v1 =	vpsel p5, v6, v1;
	v6 =	vperm.xlane @p2 v17, v8;
	p2 =	seq.s32 s6, $0x1;
	s6 =	sld [smem:$0x7F6];
	_ =	sdelay $0x2  }
0x1e9: {  	p5 =	seq.s32 s6, $0x1;
	s6 =	sld [smem:$0x7FA];
	_ =	sdelay $0x1  }
0x1ea: {  	v8 =	vimm.s32 @p2 $0xF  }
0x1eb: {  	v1 =	vpsel p5, v3, v1;
	v3 =	vperm.xlane @p2 v15, v8;
	p2 =	seq.s32 s6, $0x1;
	s6 =	sld [smem:$0x7F7];
	_ =	sdelay $0x2  }
0x1ec: {  	p5 =	seq.s32 s6, $0x1;
	s6 =	sld [smem:$0x7FC];
	_ =	sdelay $0x1  }
0x1ed: {  	v8 =	vimm.s32 @p2 $0xF  }
0x1ee: {  	v1 =	vpsel p5, v6, v1;
	v6 =	vperm.xlane @p2 v13, v8;
	p2 =	seq.s32 s6, $0x1;
	s6 =	sld [smem:$0x7F8];
	_ =	sdelay $0x2  }
0x1ef: {  	p5 =	seq.s32 s6, $0x1;
	s6 =	sld [smem:$0x7F9];
	_ =	sdelay $0x1  }
0x1f0: {  	v8 =	vimm.s32 @p2 $0xF  }
0x1f1: {  	v1 =	vpsel p5, v3, v1;
	v3 =	vperm.xlane @p2 v11, v8;
	p2 =	seq.s32 s6, $0x1;
	s6 =	sld [smem:$0x7FA];
	_ =	sdelay $0x2  }
0x1f2: {  	p5 =	seq.s32 s6, $0x1;
	s6 =	sld [smem:$0x7FB];
	_ =	sdelay $0x2  }
0x1f3: {  	p6 =	seq.s32 s6, $0x1;
	s6 =	sld [smem:$0x7FC];
	_ =	sdelay $0x2  }
0x1f4: {  	v1 =	vpsel p5, v6, v1;
	p5 =	seq.s32 s6, $0x1;
	s6 =	sld [smem:$0x7FD];
	_ =	sdelay $0x1  }
0x1f5: {  	v8 =	vimm.s32 @p2 $0xF  }
0x1f6: {  	v6 =	vperm.xlane @p2 v9, v8;
	v8 =	vimm.s32 @p6 $0xF;
	v1 =	vpsel p5, v3, v1;
	p5 =	seq.s32 s6, $0x1  }
0x1f7: {  	v3 =	vperm.xlane @p6 v7, v8;
	v7 =	vimm.s32 @p5 $0xF  }
0x1f8: {  	v1 =	vpsel p2, v6, v1;
	v5 =	vperm.xlane @p5 v5, v7  }
0x1f9: {  	v6 =	vimm.s32 @p4 $0xF;
	v1 =	vpsel p6, v3, v1  }
0x1fa: {  	v3 =	vperm.xlane @p4 v26, v6;
	v1 =	vpsel p5, v5, v1;
	v5 =	vimm.s32 @p1 $0xF;
	_ =	sdelay $0x1  }
0x1fb: {  	v6 =	vimm.s32 @p3 $0xF  }
.Ltmp9:
0x1fc: {  	v4 =	vperm.xlane @p3 v4, v6;
	(pc) =	sbr.rel .LBB2_6-.Ltmp9, $4  }
0x1fd: {  	v6 =	vimm.s32 @p0 $0xF;
	v1 =	vpsel p4, v3, v1;
	v2 =	vperm.xlane @p1 v2, v5;
	v3, v5, _ =	vpop @p0 (xrf1)  }
0x1fe: {  	v1 =	vpsel p3, v4, v1;
	v4 =	vperm.xlane @p0 v3, v6  }
0x1ff: {  	v1 =	vpsel p1, v2, v1  }
0x200: {  	v10 =	vpsel p0, v3, v12;
	v8 =	vpsel p0, v5, v16;
	v1 =	vpsel p0, v4, v1  }
.LBB2_7:
0x201: {  	s11 =	sadd.s32 s0, s11  }
0x202: {  	p0 =	seq.s32 s10, $0x4;
	s5 =	sadd.s32 $0x4E20, s11  }
0x203: {  	s6 =	simm.s32 @!p0 $0x0;
	s5 =	smov.u32 @p0 s1  }
0x204: {  	s6 =	simm.s32 @p0 $0x1;
	s5 =	sshrl.u32 s5, $0x3  }
0x205: {  	s13 =	simm.s32 $0x0;
	[smem:$0x7E8] =	sst s6;
	s6 =	sadd.s32 s3, s5  }
0x206: {  	[tilespmem:s13], [sflag:$0x1] =	stream.linear.gather [hbm4b:s6+s13], $0x2710, $0x38;
	[tilespmem:$0xA000] =	vst v63  }
0x207: {  	s5 =	sadd.s32 s4, s5  }
0x208: {  	[tilespmem:s14], [sflag:$0x3] =	stream.linear.gather [hbm4b:s5+s13], $0x2710, $0x38;
	[tilespmem:$0xA000] =	vst v63  }
0x209: {  	_ =	swait.ge [sflag:s19], $0x2710  }
.Ltmp10:
0x20a: {  	[sflag:s19] =	ssyncset.done $0x0;
	(pc) =	sbr.rel .LBB2_8-.Ltmp10, $4  }
0x20b: {  	[sflag:s19] =	ssyncadd.s32 $0xFFFFD8F0  }
0x20c: {  	_ =	swait.ge [sflag:s20], $0x2710  }
0x20d: {  	[sflag:s20] =	ssyncset.done $0x0  }
0x20e: {  	s29 =	simm.s32 $0x2840;
	s5 =	simm.s32 $0x7740;
	[sflag:s20] =	ssyncadd.s32 $0xFFFFD8F0  }
.LBB2_10:
0x20f: {  	s13 =	sadd.s32 $0x190, s13  }
0x210: {  	p0 =	sne.s32 s13, $0x2710  }
.Ltmp11:
0x211: {  	_ = 	snop;
	(pc) =	sbr.rel @!p0 .LBB2_11-.Ltmp11, $2  }
0x212: {  	_ =	sdelay $0x2  }
0x213: {  	s29 =	sadd.s32 $0x190, s29;
	s5 =	sadd.s32 $0x190, s5  }
.LBB2_8:
0x214: {  	v2 =	vld [tilespmem:s29+$0xFFFFFF40]  }
0x215: {  	v3 =	vld [tilespmem:s5+$0xFFFFFF40]  }
0x216: {  	v4 =	vld [tilespmem:s29+$0xFFFFFF50]  }
0x217: {  	v5 =	vld [tilespmem:s5+$0xFFFFFF50]  }
0x218: {  	v7 =	vld [tilespmem:s29+$0xFFFFFF60]  }
0x219: {  	v6 =	vld [tilespmem:s5+$0xFFFFFF60]  }
0x21a: {  	v9 =	vld [tilespmem:s29+$0xFFFFFF70]  }
0x21b: {  	v11 =	vld [tilespmem:s5+$0xFFFFFF70]  }
0x21c: {  	v12 =	vld [tilespmem:s29+$0xFFFFFF80]  }
0x21d: {  	v13 =	vld [tilespmem:s5+$0xFFFFFF80]  }
0x21e: {  	v14 =	vld [tilespmem:s29+$0xFFFFFF90]  }
0x21f: {  	v15 =	vld [tilespmem:s5+$0xFFFFFF90]  }
0x220: {  	v16 =	vld [tilespmem:s29+$0xFFFFFFA0]  }
0x221: {  	v17 =	vld [tilespmem:s5+$0xFFFFFFA0]  }
0x222: {  	v18 =	vld [tilespmem:s29+$0xFFFFFFB0];
	v3 =	vcvt.s32.f32 v3  }
0x223: {  	v19 =	vld [tilespmem:s5+$0xFFFFFFB0]  }
0x224: {  	v22 =	vld [tilespmem:s29+$0xFFFFFFD0];
	v5 =	vcvt.s32.f32 v5;
	v3 =	vmul.f32 $9.999990000e+05, v3  }
0x225: {  	v24 =	vld [tilespmem:s29+$0xFFFFFFE0];
	v6 =	vcvt.s32.f32 v6  }
0x226: {  	v29 =	vld [tilespmem:s5+$0x20];
	v28 =	vadd.f32 v3, v2;
	v2 =	vmul.f32 $9.999990000e+05, v5  }
0x227: {  	v31 =	vld [tilespmem:s29+$0x70];
	v11 =	vcvt.s32.f32 v11;
	v5 =	vmul.f32 $9.999990000e+05, v6  }
0x228: {  	s6 =	sand.u32 $0x3FF0, s13;
	v3 =	vld [tilespmem:s5+$0xFFFFFFD0];
	v6 =	vadd.f32 v2, v4  }
0x229: {  	v21 =	vld [tilespmem:s6+$0x7700];
	v2 =	vcvt.s32.f32 v13;
	v27 =	vadd.f32 v5, v7;
	v5 =	vmul.f32 $9.999990000e+05, v11  }
0x22a: {  	vm7 =	vgt.f32 v28, v1;
	v4 =	vld [tilespmem:s5+$0xFFFFFFE0];
	v7 =	vcvt.s32.f32 v15;
	v13 =	vcvt.s32.f32 v17  }
0x22b: {  	v15 =	vld [tilespmem:s5+$0xFFFFFFF0];
	vm8 =	vgt.f32 v6, v1;
	v2 =	vmul.f32 $9.999990000e+05, v2;
	vm6 =	vgt.f32 v27, v1  }
0x22c: {  	v20 =	vld [tilespmem:s6+$0x2800];
	v26 =	vadd.f32 v5, v9;
	v5 =	vmul.f32 $9.999990000e+05, v7;
	v9 =	vcvt.s32.f32 v19  }
0x22d: {  	v3 =	vcvt.s32.f32 v3;
	v12 =	vadd.f32 v2, v12;
	v2 =	vmul.f32 $9.999990000e+05, v13;
	v13 =	vld [tilespmem:s5+$0x0]  }
0x22e: {  	v30 =	vld [tilespmem:s6+$0x2880];
	vm9 =	vmor vm7, vm8;
	vm5 =	vgt.f32 v26, v1;
	v14 =	vadd.f32 v5, v14  }
0x22f: {  	v5 =	vcvt.s32.f32 v21;
	v16 =	vadd.f32 v2, v16;
	v2 =	vmul.f32 $9.999990000e+05, v9;
	v9 =	vld [tilespmem:s5+$0x10]  }
0x230: {  	v11 =	vld [tilespmem:s29+$0xFFFFFFF0];
	vm9 =	vmor vm9, vm6;
	v4 =	vcvt.s32.f32 v4;
	v15 =	vcvt.s32.f32 v15  }
0x231: {  	v7 =	vld [tilespmem:s29+$0x0];
	vm9 =	vmor vm9, vm5;
	vm4 =	vgt.f32 v12, v1;
	v5 =	vmul.f32 $9.999990000e+05, v5  }
0x232: {  	v17 =	vld [tilespmem:s29+$0x10];
	v18 =	vadd.f32 v2, v18;
	v2 =	vmul.f32 $9.999990000e+05, v3;
	v3 =	vcvt.s32.f32 v13  }
0x233: {  	v19 =	vld [tilespmem:s29+$0x20];
	v4 =	vmul.f32 $9.999990000e+05, v4;
	v21 =	vadd.f32 v5, v20;
	v5 =	vmul.f32 $9.999990000e+05, v15  }
0x234: {  	vm3 =	vgt.f32 v14, v1;
	v15 =	vld [tilespmem:s5+$0x30];
	v3 =	vmul.f32 $9.999990000e+05, v3;
	v9 =	vcvt.s32.f32 v9  }
0x235: {  	vm9 =	vmor vm9, vm4;
	vm2 =	vgt.f32 v16, v1;
	v23 =	vadd.f32 v2, v22;
	v2 =	vld [tilespmem:s6+$0x7780]  }
0x236: {  	vm9 =	vmor vm9, vm3;
	v13 =	vld [tilespmem:s29+$0x30];
	v22 =	vadd.f32 v3, v7;
	v3 =	vmul.f32 $9.999990000e+05, v9  }
0x237: {  	v25 =	vadd.f32 v4, v24;
	v24 =	vadd.f32 v5, v11;
	v5 =	vcvt.s32.f32 v29;
	v7 =	vld [tilespmem:s5+$0x50]  }
0x238: {  	vm9 =	vmor vm9, vm2;
	vm1 =	vgt.f32 v18, v1;
	v20 =	vadd.f32 v3, v17;
	v3 =	vld [tilespmem:s5+$0x60]  }
0x239: {  	v4 =	vld [tilespmem:s29+$0x50];
	vm0 =	vgt.f32 v21, v1;
	v5 =	vmul.f32 $9.999990000e+05, v5;
	v9 =	vcvt.s32.f32 v15  }
0x23a: {  	v29 =	vld [tilespmem:s5+$0x70];
	vm14 =	vgt.f32 v25, v1;
	vm9 =	vmor vm9, vm1;
	v2 =	vcvt.s32.f32 v2  }
0x23b: {  	vm15 =	vgt.f32 v23, v1;
	v19 =	vadd.f32 v5, v19;
	v5 =	vmul.f32 $9.999990000e+05, v9;
	v9 =	vld [tilespmem:s5+$0x80]  }
0x23c: {  	v11 =	vld [tilespmem:s29+$0x60];
	vm13 =	vgt.f32 v24, v1;
	v2 =	vmul.f32 $9.999990000e+05, v2;
	v7 =	vcvt.s32.f32 v7  }
0x23d: {  	vm9 =	vmor vm9, vm0;
	v17 =	vadd.f32 v5, v13;
	v5 =	vld [tilespmem:s5+$0x90];
	v3 =	vcvt.s32.f32 v3  }
0x23e: {  	vm9 =	vmor vm9, vm15;
	v15 =	vadd.f32 v2, v30;
	v2 =	vmul.f32 $9.999990000e+05, v7;
	v7 =	vld [tilespmem:s5+$0xA0]  }
0x23f: {  	vm9 =	vmor vm9, vm14;
	v29 =	vcvt.s32.f32 v29;
	v30 =	vld [tilespmem:s29+$0x80];
	v3 =	vmul.f32 $9.999990000e+05, v3  }
0x240: {  	vm11 =	vgt.f32 v22, v1;
	v13 =	vadd.f32 v2, v4;
	v2 =	vcvt.s32.f32 v9  }
0x241: {  	vm9 =	vmor vm9, vm13;
	v4 =	vld [tilespmem:s29+$0x90];
	v11 =	vadd.f32 v3, v11;
	v3 =	vmul.f32 $9.999990000e+05, v29  }
0x242: {  	vm9 =	vmor vm9, vm11;
	vm10 =	vgt.f32 v20, v1;
	v2 =	vmul.f32 $9.999990000e+05, v2;
	v29 =	vld [tilespmem:s29+$0xA0]  }
0x243: {  	v5 =	vcvt.s32.f32 v5;
	v9 =	vadd.f32 v3, v31;
	v3 =	vcvt.s32.f32 v7  }
0x244: {  	vm12 =	vgt.f32 v19, v1;
	vm9 =	vmor vm9, vm10;
	v31 =	vld [tilespmem:s5+$0xB0];
	v7 =	vadd.f32 v2, v30  }
0x245: {  	v2 =	vmul.f32 $9.999990000e+05, v5;
	v30 =	vld [tilespmem:s6+$0x7800];
	v5 =	vimm.s32 $0x0;
	v3 =	vmul.f32 $9.999990000e+05, v3  }
0x246: {  	vm9 =	vmor vm9, vm12;
	v5 =	vsel vm10, $0xFFFFFFFF, v5;
	vm10 =	vgt.f32 v17, v1  }
0x247: {  	[tilespmem:$0x1FEA0] =	vst v5;
	v5 =	vadd.f32 v2, v4;
	v4 =	vadd.f32 v3, v29;
	v3 =	vimm.s32 $0x0  }
0x248: {  	vm9 =	vmor vm9, vm10;
	v3 =	vsel vm10, $0xFFFFFFFF, v3  }
0x249: {  	v2 =	vld [tilespmem:s29+$0xB0];
	vm10 =	vgt.f32 v15, v1;
	[tilespmem:$0x1FEB0] =	vst v3;
	v3 =	vcvt.s32.f32 v31;
	v31 =	vimm.s32 $0x0  }
0x24a: {  	v30 =	vcvt.s32.f32 v30;
	v31 =	vsel vm10, $0xFFFFFFFF, v31  }
0x24b: {  	vm9 =	vmor vm9, vm10;
	vm10 =	vgt.f32 v13, v1;
	[tilespmem:$0x1FEC0] =	vst v31;
	v31 =	vimm.s32 $0x0  }
0x24c: {  	v30 =	vmul.f32 $9.999990000e+05, v30;
	v3 =	vmul.f32 $9.999990000e+05, v3;
	v31 =	vsel vm10, $0xFFFFFFFF, v31  }
0x24d: {  	v29 =	vld [tilespmem:s6+$0x2900];
	vm9 =	vmor vm9, vm10;
	vm10 =	vgt.f32 v11, v1;
	[tilespmem:$0x1FED0] =	vst v31;
	v31 =	vimm.s32 $0x0  }
0x24e: {  	vm9 =	vmor vm9, vm10;
	v3 =	vadd.f32 v3, v2;
	v31 =	vsel vm10, $0xFFFFFFFF, v31  }
0x24f: {  	v2 =	vimm.s32 $0x0;
	vm10 =	vgt.f32 v9, v1;
	[tilespmem:$0x1FEE0] =	vst v31;
	v31 =	vimm.s32 $0x0  }
0x250: {  	vm9 =	vmor vm9, vm10;
	v31 =	vsel vm10, $0xFFFFFFFF, v31;
	vm10 =	vgt.f32 v7, v1  }
0x251: {  	v2 =	vsel vm10, $0xFFFFFFFF, v2;
	vm9 =	vmor vm9, vm10  }
0x252: {  	vm10 =	vgt.f32 v5, v1;
	[tilespmem:$0x1FF00] =	vst v2;
	v2 =	vadd.f32 v30, v29;
	v29 =	vimm.s32 $0x0  }
0x253: {  	v29 =	vsel vm10, $0xFFFFFFFF, v29  }
0x254: {  	vm9 =	vmor vm9, vm10;
	vm10 =	vgt.f32 v4, v1;
	[tilespmem:$0x1FF10] =	vst v29;
	v29 =	vimm.s32 $0x0  }
0x255: {  	v29 =	vsel vm10, $0xFFFFFFFF, v29  }
0x256: {  	vm9 =	vmor vm9, vm10;
	vm10 =	vgt.f32 v3, v1;
	[tilespmem:$0x1FF20] =	vst v29;
	v29 =	vimm.s32 $0x0  }
0x257: {  	v29 =	vsel vm10, $0xFFFFFFFF, v29  }
0x258: {  	vm9 =	vmor vm9, vm10;
	vm10 =	vgt.f32 v2, v1;
	[tilespmem:$0x1FF30] =	vst v29;
	v29 =	vimm.s32 $0x0  }
0x259: {  	vm9 =	vmor vm9, vm10;
	v29 =	vsel vm10, $0xFFFFFFFF, v29  }
0x25a: {  	[tilespmem:$0x1FF40] =	vst v29;
	v29 =	vsel vm9, $0x3F800000, v0  }
0x25b: {  	(xrf0) =	vmax.scan.msk.f32 $0xffff, v29;
	_ =	sdelay $0x5  }
0x25c: {  	v29, _, _ =	vpop (xrf0)  }
0x25d: {  	(v2sf) =	vpush v29, $0xF;
	_ =	sdelay $0xe  }
0x25e: {  	s6 =	spop (v2sf)  }
0x25f: {  	p0 =	sgt.f32 s6, $0.0e+00  }
.Ltmp12:
0x260: {  	_ = 	snop;
	(pc) =	sbr.rel @!p0 .LBB2_10-.Ltmp12, $2  }
0x261: {  	_ =	sdelay $0x2  }
0x262: {  	[tilespmem:$0x1FEF0] =	vst v31  }
0x263: {  	v29 =	vsel vm7, $0x3F800000, v0  }
0x264: {  	(xrf0) =	vmax.scan.msk.f32 $0xffff, v29;
	_ =	sdelay $0x5  }
0x265: {  	v29, _, _ =	vpop (xrf0)  }
0x266: {  	(v2sf) =	vpush v29, $0xF;
	_ =	sdelay $0xa  }
0x267: {  	v49 =	vsel vm8, $0x3F800000, v0  }
0x268: {  	(xrf0) =	vmax.scan.msk.f32 $0xffff, v49;
	_ =	sdelay $0x2  }
0x269: {  	s6 =	spop (v2sf)  }
0x26a: {  	p5 =	sgt.f32 s6, $0.0e+00  }
0x26b: {  	s6 =	sadd.s32 s13, s9  }
0x26c: {  	v31, _, _ =	vpop (xrf0);
	s6 =	sadd.s32 $0x2710, s6;
	v29 =	vlaneseq.u32 @p5;
	vm7 =	vgt.f32 @p5 v28, v1  }
0x26d: {  	(v2sf) =	vpush v31, $0xF;
	v28 =	vnsel @p5 vm7, $0xFF61B1E6, v28;
	v30 =	vor.u32 @p5 s6, v29  }
0x26e: {  	(xrf1) =	vsort.dscd.msk.f32 @p5 $0xffff, v28, v30;
	_ =	sdelay $0xb  }
0x26f: {  	v50 =	vsel vm6, $0x3F800000, v0;
	v28 =	vmul.u32 @p5 $0xFFFFFFFF, v29  }
0x270: {  	(xrf0) =	vmax.scan.msk.f32 $0xffff, v50  }
0x271: {  	v28 =	vadd.s32 @p5 $0xF, v28;
	s6 =	spop (v2sf);
	v30, v31, _ =	vpop @p5 (xrf1)  }
0x272: {  	p0 =	sgt.f32 s6, $0.0e+00;
	v29 =	vperm.xlane @p5 v30, v28  }
0x273: {  	v28 =	vperm.xlane @p5 v31, v28  }
0x274: {  	s6 =	sadd.s32 @p0 s13, s9;
	v30 =	vlaneseq.u32 @p0;
	vm6 =	vge.f32 @p5 v10, v29  }
0x275: {  	s6 =	sadd.s32 @p0 $0x2720, s6;
	v29 =	vsel @p5 vm6, v10, v29;
	v28 =	vsel @p5 vm6, v8, v28;
	vm6 =	vgt.f32 @p0 v6, v1  }
0x276: {  	v51, _, _ =	vpop (xrf0);
	v6 =	vnsel @p0 vm6, $0xFF61B1E6, v6;
	(xrf1) =	vsort.dscd.msk.f32 @p5 $0xffff, v29, v28;
	v28 =	vor.u32 @p0 s6, v30  }
0x277: {  	(v2sf) =	vpush v51, $0xF;
	(xrf1) =	vsort.dscd.msk.f32 @p0 $0xffff, v6, v28;
	_ =	sdelay $0xb  }
0x278: {  	v52 =	vsel vm5, $0x3F800000, v0;
	v28 =	vmul.u32 @p0 $0xFFFFFFFF, v30  }
0x279: {  	(xrf0) =	vmax.scan.msk.f32 $0xffff, v52;
	v6, v30, _ =	vpop @p5 (xrf1)  }
0x27a: {  	v28 =	vadd.s32 @p0 $0xF, v28;
	v29, v31, _ =	vpop @p0 (xrf1)  }
0x27b: {  	s6 =	spop (v2sf);
	v29 =	vperm.xlane @p0 v29, v28  }
0x27c: {  	p1 =	sgt.f32 s6, $0.0e+00;
	v10 =	vpsel p5, v6, v10;
	[smem:$0x7E9] =	sst s0;
	s0 =	simm.s32 @!p0 $0x0  }
0x27d: {  	v28 =	vperm.xlane @p0 v31, v28;
	s0 =	simm.s32 @p0 $0x1;
	vm5 =	vge.f32 @p0 v10, v29  }
0x27e: {  	s6 =	sadd.s32 @p1 s13, s9;
	v30 =	vpsel p5, v30, v8;
	[smem:$0x7D4] =	sst s0;
	v8 =	vsel @p0 vm5, v10, v29  }
0x27f: {  	s6 =	sadd.s32 @p1 $0x2730, s6;
	s0 =	sld [smem:$0x7E9];
	v53, _, _ =	vpop (xrf0);
	v28 =	vsel @p0 vm5, v30, v28;
	v29 =	vlaneseq.u32 @p1;
	vm5 =	vgt.f32 @p1 v27, v1  }
0x280: {  	(v2sf) =	vpush v53, $0xF;
	v27 =	vnsel @p1 vm5, $0xFF61B1E6, v27;
	(xrf1) =	vsort.dscd.msk.f32 @p0 $0xffff, v8, v28;
	v8 =	vor.u32 @p1 s6, v29  }
0x281: {  	(xrf1) =	vsort.dscd.msk.f32 @p1 $0xffff, v27, v8;
	_ =	sdelay $0xa  }
0x282: {  	v54 =	vsel vm4, $0x3F800000, v0  }
0x283: {  	(xrf0) =	vmax.scan.msk.f32 $0xffff, v54;
	v27 =	vmul.u32 @p1 $0xFFFFFFFF, v29  }
0x284: {  	v8, v29, _ =	vpop @p0 (xrf1)  }
0x285: {  	v27 =	vadd.s32 @p1 $0xF, v27;
	s6 =	spop (v2sf);
	v28, v31, _ =	vpop @p1 (xrf1)  }
0x286: {  	p3 =	sgt.f32 s6, $0.0e+00;
	[smem:$0x7E9] =	sst s0;
	s0 =	simm.s32 @!p1 $0x0;
	v28 =	vperm.xlane @p1 v28, v27  }
0x287: {  	v32 =	vpsel p0, v8, v10;
	v10 =	vperm.xlane @p1 v31, v27;
	s0 =	simm.s32 @p1 $0x1  }
0x288: {  	v27 =	vpsel p0, v29, v30;
	s6 =	sadd.s32 @p3 s13, s9;
	[smem:$0x7D5] =	sst s0;
	v29 =	vlaneseq.u32 @p3;
	vm4 =	vge.f32 @p1 v32, v28  }
0x289: {  	s0 =	sld [smem:$0x7E9];
	s6 =	sadd.s32 @p3 $0x2740, s6;
	v55, _, _ =	vpop (xrf0);
	v28 =	vsel @p1 vm4, v32, v28;
	v10 =	vsel @p1 vm4, v27, v10;
	vm4 =	vgt.f32 @p3 v26, v1  }
0x28a: {  	(v2sf) =	vpush v55, $0xF;
	v26 =	vnsel @p3 vm4, $0xFF61B1E6, v26;
	(xrf1) =	vsort.dscd.msk.f32 @p1 $0xffff, v28, v10;
	v10 =	vor.u32 @p3 s6, v29  }
0x28b: {  	(xrf1) =	vsort.dscd.msk.f32 @p3 $0xffff, v26, v10;
	_ =	sdelay $0xa  }
0x28c: {  	v56 =	vsel vm3, $0x3F800000, v0  }
0x28d: {  	(xrf0) =	vmax.scan.msk.f32 $0xffff, v56;
	v26 =	vmul.u32 @p3 $0xFFFFFFFF, v29  }
0x28e: {  	v10, v29, _ =	vpop @p1 (xrf1)  }
0x28f: {  	p0 =	por p3, p3;
	v26 =	vadd.s32 @p3 $0xF, v26;
	s6 =	spop (v2sf);
	v28, v30, _ =	vpop @p3 (xrf1)  }
0x290: {  	[smem:$0x7E9] =	sst s0;
	s0 =	simm.s32 @!p0 $0x0;
	v28 =	vperm.xlane @p3 v28, v26;
	p3 =	sgt.f32 s6, $0.0e+00  }
0x291: {  	v31 =	vpsel p1, v10, v32;
	v26 =	vperm.xlane @p0 v30, v26;
	s0 =	simm.s32 @p0 $0x1  }
0x292: {  	v27 =	vpsel p1, v29, v27;
	[smem:$0x7D6] =	sst s0;
	vm3 =	vge.f32 @p0 v31, v28;
	s6 =	sadd.s32 @p3 s13, s9;
	v29 =	vlaneseq.u32 @p3  }
0x293: {  	s0 =	sld [smem:$0x7E9];
	v57, _, _ =	vpop (xrf0);
	v28 =	vsel @p0 vm3, v31, v28;
	v26 =	vsel @p0 vm3, v27, v26;
	s6 =	sadd.s32 @p3 $0x2750, s6;
	vm3 =	vgt.f32 @p3 v12, v1  }
0x294: {  	(v2sf) =	vpush v57, $0xF;
	v12 =	vnsel @p3 vm3, $0xFF61B1E6, v12;
	(xrf1) =	vsort.dscd.msk.f32 @p0 $0xffff, v28, v26;
	v26 =	vor.u32 @p3 s6, v29  }
0x295: {  	(xrf1) =	vsort.dscd.msk.f32 @p3 $0xffff, v12, v26;
	_ =	sdelay $0xa  }
0x296: {  	v58 =	vsel vm2, $0x3F800000, v0  }
0x297: {  	(xrf0) =	vmax.scan.msk.f32 $0xffff, v58;
	v26 =	vmul.u32 @p3 $0xFFFFFFFF, v29  }
0x298: {  	v12, v29, _ =	vpop @p0 (xrf1)  }
0x299: {  	p1 =	por p3, p3;
	v26 =	vadd.s32 @p3 $0xF, v26;
	s6 =	spop (v2sf);
	v28, v30, _ =	vpop @p3 (xrf1)  }
0x29a: {  	[smem:$0x7E9] =	sst s0;
	s0 =	simm.s32 @!p1 $0x0;
	v28 =	vperm.xlane @p3 v28, v26;
	p3 =	sgt.f32 s6, $0.0e+00  }
0x29b: {  	v31 =	vpsel p0, v12, v31;
	v26 =	vperm.xlane @p1 v30, v26;
	s0 =	simm.s32 @p1 $0x1  }
0x29c: {  	v27 =	vpsel p0, v29, v27;
	[smem:$0x7D8] =	sst s0;
	vm2 =	vge.f32 @p1 v31, v28;
	s6 =	sadd.s32 @p3 s13, s9;
	v29 =	vlaneseq.u32 @p3  }
0x29d: {  	s0 =	sld [smem:$0x7E9];
	v59, _, _ =	vpop (xrf0);
	v28 =	vsel @p1 vm2, v31, v28;
	v26 =	vsel @p1 vm2, v27, v26;
	s6 =	sadd.s32 @p3 $0x2760, s6;
	vm2 =	vgt.f32 @p3 v14, v1  }
0x29e: {  	(v2sf) =	vpush v59, $0xF;
	v14 =	vnsel @p3 vm2, $0xFF61B1E6, v14;
	(xrf1) =	vsort.dscd.msk.f32 @p1 $0xffff, v28, v26;
	v26 =	vor.u32 @p3 s6, v29  }
0x29f: {  	(xrf1) =	vsort.dscd.msk.f32 @p3 $0xffff, v14, v26;
	_ =	sdelay $0xa  }
0x2a0: {  	v60 =	vsel vm1, $0x3F800000, v0  }
0x2a1: {  	(xrf0) =	vmax.scan.msk.f32 $0xffff, v60;
	v26 =	vmul.u32 @p3 $0xFFFFFFFF, v29  }
0x2a2: {  	v14, v29, _ =	vpop @p1 (xrf1)  }
0x2a3: {  	p0 =	por p3, p3;
	v26 =	vadd.s32 @p3 $0xF, v26;
	s6 =	spop (v2sf);
	v28, v30, _ =	vpop @p3 (xrf1)  }
0x2a4: {  	[smem:$0x7E9] =	sst s0;
	s0 =	simm.s32 @!p0 $0x0;
	v28 =	vperm.xlane @p3 v28, v26;
	p3 =	sgt.f32 s6, $0.0e+00  }
0x2a5: {  	v31 =	vpsel p1, v14, v31;
	v26 =	vperm.xlane @p0 v30, v26;
	s0 =	simm.s32 @p0 $0x1  }
0x2a6: {  	v27 =	vpsel p1, v29, v27;
	[smem:$0x7D9] =	sst s0;
	vm1 =	vge.f32 @p0 v31, v28;
	s6 =	sadd.s32 @p3 s13, s9;
	v29 =	vlaneseq.u32 @p3  }
0x2a7: {  	s0 =	sld [smem:$0x7E9];
	v61, _, _ =	vpop (xrf0);
	v28 =	vsel @p0 vm1, v31, v28;
	v26 =	vsel @p0 vm1, v27, v26;
	s6 =	sadd.s32 @p3 $0x2770, s6;
	vm1 =	vgt.f32 @p3 v16, v1  }
0x2a8: {  	(v2sf) =	vpush v61, $0xF;
	v16 =	vnsel @p3 vm1, $0xFF61B1E6, v16;
	(xrf1) =	vsort.dscd.msk.f32 @p0 $0xffff, v28, v26;
	v26 =	vor.u32 @p3 s6, v29  }
0x2a9: {  	(xrf1) =	vsort.dscd.msk.f32 @p3 $0xffff, v16, v26;
	_ =	sdelay $0xb  }
0x2aa: {  	v62 =	vsel vm0, $0x3F800000, v0;
	v26 =	vmul.u32 @p3 $0xFFFFFFFF, v29  }
0x2ab: {  	(xrf0) =	vmax.scan.msk.f32 $0xffff, v62;
	v16, v29, _ =	vpop @p0 (xrf1)  }
0x2ac: {  	v26 =	vadd.s32 @p3 $0xF, v26;
	s6 =	spop (v2sf);
	v28, v30, _ =	vpop @p3 (xrf1)  }
0x2ad: {  	p1 =	por p3, p3;
	v28 =	vperm.xlane @p3 v28, v26;
	p3 =	sgt.f32 s6, $0.0e+00  }
0x2ae: {  	v31 =	vpsel p0, v16, v31;
	[smem:$0x7E9] =	sst s0;
	s0 =	simm.s32 @!p1 $0x0;
	v26 =	vperm.xlane @p1 v30, v26  }
0x2af: {  	v27 =	vpsel p0, v29, v27;
	s0 =	simm.s32 @p1 $0x1;
	vm0 =	vge.f32 @p1 v31, v28;
	s6 =	sadd.s32 @p3 s13, s9;
	v29 =	vlaneseq.u32 @p3  }
0x2b0: {  	[smem:$0x7D7] =	sst s0;
	v28 =	vsel @p1 vm0, v31, v28;
	v26 =	vsel @p1 vm0, v27, v26;
	s6 =	sadd.s32 @p3 $0x2780, s6;
	vm0 =	vgt.f32 @p3 v18, v1  }
0x2b1: {  	s0 =	sld [smem:$0x7E9];
	v63, _, _ =	vpop (xrf0);
	v18 =	vnsel @p3 vm0, $0xFF61B1E6, v18;
	(xrf1) =	vsort.dscd.msk.f32 @p1 $0xffff, v28, v26;
	v26 =	vor.u32 @p3 s6, v29  }
0x2b2: {  	(v2sf) =	vpush v63, $0xF;
	(xrf1) =	vsort.dscd.msk.f32 @p3 $0xffff, v18, v26;
	_ =	sdelay $0xb  }
0x2b3: {  	v26 =	vmul.u32 @p3 $0xFFFFFFFF, v29  }
0x2b4: {  	v32 =	vsel vm15, $0x3F800000, v0;
	v18, v28, _ =	vpop @p1 (xrf1)  }
0x2b5: {  	(xrf0) =	vmax.scan.msk.f32 $0xffff, v32;
	v26 =	vadd.s32 @p3 $0xF, v26;
	v29, v30, _ =	vpop @p3 (xrf1)  }
0x2b6: {  	s6 =	spop (v2sf);
	v29 =	vperm.xlane @p3 v29, v26  }
0x2b7: {  	p0 =	por p3, p3;
	v31 =	vpsel p1, v18, v31;
	p3 =	sgt.f32 s6, $0.0e+00  }
0x2b8: {  	[smem:$0x7E9] =	sst s0;
	s0 =	simm.s32 @!p0 $0x0;
	v26 =	vperm.xlane @p0 v30, v26;
	vm0 =	vge.f32 @p0 v31, v29  }
0x2b9: {  	v27 =	vpsel p1, v28, v27;
	s0 =	simm.s32 @p0 $0x1;
	p1 =	por p3, p3;
	s6 =	sadd.s32 @p3 s13, s9;
	v28 =	vsel @p0 vm0, v31, v29  }
0x2ba: {  	[smem:$0x7DA] =	sst s0;
	v26 =	vsel @p0 vm0, v27, v26;
	vm0 =	vgt.f32 @p1 v21, v1;
	s6 =	sadd.s32 @p1 $0x2790, s6;
	v29 =	vlaneseq.u32 @p1  }
0x2bb: {  	s0 =	sld [smem:$0x7E9];
	v33, _, _ =	vpop (xrf0);
	v21 =	vnsel @p1 vm0, $0xFF61B1E6, v21;
	(xrf1) =	vsort.dscd.msk.f32 @p0 $0xffff, v28, v26;
	v26 =	vor.u32 @p1 s6, v29  }
0x2bc: {  	(v2sf) =	vpush v33, $0xF;
	(xrf1) =	vsort.dscd.msk.f32 @p1 $0xffff, v21, v26;
	_ =	sdelay $0xb  }
0x2bd: {  	v26 =	vmul.u32 @p1 $0xFFFFFFFF, v29  }
0x2be: {  	v34 =	vsel vm14, $0x3F800000, v0;
	v21, v28, _ =	vpop @p0 (xrf1)  }
0x2bf: {  	(xrf0) =	vmax.scan.msk.f32 $0xffff, v34;
	v26 =	vadd.s32 @p1 $0xF, v26;
	v29, v30, _ =	vpop @p1 (xrf1)  }
0x2c0: {  	s6 =	spop (v2sf);
	v29 =	vperm.xlane @p1 v29, v26  }
0x2c1: {  	p6 =	por p0, p0;
	v31 =	vpsel p0, v21, v31;
	p0 =	sgt.f32 s6, $0.0e+00  }
0x2c2: {  	[smem:$0x7E9] =	sst s0;
	s0 =	simm.s32 @!p1 $0x0;
	v26 =	vperm.xlane @p1 v30, v26;
	vm0 =	vge.f32 @p1 v31, v29  }
0x2c3: {  	v27 =	vpsel p6, v28, v27;
	s0 =	simm.s32 @p1 $0x1;
	s6 =	sadd.s32 @p0 s13, s9;
	v28 =	vsel @p1 vm0, v31, v29  }
0x2c4: {  	[smem:$0x7DB] =	sst s0;
	s6 =	sadd.s32 @p0 $0x27A0, s6;
	v26 =	vsel @p1 vm0, v27, v26;
	vm0 =	vgt.f32 @p0 v23, v1;
	v29 =	vlaneseq.u32 @p0  }
0x2c5: {  	s0 =	sld [smem:$0x7E9];
	v35, _, _ =	vpop (xrf0);
	v23 =	vnsel @p0 vm0, $0xFF61B1E6, v23;
	(xrf1) =	vsort.dscd.msk.f32 @p1 $0xffff, v28, v26;
	v26 =	vor.u32 @p0 s6, v29  }
0x2c6: {  	(v2sf) =	vpush v35, $0xF;
	(xrf1) =	vsort.dscd.msk.f32 @p0 $0xffff, v23, v26;
	_ =	sdelay $0xb  }
0x2c7: {  	v26 =	vmul.u32 @p0 $0xFFFFFFFF, v29  }
0x2c8: {  	v36 =	vsel vm13, $0x3F800000, v0;
	v23, v28, _ =	vpop @p1 (xrf1)  }
0x2c9: {  	(xrf0) =	vmax.scan.msk.f32 $0xffff, v36;
	v26 =	vadd.s32 @p0 $0xF, v26;
	v29, v30, _ =	vpop @p0 (xrf1)  }
0x2ca: {  	s6 =	spop (v2sf);
	v29 =	vperm.xlane @p0 v29, v26  }
0x2cb: {  	v31 =	vpsel p1, v23, v31;
	p3 =	sgt.f32 s6, $0.0e+00  }
0x2cc: {  	[smem:$0x7E9] =	sst s0;
	s0 =	simm.s32 @!p0 $0x0;
	v26 =	vperm.xlane @p0 v30, v26;
	vm0 =	vge.f32 @p0 v31, v29  }
0x2cd: {  	v27 =	vpsel p1, v28, v27;
	s0 =	simm.s32 @p0 $0x1;
	s6 =	sadd.s32 @p3 s13, s9;
	v28 =	vsel @p0 vm0, v31, v29  }
0x2ce: {  	[smem:$0x7DC] =	sst s0;
	s6 =	sadd.s32 @p3 $0x27B0, s6;
	v26 =	vsel @p0 vm0, v27, v26;
	vm0 =	vgt.f32 @p3 v25, v1;
	v29 =	vlaneseq.u32 @p3  }
0x2cf: {  	s0 =	sld [smem:$0x7E9];
	v37, _, _ =	vpop (xrf0);
	v25 =	vnsel @p3 vm0, $0xFF61B1E6, v25;
	(xrf1) =	vsort.dscd.msk.f32 @p0 $0xffff, v28, v26;
	v26 =	vor.u32 @p3 s6, v29  }
0x2d0: {  	(v2sf) =	vpush v37, $0xF;
	(xrf1) =	vsort.dscd.msk.f32 @p3 $0xffff, v25, v26;
	_ =	sdelay $0xb  }
0x2d1: {  	v26 =	vmul.u32 @p3 $0xFFFFFFFF, v29  }
0x2d2: {  	v38 =	vsel vm11, $0x3F800000, v0;
	v25, v28, _ =	vpop @p0 (xrf1)  }
0x2d3: {  	(xrf0) =	vmax.scan.msk.f32 $0xffff, v38;
	v26 =	vadd.s32 @p3 $0xF, v26;
	v29, v30, _ =	vpop @p3 (xrf1)  }
0x2d4: {  	s6 =	spop (v2sf);
	v29 =	vperm.xlane @p3 v29, v26  }
0x2d5: {  	p1 =	por p3, p3;
	v31 =	vpsel p0, v25, v31;
	p3 =	sgt.f32 s6, $0.0e+00  }
0x2d6: {  	[smem:$0x7E9] =	sst s0;
	s0 =	simm.s32 @!p1 $0x0;
	v26 =	vperm.xlane @p1 v30, v26;
	vm0 =	vge.f32 @p1 v31, v29  }
0x2d7: {  	v27 =	vpsel p0, v28, v27;
	s0 =	simm.s32 @p1 $0x1;
	s6 =	sadd.s32 @p3 s13, s9;
	v28 =	vsel @p1 vm0, v31, v29  }
0x2d8: {  	[smem:$0x7DD] =	sst s0;
	v26 =	vsel @p1 vm0, v27, v26;
	vm0 =	vgt.f32 @p3 v24, v1;
	s6 =	sadd.s32 @p3 $0x27C0, s6;
	v29 =	vlaneseq.u32 @p3  }
0x2d9: {  	s0 =	sld [smem:$0x7E9];
	v39, _, _ =	vpop (xrf0);
	v24 =	vnsel @p3 vm0, $0xFF61B1E6, v24;
	(xrf1) =	vsort.dscd.msk.f32 @p1 $0xffff, v28, v26;
	v26 =	vor.u32 @p3 s6, v29  }
0x2da: {  	(v2sf) =	vpush v39, $0xF;
	(xrf1) =	vsort.dscd.msk.f32 @p3 $0xffff, v24, v26;
	_ =	sdelay $0x4  }
0x2db: {  	v40 =	vld [tilespmem:$0x1FEA0];
	_ =	sdelay $0x4  }
0x2dc: {  	vm5 =	vnez.u8 v40  }
0x2dd: {  	v26 =	vmul.u32 @p3 $0xFFFFFFFF, v29;
	v29 =	vsel vm5, $0x3F800000, v0;
	_ =	sdelay $0x1  }
0x2de: {  	v24, v28, _ =	vpop @p1 (xrf1)  }
0x2df: {  	v26 =	vadd.s32 @p3 $0xF, v26;
	(xrf0) =	vmax.scan.msk.f32 $0xffff, v29;
	v29, v30, _ =	vpop @p3 (xrf1)  }
0x2e0: {  	s6 =	spop (v2sf);
	v29 =	vperm.xlane @p3 v29, v26  }
0x2e1: {  	p0 =	por p3, p3;
	v31 =	vpsel p1, v24, v31;
	p3 =	sgt.f32 s6, $0.0e+00  }
0x2e2: {  	[smem:$0x7E9] =	sst s0;
	s0 =	simm.s32 @!p0 $0x0;
	v26 =	vperm.xlane @p0 v30, v26;
	vm0 =	vge.f32 @p0 v31, v29  }
0x2e3: {  	v27 =	vpsel p1, v28, v27;
	s0 =	simm.s32 @p0 $0x1;
	s6 =	sadd.s32 @p3 s13, s9;
	v28 =	vsel @p0 vm0, v31, v29  }
0x2e4: {  	[smem:$0x7DE] =	sst s0;
	v26 =	vsel @p0 vm0, v27, v26;
	vm0 =	vgt.f32 @p3 v22, v1;
	s6 =	sadd.s32 @p3 $0x27D0, s6;
	v29 =	vlaneseq.u32 @p3  }
0x2e5: {  	s0 =	sld [smem:$0x7E9];
	v41, _, _ =	vpop (xrf0);
	v22 =	vnsel @p3 vm0, $0xFF61B1E6, v22;
	(xrf1) =	vsort.dscd.msk.f32 @p0 $0xffff, v28, v26;
	v26 =	vor.u32 @p3 s6, v29  }
0x2e6: {  	(v2sf) =	vpush v41, $0xF;
	(xrf1) =	vsort.dscd.msk.f32 @p3 $0xffff, v22, v26;
	_ =	sdelay $0xb  }
0x2e7: {  	v26 =	vmul.u32 @p3 $0xFFFFFFFF, v29  }
0x2e8: {  	v42 =	vsel vm12, $0x3F800000, v0;
	v22, v28, _ =	vpop @p0 (xrf1)  }
0x2e9: {  	(xrf0) =	vmax.scan.msk.f32 $0xffff, v42;
	v26 =	vadd.s32 @p3 $0xF, v26;
	v29, v30, _ =	vpop @p3 (xrf1)  }
0x2ea: {  	s6 =	spop (v2sf);
	v29 =	vperm.xlane @p3 v29, v26  }
0x2eb: {  	p1 =	por p3, p3;
	v31 =	vpsel p0, v22, v31;
	p3 =	sgt.f32 s6, $0.0e+00  }
0x2ec: {  	[smem:$0x7E9] =	sst s0;
	s0 =	simm.s32 @!p1 $0x0;
	v26 =	vperm.xlane @p1 v30, v26;
	vm0 =	vge.f32 @p1 v31, v29  }
0x2ed: {  	v27 =	vpsel p0, v28, v27;
	s0 =	simm.s32 @p1 $0x1;
	s6 =	sadd.s32 @p3 s13, s9;
	v28 =	vsel @p1 vm0, v31, v29  }
0x2ee: {  	[smem:$0x7DF] =	sst s0;
	v26 =	vsel @p1 vm0, v27, v26;
	vm0 =	vgt.f32 @p3 v20, v1;
	s6 =	sadd.s32 @p3 $0x27E0, s6;
	v29 =	vlaneseq.u32 @p3  }
0x2ef: {  	s0 =	sld [smem:$0x7E9];
	v43, _, _ =	vpop (xrf0);
	v20 =	vnsel @p3 vm0, $0xFF61B1E6, v20;
	(xrf1) =	vsort.dscd.msk.f32 @p1 $0xffff, v28, v26;
	v26 =	vor.u32 @p3 s6, v29  }
0x2f0: {  	(v2sf) =	vpush v43, $0xF;
	(xrf1) =	vsort.dscd.msk.f32 @p3 $0xffff, v20, v26;
	_ =	sdelay $0x4  }
0x2f1: {  	v44 =	vld [tilespmem:$0x1FEB0];
	_ =	sdelay $0x4  }
0x2f2: {  	vm6 =	vnez.u8 v44  }
0x2f3: {  	v26 =	vmul.u32 @p3 $0xFFFFFFFF, v29;
	v29 =	vsel vm6, $0x3F800000, v0;
	_ =	sdelay $0x1  }
0x2f4: {  	v20, v28, _ =	vpop @p1 (xrf1)  }
0x2f5: {  	v26 =	vadd.s32 @p3 $0xF, v26;
	(xrf0) =	vmax.scan.msk.f32 $0xffff, v29;
	v29, v30, _ =	vpop @p3 (xrf1)  }
0x2f6: {  	s6 =	spop (v2sf);
	v29 =	vperm.xlane @p3 v29, v26  }
0x2f7: {  	p0 =	por p3, p3;
	v31 =	vpsel p1, v20, v31;
	p3 =	sgt.f32 s6, $0.0e+00  }
0x2f8: {  	[smem:$0x7E9] =	sst s0;
	s0 =	simm.s32 @!p0 $0x0;
	v26 =	vperm.xlane @p0 v30, v26;
	vm0 =	vge.f32 @p0 v31, v29  }
0x2f9: {  	v27 =	vpsel p1, v28, v27;
	s0 =	simm.s32 @p0 $0x1;
	s6 =	sadd.s32 @p3 s13, s9;
	v28 =	vsel @p0 vm0, v31, v29  }
0x2fa: {  	[smem:$0x7E0] =	sst s0;
	v26 =	vsel @p0 vm0, v27, v26;
	vm0 =	vgt.f32 @p3 v19, v1;
	s6 =	sadd.s32 @p3 $0x27F0, s6;
	v29 =	vlaneseq.u32 @p3  }
0x2fb: {  	s0 =	sld [smem:$0x7E9];
	v45, _, _ =	vpop (xrf0);
	v19 =	vnsel @p3 vm0, $0xFF61B1E6, v19;
	(xrf1) =	vsort.dscd.msk.f32 @p0 $0xffff, v28, v26;
	v26 =	vor.u32 @p3 s6, v29  }
0x2fc: {  	(v2sf) =	vpush v45, $0xF;
	(xrf1) =	vsort.dscd.msk.f32 @p3 $0xffff, v19, v26;
	_ =	sdelay $0x4  }
0x2fd: {  	v46 =	vld [tilespmem:$0x1FEC0];
	_ =	sdelay $0x4  }
0x2fe: {  	vm7 =	vnez.u8 v46  }
0x2ff: {  	v26 =	vmul.u32 @p3 $0xFFFFFFFF, v29;
	v29 =	vsel vm7, $0x3F800000, v0;
	_ =	sdelay $0x1  }
0x300: {  	v19, v28, _ =	vpop @p0 (xrf1)  }
0x301: {  	v26 =	vadd.s32 @p3 $0xF, v26;
	(xrf0) =	vmax.scan.msk.f32 $0xffff, v29;
	v29, v30, _ =	vpop @p3 (xrf1)  }
0x302: {  	s6 =	spop (v2sf);
	v29 =	vperm.xlane @p3 v29, v26  }
0x303: {  	p1 =	por p3, p3;
	v31 =	vpsel p0, v19, v31;
	p3 =	sgt.f32 s6, $0.0e+00  }
0x304: {  	[smem:$0x7E9] =	sst s0;
	s0 =	simm.s32 @!p1 $0x0;
	v26 =	vperm.xlane @p1 v30, v26;
	vm0 =	vge.f32 @p1 v31, v29  }
0x305: {  	v27 =	vpsel p0, v28, v27;
	s0 =	simm.s32 @p1 $0x1;
	s6 =	sadd.s32 @p3 s13, s9;
	v28 =	vsel @p1 vm0, v31, v29  }
0x306: {  	[smem:$0x7E1] =	sst s0;
	v26 =	vsel @p1 vm0, v27, v26;
	vm0 =	vgt.f32 @p3 v17, v1;
	s6 =	sadd.s32 @p3 $0x2800, s6;
	v29 =	vlaneseq.u32 @p3  }
0x307: {  	s0 =	sld [smem:$0x7E9];
	v47, _, _ =	vpop (xrf0);
	v17 =	vnsel @p3 vm0, $0xFF61B1E6, v17;
	(xrf1) =	vsort.dscd.msk.f32 @p1 $0xffff, v28, v26;
	v26 =	vor.u32 @p3 s6, v29  }
0x308: {  	(v2sf) =	vpush v47, $0xF;
	(xrf1) =	vsort.dscd.msk.f32 @p3 $0xffff, v17, v26;
	_ =	sdelay $0x4  }
0x309: {  	v48 =	vld [tilespmem:$0x1FED0];
	_ =	sdelay $0x4  }
0x30a: {  	vm8 =	vnez.u8 v48  }
0x30b: {  	v26 =	vmul.u32 @p3 $0xFFFFFFFF, v29;
	v29 =	vsel vm8, $0x3F800000, v0;
	_ =	sdelay $0x1  }
0x30c: {  	v17, v28, _ =	vpop @p1 (xrf1)  }
0x30d: {  	v26 =	vadd.s32 @p3 $0xF, v26;
	(xrf0) =	vmax.scan.msk.f32 $0xffff, v29;
	v29, v30, _ =	vpop @p3 (xrf1)  }
0x30e: {  	s6 =	spop (v2sf);
	v29 =	vperm.xlane @p3 v29, v26  }
0x30f: {  	p0 =	por p3, p3;
	v31 =	vpsel p1, v17, v31;
	p3 =	sgt.f32 s6, $0.0e+00  }
0x310: {  	[smem:$0x7E9] =	sst s0;
	s0 =	simm.s32 @!p0 $0x0;
	v26 =	vperm.xlane @p0 v30, v26;
	vm0 =	vge.f32 @p0 v31, v29  }
0x311: {  	v27 =	vpsel p1, v28, v27;
	s0 =	simm.s32 @p0 $0x1;
	s6 =	sadd.s32 @p3 s13, s9;
	v28 =	vsel @p0 vm0, v31, v29  }
0x312: {  	[smem:$0x7E2] =	sst s0;
	v26 =	vsel @p0 vm0, v27, v26;
	vm0 =	vgt.f32 @p3 v15, v1;
	s6 =	sadd.s32 @p3 $0x2810, s6;
	v29 =	vlaneseq.u32 @p3  }
0x313: {  	s0 =	sld [smem:$0x7E9];
	v49, _, _ =	vpop (xrf0);
	v15 =	vnsel @p3 vm0, $0xFF61B1E6, v15;
	(xrf1) =	vsort.dscd.msk.f32 @p0 $0xffff, v28, v26;
	v26 =	vor.u32 @p3 s6, v29  }
0x314: {  	(v2sf) =	vpush v49, $0xF;
	(xrf1) =	vsort.dscd.msk.f32 @p3 $0xffff, v15, v26;
	_ =	sdelay $0x4  }
0x315: {  	v50 =	vld [tilespmem:$0x1FEE0];
	_ =	sdelay $0x4  }
0x316: {  	vm9 =	vnez.u8 v50  }
0x317: {  	v26 =	vmul.u32 @p3 $0xFFFFFFFF, v29;
	v29 =	vsel vm9, $0x3F800000, v0;
	_ =	sdelay $0x1  }
0x318: {  	v15, v28, _ =	vpop @p0 (xrf1)  }
0x319: {  	v26 =	vadd.s32 @p3 $0xF, v26;
	(xrf0) =	vmax.scan.msk.f32 $0xffff, v29;
	v29, v30, _ =	vpop @p3 (xrf1)  }
0x31a: {  	s6 =	spop (v2sf);
	v29 =	vperm.xlane @p3 v29, v26  }
0x31b: {  	p1 =	por p3, p3;
	v31 =	vpsel p0, v15, v31;
	p3 =	sgt.f32 s6, $0.0e+00  }
0x31c: {  	[smem:$0x7E9] =	sst s0;
	s0 =	simm.s32 @!p1 $0x0;
	v26 =	vperm.xlane @p1 v30, v26;
	vm0 =	vge.f32 @p1 v31, v29  }
0x31d: {  	v27 =	vpsel p0, v28, v27;
	s0 =	simm.s32 @p1 $0x1;
	s6 =	sadd.s32 @p3 s13, s9;
	v28 =	vsel @p1 vm0, v31, v29  }
0x31e: {  	[smem:$0x7E4] =	sst s0;
	v26 =	vsel @p1 vm0, v27, v26;
	vm0 =	vgt.f32 @p3 v13, v1;
	s6 =	sadd.s32 @p3 $0x2820, s6;
	v29 =	vlaneseq.u32 @p3  }
0x31f: {  	s0 =	sld [smem:$0x7E9];
	v51, _, _ =	vpop (xrf0);
	v13 =	vnsel @p3 vm0, $0xFF61B1E6, v13;
	(xrf1) =	vsort.dscd.msk.f32 @p1 $0xffff, v28, v26;
	v26 =	vor.u32 @p3 s6, v29  }
0x320: {  	(v2sf) =	vpush v51, $0xF;
	(xrf1) =	vsort.dscd.msk.f32 @p3 $0xffff, v13, v26;
	_ =	sdelay $0x4  }
0x321: {  	v52 =	vld [tilespmem:$0x1FEF0];
	_ =	sdelay $0x4  }
0x322: {  	vm10 =	vnez.u8 v52  }
0x323: {  	v26 =	vmul.u32 @p3 $0xFFFFFFFF, v29;
	v29 =	vsel vm10, $0x3F800000, v0;
	_ =	sdelay $0x1  }
0x324: {  	v13, v28, _ =	vpop @p1 (xrf1)  }
0x325: {  	v26 =	vadd.s32 @p3 $0xF, v26;
	(xrf0) =	vmax.scan.msk.f32 $0xffff, v29;
	v29, v30, _ =	vpop @p3 (xrf1)  }
0x326: {  	s6 =	spop (v2sf);
	v29 =	vperm.xlane @p3 v29, v26  }
0x327: {  	p0 =	por p3, p3;
	v31 =	vpsel p1, v13, v31;
	p3 =	sgt.f32 s6, $0.0e+00  }
0x328: {  	[smem:$0x7E9] =	sst s0;
	s0 =	simm.s32 @!p0 $0x0;
	v26 =	vperm.xlane @p0 v30, v26;
	vm0 =	vge.f32 @p0 v31, v29  }
0x329: {  	v27 =	vpsel p1, v28, v27;
	s0 =	simm.s32 @p0 $0x1;
	s6 =	sadd.s32 @p3 s13, s9;
	v28 =	vsel @p0 vm0, v31, v29  }
0x32a: {  	[smem:$0x7E6] =	sst s0;
	v26 =	vsel @p0 vm0, v27, v26;
	vm0 =	vgt.f32 @p3 v11, v1;
	s6 =	sadd.s32 @p3 $0x2830, s6;
	v29 =	vlaneseq.u32 @p3  }
0x32b: {  	s0 =	sld [smem:$0x7E9];
	v53, _, _ =	vpop (xrf0);
	v11 =	vnsel @p3 vm0, $0xFF61B1E6, v11;
	(xrf1) =	vsort.dscd.msk.f32 @p0 $0xffff, v28, v26;
	v26 =	vor.u32 @p3 s6, v29  }
0x32c: {  	(v2sf) =	vpush v53, $0xF;
	(xrf1) =	vsort.dscd.msk.f32 @p3 $0xffff, v11, v26;
	_ =	sdelay $0x4  }
0x32d: {  	v54 =	vld [tilespmem:$0x1FF00];
	_ =	sdelay $0x4  }
0x32e: {  	vm11 =	vnez.u8 v54  }
0x32f: {  	v26 =	vmul.u32 @p3 $0xFFFFFFFF, v29;
	v29 =	vsel vm11, $0x3F800000, v0;
	_ =	sdelay $0x1  }
0x330: {  	v11, v28, _ =	vpop @p0 (xrf1)  }
0x331: {  	v26 =	vadd.s32 @p3 $0xF, v26;
	(xrf0) =	vmax.scan.msk.f32 $0xffff, v29;
	v29, v30, _ =	vpop @p3 (xrf1)  }
0x332: {  	s6 =	spop (v2sf);
	v29 =	vperm.xlane @p3 v29, v26  }
0x333: {  	p1 =	por p3, p3;
	v31 =	vpsel p0, v11, v31;
	p3 =	sgt.f32 s6, $0.0e+00  }
0x334: {  	[smem:$0x7E9] =	sst s0;
	s0 =	simm.s32 @!p1 $0x0;
	v26 =	vperm.xlane @p1 v30, v26;
	vm0 =	vge.f32 @p1 v31, v29  }
0x335: {  	v27 =	vpsel p0, v28, v27;
	s0 =	simm.s32 @p1 $0x1;
	s6 =	sadd.s32 @p3 s13, s9;
	v28 =	vsel @p1 vm0, v31, v29  }
0x336: {  	[smem:$0x7E3] =	sst s0;
	v26 =	vsel @p1 vm0, v27, v26;
	vm0 =	vgt.f32 @p3 v9, v1;
	s6 =	sadd.s32 @p3 $0x2840, s6;
	v29 =	vlaneseq.u32 @p3  }
0x337: {  	s0 =	sld [smem:$0x7E9];
	v55, _, _ =	vpop (xrf0);
	v9 =	vnsel @p3 vm0, $0xFF61B1E6, v9;
	(xrf1) =	vsort.dscd.msk.f32 @p1 $0xffff, v28, v26;
	v26 =	vor.u32 @p3 s6, v29  }
0x338: {  	(v2sf) =	vpush v55, $0xF;
	(xrf1) =	vsort.dscd.msk.f32 @p3 $0xffff, v9, v26;
	_ =	sdelay $0x4  }
0x339: {  	v56 =	vld [tilespmem:$0x1FF10];
	_ =	sdelay $0x4  }
0x33a: {  	vm12 =	vnez.u8 v56  }
0x33b: {  	v26 =	vmul.u32 @p3 $0xFFFFFFFF, v29;
	v29 =	vsel vm12, $0x3F800000, v0;
	_ =	sdelay $0x1  }
0x33c: {  	v9, v28, _ =	vpop @p1 (xrf1)  }
0x33d: {  	v26 =	vadd.s32 @p3 $0xF, v26;
	(xrf0) =	vmax.scan.msk.f32 $0xffff, v29;
	v29, v30, _ =	vpop @p3 (xrf1)  }
0x33e: {  	s6 =	spop (v2sf);
	v29 =	vperm.xlane @p3 v29, v26  }
0x33f: {  	p0 =	por p3, p3;
	v31 =	vpsel p1, v9, v31;
	p3 =	sgt.f32 s6, $0.0e+00  }
0x340: {  	[smem:$0x7E9] =	sst s0;
	s0 =	simm.s32 @!p0 $0x0;
	v26 =	vperm.xlane @p0 v30, v26;
	vm0 =	vge.f32 @p0 v31, v29  }
0x341: {  	v27 =	vpsel p1, v28, v27;
	s0 =	simm.s32 @p0 $0x1;
	s6 =	sadd.s32 @p3 s13, s9;
	v28 =	vsel @p0 vm0, v31, v29  }
0x342: {  	[smem:$0x7E5] =	sst s0;
	v26 =	vsel @p0 vm0, v27, v26;
	vm0 =	vgt.f32 @p3 v7, v1;
	s6 =	sadd.s32 @p3 $0x2850, s6;
	v29 =	vlaneseq.u32 @p3  }
0x343: {  	s0 =	sld [smem:$0x7E9];
	v57, _, _ =	vpop (xrf0);
	v7 =	vnsel @p3 vm0, $0xFF61B1E6, v7;
	(xrf1) =	vsort.dscd.msk.f32 @p0 $0xffff, v28, v26;
	v26 =	vor.u32 @p3 s6, v29  }
0x344: {  	(v2sf) =	vpush v57, $0xF;
	(xrf1) =	vsort.dscd.msk.f32 @p3 $0xffff, v7, v26;
	_ =	sdelay $0x4  }
0x345: {  	v58 =	vld [tilespmem:$0x1FF20];
	_ =	sdelay $0x4  }
0x346: {  	vm13 =	vnez.u8 v58  }
0x347: {  	v26 =	vmul.u32 @p3 $0xFFFFFFFF, v29;
	v29 =	vsel vm13, $0x3F800000, v0;
	_ =	sdelay $0x1  }
0x348: {  	v7, v28, _ =	vpop @p0 (xrf1)  }
0x349: {  	v26 =	vadd.s32 @p3 $0xF, v26;
	(xrf0) =	vmax.scan.msk.f32 $0xffff, v29;
	v29, v30, _ =	vpop @p3 (xrf1)  }
0x34a: {  	s6 =	spop (v2sf);
	v29 =	vperm.xlane @p3 v29, v26  }
0x34b: {  	v31 =	vpsel p0, v7, v31;
	p4 =	sgt.f32 s6, $0.0e+00  }
0x34c: {  	[smem:$0x7E9] =	sst s0;
	s0 =	simm.s32 @!p3 $0x0;
	v26 =	vperm.xlane @p3 v30, v26;
	vm0 =	vge.f32 @p3 v31, v29  }
0x34d: {  	v27 =	vpsel p0, v28, v27;
	s0 =	simm.s32 @p3 $0x1;
	s6 =	sadd.s32 @p4 s13, s9;
	v28 =	vsel @p3 vm0, v31, v29  }
0x34e: {  	[smem:$0x7E7] =	sst s0;
	s6 =	sadd.s32 @p4 $0x2860, s6;
	v26 =	vsel @p3 vm0, v27, v26;
	vm0 =	vgt.f32 @p4 v5, v1;
	v29 =	vlaneseq.u32 @p4  }
0x34f: {  	s0 =	sld [smem:$0x7E9];
	v59, _, _ =	vpop (xrf0);
	v5 =	vnsel @p4 vm0, $0xFF61B1E6, v5;
	(xrf1) =	vsort.dscd.msk.f32 @p3 $0xffff, v28, v26;
	v26 =	vor.u32 @p4 s6, v29  }
0x350: {  	(v2sf) =	vpush v59, $0xF;
	(xrf1) =	vsort.dscd.msk.f32 @p4 $0xffff, v5, v26;
	_ =	sdelay $0x4  }
0x351: {  	v60 =	vld [tilespmem:$0x1FF30];
	_ =	sdelay $0x4  }
0x352: {  	vm14 =	vnez.u8 v60  }
0x353: {  	v26 =	vmul.u32 @p4 $0xFFFFFFFF, v29;
	v29 =	vsel vm14, $0x3F800000, v0;
	_ =	sdelay $0x1  }
0x354: {  	v5, v28, _ =	vpop @p3 (xrf1)  }
0x355: {  	v26 =	vadd.s32 @p4 $0xF, v26;
	(xrf0) =	vmax.scan.msk.f32 $0xffff, v29;
	v29, v30, _ =	vpop @p4 (xrf1)  }
0x356: {  	s6 =	spop (v2sf);
	v29 =	vperm.xlane @p4 v29, v26  }
0x357: {  	p2 =	por p3, p3;
	v31 =	vpsel p3, v5, v31;
	p3 =	sgt.f32 s6, $0.0e+00  }
0x358: {  	v26 =	vperm.xlane @p4 v30, v26;
	vm0 =	vge.f32 @p4 v31, v29  }
0x359: {  	v27 =	vpsel p2, v28, v27;
	s6 =	sadd.s32 @p3 s13, s9;
	v28 =	vsel @p4 vm0, v31, v29  }
0x35a: {  	s6 =	sadd.s32 @p3 $0x2870, s6;
	v26 =	vsel @p4 vm0, v27, v26;
	vm0 =	vgt.f32 @p3 v4, v1;
	v29 =	vlaneseq.u32 @p3  }
0x35b: {  	v61, _, _ =	vpop (xrf0);
	v4 =	vnsel @p3 vm0, $0xFF61B1E6, v4;
	(xrf1) =	vsort.dscd.msk.f32 @p4 $0xffff, v28, v26;
	v26 =	vor.u32 @p3 s6, v29  }
0x35c: {  	(v2sf) =	vpush v61, $0xF;
	(xrf1) =	vsort.dscd.msk.f32 @p3 $0xffff, v4, v26;
	_ =	sdelay $0x4  }
0x35d: {  	v62 =	vld [tilespmem:$0x1FF40];
	_ =	sdelay $0x4  }
0x35e: {  	vm15 =	vnez.u8 v62  }
0x35f: {  	v4 =	vmul.u32 @p3 $0xFFFFFFFF, v29;
	v29 =	vsel vm15, $0x3F800000, v0;
	_ =	sdelay $0x1  }
0x360: {  	(xrf0) =	vmax.scan.msk.f32 $0xffff, v29;
	v26, v28, _ =	vpop @p4 (xrf1)  }
0x361: {  	v4 =	vadd.s32 @p3 $0xF, v4;
	v29, v30, _ =	vpop @p3 (xrf1)  }
0x362: {  	s6 =	spop (v2sf);
	v29 =	vperm.xlane @p3 v29, v4  }
0x363: {  	p1 =	sgt.f32 s6, $0.0e+00;
	v31 =	vpsel p4, v26, v31  }
0x364: {  	v4 =	vperm.xlane @p3 v30, v4;
	vm0 =	vge.f32 @p3 v31, v29  }
0x365: {  	s6 =	sadd.s32 @p1 s13, s9;
	v27 =	vpsel p4, v28, v27;
	v28 =	vsel @p3 vm0, v31, v29  }
0x366: {  	v63, _, _ =	vpop (xrf0);
	s6 =	sadd.s32 @p1 $0x2880, s6;
	v4 =	vsel @p3 vm0, v27, v4;
	vm0 =	vgt.f32 @p1 v3, v1;
	v29 =	vlaneseq.u32 @p1  }
0x367: {  	(v2sf) =	vpush v63, $0xF;
	(xrf1) =	vsort.dscd.msk.f32 @p3 $0xffff, v28, v4;
	v4 =	vor.u32 @p1 s6, v29;
	v3 =	vnsel @p1 vm0, $0xFF61B1E6, v3  }
0x368: {  	(xrf1) =	vsort.dscd.msk.f32 @p1 $0xffff, v3, v4;
	_ =	sdelay $0xb  }
0x369: {  	v3 =	vmul.u32 @p1 $0xFFFFFFFF, v29  }
0x36a: {  	v4, v28, _ =	vpop @p3 (xrf1)  }
0x36b: {  	v3 =	vadd.s32 @p1 $0xF, v3;
	s6 =	spop (v2sf);
	v29, v30, _ =	vpop @p1 (xrf1)  }
0x36c: {  	p0 =	sgt.f32 s6, $0.0e+00;
	v29 =	vperm.xlane @p1 v29, v3  }
0x36d: {  	v31 =	vpsel p3, v4, v31;
	v3 =	vperm.xlane @p1 v30, v3  }
0x36e: {  	s6 =	sadd.s32 @p0 s13, s9;
	v27 =	vpsel p3, v28, v27;
	vm0 =	vge.f32 @p1 v31, v29  }
0x36f: {  	s6 =	sadd.s32 @p0 $0x2890, s6;
	v28 =	vsel @p1 vm0, v31, v29;
	v3 =	vsel @p1 vm0, v27, v3;
	v29 =	vlaneseq.u32 @p0  }
0x370: {  	(xrf1) =	vsort.dscd.msk.f32 @p1 $0xffff, v28, v3;
	v3 =	vor.u32 @p0 s6, v29;
	s6 =	sld [smem:$0x7D4];
	_ =	sdelay $0x2  }
0x371: {  	p6 =	seq.s32 s6, $0x1;
	s6 =	sld [smem:$0x7D5]  }
0x372: {  	vm0 =	vgt.f32 @p0 v2, v1  }
0x373: {  	v2 =	vnsel @p0 vm0, $0xFF61B1E6, v2  }
0x374: {  	(xrf1) =	vsort.dscd.msk.f32 @p0 $0xffff, v2, v3;
	v2 =	vimm.s32 @p5 $0xF;
	p2 =	seq.s32 s6, $0x1;
	s6 =	sld [smem:$0x7D6]  }
0x375: {  	v2 =	vperm.xlane @p5 v6, v2  }
0x376: {  	v3 =	vimm.s32 @p6 $0xF;
	v6 =	vimm.s32 @p2 $0xF  }
0x377: {  	v1 =	vpsel p5, v2, v1;
	v3 =	vperm.xlane @p6 v8, v3;
	p5 =	por p2, p2;
	v2 =	vperm.xlane @p2 v10, v6;
	p2 =	seq.s32 s6, $0x1;
	s6 =	sld [smem:$0x7D8]  }
0x378: {  	_ = 	snop  }
0x379: {  	v1 =	vpsel p6, v3, v1;
	v3 =	vimm.s32 @p2 $0xF  }
0x37a: {  	v1 =	vpsel p5, v2, v1;
	v2 =	vperm.xlane @p2 v12, v3;
	p2 =	seq.s32 s6, $0x1;
	s6 =	sld [smem:$0x7D9];
	_ =	sdelay $0x1  }
0x37b: {  	v3 =	vimm.s32 @p2 $0xF  }
0x37c: {  	v3 =	vperm.xlane @p2 v14, v3;
	p2 =	seq.s32 s6, $0x1;
	s6 =	sld [smem:$0x7D6];
	_ =	sdelay $0x2  }
0x37d: {  	p5 =	seq.s32 s6, $0x1;
	s6 =	sld [smem:$0x7D7];
	_ =	sdelay $0x1  }
0x37e: {  	v6 =	vimm.s32 @p2 $0xF  }
0x37f: {  	v6 =	vperm.xlane @p2 v16, v6;
	p2 =	seq.s32 s6, $0x1;
	s6 =	sld [smem:$0x7D8];
	_ =	sdelay $0x2  }
0x380: {  	v1 =	vpsel p5, v2, v1;
	p5 =	seq.s32 s6, $0x1;
	s6 =	sld [smem:$0x7D9];
	_ =	sdelay $0x2  }
0x381: {  	v12 =	vimm.s32 @p2 $0xF;
	v1 =	vpsel p5, v3, v1;
	p5 =	seq.s32 s6, $0x1;
	s6 =	sld [smem:$0x7DA]  }
0x382: {  	v3 =	vperm.xlane @p2 v18, v12  }
0x383: {  	v1 =	vpsel p5, v6, v1  }
0x384: {  	v1 =	vpsel p2, v3, v1;
	p2 =	seq.s32 s6, $0x1;
	s6 =	sld [smem:$0x7DB];
	_ =	sdelay $0x1  }
0x385: {  	v8 =	vmul.u32 @p0 $0xFFFFFFFF, v29;
	v3 =	vimm.s32 @p2 $0xF  }
0x386: {  	v2, v10, _ =	vpop @p1 (xrf1);
	v3 =	vperm.xlane @p2 v21, v3;
	p2 =	seq.s32 s6, $0x1;
	s6 =	sld [smem:$0x7DC]  }
0x387: {  	v8 =	vadd.s32 @p0 $0xF, v8;
	v12, v14, _ =	vpop @p0 (xrf1)  }
0x388: {  	v6 =	vperm.xlane @p0 v12, v8;
	v8 =	vperm.xlane @p0 v14, v8;
	v14 =	vimm.s32 @p2 $0xF  }
0x389: {  	v16 =	vpsel p1, v10, v27;
	v10 =	vperm.xlane @p2 v23, v14;
	p2 =	seq.s32 s6, $0x1;
	s6 =	sld [smem:$0x7DA];
	_ =	sdelay $0x2  }
0x38a: {  	p5 =	seq.s32 s6, $0x1;
	s6 =	sld [smem:$0x7DD];
	_ =	sdelay $0x1  }
0x38b: {  	v14 =	vimm.s32 @p2 $0xF  }
0x38c: {  	v1 =	vpsel p5, v3, v1;
	v3 =	vperm.xlane @p2 v25, v14;
	p2 =	seq.s32 s6, $0x1;
	s6 =	sld [smem:$0x7DB];
	_ =	sdelay $0x2  }
0x38d: {  	v12 =	vpsel p1, v2, v31;
	p5 =	seq.s32 s6, $0x1;
	s6 =	sld [smem:$0x7DE]  }
0x38e: {  	vm0 =	vge.f32 @p0 v12, v6  }
0x38f: {  	v6 =	vsel @p0 vm0, v12, v6;
	v8 =	vsel @p0 vm0, v16, v8;
	v14 =	vimm.s32 @p2 $0xF  }
0x390: {  	(xrf1) =	vsort.dscd.msk.f32 @p0 $0xffff, v6, v8;
	v6 =	vperm.xlane @p2 v24, v14;
	p2 =	seq.s32 s6, $0x1;
	s6 =	sld [smem:$0x7DC];
	_ =	sdelay $0x2  }
0x391: {  	v1 =	vpsel p5, v10, v1;
	p5 =	seq.s32 s6, $0x1;
	s6 =	sld [smem:$0x7DF];
	_ =	sdelay $0x1  }
0x392: {  	v8 =	vimm.s32 @p2 $0xF  }
0x393: {  	v1 =	vpsel p5, v3, v1;
	v3 =	vperm.xlane @p2 v22, v8;
	p2 =	seq.s32 s6, $0x1;
	s6 =	sld [smem:$0x7DD];
	_ =	sdelay $0x2  }
0x394: {  	p5 =	seq.s32 s6, $0x1;
	s6 =	sld [smem:$0x7E0];
	_ =	sdelay $0x1  }
0x395: {  	v8 =	vimm.s32 @p2 $0xF  }
0x396: {  	v1 =	vpsel p5, v6, v1;
	v6 =	vperm.xlane @p2 v20, v8;
	p2 =	seq.s32 s6, $0x1;
	s6 =	sld [smem:$0x7DE];
	_ =	sdelay $0x2  }
0x397: {  	p5 =	seq.s32 s6, $0x1;
	s6 =	sld [smem:$0x7E1];
	_ =	sdelay $0x1  }
0x398: {  	v8 =	vimm.s32 @p2 $0xF  }
0x399: {  	v1 =	vpsel p5, v3, v1;
	v3 =	vperm.xlane @p2 v19, v8;
	p2 =	seq.s32 s6, $0x1;
	s6 =	sld [smem:$0x7DF];
	_ =	sdelay $0x2  }
0x39a: {  	p5 =	seq.s32 s6, $0x1;
	s6 =	sld [smem:$0x7E2];
	_ =	sdelay $0x1  }
0x39b: {  	v8 =	vimm.s32 @p2 $0xF  }
0x39c: {  	v1 =	vpsel p5, v6, v1;
	v6 =	vperm.xlane @p2 v17, v8;
	p2 =	seq.s32 s6, $0x1;
	s6 =	sld [smem:$0x7E0];
	_ =	sdelay $0x2  }
0x39d: {  	p5 =	seq.s32 s6, $0x1;
	s6 =	sld [smem:$0x7E4];
	_ =	sdelay $0x1  }
0x39e: {  	v8 =	vimm.s32 @p2 $0xF  }
0x39f: {  	v1 =	vpsel p5, v3, v1;
	v3 =	vperm.xlane @p2 v15, v8;
	p2 =	seq.s32 s6, $0x1;
	s6 =	sld [smem:$0x7E1];
	_ =	sdelay $0x2  }
0x3a0: {  	p5 =	seq.s32 s6, $0x1;
	s6 =	sld [smem:$0x7E6];
	_ =	sdelay $0x1  }
0x3a1: {  	v8 =	vimm.s32 @p2 $0xF  }
0x3a2: {  	v1 =	vpsel p5, v6, v1;
	v6 =	vperm.xlane @p2 v13, v8;
	p2 =	seq.s32 s6, $0x1;
	s6 =	sld [smem:$0x7E2];
	_ =	sdelay $0x2  }
0x3a3: {  	p5 =	seq.s32 s6, $0x1;
	s6 =	sld [smem:$0x7E3];
	_ =	sdelay $0x1  }
0x3a4: {  	v8 =	vimm.s32 @p2 $0xF  }
0x3a5: {  	v1 =	vpsel p5, v3, v1;
	v3 =	vperm.xlane @p2 v11, v8;
	p2 =	seq.s32 s6, $0x1;
	s6 =	sld [smem:$0x7E4];
	_ =	sdelay $0x2  }
0x3a6: {  	p5 =	seq.s32 s6, $0x1;
	s6 =	sld [smem:$0x7E5];
	_ =	sdelay $0x2  }
0x3a7: {  	p6 =	seq.s32 s6, $0x1;
	s6 =	sld [smem:$0x7E6];
	_ =	sdelay $0x2  }
0x3a8: {  	v1 =	vpsel p5, v6, v1;
	p5 =	seq.s32 s6, $0x1;
	s6 =	sld [smem:$0x7E7];
	_ =	sdelay $0x1  }
0x3a9: {  	v8 =	vimm.s32 @p2 $0xF  }
0x3aa: {  	v6 =	vperm.xlane @p2 v9, v8;
	v8 =	vimm.s32 @p6 $0xF;
	v1 =	vpsel p5, v3, v1;
	p5 =	seq.s32 s6, $0x1  }
0x3ab: {  	v3 =	vperm.xlane @p6 v7, v8;
	v7 =	vimm.s32 @p5 $0xF  }
0x3ac: {  	v1 =	vpsel p2, v6, v1;
	v5 =	vperm.xlane @p5 v5, v7  }
0x3ad: {  	v6 =	vimm.s32 @p4 $0xF;
	v1 =	vpsel p6, v3, v1  }
0x3ae: {  	v3 =	vperm.xlane @p4 v26, v6;
	v1 =	vpsel p5, v5, v1;
	v5 =	vimm.s32 @p1 $0xF;
	_ =	sdelay $0x1  }
0x3af: {  	v6 =	vimm.s32 @p3 $0xF  }
.Ltmp13:
0x3b0: {  	v4 =	vperm.xlane @p3 v4, v6;
	(pc) =	sbr.rel .LBB2_10-.Ltmp13, $4  }
0x3b1: {  	v6 =	vimm.s32 @p0 $0xF;
	v1 =	vpsel p4, v3, v1;
	v2 =	vperm.xlane @p1 v2, v5;
	v3, v5, _ =	vpop @p0 (xrf1)  }
0x3b2: {  	v1 =	vpsel p3, v4, v1;
	v4 =	vperm.xlane @p0 v3, v6  }
0x3b3: {  	v1 =	vpsel p1, v2, v1  }
0x3b4: {  	v10 =	vpsel p0, v3, v12;
	v8 =	vpsel p0, v5, v16;
	v1 =	vpsel p0, v4, v1  }
.LBB2_14:
0x3b5: {  	_ =	sfence.sel $0x180000  }
0x3b6: {  	[bflag:$0x0] =	sbarrier.arrive $0xFFFF  }
0x3b7: {  	_ =	strace $0x90000047  }
0x3b8: {  	s0 =	stileid.u32;
	[bflag:$0x2] =	sbarrier.arrive $0xFFFF  }
0x3b9: {  	p0 =	sne.s32 s0, $0x0;
	s0 =	rddreg [dreg:$0x1]  }
0x3ba: {  	s0 =	sadd.s32 @!p0 $0x100000, s0  }
0x3bb: {  	[sflag:s0] =	ssyncadd.tile.s32 @!p0 $0x1;
	_ =	shalt  }
.Lfunc_end2:
_tile_overlayer_lowered:
.L_overlay_start_2:
0x3bc: {  	(tag) =	ssettag $0x2  }
0x3bd: {  	s0 =	rddreg [dreg:$0x0];
	s2 =	stileid.u32  }
0x3be: {  	s1 =	rddreg [dreg:$0x1];
	p0 =	sne.s32 s2, $0x0  }
0x3bf: {  	s3 =	rddreg [dreg:$0x2];
	[bflag:$0x3] =	sbarrier.arrive $0xFFFF;
	s2 =	simm.s32 @!p0 $0x1C06  }
0x3c0: {  	[timem:s3], [sflag:s2] =	dma.local @!p0 [hbm:s0], s1  }
0x3c1: {  	s0 =	simm.s32 @!p0 $0x6  }
0x3c2: {  	_ =	swait.ge @!p0 [sflag:s0], s1  }
0x3c3: {  	s1 =	ssub.s32 @!p0 $0x0, s1;
	[sflag:s0] =	ssyncset.done @!p0 $0x0  }
0x3c4: {  	[sflag:s0] =	ssyncadd.s32 @!p0 s1  }
0x3c5: {  	[bflag:$0x3] =	sbarrier.arrive $0xFFFF  }
0x3c6: {  	_ =	shalt  }

</sc_bundles>
